<compile_context>
chip_gen: v7x
topology: tpu7x:2x2x1
jax: 0.10.2.dev20260603
libtpu: 0.0.44.dev20260713+nightly
codegen_flags: <defaults>
</compile_context>

<pallas_src>
import functools

import jax
import jax.numpy as jnp
from jax import lax
from jax.experimental import pallas as pl
from jax.experimental.pallas import tpu as pltpu
from jax.experimental.pallas import tpu_sc as plsc

N = 10000
E = 320000
DIM = 128
NEG_SLOPE = 0.2

NUM_CORES = 2
NUM_SUBCORES = 16
NW = NUM_CORES * NUM_SUBCORES
EPW = E // NW
CH = 80
NCH = EPW // CH
SUP = 2000
CPS = SUP // CH
RPT = 632


def _prep_body(z_ref, w_ref, asrc_ref, adst_ref, ei_ref,
               h_ref, a_ref, b_ref, src_ref, dst_ref):
    h = jnp.dot(z_ref[...], w_ref[...], preferred_element_type=jnp.float32)
    h_ref[...] = h
    a_ref[...] = jnp.sum(h * asrc_ref[...], axis=1, keepdims=True)
    b_ref[...] = jnp.sum(h * adst_ref[...], axis=1, keepdims=True)
    src_ref[...] = ei_ref[0]
    dst_ref[...] = ei_ref[1]


def _combine_body(h_ref, acc_ref, den_ref, bias_ref, out_ref):
    acc = acc_ref[0] + acc_ref[1]
    den = den_ref[0] + den_ref[1]
    out_ref[...] = (h_ref[...] + acc) / (1.0 + den) + bias_ref[...]


def _leaky(x):
    return jnp.where(x >= 0.0, x, x * NEG_SLOPE)


def _sc_body(h_hbm, a_hbm, b_hbm, src_hbm, dst_hbm,
             acc_out, den_out,
             a_v, b_v, srcb, dstb,
             dstca0, dstcb0, dstca1, dstcb1, wba0, wbb0, wba1, wbb1,
             rows0, rows1, zden, acc_sh, den_sh, sg0, sg1, ss0, ss1):
    c_id = lax.axis_index("c")
    s_id = lax.axis_index("s")
    wid = s_id * NUM_CORES + c_id
    base = wid * EPW

    bufs = ((rows0, wba0, wbb0, dstca0, dstcb0, sg0, ss0),
            (rows1, wba1, wbb1, dstca1, dstcb1, sg1, ss1))

    pltpu.sync_copy(a_hbm, a_v)
    pltpu.sync_copy(b_hbm, b_v)

    def super_load(sidx):
        o = pl.multiple_of(base + sidx * SUP, 8)
        pltpu.sync_copy(src_hbm.at[pl.ds(o, SUP)], srcb)
        pltpu.sync_copy(dst_hbm.at[pl.ds(o, SUP)], dstb)

    super_load(0)

    zv = jnp.zeros((16,), jnp.float32)

    def _zrow(i, _):
        rows0[i // 8, pl.ds((i % 8) * 16, 16)] = zv
        return 0

    lax.fori_loop(0, CH * 8, _zrow, 0)

    def _zden(i, _):
        zden[pl.ds(i * 16, 16)] = zv
        return 0

    lax.fori_loop(0, 64, _zden, 0)

    r0 = pl.multiple_of(jnp.minimum(s_id * RPT, N - RPT), 8)
    for t in range(7):
        pltpu.sync_copy(rows0, acc_sh.at[pl.ds(r0 + t * CH, CH)])
    pltpu.sync_copy(rows0.at[pl.ds(0, 72)], acc_sh.at[pl.ds(r0 + 560, 72)])

    @pl.when(s_id < 10)
    def _():
        pltpu.sync_copy(zden.at[pl.ds(0, 1000)],
                        den_sh.at[pl.ds(s_id * 1000, 1000)])

    plsc.subcore_barrier()

    def wcompute(cj, wba, wbb, dstca, dstcb):
        q = (cj % CPS) * CH
        for g in range(CH // 16):
            s16 = srcb[pl.ds(q + g * 16, 16)]
            d16 = dstb[pl.ds(q + g * 16, 16)]
            if g < 3:
                dstca[pl.ds(g * 16, 16)] = d16
            else:
                dstcb[pl.ds((g - 3) * 16, 16)] = d16
            a_s = plsc.load_gather(a_v, [s16])
            a_d = plsc.load_gather(a_v, [d16])
            b_d = plsc.load_gather(b_v, [d16])
            w = jnp.exp(_leaky(a_s + b_d) - _leaky(a_d + b_d))
            if g < 3:
                wba[pl.ds(g * 16, 16)] = w
            else:
                wbb[pl.ds((g - 3) * 16, 16)] = w

    def gather_desc(cj, rows, sg):
        q = pl.multiple_of((cj % CPS) * CH, 8)
        return pltpu.make_async_copy(h_hbm.at[srcb.at[pl.ds(q, CH)]],
                                     rows, sg)

    def scale_half(rows, wb, glo, ghi):
        @plsc.parallel_loop(glo * 16, ghi * 16, 1, unroll=4)
        def _(k):
            wk = plsc.load_gather(wb, [jnp.full((16,), k - glo * 16,
                                                jnp.int32)])
            for qq in range(DIM // 16):
                sl = pl.ds(qq * 16, 16)
                rows[k, sl] = rows[k, sl] * wk

    def scatter_waits(rows, wba, wbb, dstca, dstcb, ss):
        pltpu.make_async_copy(rows.at[pl.ds(0, 48)],
                              acc_sh.at[dstca], ss).wait()
        pltpu.make_async_copy(rows.at[pl.ds(48, 32)],
                              acc_sh.at[dstcb], ss).wait()
        pltpu.make_async_copy(wba, den_sh.at[dstca], ss).wait()
        pltpu.make_async_copy(wbb, den_sh.at[dstcb], ss).wait()

    def iter_body(cj, P, first=False, has_next=True, may_bound=True):
        rowsP, wbaP, wbbP, dstcaP, dstcbP, sgP, ssP = bufs[P]
        rowsQ, wbaQ, wbbQ, dstcaQ, dstcbQ, sgQ, ssQ = bufs[1 - P]
        if not first:
            scatter_waits(rowsQ, wbaQ, wbbQ, dstcaQ, dstcbQ, ssQ)
        if may_bound:
            bound = ((cj + 1) % CPS) == 0

            @pl.when(bound)
            def _():
                gather_desc(cj, rowsP, sgP).wait()
                super_load((cj + 1) // CPS)

            if has_next:
                pltpu.async_copy(h_hbm.at[srcb.at[
                    pl.ds(pl.multiple_of(((cj + 1) % CPS) * CH, 8), CH)]],
                    rowsQ, sgQ)

            @pl.when(jnp.logical_not(bound))
            def _():
                gather_desc(cj, rowsP, sgP).wait()
        else:
            if has_next:
                pltpu.async_copy(h_hbm.at[srcb.at[
                    pl.ds(pl.multiple_of(((cj + 1) % CPS) * CH, 8), CH)]],
                    rowsQ, sgQ)
            gather_desc(cj, rowsP, sgP).wait()
        scale_half(rowsP, wbaP, 0, 3)
        pltpu.async_copy(rowsP.at[pl.ds(0, 48)], acc_sh.at[dstcaP],
                         ssP, add=True)
        scale_half(rowsP, wbbP, 3, 5)
        pltpu.async_copy(rowsP.at[pl.ds(48, 32)], acc_sh.at[dstcbP],
                         ssP, add=True)
        pltpu.async_copy(wbaP, den_sh.at[dstcaP], ssP, add=True)
        pltpu.async_copy(wbbP, den_sh.at[dstcbP], ssP, add=True)
        if has_next:
            wcompute(cj + 1, wbaQ, wbbQ, dstcaQ, dstcbQ)

    wcompute(0, wba0, wbb0, dstca0, dstcb0)
    pltpu.async_copy(h_hbm.at[srcb.at[pl.ds(0, CH)]], rows0, sg0)
    iter_body(0, 0, first=True, may_bound=False)

    def _pair(p, _):
        iter_body(2 * p + 1, 1)
        iter_body(2 * p + 2, 0)
        return 0

    lax.fori_loop(0, (NCH - 3) // 2, _pair, 0)

    iter_body(NCH - 2, 1, may_bound=False)
    iter_body(NCH - 1, 0, has_next=False, may_bound=False)
    scatter_waits(rows0, wba0, wbb0, dstca0, dstcb0, ss0)

    plsc.subcore_barrier()

    for t in range(7):
        pltpu.sync_copy(acc_sh.at[pl.ds(r0 + t * CH, CH)], rows0)
        pltpu.sync_copy(rows0, acc_out.at[c_id, pl.ds(r0 + t * CH, CH)])
    pltpu.sync_copy(acc_sh.at[pl.ds(r0 + 560, 72)], rows0.at[pl.ds(0, 72)])
    pltpu.sync_copy(rows0.at[pl.ds(0, 72)], acc_out.at[c_id, pl.ds(r0 + 560, 72)])

    @pl.when(s_id < 10)
    def _():
        pltpu.sync_copy(den_sh.at[pl.ds(s_id * 1000, 1000)],
                        zden.at[pl.ds(0, 1000)])
        pltpu.sync_copy(zden.at[pl.ds(0, 1000)],
                        den_out.at[pl.ds(c_id * N + s_id * 1000, 1000)])


_sc_edge_pass = functools.partial(
    pl.kernel,
    out_type=(jax.ShapeDtypeStruct((NUM_CORES, N, DIM), jnp.float32),
              jax.ShapeDtypeStruct((NUM_CORES * N,), jnp.float32)),
    mesh=plsc.VectorSubcoreMesh(core_axis_name="c", subcore_axis_name="s"),
    scratch_types=[
        pltpu.VMEM((N,), jnp.float32),
        pltpu.VMEM((N,), jnp.float32),
        pltpu.VMEM((SUP,), jnp.int32),
        pltpu.VMEM((SUP,), jnp.int32),
        pltpu.VMEM((48,), jnp.int32),
        pltpu.VMEM((32,), jnp.int32),
        pltpu.VMEM((48,), jnp.int32),
        pltpu.VMEM((32,), jnp.int32),
        pltpu.VMEM((48,), jnp.float32),
        pltpu.VMEM((32,), jnp.float32),
        pltpu.VMEM((48,), jnp.float32),
        pltpu.VMEM((32,), jnp.float32),
        pltpu.VMEM((CH, DIM), jnp.float32),
        pltpu.VMEM((CH, DIM), jnp.float32),
        pltpu.VMEM((1024,), jnp.float32),
        pltpu.VMEM_SHARED((N, DIM), jnp.float32),
        pltpu.VMEM_SHARED((N,), jnp.float32),
        pltpu.SemaphoreType.DMA,
        pltpu.SemaphoreType.DMA,
        pltpu.SemaphoreType.DMA,
        pltpu.SemaphoreType.DMA,
    ],
    compiler_params=pltpu.CompilerParams(needs_layout_passes=False),
)(_sc_body)


def kernel(z, edge_index, W, att_src, att_dst, bias):
    h, a, b, src, dst = pl.pallas_call(
        _prep_body,
        out_shape=(jax.ShapeDtypeStruct((N, DIM), jnp.float32),
                   jax.ShapeDtypeStruct((N, 1), jnp.float32),
                   jax.ShapeDtypeStruct((N, 1), jnp.float32),
                   jax.ShapeDtypeStruct((E,), jnp.int32),
                   jax.ShapeDtypeStruct((E,), jnp.int32)),
    )(z, W, att_src.reshape(1, DIM), att_dst.reshape(1, DIM), edge_index)

    acc, den = _sc_edge_pass(h, a.reshape(N), b.reshape(N), src, dst)

    out = pl.pallas_call(
        _combine_body,
        out_shape=jax.ShapeDtypeStruct((N, DIM), jnp.float32),
    )(h, acc, den.reshape(NUM_CORES, N, 1), bias.reshape(1, DIM))
    return out

# --- scband reference (transcript-rebuilt; emitter-appended) ---
"""Pipeline reference for scband-graph-decoder-30932354466113 (READ-ONLY COPY).

The authoritative reference and input builder live on the scoring server;
editing this copy changes nothing except your own understanding.
"""

import jax, jax.numpy as jnp
import numpy as np

N = 10000
E = 320000
IN_DIM = 128
OUT_DIM = 128
NEG_SLOPE = 0.2


def setup_inputs(seed: int = 0) -> dict:
    key = jax.random.key(seed)
    k1, k2, k3, k4, k5 = jax.random.split(key, 5)
    z = jax.random.normal(k1, (N, IN_DIM), dtype=jnp.float32)
    edge_index = jax.random.randint(k2, (2, E), 0, N, dtype=jnp.int32)
    # GATConv(in=128, out=128, heads=1) learned params
    W = jax.random.normal(k3, (IN_DIM, OUT_DIM), dtype=jnp.float32) * (1.0 / np.sqrt(IN_DIM))
    att_src = jax.random.normal(k4, (OUT_DIM,), dtype=jnp.float32) * 0.1
    att_dst = jax.random.normal(k5, (OUT_DIM,), dtype=jnp.float32) * 0.1
    bias = jnp.zeros((OUT_DIM,), dtype=jnp.float32)
    return {"z": z, "edge_index": edge_index, "W": W, "att_src": att_src, "att_dst": att_dst, "bias": bias}


def reference(z, edge_index, W, att_src, att_dst, bias):
    # Faithful GATConv (heads=1, concat=True, add_self_loops=True, negative_slope=0.2)
    n = z.shape[0]
    self_loop = jnp.arange(n, dtype=edge_index.dtype)
    src = jnp.concatenate([edge_index[0], self_loop])
    dst = jnp.concatenate([edge_index[1], self_loop])
    h = z @ W  # [N, OUT_DIM]
    a_src = (h * att_src).sum(axis=-1)  # [N]
    a_dst = (h * att_dst).sum(axis=-1)  # [N]
    alpha = a_src[src] + a_dst[dst]  # [E+N]
    alpha = jax.nn.leaky_relu(alpha, NEG_SLOPE)
    # softmax over edges grouped by destination node (every segment nonempty due to self loops)
    amax = jax.ops.segment_max(alpha, dst, num_segments=n)
    alpha = jnp.exp(alpha - amax[dst])
    denom = jax.ops.segment_sum(alpha, dst, num_segments=n)
    alpha = alpha / (denom[dst] + 1e-16)
    msg = h[src] * alpha[:, None]  # [E+N, OUT_DIM]
    out = jax.ops.segment_sum(msg, dst, num_segments=n)  # [N, OUT_DIM]
    return out + bias

if __name__ == "__main__":
    import jax
    _d = setup_inputs()
    print(jax.jit(kernel)(*tuple(_d.values())))

</pallas_src>

<mosaic_0001>
#map = affine_map<(d0, d1) -> (0, 0)>
#map1 = affine_map<(d0, d1) -> (0)>
#map2 = affine_map<(d0, d1) -> (0, 0, 0)>
module attributes {stable_mosaic.version = 14 : i64} {
  func.func @_sc_body(%arg0: i32, %arg1: i32, %arg2: memref<10000x128xf32, #tpu.memory_space<hbm>>, %arg3: memref<10000xf32, #tpu.memory_space<hbm>>, %arg4: memref<10000xf32, #tpu.memory_space<hbm>>, %arg5: memref<320000xi32, #tpu.memory_space<hbm>>, %arg6: memref<320000xi32, #tpu.memory_space<hbm>>, %arg7: memref<2x10000x128xf32, #tpu.memory_space<hbm>>, %arg8: memref<20000xf32, #tpu.memory_space<hbm>>, %arg9: memref<10000xf32, #tpu.memory_space<vmem>>, %arg10: memref<10000xf32, #tpu.memory_space<vmem>>, %arg11: memref<2000xi32, #tpu.memory_space<vmem>>, %arg12: memref<2000xi32, #tpu.memory_space<vmem>>, %arg13: memref<48xi32, #tpu.memory_space<vmem>>, %arg14: memref<32xi32, #tpu.memory_space<vmem>>, %arg15: memref<48xi32, #tpu.memory_space<vmem>>, %arg16: memref<32xi32, #tpu.memory_space<vmem>>, %arg17: memref<48xf32, #tpu.memory_space<vmem>>, %arg18: memref<32xf32, #tpu.memory_space<vmem>>, %arg19: memref<48xf32, #tpu.memory_space<vmem>>, %arg20: memref<32xf32, #tpu.memory_space<vmem>>, %arg21: memref<80x128xf32, #tpu.memory_space<vmem>>, %arg22: memref<80x128xf32, #tpu.memory_space<vmem>>, %arg23: memref<1024xf32, #tpu.memory_space<vmem>>, %arg24: memref<10000x128xf32, #tpu.memory_space<vmem_shared>>, %arg25: memref<10000xf32, #tpu.memory_space<vmem_shared>>, %arg26: memref<!tpu.dma_semaphore, #tpu.memory_space<semaphore_mem>>, %arg27: memref<!tpu.dma_semaphore, #tpu.memory_space<semaphore_mem>>, %arg28: memref<!tpu.dma_semaphore, #tpu.memory_space<semaphore_mem>>, %arg29: memref<!tpu.dma_semaphore, #tpu.memory_space<semaphore_mem>>) attributes {dimension_semantics = [#tpu.dimension_semantics<core_parallel>, #tpu.dimension_semantics<subcore_parallel>], iteration_bounds = array<i64: 2, 16>, scalar_prefetch = 0 : i64, scratch_operands = 21 : i64, tpu.core_type = #tpu.core_type<sc_vector_subcore>, window_params = [{transform_indices = #map}, {transform_indices = #map1}, {transform_indices = #map1}, {transform_indices = #map1}, {transform_indices = #map1}, {transform_indices = #map2}, {transform_indices = #map1}]} {
    %mul3A = arith.constant 2 : i32
    %mul3A_0 = arith.muli %arg1, %mul3A : i32
    %add3A = arith.addi %mul3A_0, %arg0 : i32
    %mul3A_1 = arith.constant 10000 : i32
    %mul3A_2 = arith.muli %add3A, %mul3A_1 : i32
    "tpu.region"() ({
      %run_scoped3A = tpu.sem_alloc : memref<!tpu.dma_semaphore, #tpu.memory_space<semaphore_mem>>
      tpu.enqueue_dma source(%arg3 : memref<10000xf32, #tpu.memory_space<hbm>>) target(%arg9 : memref<10000xf32, #tpu.memory_space<vmem>>) target_semaphore(%run_scoped3A : memref<!tpu.dma_semaphore, #tpu.memory_space<semaphore_mem>>)
      tpu.wait_dma2 semaphore(%run_scoped3A : memref<!tpu.dma_semaphore, #tpu.memory_space<semaphore_mem>>) src(%arg3 : memref<10000xf32, #tpu.memory_space<hbm>>) dst(%arg9 : memref<10000xf32, #tpu.memory_space<vmem>>)
      tpu.yield
    }) : () -> ()
    "tpu.region"() ({
      %run_scoped3A = tpu.sem_alloc : memref<!tpu.dma_semaphore, #tpu.memory_space<semaphore_mem>>
      tpu.enqueue_dma source(%arg4 : memref<10000xf32, #tpu.memory_space<hbm>>) target(%arg10 : memref<10000xf32, #tpu.memory_space<vmem>>) target_semaphore(%run_scoped3A : memref<!tpu.dma_semaphore, #tpu.memory_space<semaphore_mem>>)
      tpu.wait_dma2 semaphore(%run_scoped3A : memref<!tpu.dma_semaphore, #tpu.memory_space<semaphore_mem>>) src(%arg4 : memref<10000xf32, #tpu.memory_space<hbm>>) dst(%arg10 : memref<10000xf32, #tpu.memory_space<vmem>>)
      tpu.yield
    }) : () -> ()
    %add3A_3 = arith.constant 0 : i32
    %add3A_4 = arith.addi %mul3A_2, %add3A_3 : i32
    %multiple_of3A = tpu.assume_multiple %add3A_4, 8 : i32
    "tpu.region"() ({
      %run_scoped3A = tpu.sem_alloc : memref<!tpu.dma_semaphore, #tpu.memory_space<semaphore_mem>>
      %dma_start3A_660 = tpu.memref_slice %arg5[%multiple_of3A] : memref<320000xi32, #tpu.memory_space<hbm>> -> memref<2000xi32, #tpu.memory_space<hbm>>
      %dma_start3A_661 = tpu.memref_slice %arg5[%multiple_of3A] : memref<320000xi32, #tpu.memory_space<hbm>> -> memref<2000xi32, #tpu.memory_space<hbm>>
      tpu.enqueue_dma source(%dma_start3A_661 : memref<2000xi32, #tpu.memory_space<hbm>>) target(%arg11 : memref<2000xi32, #tpu.memory_space<vmem>>) target_semaphore(%run_scoped3A : memref<!tpu.dma_semaphore, #tpu.memory_space<semaphore_mem>>)
      %dma_wait3A_662 = tpu.memref_slice %arg5[%multiple_of3A] : memref<320000xi32, #tpu.memory_space<hbm>> -> memref<2000xi32, #tpu.memory_space<hbm>>
      %dma_wait3A_663 = tpu.memref_slice %arg5[%multiple_of3A] : memref<320000xi32, #tpu.memory_space<hbm>> -> memref<2000xi32, #tpu.memory_space<hbm>>
      tpu.wait_dma2 semaphore(%run_scoped3A : memref<!tpu.dma_semaphore, #tpu.memory_space<semaphore_mem>>) src(%dma_wait3A_663 : memref<2000xi32, #tpu.memory_space<hbm>>) dst(%arg11 : memref<2000xi32, #tpu.memory_space<vmem>>)
      tpu.yield
    }) : () -> ()
    "tpu.region"() ({
      %run_scoped3A = tpu.sem_alloc : memref<!tpu.dma_semaphore, #tpu.memory_space<semaphore_mem>>
      %dma_start3A_660 = tpu.memref_slice %arg6[%multiple_of3A] : memref<320000xi32, #tpu.memory_space<hbm>> -> memref<2000xi32, #tpu.memory_space<hbm>>
      %dma_start3A_661 = tpu.memref_slice %arg6[%multiple_of3A] : memref<320000xi32, #tpu.memory_space<hbm>> -> memref<2000xi32, #tpu.memory_space<hbm>>
      tpu.enqueue_dma source(%dma_start3A_661 : memref<2000xi32, #tpu.memory_space<hbm>>) target(%arg12 : memref<2000xi32, #tpu.memory_space<vmem>>) target_semaphore(%run_scoped3A : memref<!tpu.dma_semaphore, #tpu.memory_space<semaphore_mem>>)
      %dma_wait3A_662 = tpu.memref_slice %arg6[%multiple_of3A] : memref<320000xi32, #tpu.memory_space<hbm>> -> memref<2000xi32, #tpu.memory_space<hbm>>
      %dma_wait3A_663 = tpu.memref_slice %arg6[%multiple_of3A] : memref<320000xi32, #tpu.memory_space<hbm>> -> memref<2000xi32, #tpu.memory_space<hbm>>
      tpu.wait_dma2 semaphore(%run_scoped3A : memref<!tpu.dma_semaphore, #tpu.memory_space<semaphore_mem>>) src(%dma_wait3A_663 : memref<2000xi32, #tpu.memory_space<hbm>>) dst(%arg12 : memref<2000xi32, #tpu.memory_space<vmem>>)
      tpu.yield
    }) : () -> ()
    %broadcast_in_dim3A = arith.constant 0.000000e+00 : f32
    %broadcast_in_dim3A_5 = vector.broadcast %broadcast_in_dim3A : f32 to vector<16xf32>
    %scan3A = arith.constant 0 : i32
    %scan3A_6 = arith.constant 0 : i32
    %scan3A_7 = arith.constant 640 : i32
    %scan3A_8 = arith.addi %scan3A_6, %scan3A_7 : i32
    %scan3A_9 = arith.constant 1 : i32
    %scan3A_10 = scf.for %scan3A_660 = %scan3A_6 to %scan3A_8 step %scan3A_9 iter_args(%scan3A_661 = %scan3A) -> (i32)  : i32 {
      %jit3A = arith.constant 8 : i32
      %div3A = arith.divsi %scan3A_660, %jit3A : i32
      %sign3A = arith.constant 0 : i32
      %sign3A_662 = arith.cmpi sgt, %scan3A_660, %sign3A : i32
      %sign3A_663 = arith.extui %sign3A_662 : i1 to i32
      %sign3A_664 = arith.constant 0 : i32
      %sign3A_665 = arith.cmpi slt, %scan3A_660, %sign3A_664 : i32
      %sign3A_666 = arith.extui %sign3A_665 : i1 to i32
      %sign3A_667 = arith.subi %sign3A_663, %sign3A_666 : i32
      %sign3A_668 = arith.constant 0 : i32
      %sign3A_669 = arith.cmpi sgt, %jit3A, %sign3A_668 : i32
      %sign3A_670 = arith.extui %sign3A_669 : i1 to i32
      %sign3A_671 = arith.constant 0 : i32
      %sign3A_672 = arith.cmpi slt, %jit3A, %sign3A_671 : i32
      %sign3A_673 = arith.extui %sign3A_672 : i1 to i32
      %sign3A_674 = arith.subi %sign3A_670, %sign3A_673 : i32
      %ne3A = arith.cmpi ne, %sign3A_667, %sign3A_674 : i32
      %rem3A = arith.remsi %scan3A_660, %jit3A : i32
      %ne3A_675 = arith.constant 0 : i32
      %ne3A_676 = arith.cmpi ne, %rem3A, %ne3A_675 : i32
      %and3A = arith.andi %ne3A, %ne3A_676 : i1
      %sub3A_677 = arith.constant 1 : i32
      %sub3A_678 = arith.subi %div3A, %sub3A_677 : i32
      %select_n3A_679 = arith.select %and3A, %sub3A_678, %div3A : i32
      %jit3A_680 = arith.constant 8 : i32
      %eq3A = arith.constant 0 : i32
      %eq3A_681 = arith.cmpi eq, %jit3A_680, %eq3A : i32
      %jit3A_682 = arith.constant 1 : i32
      %select_n3A_683 = arith.select %eq3A_681, %jit3A_682, %jit3A_680 : i32
      %rem3A_684 = arith.remsi %scan3A_660, %select_n3A_683 : i32
      %ne3A_685 = arith.constant 0 : i32
      %ne3A_686 = arith.cmpi ne, %rem3A_684, %ne3A_685 : i32
      %lt3A_687 = arith.constant 0 : i32
      %lt3A_688 = arith.cmpi slt, %rem3A_684, %lt3A_687 : i32
      %lt3A_689 = arith.constant 0 : i32
      %lt3A_690 = arith.cmpi slt, %select_n3A_683, %lt3A_689 : i32
      %ne3A_691 = arith.xori %lt3A_688, %lt3A_690 : i1
      %and3A_692 = arith.andi %ne3A_691, %ne3A_686 : i1
      %add3A_693 = arith.addi %rem3A_684, %select_n3A_683 : i32
      %select_n3A_694 = arith.select %and3A_692, %add3A_693, %rem3A_684 : i32
      %mul3A_695 = arith.constant 16 : i32
      %mul3A_696 = arith.muli %select_n3A_694, %mul3A_695 : i32
      %swap3A_697 = arith.index_cast %select_n3A_679 : i32 to index
      %swap3A_698 = arith.index_cast %mul3A_696 : i32 to index
      %swap3A_699 = tpu.vector_load %arg21[%swap3A_697, %swap3A_698] {strides = array<i32>} : memref<80x128xf32, #tpu.memory_space<vmem>>, vector<16xf32>,
      tpu.vector_store %arg21[%swap3A_697, %swap3A_698], %broadcast_in_dim3A_5 {strides = array<i32>} : memref<80x128xf32, #tpu.memory_space<vmem>>, vector<16xf32>,
      %scan3A_700 = arith.constant 0 : i32
      scf.yield %scan3A_700 : i32
    }
    %scan3A_11 = arith.constant 640 : i32
    %scan3A_12 = arith.constant 0 : i32
    %scan3A_13 = arith.constant 0 : i32
    %scan3A_14 = arith.constant 64 : i32
    %scan3A_15 = arith.addi %scan3A_13, %scan3A_14 : i32
    %scan3A_16 = arith.constant 1 : i32
    %scan3A_17 = scf.for %scan3A_660 = %scan3A_13 to %scan3A_15 step %scan3A_16 iter_args(%scan3A_661 = %scan3A_12) -> (i32)  : i32 {
      %mul3A_662 = arith.constant 16 : i32
      %mul3A_663 = arith.muli %scan3A_660, %mul3A_662 : i32
      %swap3A_664 = arith.index_cast %mul3A_663 : i32 to index
      %swap3A_665 = tpu.vector_load %arg23[%swap3A_664] {strides = array<i32>} : memref<1024xf32, #tpu.memory_space<vmem>>, vector<16xf32>,
      tpu.vector_store %arg23[%swap3A_664], %broadcast_in_dim3A_5 {strides = array<i32>} : memref<1024xf32, #tpu.memory_space<vmem>>, vector<16xf32>,
      %scan3A_666 = arith.constant 0 : i32
      scf.yield %scan3A_666 : i32
    }
    %scan3A_18 = arith.constant 64 : i32
    %mul3A_19 = arith.constant 632 : i32
    %mul3A_20 = arith.muli %arg1, %mul3A_19 : i32
    %min3A = arith.constant 9368 : i32
    %min3A_21 = arith.minsi %mul3A_20, %min3A : i32
    %multiple_of3A_22 = tpu.assume_multiple %min3A_21, 8 : i32
    %add3A_23 = arith.constant 0 : i32
    %add3A_24 = arith.addi %multiple_of3A_22, %add3A_23 : i32
    "tpu.region"() ({
      %run_scoped3A = tpu.sem_alloc : memref<!tpu.dma_semaphore, #tpu.memory_space<semaphore_mem>>
      %dma_start3A_660 = arith.constant 0 : i32
      %dma_start3A_661 = tpu.memref_slice %arg24[%add3A_24, %dma_start3A_660] : memref<10000x128xf32, #tpu.memory_space<vmem_shared>> -> memref<80x128xf32, #tpu.memory_space<vmem_shared>>
      %dma_start3A_662 = arith.constant 0 : i32
      %dma_start3A_663 = tpu.memref_slice %arg24[%add3A_24, %dma_start3A_662] : memref<10000x128xf32, #tpu.memory_space<vmem_shared>> -> memref<80x128xf32, #tpu.memory_space<vmem_shared>>
      tpu.enqueue_dma source(%arg21 : memref<80x128xf32, #tpu.memory_space<vmem>>) target(%dma_start3A_663 : memref<80x128xf32, #tpu.memory_space<vmem_shared>>) target_semaphore(%run_scoped3A : memref<!tpu.dma_semaphore, #tpu.memory_space<semaphore_mem>>)
      %dma_wait3A_664 = arith.constant 0 : i32
      %dma_wait3A_665 = tpu.memref_slice %arg24[%add3A_24, %dma_wait3A_664] : memref<10000x128xf32, #tpu.memory_space<vmem_shared>> -> memref<80x128xf32, #tpu.memory_space<vmem_shared>>
      %dma_wait3A_666 = arith.constant 0 : i32
      %dma_wait3A_667 = tpu.memref_slice %arg24[%add3A_24, %dma_wait3A_666] : memref<10000x128xf32, #tpu.memory_space<vmem_shared>> -> memref<80x128xf32, #tpu.memory_space<vmem_shared>>
      tpu.wait_dma2 semaphore(%run_scoped3A : memref<!tpu.dma_semaphore, #tpu.memory_space<semaphore_mem>>) src(%arg21 : memref<80x128xf32, #tpu.memory_space<vmem>>) dst(%dma_wait3A_667 : memref<80x128xf32, #tpu.memory_space<vmem_shared>>)
      tpu.yield
    }) : () -> ()
    %add3A_25 = arith.constant 80 : i32
    %add3A_26 = arith.addi %multiple_of3A_22, %add3A_25 : i32
    "tpu.region"() ({
      %run_scoped3A = tpu.sem_alloc : memref<!tpu.dma_semaphore, #tpu.memory_space<semaphore_mem>>
      %dma_start3A_660 = arith.constant 0 : i32
      %dma_start3A_661 = tpu.memref_slice %arg24[%add3A_26, %dma_start3A_660] : memref<10000x128xf32, #tpu.memory_space<vmem_shared>> -> memref<80x128xf32, #tpu.memory_space<vmem_shared>>
      %dma_start3A_662 = arith.constant 0 : i32
      %dma_start3A_663 = tpu.memref_slice %arg24[%add3A_26, %dma_start3A_662] : memref<10000x128xf32, #tpu.memory_space<vmem_shared>> -> memref<80x128xf32, #tpu.memory_space<vmem_shared>>
      tpu.enqueue_dma source(%arg21 : memref<80x128xf32, #tpu.memory_space<vmem>>) target(%dma_start3A_663 : memref<80x128xf32, #tpu.memory_space<vmem_shared>>) target_semaphore(%run_scoped3A : memref<!tpu.dma_semaphore, #tpu.memory_space<semaphore_mem>>)
      %dma_wait3A_664 = arith.constant 0 : i32
      %dma_wait3A_665 = tpu.memref_slice %arg24[%add3A_26, %dma_wait3A_664] : memref<10000x128xf32, #tpu.memory_space<vmem_shared>> -> memref<80x128xf32, #tpu.memory_space<vmem_shared>>
      %dma_wait3A_666 = arith.constant 0 : i32
      %dma_wait3A_667 = tpu.memref_slice %arg24[%add3A_26, %dma_wait3A_666] : memref<10000x128xf32, #tpu.memory_space<vmem_shared>> -> memref<80x128xf32, #tpu.memory_space<vmem_shared>>
      tpu.wait_dma2 semaphore(%run_scoped3A : memref<!tpu.dma_semaphore, #tpu.memory_space<semaphore_mem>>) src(%arg21 : memref<80x128xf32, #tpu.memory_space<vmem>>) dst(%dma_wait3A_667 : memref<80x128xf32, #tpu.memory_space<vmem_shared>>)
      tpu.yield
    }) : () -> ()
    %add3A_27 = arith.constant 160 : i32
    %add3A_28 = arith.addi %multiple_of3A_22, %add3A_27 : i32
    "tpu.region"() ({
      %run_scoped3A = tpu.sem_alloc : memref<!tpu.dma_semaphore, #tpu.memory_space<semaphore_mem>>
      %dma_start3A_660 = arith.constant 0 : i32
      %dma_start3A_661 = tpu.memref_slice %arg24[%add3A_28, %dma_start3A_660] : memref<10000x128xf32, #tpu.memory_space<vmem_shared>> -> memref<80x128xf32, #tpu.memory_space<vmem_shared>>
      %dma_start3A_662 = arith.constant 0 : i32
      %dma_start3A_663 = tpu.memref_slice %arg24[%add3A_28, %dma_start3A_662] : memref<10000x128xf32, #tpu.memory_space<vmem_shared>> -> memref<80x128xf32, #tpu.memory_space<vmem_shared>>
      tpu.enqueue_dma source(%arg21 : memref<80x128xf32, #tpu.memory_space<vmem>>) target(%dma_start3A_663 : memref<80x128xf32, #tpu.memory_space<vmem_shared>>) target_semaphore(%run_scoped3A : memref<!tpu.dma_semaphore, #tpu.memory_space<semaphore_mem>>)
      %dma_wait3A_664 = arith.constant 0 : i32
      %dma_wait3A_665 = tpu.memref_slice %arg24[%add3A_28, %dma_wait3A_664] : memref<10000x128xf32, #tpu.memory_space<vmem_shared>> -> memref<80x128xf32, #tpu.memory_space<vmem_shared>>
      %dma_wait3A_666 = arith.constant 0 : i32
      %dma_wait3A_667 = tpu.memref_slice %arg24[%add3A_28, %dma_wait3A_666] : memref<10000x128xf32, #tpu.memory_space<vmem_shared>> -> memref<80x128xf32, #tpu.memory_space<vmem_shared>>
      tpu.wait_dma2 semaphore(%run_scoped3A : memref<!tpu.dma_semaphore, #tpu.memory_space<semaphore_mem>>) src(%arg21 : memref<80x128xf32, #tpu.memory_space<vmem>>) dst(%dma_wait3A_667 : memref<80x128xf32, #tpu.memory_space<vmem_shared>>)
      tpu.yield
    }) : () -> ()
    %add3A_29 = arith.constant 240 : i32
    %add3A_30 = arith.addi %multiple_of3A_22, %add3A_29 : i32
    "tpu.region"() ({
      %run_scoped3A = tpu.sem_alloc : memref<!tpu.dma_semaphore, #tpu.memory_space<semaphore_mem>>
      %dma_start3A_660 = arith.constant 0 : i32
      %dma_start3A_661 = tpu.memref_slice %arg24[%add3A_30, %dma_start3A_660] : memref<10000x128xf32, #tpu.memory_space<vmem_shared>> -> memref<80x128xf32, #tpu.memory_space<vmem_shared>>
      %dma_start3A_662 = arith.constant 0 : i32
      %dma_start3A_663 = tpu.memref_slice %arg24[%add3A_30, %dma_start3A_662] : memref<10000x128xf32, #tpu.memory_space<vmem_shared>> -> memref<80x128xf32, #tpu.memory_space<vmem_shared>>
      tpu.enqueue_dma source(%arg21 : memref<80x128xf32, #tpu.memory_space<vmem>>) target(%dma_start3A_663 : memref<80x128xf32, #tpu.memory_space<vmem_shared>>) target_semaphore(%run_scoped3A : memref<!tpu.dma_semaphore, #tpu.memory_space<semaphore_mem>>)
      %dma_wait3A_664 = arith.constant 0 : i32
      %dma_wait3A_665 = tpu.memref_slice %arg24[%add3A_30, %dma_wait3A_664] : memref<10000x128xf32, #tpu.memory_space<vmem_shared>> -> memref<80x128xf32, #tpu.memory_space<vmem_shared>>
      %dma_wait3A_666 = arith.constant 0 : i32
      %dma_wait3A_667 = tpu.memref_slice %arg24[%add3A_30, %dma_wait3A_666] : memref<10000x128xf32, #tpu.memory_space<vmem_shared>> -> memref<80x128xf32, #tpu.memory_space<vmem_shared>>
      tpu.wait_dma2 semaphore(%run_scoped3A : memref<!tpu.dma_semaphore, #tpu.memory_space<semaphore_mem>>) src(%arg21 : memref<80x128xf32, #tpu.memory_space<vmem>>) dst(%dma_wait3A_667 : memref<80x128xf32, #tpu.memory_space<vmem_shared>>)
      tpu.yield
    }) : () -> ()
    %add3A_31 = arith.constant 320 : i32
    %add3A_32 = arith.addi %multiple_of3A_22, %add3A_31 : i32
    "tpu.region"() ({
      %run_scoped3A = tpu.sem_alloc : memref<!tpu.dma_semaphore, #tpu.memory_space<semaphore_mem>>
      %dma_start3A_660 = arith.constant 0 : i32
      %dma_start3A_661 = tpu.memref_slice %arg24[%add3A_32, %dma_start3A_660] : memref<10000x128xf32, #tpu.memory_space<vmem_shared>> -> memref<80x128xf32, #tpu.memory_space<vmem_shared>>
      %dma_start3A_662 = arith.constant 0 : i32
      %dma_start3A_663 = tpu.memref_slice %arg24[%add3A_32, %dma_start3A_662] : memref<10000x128xf32, #tpu.memory_space<vmem_shared>> -> memref<80x128xf32, #tpu.memory_space<vmem_shared>>
      tpu.enqueue_dma source(%arg21 : memref<80x128xf32, #tpu.memory_space<vmem>>) target(%dma_start3A_663 : memref<80x128xf32, #tpu.memory_space<vmem_shared>>) target_semaphore(%run_scoped3A : memref<!tpu.dma_semaphore, #tpu.memory_space<semaphore_mem>>)
      %dma_wait3A_664 = arith.constant 0 : i32
      %dma_wait3A_665 = tpu.memref_slice %arg24[%add3A_32, %dma_wait3A_664] : memref<10000x128xf32, #tpu.memory_space<vmem_shared>> -> memref<80x128xf32, #tpu.memory_space<vmem_shared>>
      %dma_wait3A_666 = arith.constant 0 : i32
      %dma_wait3A_667 = tpu.memref_slice %arg24[%add3A_32, %dma_wait3A_666] : memref<10000x128xf32, #tpu.memory_space<vmem_shared>> -> memref<80x128xf32, #tpu.memory_space<vmem_shared>>
      tpu.wait_dma2 semaphore(%run_scoped3A : memref<!tpu.dma_semaphore, #tpu.memory_space<semaphore_mem>>) src(%arg21 : memref<80x128xf32, #tpu.memory_space<vmem>>) dst(%dma_wait3A_667 : memref<80x128xf32, #tpu.memory_space<vmem_shared>>)
      tpu.yield
    }) : () -> ()
    %add3A_33 = arith.constant 400 : i32
    %add3A_34 = arith.addi %multiple_of3A_22, %add3A_33 : i32
    "tpu.region"() ({
      %run_scoped3A = tpu.sem_alloc : memref<!tpu.dma_semaphore, #tpu.memory_space<semaphore_mem>>
      %dma_start3A_660 = arith.constant 0 : i32
      %dma_start3A_661 = tpu.memref_slice %arg24[%add3A_34, %dma_start3A_660] : memref<10000x128xf32, #tpu.memory_space<vmem_shared>> -> memref<80x128xf32, #tpu.memory_space<vmem_shared>>
      %dma_start3A_662 = arith.constant 0 : i32
      %dma_start3A_663 = tpu.memref_slice %arg24[%add3A_34, %dma_start3A_662] : memref<10000x128xf32, #tpu.memory_space<vmem_shared>> -> memref<80x128xf32, #tpu.memory_space<vmem_shared>>
      tpu.enqueue_dma source(%arg21 : memref<80x128xf32, #tpu.memory_space<vmem>>) target(%dma_start3A_663 : memref<80x128xf32, #tpu.memory_space<vmem_shared>>) target_semaphore(%run_scoped3A : memref<!tpu.dma_semaphore, #tpu.memory_space<semaphore_mem>>)
      %dma_wait3A_664 = arith.constant 0 : i32
      %dma_wait3A_665 = tpu.memref_slice %arg24[%add3A_34, %dma_wait3A_664] : memref<10000x128xf32, #tpu.memory_space<vmem_shared>> -> memref<80x128xf32, #tpu.memory_space<vmem_shared>>
      %dma_wait3A_666 = arith.constant 0 : i32
      %dma_wait3A_667 = tpu.memref_slice %arg24[%add3A_34, %dma_wait3A_666] : memref<10000x128xf32, #tpu.memory_space<vmem_shared>> -> memref<80x128xf32, #tpu.memory_space<vmem_shared>>
      tpu.wait_dma2 semaphore(%run_scoped3A : memref<!tpu.dma_semaphore, #tpu.memory_space<semaphore_mem>>) src(%arg21 : memref<80x128xf32, #tpu.memory_space<vmem>>) dst(%dma_wait3A_667 : memref<80x128xf32, #tpu.memory_space<vmem_shared>>)
      tpu.yield
    }) : () -> ()
    %add3A_35 = arith.constant 480 : i32
    %add3A_36 = arith.addi %multiple_of3A_22, %add3A_35 : i32
    "tpu.region"() ({
      %run_scoped3A = tpu.sem_alloc : memref<!tpu.dma_semaphore, #tpu.memory_space<semaphore_mem>>
      %dma_start3A_660 = arith.constant 0 : i32
      %dma_start3A_661 = tpu.memref_slice %arg24[%add3A_36, %dma_start3A_660] : memref<10000x128xf32, #tpu.memory_space<vmem_shared>> -> memref<80x128xf32, #tpu.memory_space<vmem_shared>>
      %dma_start3A_662 = arith.constant 0 : i32
      %dma_start3A_663 = tpu.memref_slice %arg24[%add3A_36, %dma_start3A_662] : memref<10000x128xf32, #tpu.memory_space<vmem_shared>> -> memref<80x128xf32, #tpu.memory_space<vmem_shared>>
      tpu.enqueue_dma source(%arg21 : memref<80x128xf32, #tpu.memory_space<vmem>>) target(%dma_start3A_663 : memref<80x128xf32, #tpu.memory_space<vmem_shared>>) target_semaphore(%run_scoped3A : memref<!tpu.dma_semaphore, #tpu.memory_space<semaphore_mem>>)
      %dma_wait3A_664 = arith.constant 0 : i32
      %dma_wait3A_665 = tpu.memref_slice %arg24[%add3A_36, %dma_wait3A_664] : memref<10000x128xf32, #tpu.memory_space<vmem_shared>> -> memref<80x128xf32, #tpu.memory_space<vmem_shared>>
      %dma_wait3A_666 = arith.constant 0 : i32
      %dma_wait3A_667 = tpu.memref_slice %arg24[%add3A_36, %dma_wait3A_666] : memref<10000x128xf32, #tpu.memory_space<vmem_shared>> -> memref<80x128xf32, #tpu.memory_space<vmem_shared>>
      tpu.wait_dma2 semaphore(%run_scoped3A : memref<!tpu.dma_semaphore, #tpu.memory_space<semaphore_mem>>) src(%arg21 : memref<80x128xf32, #tpu.memory_space<vmem>>) dst(%dma_wait3A_667 : memref<80x128xf32, #tpu.memory_space<vmem_shared>>)
      tpu.yield
    }) : () -> ()
    %add3A_37 = arith.constant 560 : i32
    %add3A_38 = arith.addi %multiple_of3A_22, %add3A_37 : i32
    "tpu.region"() ({
      %run_scoped3A = tpu.sem_alloc : memref<!tpu.dma_semaphore, #tpu.memory_space<semaphore_mem>>
      %dma_start3A_660 = arith.constant 0 : i32
      %dma_start3A_661 = arith.constant 0 : i32
      %dma_start3A_662 = tpu.memref_slice %arg21[%dma_start3A_660, %dma_start3A_661] : memref<80x128xf32, #tpu.memory_space<vmem>> -> memref<72x128xf32, #tpu.memory_space<vmem>>
      %dma_start3A_663 = arith.constant 0 : i32
      %dma_start3A_664 = tpu.memref_slice %arg24[%add3A_38, %dma_start3A_663] : memref<10000x128xf32, #tpu.memory_space<vmem_shared>> -> memref<72x128xf32, #tpu.memory_space<vmem_shared>>
      %dma_start3A_665 = arith.constant 0 : i32
      %dma_start3A_666 = tpu.memref_slice %arg24[%add3A_38, %dma_start3A_665] : memref<10000x128xf32, #tpu.memory_space<vmem_shared>> -> memref<72x128xf32, #tpu.memory_space<vmem_shared>>
      %dma_start3A_667 = arith.constant 0 : i32
      %dma_start3A_668 = arith.constant 0 : i32
      %dma_start3A_669 = tpu.memref_slice %arg21[%dma_start3A_667, %dma_start3A_668] : memref<80x128xf32, #tpu.memory_space<vmem>> -> memref<72x128xf32, #tpu.memory_space<vmem>>
      tpu.enqueue_dma source(%dma_start3A_669 : memref<72x128xf32, #tpu.memory_space<vmem>>) target(%dma_start3A_666 : memref<72x128xf32, #tpu.memory_space<vmem_shared>>) target_semaphore(%run_scoped3A : memref<!tpu.dma_semaphore, #tpu.memory_space<semaphore_mem>>)
      %dma_wait3A_670 = arith.constant 0 : i32
      %dma_wait3A_671 = arith.constant 0 : i32
      %dma_wait3A_672 = tpu.memref_slice %arg21[%dma_wait3A_670, %dma_wait3A_671] : memref<80x128xf32, #tpu.memory_space<vmem>> -> memref<72x128xf32, #tpu.memory_space<vmem>>
      %dma_wait3A_673 = arith.constant 0 : i32
      %dma_wait3A_674 = tpu.memref_slice %arg24[%add3A_38, %dma_wait3A_673] : memref<10000x128xf32, #tpu.memory_space<vmem_shared>> -> memref<72x128xf32, #tpu.memory_space<vmem_shared>>
      %dma_wait3A_675 = arith.constant 0 : i32
      %dma_wait3A_676 = tpu.memref_slice %arg24[%add3A_38, %dma_wait3A_675] : memref<10000x128xf32, #tpu.memory_space<vmem_shared>> -> memref<72x128xf32, #tpu.memory_space<vmem_shared>>
      %dma_wait3A_677 = arith.constant 0 : i32
      %dma_wait3A_678 = arith.constant 0 : i32
      %dma_wait3A_679 = tpu.memref_slice %arg21[%dma_wait3A_677, %dma_wait3A_678] : memref<80x128xf32, #tpu.memory_space<vmem>> -> memref<72x128xf32, #tpu.memory_space<vmem>>
      tpu.wait_dma2 semaphore(%run_scoped3A : memref<!tpu.dma_semaphore, #tpu.memory_space<semaphore_mem>>) src(%dma_wait3A_679 : memref<72x128xf32, #tpu.memory_space<vmem>>) dst(%dma_wait3A_676 : memref<72x128xf32, #tpu.memory_space<vmem_shared>>)
      tpu.yield
    }) : () -> ()
    %lt3A = arith.constant 10 : i32
    %lt3A_39 = arith.cmpi slt, %arg1, %lt3A : i32
    %convert_element_type3A = arith.extui %lt3A_39 : i1 to i32
    %cond3A = arith.constant 0 : i32
    %cond3A_40 = arith.cmpi ne, %convert_element_type3A, %cond3A : i32
    scf.if %cond3A_40 {
      %mul3A_660 = arith.constant 1000 : i32
      %mul3A_661 = arith.muli %arg1, %mul3A_660 : i32
      "tpu.region"() ({
        %run_scoped3A = tpu.sem_alloc : memref<!tpu.dma_semaphore, #tpu.memory_space<semaphore_mem>>
        %dma_start3A_662 = arith.constant 0 : i32
        %dma_start3A_663 = tpu.memref_slice %arg23[%dma_start3A_662] : memref<1024xf32, #tpu.memory_space<vmem>> -> memref<1000xf32, #tpu.memory_space<vmem>>
        %dma_start3A_664 = tpu.memref_slice %arg25[%mul3A_661] : memref<10000xf32, #tpu.memory_space<vmem_shared>> -> memref<1000xf32, #tpu.memory_space<vmem_shared>>
        %dma_start3A_665 = tpu.memref_slice %arg25[%mul3A_661] : memref<10000xf32, #tpu.memory_space<vmem_shared>> -> memref<1000xf32, #tpu.memory_space<vmem_shared>>
        %dma_start3A_666 = arith.constant 0 : i32
        %dma_start3A_667 = tpu.memref_slice %arg23[%dma_start3A_666] : memref<1024xf32, #tpu.memory_space<vmem>> -> memref<1000xf32, #tpu.memory_space<vmem>>
        tpu.enqueue_dma source(%dma_start3A_667 : memref<1000xf32, #tpu.memory_space<vmem>>) target(%dma_start3A_665 : memref<1000xf32, #tpu.memory_space<vmem_shared>>) target_semaphore(%run_scoped3A : memref<!tpu.dma_semaphore, #tpu.memory_space<semaphore_mem>>)
        %dma_wait3A_668 = arith.constant 0 : i32
        %dma_wait3A_669 = tpu.memref_slice %arg23[%dma_wait3A_668] : memref<1024xf32, #tpu.memory_space<vmem>> -> memref<1000xf32, #tpu.memory_space<vmem>>
        %dma_wait3A_670 = tpu.memref_slice %arg25[%mul3A_661] : memref<10000xf32, #tpu.memory_space<vmem_shared>> -> memref<1000xf32, #tpu.memory_space<vmem_shared>>
        %dma_wait3A_671 = tpu.memref_slice %arg25[%mul3A_661] : memref<10000xf32, #tpu.memory_space<vmem_shared>> -> memref<1000xf32, #tpu.memory_space<vmem_shared>>
        %dma_wait3A_672 = arith.constant 0 : i32
        %dma_wait3A_673 = tpu.memref_slice %arg23[%dma_wait3A_672] : memref<1024xf32, #tpu.memory_space<vmem>> -> memref<1000xf32, #tpu.memory_space<vmem>>
        tpu.wait_dma2 semaphore(%run_scoped3A : memref<!tpu.dma_semaphore, #tpu.memory_space<semaphore_mem>>) src(%dma_wait3A_673 : memref<1000xf32, #tpu.memory_space<vmem>>) dst(%dma_wait3A_671 : memref<1000xf32, #tpu.memory_space<vmem_shared>>)
        tpu.yield
      }) : () -> ()
    } else {
    }
    %barrier3A = arith.constant 0 : index
    tpu.barrier barrier_id(%barrier3A)
    %get3A = arith.constant 0 : index
    %get3A_41 = tpu.vector_load %arg11[%get3A] {strides = array<i32>} : memref<2000xi32, #tpu.memory_space<vmem>>, vector<16xi32>,
    %get3A_42 = arith.constant 0 : index
    %get3A_43 = tpu.vector_load %arg12[%get3A_42] {strides = array<i32>} : memref<2000xi32, #tpu.memory_space<vmem>>, vector<16xi32>,
    %swap3A = arith.constant 0 : index
    %swap3A_44 = tpu.vector_load %arg13[%swap3A] {strides = array<i32>} : memref<48xi32, #tpu.memory_space<vmem>>, vector<16xi32>,
    tpu.vector_store %arg13[%swap3A], %get3A_43 {strides = array<i32>} : memref<48xi32, #tpu.memory_space<vmem>>, vector<16xi32>,
    %gather3A = tpu.vector_load_idx %arg9[%get3A_41] : memref<10000xf32, #tpu.memory_space<vmem>>[vector<16xi32>], vector<16xf32>,
    %gather3A_45 = tpu.vector_load_idx %arg9[%get3A_43] : memref<10000xf32, #tpu.memory_space<vmem>>[vector<16xi32>], vector<16xf32>,
    %gather3A_46 = tpu.vector_load_idx %arg10[%get3A_43] : memref<10000xf32, #tpu.memory_space<vmem>>[vector<16xi32>], vector<16xf32>,
    %add3A_47 = arith.addf %gather3A, %gather3A_46 : vector<16xf32>
    %ge3A = arith.constant 0.000000e+00 : f32
    %ge3A_48 = vector.broadcast %ge3A : f32 to vector<16xf32>
    %ge3A_49 = arith.cmpf oge, %add3A_47, %ge3A_48 : vector<16xf32>
    %mul3A_50 = arith.constant 2.000000e-01 : f32
    %mul3A_51 = vector.broadcast %mul3A_50 : f32 to vector<16xf32>
    %mul3A_52 = arith.mulf %add3A_47, %mul3A_51 : vector<16xf32>
    %select_n3A = arith.select %ge3A_49, %add3A_47, %mul3A_52 : vector<16xi1>, vector<16xf32>
    %add3A_53 = arith.addf %gather3A_45, %gather3A_46 : vector<16xf32>
    %ge3A_54 = arith.constant 0.000000e+00 : f32
    %ge3A_55 = vector.broadcast %ge3A_54 : f32 to vector<16xf32>
    %ge3A_56 = arith.cmpf oge, %add3A_53, %ge3A_55 : vector<16xf32>
    %mul3A_57 = arith.constant 2.000000e-01 : f32
    %mul3A_58 = vector.broadcast %mul3A_57 : f32 to vector<16xf32>
    %mul3A_59 = arith.mulf %add3A_53, %mul3A_58 : vector<16xf32>
    %select_n3A_60 = arith.select %ge3A_56, %add3A_53, %mul3A_59 : vector<16xi1>, vector<16xf32>
    %sub3A = arith.subf %select_n3A, %select_n3A_60 : vector<16xf32>
    %exp3A = math.exp %sub3A : vector<16xf32>
    %swap3A_61 = arith.constant 0 : index
    %swap3A_62 = tpu.vector_load %arg17[%swap3A_61] {strides = array<i32>} : memref<48xf32, #tpu.memory_space<vmem>>, vector<16xf32>,
    tpu.vector_store %arg17[%swap3A_61], %exp3A {strides = array<i32>} : memref<48xf32, #tpu.memory_space<vmem>>, vector<16xf32>,
    %get3A_63 = arith.constant 16 : index
    %get3A_64 = tpu.vector_load %arg11[%get3A_63] {strides = array<i32>} : memref<2000xi32, #tpu.memory_space<vmem>>, vector<16xi32>,
    %get3A_65 = arith.constant 16 : index
    %get3A_66 = tpu.vector_load %arg12[%get3A_65] {strides = array<i32>} : memref<2000xi32, #tpu.memory_space<vmem>>, vector<16xi32>,
    %swap3A_67 = arith.constant 16 : index
    %swap3A_68 = tpu.vector_load %arg13[%swap3A_67] {strides = array<i32>} : memref<48xi32, #tpu.memory_space<vmem>>, vector<16xi32>,
    tpu.vector_store %arg13[%swap3A_67], %get3A_66 {strides = array<i32>} : memref<48xi32, #tpu.memory_space<vmem>>, vector<16xi32>,
    %gather3A_69 = tpu.vector_load_idx %arg9[%get3A_64] : memref<10000xf32, #tpu.memory_space<vmem>>[vector<16xi32>], vector<16xf32>,
    %gather3A_70 = tpu.vector_load_idx %arg9[%get3A_66] : memref<10000xf32, #tpu.memory_space<vmem>>[vector<16xi32>], vector<16xf32>,
    %gather3A_71 = tpu.vector_load_idx %arg10[%get3A_66] : memref<10000xf32, #tpu.memory_space<vmem>>[vector<16xi32>], vector<16xf32>,
    %add3A_72 = arith.addf %gather3A_69, %gather3A_71 : vector<16xf32>
    %ge3A_73 = arith.constant 0.000000e+00 : f32
    %ge3A_74 = vector.broadcast %ge3A_73 : f32 to vector<16xf32>
    %ge3A_75 = arith.cmpf oge, %add3A_72, %ge3A_74 : vector<16xf32>
    %mul3A_76 = arith.constant 2.000000e-01 : f32
    %mul3A_77 = vector.broadcast %mul3A_76 : f32 to vector<16xf32>
    %mul3A_78 = arith.mulf %add3A_72, %mul3A_77 : vector<16xf32>
    %select_n3A_79 = arith.select %ge3A_75, %add3A_72, %mul3A_78 : vector<16xi1>, vector<16xf32>
    %add3A_80 = arith.addf %gather3A_70, %gather3A_71 : vector<16xf32>
    %ge3A_81 = arith.constant 0.000000e+00 : f32
    %ge3A_82 = vector.broadcast %ge3A_81 : f32 to vector<16xf32>
    %ge3A_83 = arith.cmpf oge, %add3A_80, %ge3A_82 : vector<16xf32>
    %mul3A_84 = arith.constant 2.000000e-01 : f32
    %mul3A_85 = vector.broadcast %mul3A_84 : f32 to vector<16xf32>
    %mul3A_86 = arith.mulf %add3A_80, %mul3A_85 : vector<16xf32>
    %select_n3A_87 = arith.select %ge3A_83, %add3A_80, %mul3A_86 : vector<16xi1>, vector<16xf32>
    %sub3A_88 = arith.subf %select_n3A_79, %select_n3A_87 : vector<16xf32>
    %exp3A_89 = math.exp %sub3A_88 : vector<16xf32>
    %swap3A_90 = arith.constant 16 : index
    %swap3A_91 = tpu.vector_load %arg17[%swap3A_90] {strides = array<i32>} : memref<48xf32, #tpu.memory_space<vmem>>, vector<16xf32>,
    tpu.vector_store %arg17[%swap3A_90], %exp3A_89 {strides = array<i32>} : memref<48xf32, #tpu.memory_space<vmem>>, vector<16xf32>,
    %get3A_92 = arith.constant 32 : index
    %get3A_93 = tpu.vector_load %arg11[%get3A_92] {strides = array<i32>} : memref<2000xi32, #tpu.memory_space<vmem>>, vector<16xi32>,
    %get3A_94 = arith.constant 32 : index
    %get3A_95 = tpu.vector_load %arg12[%get3A_94] {strides = array<i32>} : memref<2000xi32, #tpu.memory_space<vmem>>, vector<16xi32>,
    %swap3A_96 = arith.constant 32 : index
    %swap3A_97 = tpu.vector_load %arg13[%swap3A_96] {strides = array<i32>} : memref<48xi32, #tpu.memory_space<vmem>>, vector<16xi32>,
    tpu.vector_store %arg13[%swap3A_96], %get3A_95 {strides = array<i32>} : memref<48xi32, #tpu.memory_space<vmem>>, vector<16xi32>,
    %gather3A_98 = tpu.vector_load_idx %arg9[%get3A_93] : memref<10000xf32, #tpu.memory_space<vmem>>[vector<16xi32>], vector<16xf32>,
    %gather3A_99 = tpu.vector_load_idx %arg9[%get3A_95] : memref<10000xf32, #tpu.memory_space<vmem>>[vector<16xi32>], vector<16xf32>,
    %gather3A_100 = tpu.vector_load_idx %arg10[%get3A_95] : memref<10000xf32, #tpu.memory_space<vmem>>[vector<16xi32>], vector<16xf32>,
    %add3A_101 = arith.addf %gather3A_98, %gather3A_100 : vector<16xf32>
    %ge3A_102 = arith.constant 0.000000e+00 : f32
    %ge3A_103 = vector.broadcast %ge3A_102 : f32 to vector<16xf32>
    %ge3A_104 = arith.cmpf oge, %add3A_101, %ge3A_103 : vector<16xf32>
    %mul3A_105 = arith.constant 2.000000e-01 : f32
    %mul3A_106 = vector.broadcast %mul3A_105 : f32 to vector<16xf32>
    %mul3A_107 = arith.mulf %add3A_101, %mul3A_106 : vector<16xf32>
    %select_n3A_108 = arith.select %ge3A_104, %add3A_101, %mul3A_107 : vector<16xi1>, vector<16xf32>
    %add3A_109 = arith.addf %gather3A_99, %gather3A_100 : vector<16xf32>
    %ge3A_110 = arith.constant 0.000000e+00 : f32
    %ge3A_111 = vector.broadcast %ge3A_110 : f32 to vector<16xf32>
    %ge3A_112 = arith.cmpf oge, %add3A_109, %ge3A_111 : vector<16xf32>
    %mul3A_113 = arith.constant 2.000000e-01 : f32
    %mul3A_114 = vector.broadcast %mul3A_113 : f32 to vector<16xf32>
    %mul3A_115 = arith.mulf %add3A_109, %mul3A_114 : vector<16xf32>
    %select_n3A_116 = arith.select %ge3A_112, %add3A_109, %mul3A_115 : vector<16xi1>, vector<16xf32>
    %sub3A_117 = arith.subf %select_n3A_108, %select_n3A_116 : vector<16xf32>
    %exp3A_118 = math.exp %sub3A_117 : vector<16xf32>
    %swap3A_119 = arith.constant 32 : index
    %swap3A_120 = tpu.vector_load %arg17[%swap3A_119] {strides = array<i32>} : memref<48xf32, #tpu.memory_space<vmem>>, vector<16xf32>,
    tpu.vector_store %arg17[%swap3A_119], %exp3A_118 {strides = array<i32>} : memref<48xf32, #tpu.memory_space<vmem>>, vector<16xf32>,
    %get3A_121 = arith.constant 48 : index
    %get3A_122 = tpu.vector_load %arg11[%get3A_121] {strides = array<i32>} : memref<2000xi32, #tpu.memory_space<vmem>>, vector<16xi32>,
    %get3A_123 = arith.constant 48 : index
    %get3A_124 = tpu.vector_load %arg12[%get3A_123] {strides = array<i32>} : memref<2000xi32, #tpu.memory_space<vmem>>, vector<16xi32>,
    %swap3A_125 = arith.constant 0 : index
    %swap3A_126 = tpu.vector_load %arg14[%swap3A_125] {strides = array<i32>} : memref<32xi32, #tpu.memory_space<vmem>>, vector<16xi32>,
    tpu.vector_store %arg14[%swap3A_125], %get3A_124 {strides = array<i32>} : memref<32xi32, #tpu.memory_space<vmem>>, vector<16xi32>,
    %gather3A_127 = tpu.vector_load_idx %arg9[%get3A_122] : memref<10000xf32, #tpu.memory_space<vmem>>[vector<16xi32>], vector<16xf32>,
    %gather3A_128 = tpu.vector_load_idx %arg9[%get3A_124] : memref<10000xf32, #tpu.memory_space<vmem>>[vector<16xi32>], vector<16xf32>,
    %gather3A_129 = tpu.vector_load_idx %arg10[%get3A_124] : memref<10000xf32, #tpu.memory_space<vmem>>[vector<16xi32>], vector<16xf32>,
    %add3A_130 = arith.addf %gather3A_127, %gather3A_129 : vector<16xf32>
    %ge3A_131 = arith.constant 0.000000e+00 : f32
    %ge3A_132 = vector.broadcast %ge3A_131 : f32 to vector<16xf32>
    %ge3A_133 = arith.cmpf oge, %add3A_130, %ge3A_132 : vector<16xf32>
    %mul3A_134 = arith.constant 2.000000e-01 : f32
    %mul3A_135 = vector.broadcast %mul3A_134 : f32 to vector<16xf32>
    %mul3A_136 = arith.mulf %add3A_130, %mul3A_135 : vector<16xf32>
    %select_n3A_137 = arith.select %ge3A_133, %add3A_130, %mul3A_136 : vector<16xi1>, vector<16xf32>
    %add3A_138 = arith.addf %gather3A_128, %gather3A_129 : vector<16xf32>
    %ge3A_139 = arith.constant 0.000000e+00 : f32
    %ge3A_140 = vector.broadcast %ge3A_139 : f32 to vector<16xf32>
    %ge3A_141 = arith.cmpf oge, %add3A_138, %ge3A_140 : vector<16xf32>
    %mul3A_142 = arith.constant 2.000000e-01 : f32
    %mul3A_143 = vector.broadcast %mul3A_142 : f32 to vector<16xf32>
    %mul3A_144 = arith.mulf %add3A_138, %mul3A_143 : vector<16xf32>
    %select_n3A_145 = arith.select %ge3A_141, %add3A_138, %mul3A_144 : vector<16xi1>, vector<16xf32>
    %sub3A_146 = arith.subf %select_n3A_137, %select_n3A_145 : vector<16xf32>
    %exp3A_147 = math.exp %sub3A_146 : vector<16xf32>
    %swap3A_148 = arith.constant 0 : index
    %swap3A_149 = tpu.vector_load %arg18[%swap3A_148] {strides = array<i32>} : memref<32xf32, #tpu.memory_space<vmem>>, vector<16xf32>,
    tpu.vector_store %arg18[%swap3A_148], %exp3A_147 {strides = array<i32>} : memref<32xf32, #tpu.memory_space<vmem>>, vector<16xf32>,
    %get3A_150 = arith.constant 64 : index
    %get3A_151 = tpu.vector_load %arg11[%get3A_150] {strides = array<i32>} : memref<2000xi32, #tpu.memory_space<vmem>>, vector<16xi32>,
    %get3A_152 = arith.constant 64 : index
    %get3A_153 = tpu.vector_load %arg12[%get3A_152] {strides = array<i32>} : memref<2000xi32, #tpu.memory_space<vmem>>, vector<16xi32>,
    %swap3A_154 = arith.constant 16 : index
    %swap3A_155 = tpu.vector_load %arg14[%swap3A_154] {strides = array<i32>} : memref<32xi32, #tpu.memory_space<vmem>>, vector<16xi32>,
    tpu.vector_store %arg14[%swap3A_154], %get3A_153 {strides = array<i32>} : memref<32xi32, #tpu.memory_space<vmem>>, vector<16xi32>,
    %gather3A_156 = tpu.vector_load_idx %arg9[%get3A_151] : memref<10000xf32, #tpu.memory_space<vmem>>[vector<16xi32>], vector<16xf32>,
    %gather3A_157 = tpu.vector_load_idx %arg9[%get3A_153] : memref<10000xf32, #tpu.memory_space<vmem>>[vector<16xi32>], vector<16xf32>,
    %gather3A_158 = tpu.vector_load_idx %arg10[%get3A_153] : memref<10000xf32, #tpu.memory_space<vmem>>[vector<16xi32>], vector<16xf32>,
    %add3A_159 = arith.addf %gather3A_156, %gather3A_158 : vector<16xf32>
    %ge3A_160 = arith.constant 0.000000e+00 : f32
    %ge3A_161 = vector.broadcast %ge3A_160 : f32 to vector<16xf32>
    %ge3A_162 = arith.cmpf oge, %add3A_159, %ge3A_161 : vector<16xf32>
    %mul3A_163 = arith.constant 2.000000e-01 : f32
    %mul3A_164 = vector.broadcast %mul3A_163 : f32 to vector<16xf32>
    %mul3A_165 = arith.mulf %add3A_159, %mul3A_164 : vector<16xf32>
    %select_n3A_166 = arith.select %ge3A_162, %add3A_159, %mul3A_165 : vector<16xi1>, vector<16xf32>
    %add3A_167 = arith.addf %gather3A_157, %gather3A_158 : vector<16xf32>
    %ge3A_168 = arith.constant 0.000000e+00 : f32
    %ge3A_169 = vector.broadcast %ge3A_168 : f32 to vector<16xf32>
    %ge3A_170 = arith.cmpf oge, %add3A_167, %ge3A_169 : vector<16xf32>
    %mul3A_171 = arith.constant 2.000000e-01 : f32
    %mul3A_172 = vector.broadcast %mul3A_171 : f32 to vector<16xf32>
    %mul3A_173 = arith.mulf %add3A_167, %mul3A_172 : vector<16xf32>
    %select_n3A_174 = arith.select %ge3A_170, %add3A_167, %mul3A_173 : vector<16xi1>, vector<16xf32>
    %sub3A_175 = arith.subf %select_n3A_166, %select_n3A_174 : vector<16xf32>
    %exp3A_176 = math.exp %sub3A_175 : vector<16xf32>
    %swap3A_177 = arith.constant 16 : index
    %swap3A_178 = tpu.vector_load %arg18[%swap3A_177] {strides = array<i32>} : memref<32xf32, #tpu.memory_space<vmem>>, vector<16xf32>,
    tpu.vector_store %arg18[%swap3A_177], %exp3A_176 {strides = array<i32>} : memref<32xf32, #tpu.memory_space<vmem>>, vector<16xf32>,
    %dma_start3A = arith.constant 0 : i32
    %dma_start3A_179 = tpu.memref_slice %arg11[%dma_start3A] : memref<2000xi32, #tpu.memory_space<vmem>> -> memref<80xi32, #tpu.memory_space<vmem>>
    %dma_start3A_180 = arith.constant 0 : i32
    %dma_start3A_181 = arith.constant 0 : i32
    %dma_start3A_182 = tpu.memref_slice %arg2[%dma_start3A_180, %dma_start3A_181] : memref<10000x128xf32, #tpu.memory_space<hbm>> -> memref<10000x128xf32, #tpu.memory_space<hbm>>
    tpu.enqueue_indirect_dma source(%dma_start3A_182 : memref<10000x128xf32, #tpu.memory_space<hbm>>) target(%arg21 : memref<80x128xf32, #tpu.memory_space<vmem>>) offsets(%dma_start3A_179 : memref<80xi32, #tpu.memory_space<vmem>>) semaphore(%arg26 : memref<!tpu.dma_semaphore, #tpu.memory_space<semaphore_mem>>)
    %multiple_of3A_183 = arith.constant 80 : i32
    %multiple_of3A_184 = tpu.assume_multiple %multiple_of3A_183, 8 : i32
    %dma_start3A_185 = tpu.memref_slice %arg11[%multiple_of3A_184] : memref<2000xi32, #tpu.memory_space<vmem>> -> memref<80xi32, #tpu.memory_space<vmem>>
    %dma_start3A_186 = arith.constant 0 : i32
    %dma_start3A_187 = arith.constant 0 : i32
    %dma_start3A_188 = tpu.memref_slice %arg2[%dma_start3A_186, %dma_start3A_187] : memref<10000x128xf32, #tpu.memory_space<hbm>> -> memref<10000x128xf32, #tpu.memory_space<hbm>>
    tpu.enqueue_indirect_dma source(%dma_start3A_188 : memref<10000x128xf32, #tpu.memory_space<hbm>>) target(%arg22 : memref<80x128xf32, #tpu.memory_space<vmem>>) offsets(%dma_start3A_185 : memref<80xi32, #tpu.memory_space<vmem>>) semaphore(%arg27 : memref<!tpu.dma_semaphore, #tpu.memory_space<semaphore_mem>>)
    %multiple_of3A_189 = arith.constant 0 : i32
    %multiple_of3A_190 = tpu.assume_multiple %multiple_of3A_189, 8 : i32
    %dma_wait3A = tpu.memref_slice %arg11[%multiple_of3A_190] : memref<2000xi32, #tpu.memory_space<vmem>> -> memref<80xi32, #tpu.memory_space<vmem>>
    %dma_wait3A_191 = arith.constant 0 : i32
    %dma_wait3A_192 = arith.constant 0 : i32
    %dma_wait3A_193 = tpu.memref_slice %arg2[%dma_wait3A_191, %dma_wait3A_192] : memref<10000x128xf32, #tpu.memory_space<hbm>> -> memref<10000x128xf32, #tpu.memory_space<hbm>>
    tpu.wait_indirect_dma semaphore(%arg26 : memref<!tpu.dma_semaphore, #tpu.memory_space<semaphore_mem>>) src(%dma_wait3A_193 : memref<10000x128xf32, #tpu.memory_space<hbm>>) dst(%arg21 : memref<80x128xf32, #tpu.memory_space<vmem>>)
    %parallel_loop3A = arith.constant 0 : i32
    %parallel_loop3A_194 = arith.constant 48 : i32
    %parallel_loop3A_195 = arith.constant 1 : i32
    scf.for %parallel_loop3A_660 = %parallel_loop3A to %parallel_loop3A_194 step %parallel_loop3A_195  : i32 {
      %parallel_loop3A_661 = arith.constant 0 : i32
      %parallel_loop3A_662 = arith.subi %parallel_loop3A_660, %parallel_loop3A_661 : i32
      %parallel_loop3A_663 = vector.broadcast %parallel_loop3A_662 : i32 to vector<16xi32>
      %parallel_loop3A_664 = tpu.vector_load_idx %arg17[%parallel_loop3A_663] : memref<48xf32, #tpu.memory_space<vmem>>[vector<16xi32>], vector<16xf32>,
      %parallel_loop3A_665 = arith.index_cast %parallel_loop3A_660 : i32 to index
      %parallel_loop3A_666 = arith.constant 0 : index
      %parallel_loop3A_667 = tpu.vector_load %arg21[%parallel_loop3A_665, %parallel_loop3A_666] {strides = array<i32>} : memref<80x128xf32, #tpu.memory_space<vmem>>, vector<16xf32>,
      %parallel_loop3A_668 = arith.mulf %parallel_loop3A_667, %parallel_loop3A_664 : vector<16xf32>
      %parallel_loop3A_669 = arith.index_cast %parallel_loop3A_660 : i32 to index
      %parallel_loop3A_670 = arith.constant 0 : index
      %parallel_loop3A_671 = tpu.vector_load %arg21[%parallel_loop3A_669, %parallel_loop3A_670] {strides = array<i32>} : memref<80x128xf32, #tpu.memory_space<vmem>>, vector<16xf32>,
      tpu.vector_store %arg21[%parallel_loop3A_669, %parallel_loop3A_670], %parallel_loop3A_668 {strides = array<i32>} : memref<80x128xf32, #tpu.memory_space<vmem>>, vector<16xf32>,
      %parallel_loop3A_672 = arith.index_cast %parallel_loop3A_660 : i32 to index
      %parallel_loop3A_673 = arith.constant 16 : index
      %parallel_loop3A_674 = tpu.vector_load %arg21[%parallel_loop3A_672, %parallel_loop3A_673] {strides = array<i32>} : memref<80x128xf32, #tpu.memory_space<vmem>>, vector<16xf32>,
      %parallel_loop3A_675 = arith.mulf %parallel_loop3A_674, %parallel_loop3A_664 : vector<16xf32>
      %parallel_loop3A_676 = arith.index_cast %parallel_loop3A_660 : i32 to index
      %parallel_loop3A_677 = arith.constant 16 : index
      %parallel_loop3A_678 = tpu.vector_load %arg21[%parallel_loop3A_676, %parallel_loop3A_677] {strides = array<i32>} : memref<80x128xf32, #tpu.memory_space<vmem>>, vector<16xf32>,
      tpu.vector_store %arg21[%parallel_loop3A_676, %parallel_loop3A_677], %parallel_loop3A_675 {strides = array<i32>} : memref<80x128xf32, #tpu.memory_space<vmem>>, vector<16xf32>,
      %parallel_loop3A_679 = arith.index_cast %parallel_loop3A_660 : i32 to index
      %parallel_loop3A_680 = arith.constant 32 : index
      %parallel_loop3A_681 = tpu.vector_load %arg21[%parallel_loop3A_679, %parallel_loop3A_680] {strides = array<i32>} : memref<80x128xf32, #tpu.memory_space<vmem>>, vector<16xf32>,
      %parallel_loop3A_682 = arith.mulf %parallel_loop3A_681, %parallel_loop3A_664 : vector<16xf32>
      %parallel_loop3A_683 = arith.index_cast %parallel_loop3A_660 : i32 to index
      %parallel_loop3A_684 = arith.constant 32 : index
      %parallel_loop3A_685 = tpu.vector_load %arg21[%parallel_loop3A_683, %parallel_loop3A_684] {strides = array<i32>} : memref<80x128xf32, #tpu.memory_space<vmem>>, vector<16xf32>,
      tpu.vector_store %arg21[%parallel_loop3A_683, %parallel_loop3A_684], %parallel_loop3A_682 {strides = array<i32>} : memref<80x128xf32, #tpu.memory_space<vmem>>, vector<16xf32>,
      %parallel_loop3A_686 = arith.index_cast %parallel_loop3A_660 : i32 to index
      %parallel_loop3A_687 = arith.constant 48 : index
      %parallel_loop3A_688 = tpu.vector_load %arg21[%parallel_loop3A_686, %parallel_loop3A_687] {strides = array<i32>} : memref<80x128xf32, #tpu.memory_space<vmem>>, vector<16xf32>,
      %parallel_loop3A_689 = arith.mulf %parallel_loop3A_688, %parallel_loop3A_664 : vector<16xf32>
      %parallel_loop3A_690 = arith.index_cast %parallel_loop3A_660 : i32 to index
      %parallel_loop3A_691 = arith.constant 48 : index
      %parallel_loop3A_692 = tpu.vector_load %arg21[%parallel_loop3A_690, %parallel_loop3A_691] {strides = array<i32>} : memref<80x128xf32, #tpu.memory_space<vmem>>, vector<16xf32>,
      tpu.vector_store %arg21[%parallel_loop3A_690, %parallel_loop3A_691], %parallel_loop3A_689 {strides = array<i32>} : memref<80x128xf32, #tpu.memory_space<vmem>>, vector<16xf32>,
      %parallel_loop3A_693 = arith.index_cast %parallel_loop3A_660 : i32 to index
      %parallel_loop3A_694 = arith.constant 64 : index
      %parallel_loop3A_695 = tpu.vector_load %arg21[%parallel_loop3A_693, %parallel_loop3A_694] {strides = array<i32>} : memref<80x128xf32, #tpu.memory_space<vmem>>, vector<16xf32>,
      %parallel_loop3A_696 = arith.mulf %parallel_loop3A_695, %parallel_loop3A_664 : vector<16xf32>
      %parallel_loop3A_697 = arith.index_cast %parallel_loop3A_660 : i32 to index
      %parallel_loop3A_698 = arith.constant 64 : index
      %parallel_loop3A_699 = tpu.vector_load %arg21[%parallel_loop3A_697, %parallel_loop3A_698] {strides = array<i32>} : memref<80x128xf32, #tpu.memory_space<vmem>>, vector<16xf32>,
      tpu.vector_store %arg21[%parallel_loop3A_697, %parallel_loop3A_698], %parallel_loop3A_696 {strides = array<i32>} : memref<80x128xf32, #tpu.memory_space<vmem>>, vector<16xf32>,
      %parallel_loop3A_700 = arith.index_cast %parallel_loop3A_660 : i32 to index
      %parallel_loop3A_701 = arith.constant 80 : index
      %parallel_loop3A_702 = tpu.vector_load %arg21[%parallel_loop3A_700, %parallel_loop3A_701] {strides = array<i32>} : memref<80x128xf32, #tpu.memory_space<vmem>>, vector<16xf32>,
      %parallel_loop3A_703 = arith.mulf %parallel_loop3A_702, %parallel_loop3A_664 : vector<16xf32>
      %parallel_loop3A_704 = arith.index_cast %parallel_loop3A_660 : i32 to index
      %parallel_loop3A_705 = arith.constant 80 : index
      %parallel_loop3A_706 = tpu.vector_load %arg21[%parallel_loop3A_704, %parallel_loop3A_705] {strides = array<i32>} : memref<80x128xf32, #tpu.memory_space<vmem>>, vector<16xf32>,
      tpu.vector_store %arg21[%parallel_loop3A_704, %parallel_loop3A_705], %parallel_loop3A_703 {strides = array<i32>} : memref<80x128xf32, #tpu.memory_space<vmem>>, vector<16xf32>,
      %parallel_loop3A_707 = arith.index_cast %parallel_loop3A_660 : i32 to index
      %parallel_loop3A_708 = arith.constant 96 : index
      %parallel_loop3A_709 = tpu.vector_load %arg21[%parallel_loop3A_707, %parallel_loop3A_708] {strides = array<i32>} : memref<80x128xf32, #tpu.memory_space<vmem>>, vector<16xf32>,
      %parallel_loop3A_710 = arith.mulf %parallel_loop3A_709, %parallel_loop3A_664 : vector<16xf32>
      %parallel_loop3A_711 = arith.index_cast %parallel_loop3A_660 : i32 to index
      %parallel_loop3A_712 = arith.constant 96 : index
      %parallel_loop3A_713 = tpu.vector_load %arg21[%parallel_loop3A_711, %parallel_loop3A_712] {strides = array<i32>} : memref<80x128xf32, #tpu.memory_space<vmem>>, vector<16xf32>,
      tpu.vector_store %arg21[%parallel_loop3A_711, %parallel_loop3A_712], %parallel_loop3A_710 {strides = array<i32>} : memref<80x128xf32, #tpu.memory_space<vmem>>, vector<16xf32>,
      %parallel_loop3A_714 = arith.index_cast %parallel_loop3A_660 : i32 to index
      %parallel_loop3A_715 = arith.constant 112 : index
      %parallel_loop3A_716 = tpu.vector_load %arg21[%parallel_loop3A_714, %parallel_loop3A_715] {strides = array<i32>} : memref<80x128xf32, #tpu.memory_space<vmem>>, vector<16xf32>,
      %parallel_loop3A_717 = arith.mulf %parallel_loop3A_716, %parallel_loop3A_664 : vector<16xf32>
      %parallel_loop3A_718 = arith.index_cast %parallel_loop3A_660 : i32 to index
      %parallel_loop3A_719 = arith.constant 112 : index
      %parallel_loop3A_720 = tpu.vector_load %arg21[%parallel_loop3A_718, %parallel_loop3A_719] {strides = array<i32>} : memref<80x128xf32, #tpu.memory_space<vmem>>, vector<16xf32>,
      tpu.vector_store %arg21[%parallel_loop3A_718, %parallel_loop3A_719], %parallel_loop3A_717 {strides = array<i32>} : memref<80x128xf32, #tpu.memory_space<vmem>>, vector<16xf32>,
    } {sc.loop_unroll_factor = 4 : i64, sc.parallel_access}
    %dma_start3A_196 = arith.constant 0 : i32
    %dma_start3A_197 = arith.constant 0 : i32
    %dma_start3A_198 = tpu.memref_slice %arg21[%dma_start3A_196, %dma_start3A_197] : memref<80x128xf32, #tpu.memory_space<vmem>> -> memref<48x128xf32, #tpu.memory_space<vmem>>
    %dma_start3A_199 = arith.constant 0 : i32
    %dma_start3A_200 = arith.constant 0 : i32
    %dma_start3A_201 = tpu.memref_slice %arg24[%dma_start3A_199, %dma_start3A_200] : memref<10000x128xf32, #tpu.memory_space<vmem_shared>> -> memref<10000x128xf32, #tpu.memory_space<vmem_shared>>
    tpu.enqueue_indirect_dma source(%dma_start3A_198 : memref<48x128xf32, #tpu.memory_space<vmem>>) target(%dma_start3A_201 : memref<10000x128xf32, #tpu.memory_space<vmem_shared>>) offsets(%arg13 : memref<48xi32, #tpu.memory_space<vmem>>) semaphore(%arg28 : memref<!tpu.dma_semaphore, #tpu.memory_space<semaphore_mem>>) {add = true}
    %parallel_loop3A_202 = arith.constant 48 : i32
    %parallel_loop3A_203 = arith.constant 80 : i32
    %parallel_loop3A_204 = arith.constant 1 : i32
    scf.for %parallel_loop3A_660 = %parallel_loop3A_202 to %parallel_loop3A_203 step %parallel_loop3A_204  : i32 {
      %parallel_loop3A_661 = arith.constant 48 : i32
      %parallel_loop3A_662 = arith.subi %parallel_loop3A_660, %parallel_loop3A_661 : i32
      %parallel_loop3A_663 = vector.broadcast %parallel_loop3A_662 : i32 to vector<16xi32>
      %parallel_loop3A_664 = tpu.vector_load_idx %arg18[%parallel_loop3A_663] : memref<32xf32, #tpu.memory_space<vmem>>[vector<16xi32>], vector<16xf32>,
      %parallel_loop3A_665 = arith.index_cast %parallel_loop3A_660 : i32 to index
      %parallel_loop3A_666 = arith.constant 0 : index
      %parallel_loop3A_667 = tpu.vector_load %arg21[%parallel_loop3A_665, %parallel_loop3A_666] {strides = array<i32>} : memref<80x128xf32, #tpu.memory_space<vmem>>, vector<16xf32>,
      %parallel_loop3A_668 = arith.mulf %parallel_loop3A_667, %parallel_loop3A_664 : vector<16xf32>
      %parallel_loop3A_669 = arith.index_cast %parallel_loop3A_660 : i32 to index
      %parallel_loop3A_670 = arith.constant 0 : index
      %parallel_loop3A_671 = tpu.vector_load %arg21[%parallel_loop3A_669, %parallel_loop3A_670] {strides = array<i32>} : memref<80x128xf32, #tpu.memory_space<vmem>>, vector<16xf32>,
      tpu.vector_store %arg21[%parallel_loop3A_669, %parallel_loop3A_670], %parallel_loop3A_668 {strides = array<i32>} : memref<80x128xf32, #tpu.memory_space<vmem>>, vector<16xf32>,
      %parallel_loop3A_672 = arith.index_cast %parallel_loop3A_660 : i32 to index
      %parallel_loop3A_673 = arith.constant 16 : index
      %parallel_loop3A_674 = tpu.vector_load %arg21[%parallel_loop3A_672, %parallel_loop3A_673] {strides = array<i32>} : memref<80x128xf32, #tpu.memory_space<vmem>>, vector<16xf32>,
      %parallel_loop3A_675 = arith.mulf %parallel_loop3A_674, %parallel_loop3A_664 : vector<16xf32>
      %parallel_loop3A_676 = arith.index_cast %parallel_loop3A_660 : i32 to index
      %parallel_loop3A_677 = arith.constant 16 : index
      %parallel_loop3A_678 = tpu.vector_load %arg21[%parallel_loop3A_676, %parallel_loop3A_677] {strides = array<i32>} : memref<80x128xf32, #tpu.memory_space<vmem>>, vector<16xf32>,
      tpu.vector_store %arg21[%parallel_loop3A_676, %parallel_loop3A_677], %parallel_loop3A_675 {strides = array<i32>} : memref<80x128xf32, #tpu.memory_space<vmem>>, vector<16xf32>,
      %parallel_loop3A_679 = arith.index_cast %parallel_loop3A_660 : i32 to index
      %parallel_loop3A_680 = arith.constant 32 : index
      %parallel_loop3A_681 = tpu.vector_load %arg21[%parallel_loop3A_679, %parallel_loop3A_680] {strides = array<i32>} : memref<80x128xf32, #tpu.memory_space<vmem>>, vector<16xf32>,
      %parallel_loop3A_682 = arith.mulf %parallel_loop3A_681, %parallel_loop3A_664 : vector<16xf32>
      %parallel_loop3A_683 = arith.index_cast %parallel_loop3A_660 : i32 to index
      %parallel_loop3A_684 = arith.constant 32 : index
      %parallel_loop3A_685 = tpu.vector_load %arg21[%parallel_loop3A_683, %parallel_loop3A_684] {strides = array<i32>} : memref<80x128xf32, #tpu.memory_space<vmem>>, vector<16xf32>,
      tpu.vector_store %arg21[%parallel_loop3A_683, %parallel_loop3A_684], %parallel_loop3A_682 {strides = array<i32>} : memref<80x128xf32, #tpu.memory_space<vmem>>, vector<16xf32>,
      %parallel_loop3A_686 = arith.index_cast %parallel_loop3A_660 : i32 to index
      %parallel_loop3A_687 = arith.constant 48 : index
      %parallel_loop3A_688 = tpu.vector_load %arg21[%parallel_loop3A_686, %parallel_loop3A_687] {strides = array<i32>} : memref<80x128xf32, #tpu.memory_space<vmem>>, vector<16xf32>,
      %parallel_loop3A_689 = arith.mulf %parallel_loop3A_688, %parallel_loop3A_664 : vector<16xf32>
      %parallel_loop3A_690 = arith.index_cast %parallel_loop3A_660 : i32 to index
      %parallel_loop3A_691 = arith.constant 48 : index
      %parallel_loop3A_692 = tpu.vector_load %arg21[%parallel_loop3A_690, %parallel_loop3A_691] {strides = array<i32>} : memref<80x128xf32, #tpu.memory_space<vmem>>, vector<16xf32>,
      tpu.vector_store %arg21[%parallel_loop3A_690, %parallel_loop3A_691], %parallel_loop3A_689 {strides = array<i32>} : memref<80x128xf32, #tpu.memory_space<vmem>>, vector<16xf32>,
      %parallel_loop3A_693 = arith.index_cast %parallel_loop3A_660 : i32 to index
      %parallel_loop3A_694 = arith.constant 64 : index
      %parallel_loop3A_695 = tpu.vector_load %arg21[%parallel_loop3A_693, %parallel_loop3A_694] {strides = array<i32>} : memref<80x128xf32, #tpu.memory_space<vmem>>, vector<16xf32>,
      %parallel_loop3A_696 = arith.mulf %parallel_loop3A_695, %parallel_loop3A_664 : vector<16xf32>
      %parallel_loop3A_697 = arith.index_cast %parallel_loop3A_660 : i32 to index
      %parallel_loop3A_698 = arith.constant 64 : index
      %parallel_loop3A_699 = tpu.vector_load %arg21[%parallel_loop3A_697, %parallel_loop3A_698] {strides = array<i32>} : memref<80x128xf32, #tpu.memory_space<vmem>>, vector<16xf32>,
      tpu.vector_store %arg21[%parallel_loop3A_697, %parallel_loop3A_698], %parallel_loop3A_696 {strides = array<i32>} : memref<80x128xf32, #tpu.memory_space<vmem>>, vector<16xf32>,
      %parallel_loop3A_700 = arith.index_cast %parallel_loop3A_660 : i32 to index
      %parallel_loop3A_701 = arith.constant 80 : index
      %parallel_loop3A_702 = tpu.vector_load %arg21[%parallel_loop3A_700, %parallel_loop3A_701] {strides = array<i32>} : memref<80x128xf32, #tpu.memory_space<vmem>>, vector<16xf32>,
      %parallel_loop3A_703 = arith.mulf %parallel_loop3A_702, %parallel_loop3A_664 : vector<16xf32>
      %parallel_loop3A_704 = arith.index_cast %parallel_loop3A_660 : i32 to index
      %parallel_loop3A_705 = arith.constant 80 : index
      %parallel_loop3A_706 = tpu.vector_load %arg21[%parallel_loop3A_704, %parallel_loop3A_705] {strides = array<i32>} : memref<80x128xf32, #tpu.memory_space<vmem>>, vector<16xf32>,
      tpu.vector_store %arg21[%parallel_loop3A_704, %parallel_loop3A_705], %parallel_loop3A_703 {strides = array<i32>} : memref<80x128xf32, #tpu.memory_space<vmem>>, vector<16xf32>,
      %parallel_loop3A_707 = arith.index_cast %parallel_loop3A_660 : i32 to index
      %parallel_loop3A_708 = arith.constant 96 : index
      %parallel_loop3A_709 = tpu.vector_load %arg21[%parallel_loop3A_707, %parallel_loop3A_708] {strides = array<i32>} : memref<80x128xf32, #tpu.memory_space<vmem>>, vector<16xf32>,
      %parallel_loop3A_710 = arith.mulf %parallel_loop3A_709, %parallel_loop3A_664 : vector<16xf32>
      %parallel_loop3A_711 = arith.index_cast %parallel_loop3A_660 : i32 to index
      %parallel_loop3A_712 = arith.constant 96 : index
      %parallel_loop3A_713 = tpu.vector_load %arg21[%parallel_loop3A_711, %parallel_loop3A_712] {strides = array<i32>} : memref<80x128xf32, #tpu.memory_space<vmem>>, vector<16xf32>,
      tpu.vector_store %arg21[%parallel_loop3A_711, %parallel_loop3A_712], %parallel_loop3A_710 {strides = array<i32>} : memref<80x128xf32, #tpu.memory_space<vmem>>, vector<16xf32>,
      %parallel_loop3A_714 = arith.index_cast %parallel_loop3A_660 : i32 to index
      %parallel_loop3A_715 = arith.constant 112 : index
      %parallel_loop3A_716 = tpu.vector_load %arg21[%parallel_loop3A_714, %parallel_loop3A_715] {strides = array<i32>} : memref<80x128xf32, #tpu.memory_space<vmem>>, vector<16xf32>,
      %parallel_loop3A_717 = arith.mulf %parallel_loop3A_716, %parallel_loop3A_664 : vector<16xf32>
      %parallel_loop3A_718 = arith.index_cast %parallel_loop3A_660 : i32 to index
      %parallel_loop3A_719 = arith.constant 112 : index
      %parallel_loop3A_720 = tpu.vector_load %arg21[%parallel_loop3A_718, %parallel_loop3A_719] {strides = array<i32>} : memref<80x128xf32, #tpu.memory_space<vmem>>, vector<16xf32>,
      tpu.vector_store %arg21[%parallel_loop3A_718, %parallel_loop3A_719], %parallel_loop3A_717 {strides = array<i32>} : memref<80x128xf32, #tpu.memory_space<vmem>>, vector<16xf32>,
    } {sc.loop_unroll_factor = 4 : i64, sc.parallel_access}
    %dma_start3A_205 = arith.constant 48 : i32
    %dma_start3A_206 = arith.constant 0 : i32
    %dma_start3A_207 = tpu.memref_slice %arg21[%dma_start3A_205, %dma_start3A_206] : memref<80x128xf32, #tpu.memory_space<vmem>> -> memref<32x128xf32, #tpu.memory_space<vmem>>
    %dma_start3A_208 = arith.constant 0 : i32
    %dma_start3A_209 = arith.constant 0 : i32
    %dma_start3A_210 = tpu.memref_slice %arg24[%dma_start3A_208, %dma_start3A_209] : memref<10000x128xf32, #tpu.memory_space<vmem_shared>> -> memref<10000x128xf32, #tpu.memory_space<vmem_shared>>
    tpu.enqueue_indirect_dma source(%dma_start3A_207 : memref<32x128xf32, #tpu.memory_space<vmem>>) target(%dma_start3A_210 : memref<10000x128xf32, #tpu.memory_space<vmem_shared>>) offsets(%arg14 : memref<32xi32, #tpu.memory_space<vmem>>) semaphore(%arg28 : memref<!tpu.dma_semaphore, #tpu.memory_space<semaphore_mem>>) {add = true}
    %dma_start3A_211 = arith.constant 0 : i32
    %dma_start3A_212 = tpu.memref_slice %arg25[%dma_start3A_211] : memref<10000xf32, #tpu.memory_space<vmem_shared>> -> memref<10000xf32, #tpu.memory_space<vmem_shared>>
    tpu.enqueue_indirect_dma source(%arg17 : memref<48xf32, #tpu.memory_space<vmem>>) target(%dma_start3A_212 : memref<10000xf32, #tpu.memory_space<vmem_shared>>) offsets(%arg13 : memref<48xi32, #tpu.memory_space<vmem>>) semaphore(%arg28 : memref<!tpu.dma_semaphore, #tpu.memory_space<semaphore_mem>>) {add = true}
    %dma_start3A_213 = arith.constant 0 : i32
    %dma_start3A_214 = tpu.memref_slice %arg25[%dma_start3A_213] : memref<10000xf32, #tpu.memory_space<vmem_shared>> -> memref<10000xf32, #tpu.memory_space<vmem_shared>>
    tpu.enqueue_indirect_dma source(%arg18 : memref<32xf32, #tpu.memory_space<vmem>>) target(%dma_start3A_214 : memref<10000xf32, #tpu.memory_space<vmem_shared>>) offsets(%arg14 : memref<32xi32, #tpu.memory_space<vmem>>) semaphore(%arg28 : memref<!tpu.dma_semaphore, #tpu.memory_space<semaphore_mem>>) {add = true}
    %get3A_215 = arith.constant 80 : index
    %get3A_216 = tpu.vector_load %arg11[%get3A_215] {strides = array<i32>} : memref<2000xi32, #tpu.memory_space<vmem>>, vector<16xi32>,
    %get3A_217 = arith.constant 80 : index
    %get3A_218 = tpu.vector_load %arg12[%get3A_217] {strides = array<i32>} : memref<2000xi32, #tpu.memory_space<vmem>>, vector<16xi32>,
    %swap3A_219 = arith.constant 0 : index
    %swap3A_220 = tpu.vector_load %arg15[%swap3A_219] {strides = array<i32>} : memref<48xi32, #tpu.memory_space<vmem>>, vector<16xi32>,
    tpu.vector_store %arg15[%swap3A_219], %get3A_218 {strides = array<i32>} : memref<48xi32, #tpu.memory_space<vmem>>, vector<16xi32>,
    %gather3A_221 = tpu.vector_load_idx %arg9[%get3A_216] : memref<10000xf32, #tpu.memory_space<vmem>>[vector<16xi32>], vector<16xf32>,
    %gather3A_222 = tpu.vector_load_idx %arg9[%get3A_218] : memref<10000xf32, #tpu.memory_space<vmem>>[vector<16xi32>], vector<16xf32>,
    %gather3A_223 = tpu.vector_load_idx %arg10[%get3A_218] : memref<10000xf32, #tpu.memory_space<vmem>>[vector<16xi32>], vector<16xf32>,
    %add3A_224 = arith.addf %gather3A_221, %gather3A_223 : vector<16xf32>
    %ge3A_225 = arith.constant 0.000000e+00 : f32
    %ge3A_226 = vector.broadcast %ge3A_225 : f32 to vector<16xf32>
    %ge3A_227 = arith.cmpf oge, %add3A_224, %ge3A_226 : vector<16xf32>
    %mul3A_228 = arith.constant 2.000000e-01 : f32
    %mul3A_229 = vector.broadcast %mul3A_228 : f32 to vector<16xf32>
    %mul3A_230 = arith.mulf %add3A_224, %mul3A_229 : vector<16xf32>
    %select_n3A_231 = arith.select %ge3A_227, %add3A_224, %mul3A_230 : vector<16xi1>, vector<16xf32>
    %add3A_232 = arith.addf %gather3A_222, %gather3A_223 : vector<16xf32>
    %ge3A_233 = arith.constant 0.000000e+00 : f32
    %ge3A_234 = vector.broadcast %ge3A_233 : f32 to vector<16xf32>
    %ge3A_235 = arith.cmpf oge, %add3A_232, %ge3A_234 : vector<16xf32>
    %mul3A_236 = arith.constant 2.000000e-01 : f32
    %mul3A_237 = vector.broadcast %mul3A_236 : f32 to vector<16xf32>
    %mul3A_238 = arith.mulf %add3A_232, %mul3A_237 : vector<16xf32>
    %select_n3A_239 = arith.select %ge3A_235, %add3A_232, %mul3A_238 : vector<16xi1>, vector<16xf32>
    %sub3A_240 = arith.subf %select_n3A_231, %select_n3A_239 : vector<16xf32>
    %exp3A_241 = math.exp %sub3A_240 : vector<16xf32>
    %swap3A_242 = arith.constant 0 : index
    %swap3A_243 = tpu.vector_load %arg19[%swap3A_242] {strides = array<i32>} : memref<48xf32, #tpu.memory_space<vmem>>, vector<16xf32>,
    tpu.vector_store %arg19[%swap3A_242], %exp3A_241 {strides = array<i32>} : memref<48xf32, #tpu.memory_space<vmem>>, vector<16xf32>,
    %get3A_244 = arith.constant 96 : index
    %get3A_245 = tpu.vector_load %arg11[%get3A_244] {strides = array<i32>} : memref<2000xi32, #tpu.memory_space<vmem>>, vector<16xi32>,
    %get3A_246 = arith.constant 96 : index
    %get3A_247 = tpu.vector_load %arg12[%get3A_246] {strides = array<i32>} : memref<2000xi32, #tpu.memory_space<vmem>>, vector<16xi32>,
    %swap3A_248 = arith.constant 16 : index
    %swap3A_249 = tpu.vector_load %arg15[%swap3A_248] {strides = array<i32>} : memref<48xi32, #tpu.memory_space<vmem>>, vector<16xi32>,
    tpu.vector_store %arg15[%swap3A_248], %get3A_247 {strides = array<i32>} : memref<48xi32, #tpu.memory_space<vmem>>, vector<16xi32>,
    %gather3A_250 = tpu.vector_load_idx %arg9[%get3A_245] : memref<10000xf32, #tpu.memory_space<vmem>>[vector<16xi32>], vector<16xf32>,
    %gather3A_251 = tpu.vector_load_idx %arg9[%get3A_247] : memref<10000xf32, #tpu.memory_space<vmem>>[vector<16xi32>], vector<16xf32>,
    %gather3A_252 = tpu.vector_load_idx %arg10[%get3A_247] : memref<10000xf32, #tpu.memory_space<vmem>>[vector<16xi32>], vector<16xf32>,
    %add3A_253 = arith.addf %gather3A_250, %gather3A_252 : vector<16xf32>
    %ge3A_254 = arith.constant 0.000000e+00 : f32
    %ge3A_255 = vector.broadcast %ge3A_254 : f32 to vector<16xf32>
    %ge3A_256 = arith.cmpf oge, %add3A_253, %ge3A_255 : vector<16xf32>
    %mul3A_257 = arith.constant 2.000000e-01 : f32
    %mul3A_258 = vector.broadcast %mul3A_257 : f32 to vector<16xf32>
    %mul3A_259 = arith.mulf %add3A_253, %mul3A_258 : vector<16xf32>
    %select_n3A_260 = arith.select %ge3A_256, %add3A_253, %mul3A_259 : vector<16xi1>, vector<16xf32>
    %add3A_261 = arith.addf %gather3A_251, %gather3A_252 : vector<16xf32>
    %ge3A_262 = arith.constant 0.000000e+00 : f32
    %ge3A_263 = vector.broadcast %ge3A_262 : f32 to vector<16xf32>
    %ge3A_264 = arith.cmpf oge, %add3A_261, %ge3A_263 : vector<16xf32>
    %mul3A_265 = arith.constant 2.000000e-01 : f32
    %mul3A_266 = vector.broadcast %mul3A_265 : f32 to vector<16xf32>
    %mul3A_267 = arith.mulf %add3A_261, %mul3A_266 : vector<16xf32>
    %select_n3A_268 = arith.select %ge3A_264, %add3A_261, %mul3A_267 : vector<16xi1>, vector<16xf32>
    %sub3A_269 = arith.subf %select_n3A_260, %select_n3A_268 : vector<16xf32>
    %exp3A_270 = math.exp %sub3A_269 : vector<16xf32>
    %swap3A_271 = arith.constant 16 : index
    %swap3A_272 = tpu.vector_load %arg19[%swap3A_271] {strides = array<i32>} : memref<48xf32, #tpu.memory_space<vmem>>, vector<16xf32>,
    tpu.vector_store %arg19[%swap3A_271], %exp3A_270 {strides = array<i32>} : memref<48xf32, #tpu.memory_space<vmem>>, vector<16xf32>,
    %get3A_273 = arith.constant 112 : index
    %get3A_274 = tpu.vector_load %arg11[%get3A_273] {strides = array<i32>} : memref<2000xi32, #tpu.memory_space<vmem>>, vector<16xi32>,
    %get3A_275 = arith.constant 112 : index
    %get3A_276 = tpu.vector_load %arg12[%get3A_275] {strides = array<i32>} : memref<2000xi32, #tpu.memory_space<vmem>>, vector<16xi32>,
    %swap3A_277 = arith.constant 32 : index
    %swap3A_278 = tpu.vector_load %arg15[%swap3A_277] {strides = array<i32>} : memref<48xi32, #tpu.memory_space<vmem>>, vector<16xi32>,
    tpu.vector_store %arg15[%swap3A_277], %get3A_276 {strides = array<i32>} : memref<48xi32, #tpu.memory_space<vmem>>, vector<16xi32>,
    %gather3A_279 = tpu.vector_load_idx %arg9[%get3A_274] : memref<10000xf32, #tpu.memory_space<vmem>>[vector<16xi32>], vector<16xf32>,
    %gather3A_280 = tpu.vector_load_idx %arg9[%get3A_276] : memref<10000xf32, #tpu.memory_space<vmem>>[vector<16xi32>], vector<16xf32>,
    %gather3A_281 = tpu.vector_load_idx %arg10[%get3A_276] : memref<10000xf32, #tpu.memory_space<vmem>>[vector<16xi32>], vector<16xf32>,
    %add3A_282 = arith.addf %gather3A_279, %gather3A_281 : vector<16xf32>
    %ge3A_283 = arith.constant 0.000000e+00 : f32
    %ge3A_284 = vector.broadcast %ge3A_283 : f32 to vector<16xf32>
    %ge3A_285 = arith.cmpf oge, %add3A_282, %ge3A_284 : vector<16xf32>
    %mul3A_286 = arith.constant 2.000000e-01 : f32
    %mul3A_287 = vector.broadcast %mul3A_286 : f32 to vector<16xf32>
    %mul3A_288 = arith.mulf %add3A_282, %mul3A_287 : vector<16xf32>
    %select_n3A_289 = arith.select %ge3A_285, %add3A_282, %mul3A_288 : vector<16xi1>, vector<16xf32>
    %add3A_290 = arith.addf %gather3A_280, %gather3A_281 : vector<16xf32>
    %ge3A_291 = arith.constant 0.000000e+00 : f32
    %ge3A_292 = vector.broadcast %ge3A_291 : f32 to vector<16xf32>
    %ge3A_293 = arith.cmpf oge, %add3A_290, %ge3A_292 : vector<16xf32>
    %mul3A_294 = arith.constant 2.000000e-01 : f32
    %mul3A_295 = vector.broadcast %mul3A_294 : f32 to vector<16xf32>
    %mul3A_296 = arith.mulf %add3A_290, %mul3A_295 : vector<16xf32>
    %select_n3A_297 = arith.select %ge3A_293, %add3A_290, %mul3A_296 : vector<16xi1>, vector<16xf32>
    %sub3A_298 = arith.subf %select_n3A_289, %select_n3A_297 : vector<16xf32>
    %exp3A_299 = math.exp %sub3A_298 : vector<16xf32>
    %swap3A_300 = arith.constant 32 : index
    %swap3A_301 = tpu.vector_load %arg19[%swap3A_300] {strides = array<i32>} : memref<48xf32, #tpu.memory_space<vmem>>, vector<16xf32>,
    tpu.vector_store %arg19[%swap3A_300], %exp3A_299 {strides = array<i32>} : memref<48xf32, #tpu.memory_space<vmem>>, vector<16xf32>,
    %get3A_302 = arith.constant 128 : index
    %get3A_303 = tpu.vector_load %arg11[%get3A_302] {strides = array<i32>} : memref<2000xi32, #tpu.memory_space<vmem>>, vector<16xi32>,
    %get3A_304 = arith.constant 128 : index
    %get3A_305 = tpu.vector_load %arg12[%get3A_304] {strides = array<i32>} : memref<2000xi32, #tpu.memory_space<vmem>>, vector<16xi32>,
    %swap3A_306 = arith.constant 0 : index
    %swap3A_307 = tpu.vector_load %arg16[%swap3A_306] {strides = array<i32>} : memref<32xi32, #tpu.memory_space<vmem>>, vector<16xi32>,
    tpu.vector_store %arg16[%swap3A_306], %get3A_305 {strides = array<i32>} : memref<32xi32, #tpu.memory_space<vmem>>, vector<16xi32>,
    %gather3A_308 = tpu.vector_load_idx %arg9[%get3A_303] : memref<10000xf32, #tpu.memory_space<vmem>>[vector<16xi32>], vector<16xf32>,
    %gather3A_309 = tpu.vector_load_idx %arg9[%get3A_305] : memref<10000xf32, #tpu.memory_space<vmem>>[vector<16xi32>], vector<16xf32>,
    %gather3A_310 = tpu.vector_load_idx %arg10[%get3A_305] : memref<10000xf32, #tpu.memory_space<vmem>>[vector<16xi32>], vector<16xf32>,
    %add3A_311 = arith.addf %gather3A_308, %gather3A_310 : vector<16xf32>
    %ge3A_312 = arith.constant 0.000000e+00 : f32
    %ge3A_313 = vector.broadcast %ge3A_312 : f32 to vector<16xf32>
    %ge3A_314 = arith.cmpf oge, %add3A_311, %ge3A_313 : vector<16xf32>
    %mul3A_315 = arith.constant 2.000000e-01 : f32
    %mul3A_316 = vector.broadcast %mul3A_315 : f32 to vector<16xf32>
    %mul3A_317 = arith.mulf %add3A_311, %mul3A_316 : vector<16xf32>
    %select_n3A_318 = arith.select %ge3A_314, %add3A_311, %mul3A_317 : vector<16xi1>, vector<16xf32>
    %add3A_319 = arith.addf %gather3A_309, %gather3A_310 : vector<16xf32>
    %ge3A_320 = arith.constant 0.000000e+00 : f32
    %ge3A_321 = vector.broadcast %ge3A_320 : f32 to vector<16xf32>
    %ge3A_322 = arith.cmpf oge, %add3A_319, %ge3A_321 : vector<16xf32>
    %mul3A_323 = arith.constant 2.000000e-01 : f32
    %mul3A_324 = vector.broadcast %mul3A_323 : f32 to vector<16xf32>
    %mul3A_325 = arith.mulf %add3A_319, %mul3A_324 : vector<16xf32>
    %select_n3A_326 = arith.select %ge3A_322, %add3A_319, %mul3A_325 : vector<16xi1>, vector<16xf32>
    %sub3A_327 = arith.subf %select_n3A_318, %select_n3A_326 : vector<16xf32>
    %exp3A_328 = math.exp %sub3A_327 : vector<16xf32>
    %swap3A_329 = arith.constant 0 : index
    %swap3A_330 = tpu.vector_load %arg20[%swap3A_329] {strides = array<i32>} : memref<32xf32, #tpu.memory_space<vmem>>, vector<16xf32>,
    tpu.vector_store %arg20[%swap3A_329], %exp3A_328 {strides = array<i32>} : memref<32xf32, #tpu.memory_space<vmem>>, vector<16xf32>,
    %get3A_331 = arith.constant 144 : index
    %get3A_332 = tpu.vector_load %arg11[%get3A_331] {strides = array<i32>} : memref<2000xi32, #tpu.memory_space<vmem>>, vector<16xi32>,
    %get3A_333 = arith.constant 144 : index
    %get3A_334 = tpu.vector_load %arg12[%get3A_333] {strides = array<i32>} : memref<2000xi32, #tpu.memory_space<vmem>>, vector<16xi32>,
    %swap3A_335 = arith.constant 16 : index
    %swap3A_336 = tpu.vector_load %arg16[%swap3A_335] {strides = array<i32>} : memref<32xi32, #tpu.memory_space<vmem>>, vector<16xi32>,
    tpu.vector_store %arg16[%swap3A_335], %get3A_334 {strides = array<i32>} : memref<32xi32, #tpu.memory_space<vmem>>, vector<16xi32>,
    %gather3A_337 = tpu.vector_load_idx %arg9[%get3A_332] : memref<10000xf32, #tpu.memory_space<vmem>>[vector<16xi32>], vector<16xf32>,
    %gather3A_338 = tpu.vector_load_idx %arg9[%get3A_334] : memref<10000xf32, #tpu.memory_space<vmem>>[vector<16xi32>], vector<16xf32>,
    %gather3A_339 = tpu.vector_load_idx %arg10[%get3A_334] : memref<10000xf32, #tpu.memory_space<vmem>>[vector<16xi32>], vector<16xf32>,
    %add3A_340 = arith.addf %gather3A_337, %gather3A_339 : vector<16xf32>
    %ge3A_341 = arith.constant 0.000000e+00 : f32
    %ge3A_342 = vector.broadcast %ge3A_341 : f32 to vector<16xf32>
    %ge3A_343 = arith.cmpf oge, %add3A_340, %ge3A_342 : vector<16xf32>
    %mul3A_344 = arith.constant 2.000000e-01 : f32
    %mul3A_345 = vector.broadcast %mul3A_344 : f32 to vector<16xf32>
    %mul3A_346 = arith.mulf %add3A_340, %mul3A_345 : vector<16xf32>
    %select_n3A_347 = arith.select %ge3A_343, %add3A_340, %mul3A_346 : vector<16xi1>, vector<16xf32>
    %add3A_348 = arith.addf %gather3A_338, %gather3A_339 : vector<16xf32>
    %ge3A_349 = arith.constant 0.000000e+00 : f32
    %ge3A_350 = vector.broadcast %ge3A_349 : f32 to vector<16xf32>
    %ge3A_351 = arith.cmpf oge, %add3A_348, %ge3A_350 : vector<16xf32>
    %mul3A_352 = arith.constant 2.000000e-01 : f32
    %mul3A_353 = vector.broadcast %mul3A_352 : f32 to vector<16xf32>
    %mul3A_354 = arith.mulf %add3A_348, %mul3A_353 : vector<16xf32>
    %select_n3A_355 = arith.select %ge3A_351, %add3A_348, %mul3A_354 : vector<16xi1>, vector<16xf32>
    %sub3A_356 = arith.subf %select_n3A_347, %select_n3A_355 : vector<16xf32>
    %exp3A_357 = math.exp %sub3A_356 : vector<16xf32>
    %swap3A_358 = arith.constant 16 : index
    %swap3A_359 = tpu.vector_load %arg20[%swap3A_358] {strides = array<i32>} : memref<32xf32, #tpu.memory_space<vmem>>, vector<16xf32>,
    tpu.vector_store %arg20[%swap3A_358], %exp3A_357 {strides = array<i32>} : memref<32xf32, #tpu.memory_space<vmem>>, vector<16xf32>,
    %scan3A_360 = arith.constant 0 : i32
    %scan3A_361 = arith.constant 0 : i32
    %scan3A_362 = arith.constant 61 : i32
    %scan3A_363 = arith.addi %scan3A_361, %scan3A_362 : i32
    %scan3A_364 = arith.constant 1 : i32
    %scan3A_365 = scf.for %scan3A_660 = %scan3A_361 to %scan3A_363 step %scan3A_364 iter_args(%scan3A_661 = %scan3A_360) -> (i32)  : i32 {
      %mul3A_662 = arith.constant 2 : i32
      %mul3A_663 = arith.muli %mul3A_662, %scan3A_660 : i32
      %add3A_664 = arith.constant 1 : i32
      %add3A_665 = arith.addi %mul3A_663, %add3A_664 : i32
      %dma_wait3A_666 = arith.constant 0 : i32
      %dma_wait3A_667 = arith.constant 0 : i32
      %dma_wait3A_668 = tpu.memref_slice %arg21[%dma_wait3A_666, %dma_wait3A_667] : memref<80x128xf32, #tpu.memory_space<vmem>> -> memref<48x128xf32, #tpu.memory_space<vmem>>
      %dma_wait3A_669 = arith.constant 0 : i32
      %dma_wait3A_670 = arith.constant 0 : i32
      %dma_wait3A_671 = tpu.memref_slice %arg24[%dma_wait3A_669, %dma_wait3A_670] : memref<10000x128xf32, #tpu.memory_space<vmem_shared>> -> memref<10000x128xf32, #tpu.memory_space<vmem_shared>>
      tpu.wait_indirect_dma semaphore(%arg28 : memref<!tpu.dma_semaphore, #tpu.memory_space<semaphore_mem>>) src(%dma_wait3A_668 : memref<48x128xf32, #tpu.memory_space<vmem>>) dst(%dma_wait3A_671 : memref<10000x128xf32, #tpu.memory_space<vmem_shared>>)
      %dma_wait3A_672 = arith.constant 48 : i32
      %dma_wait3A_673 = arith.constant 0 : i32
      %dma_wait3A_674 = tpu.memref_slice %arg21[%dma_wait3A_672, %dma_wait3A_673] : memref<80x128xf32, #tpu.memory_space<vmem>> -> memref<32x128xf32, #tpu.memory_space<vmem>>
      %dma_wait3A_675 = arith.constant 0 : i32
      %dma_wait3A_676 = arith.constant 0 : i32
      %dma_wait3A_677 = tpu.memref_slice %arg24[%dma_wait3A_675, %dma_wait3A_676] : memref<10000x128xf32, #tpu.memory_space<vmem_shared>> -> memref<10000x128xf32, #tpu.memory_space<vmem_shared>>
      tpu.wait_indirect_dma semaphore(%arg28 : memref<!tpu.dma_semaphore, #tpu.memory_space<semaphore_mem>>) src(%dma_wait3A_674 : memref<32x128xf32, #tpu.memory_space<vmem>>) dst(%dma_wait3A_677 : memref<10000x128xf32, #tpu.memory_space<vmem_shared>>)
      %dma_wait3A_678 = arith.constant 0 : i32
      %dma_wait3A_679 = tpu.memref_slice %arg25[%dma_wait3A_678] : memref<10000xf32, #tpu.memory_space<vmem_shared>> -> memref<10000xf32, #tpu.memory_space<vmem_shared>>
      tpu.wait_indirect_dma semaphore(%arg28 : memref<!tpu.dma_semaphore, #tpu.memory_space<semaphore_mem>>) src(%arg17 : memref<48xf32, #tpu.memory_space<vmem>>) dst(%dma_wait3A_679 : memref<10000xf32, #tpu.memory_space<vmem_shared>>)
      %dma_wait3A_680 = arith.constant 0 : i32
      %dma_wait3A_681 = tpu.memref_slice %arg25[%dma_wait3A_680] : memref<10000xf32, #tpu.memory_space<vmem_shared>> -> memref<10000xf32, #tpu.memory_space<vmem_shared>>
      tpu.wait_indirect_dma semaphore(%arg28 : memref<!tpu.dma_semaphore, #tpu.memory_space<semaphore_mem>>) src(%arg18 : memref<32xf32, #tpu.memory_space<vmem>>) dst(%dma_wait3A_681 : memref<10000xf32, #tpu.memory_space<vmem_shared>>)
      %add3A_682 = arith.constant 1 : i32
      %add3A_683 = arith.addi %add3A_665, %add3A_682 : i32
      %jit3A = arith.constant 25 : i32
      %eq3A = arith.constant 0 : i32
      %eq3A_684 = arith.cmpi eq, %jit3A, %eq3A : i32
      %jit3A_685 = arith.constant 1 : i32
      %select_n3A_686 = arith.select %eq3A_684, %jit3A_685, %jit3A : i32
      %rem3A = arith.remsi %add3A_683, %select_n3A_686 : i32
      %ne3A = arith.constant 0 : i32
      %ne3A_687 = arith.cmpi ne, %rem3A, %ne3A : i32
      %lt3A_688 = arith.constant 0 : i32
      %lt3A_689 = arith.cmpi slt, %rem3A, %lt3A_688 : i32
      %lt3A_690 = arith.constant 0 : i32
      %lt3A_691 = arith.cmpi slt, %select_n3A_686, %lt3A_690 : i32
      %ne3A_692 = arith.xori %lt3A_689, %lt3A_691 : i1
      %and3A = arith.andi %ne3A_692, %ne3A_687 : i1
      %add3A_693 = arith.addi %rem3A, %select_n3A_686 : i32
      %select_n3A_694 = arith.select %and3A, %add3A_693, %rem3A : i32
      %eq3A_695 = arith.constant 0 : i32
      %eq3A_696 = arith.cmpi eq, %select_n3A_694, %eq3A_695 : i32
      %convert_element_type3A_697 = arith.extui %eq3A_696 : i1 to i32
      %cond3A_698 = arith.constant 0 : i32
      %cond3A_699 = arith.cmpi ne, %convert_element_type3A_697, %cond3A_698 : i32
      scf.if %cond3A_699 {
        %jit3A_1217 = arith.constant 25 : i32
        %eq3A_1218 = arith.constant 0 : i32
        %eq3A_1219 = arith.cmpi eq, %jit3A_1217, %eq3A_1218 : i32
        %jit3A_1220 = arith.constant 1 : i32
        %select_n3A_1221 = arith.select %eq3A_1219, %jit3A_1220, %jit3A_1217 : i32
        %rem3A_1222 = arith.remsi %add3A_665, %select_n3A_1221 : i32
        %ne3A_1223 = arith.constant 0 : i32
        %ne3A_1224 = arith.cmpi ne, %rem3A_1222, %ne3A_1223 : i32
        %lt3A_1225 = arith.constant 0 : i32
        %lt3A_1226 = arith.cmpi slt, %rem3A_1222, %lt3A_1225 : i32
        %lt3A_1227 = arith.constant 0 : i32
        %lt3A_1228 = arith.cmpi slt, %select_n3A_1221, %lt3A_1227 : i32
        %ne3A_1229 = arith.xori %lt3A_1226, %lt3A_1228 : i1
        %and3A_1230 = arith.andi %ne3A_1229, %ne3A_1224 : i1
        %add3A_1231 = arith.addi %rem3A_1222, %select_n3A_1221 : i32
        %select_n3A_1232 = arith.select %and3A_1230, %add3A_1231, %rem3A_1222 : i32
        %mul3A_1233 = arith.constant 80 : i32
        %mul3A_1234 = arith.muli %select_n3A_1232, %mul3A_1233 : i32
        %multiple_of3A_1235 = tpu.assume_multiple %mul3A_1234, 8 : i32
        %dma_wait3A_1236 = tpu.memref_slice %arg11[%multiple_of3A_1235] : memref<2000xi32, #tpu.memory_space<vmem>> -> memref<80xi32, #tpu.memory_space<vmem>>
        %dma_wait3A_1237 = arith.constant 0 : i32
        %dma_wait3A_1238 = arith.constant 0 : i32
        %dma_wait3A_1239 = tpu.memref_slice %arg2[%dma_wait3A_1237, %dma_wait3A_1238] : memref<10000x128xf32, #tpu.memory_space<hbm>> -> memref<10000x128xf32, #tpu.memory_space<hbm>>
        tpu.wait_indirect_dma semaphore(%arg27 : memref<!tpu.dma_semaphore, #tpu.memory_space<semaphore_mem>>) src(%dma_wait3A_1239 : memref<10000x128xf32, #tpu.memory_space<hbm>>) dst(%arg22 : memref<80x128xf32, #tpu.memory_space<vmem>>)
        %add3A_1240 = arith.constant 1 : i32
        %add3A_1241 = arith.addi %add3A_665, %add3A_1240 : i32
        %jit3A_1242 = arith.constant 25 : i32
        %div3A = arith.divsi %add3A_1241, %jit3A_1242 : i32
        %sign3A = arith.constant 0 : i32
        %sign3A_1243 = arith.cmpi sgt, %add3A_1241, %sign3A : i32
        %sign3A_1244 = arith.extui %sign3A_1243 : i1 to i32
        %sign3A_1245 = arith.constant 0 : i32
        %sign3A_1246 = arith.cmpi slt, %add3A_1241, %sign3A_1245 : i32
        %sign3A_1247 = arith.extui %sign3A_1246 : i1 to i32
        %sign3A_1248 = arith.subi %sign3A_1244, %sign3A_1247 : i32
        %sign3A_1249 = arith.constant 0 : i32
        %sign3A_1250 = arith.cmpi sgt, %jit3A_1242, %sign3A_1249 : i32
        %sign3A_1251 = arith.extui %sign3A_1250 : i1 to i32
        %sign3A_1252 = arith.constant 0 : i32
        %sign3A_1253 = arith.cmpi slt, %jit3A_1242, %sign3A_1252 : i32
        %sign3A_1254 = arith.extui %sign3A_1253 : i1 to i32
        %sign3A_1255 = arith.subi %sign3A_1251, %sign3A_1254 : i32
        %ne3A_1256 = arith.cmpi ne, %sign3A_1248, %sign3A_1255 : i32
        %rem3A_1257 = arith.remsi %add3A_1241, %jit3A_1242 : i32
        %ne3A_1258 = arith.constant 0 : i32
        %ne3A_1259 = arith.cmpi ne, %rem3A_1257, %ne3A_1258 : i32
        %and3A_1260 = arith.andi %ne3A_1256, %ne3A_1259 : i1
        %sub3A_1261 = arith.constant 1 : i32
        %sub3A_1262 = arith.subi %div3A, %sub3A_1261 : i32
        %select_n3A_1263 = arith.select %and3A_1260, %sub3A_1262, %div3A : i32
        %mul3A_1264 = arith.constant 2000 : i32
        %mul3A_1265 = arith.muli %select_n3A_1263, %mul3A_1264 : i32
        %add3A_1266 = arith.addi %mul3A_2, %mul3A_1265 : i32
        %multiple_of3A_1267 = tpu.assume_multiple %add3A_1266, 8 : i32
        "tpu.region"() ({
          %run_scoped3A = tpu.sem_alloc : memref<!tpu.dma_semaphore, #tpu.memory_space<semaphore_mem>>
          %dma_start3A_1268 = tpu.memref_slice %arg5[%multiple_of3A_1267] : memref<320000xi32, #tpu.memory_space<hbm>> -> memref<2000xi32, #tpu.memory_space<hbm>>
          %dma_start3A_1269 = tpu.memref_slice %arg5[%multiple_of3A_1267] : memref<320000xi32, #tpu.memory_space<hbm>> -> memref<2000xi32, #tpu.memory_space<hbm>>
          tpu.enqueue_dma source(%dma_start3A_1269 : memref<2000xi32, #tpu.memory_space<hbm>>) target(%arg11 : memref<2000xi32, #tpu.memory_space<vmem>>) target_semaphore(%run_scoped3A : memref<!tpu.dma_semaphore, #tpu.memory_space<semaphore_mem>>)
          %dma_wait3A_1270 = tpu.memref_slice %arg5[%multiple_of3A_1267] : memref<320000xi32, #tpu.memory_space<hbm>> -> memref<2000xi32, #tpu.memory_space<hbm>>
          %dma_wait3A_1271 = tpu.memref_slice %arg5[%multiple_of3A_1267] : memref<320000xi32, #tpu.memory_space<hbm>> -> memref<2000xi32, #tpu.memory_space<hbm>>
          tpu.wait_dma2 semaphore(%run_scoped3A : memref<!tpu.dma_semaphore, #tpu.memory_space<semaphore_mem>>) src(%dma_wait3A_1271 : memref<2000xi32, #tpu.memory_space<hbm>>) dst(%arg11 : memref<2000xi32, #tpu.memory_space<vmem>>)
          tpu.yield
        }) : () -> ()
        "tpu.region"() ({
          %run_scoped3A = tpu.sem_alloc : memref<!tpu.dma_semaphore, #tpu.memory_space<semaphore_mem>>
          %dma_start3A_1268 = tpu.memref_slice %arg6[%multiple_of3A_1267] : memref<320000xi32, #tpu.memory_space<hbm>> -> memref<2000xi32, #tpu.memory_space<hbm>>
          %dma_start3A_1269 = tpu.memref_slice %arg6[%multiple_of3A_1267] : memref<320000xi32, #tpu.memory_space<hbm>> -> memref<2000xi32, #tpu.memory_space<hbm>>
          tpu.enqueue_dma source(%dma_start3A_1269 : memref<2000xi32, #tpu.memory_space<hbm>>) target(%arg12 : memref<2000xi32, #tpu.memory_space<vmem>>) target_semaphore(%run_scoped3A : memref<!tpu.dma_semaphore, #tpu.memory_space<semaphore_mem>>)
          %dma_wait3A_1270 = tpu.memref_slice %arg6[%multiple_of3A_1267] : memref<320000xi32, #tpu.memory_space<hbm>> -> memref<2000xi32, #tpu.memory_space<hbm>>
          %dma_wait3A_1271 = tpu.memref_slice %arg6[%multiple_of3A_1267] : memref<320000xi32, #tpu.memory_space<hbm>> -> memref<2000xi32, #tpu.memory_space<hbm>>
          tpu.wait_dma2 semaphore(%run_scoped3A : memref<!tpu.dma_semaphore, #tpu.memory_space<semaphore_mem>>) src(%dma_wait3A_1271 : memref<2000xi32, #tpu.memory_space<hbm>>) dst(%arg12 : memref<2000xi32, #tpu.memory_space<vmem>>)
          tpu.yield
        }) : () -> ()
      } else {
      }
      %add3A_700 = arith.constant 1 : i32
      %add3A_701 = arith.addi %add3A_665, %add3A_700 : i32
      %jit3A_702 = arith.constant 25 : i32
      %eq3A_703 = arith.constant 0 : i32
      %eq3A_704 = arith.cmpi eq, %jit3A_702, %eq3A_703 : i32
      %jit3A_705 = arith.constant 1 : i32
      %select_n3A_706 = arith.select %eq3A_704, %jit3A_705, %jit3A_702 : i32
      %rem3A_707 = arith.remsi %add3A_701, %select_n3A_706 : i32
      %ne3A_708 = arith.constant 0 : i32
      %ne3A_709 = arith.cmpi ne, %rem3A_707, %ne3A_708 : i32
      %lt3A_710 = arith.constant 0 : i32
      %lt3A_711 = arith.cmpi slt, %rem3A_707, %lt3A_710 : i32
      %lt3A_712 = arith.constant 0 : i32
      %lt3A_713 = arith.cmpi slt, %select_n3A_706, %lt3A_712 : i32
      %ne3A_714 = arith.xori %lt3A_711, %lt3A_713 : i1
      %and3A_715 = arith.andi %ne3A_714, %ne3A_709 : i1
      %add3A_716 = arith.addi %rem3A_707, %select_n3A_706 : i32
      %select_n3A_717 = arith.select %and3A_715, %add3A_716, %rem3A_707 : i32
      %mul3A_718 = arith.constant 80 : i32
      %mul3A_719 = arith.muli %select_n3A_717, %mul3A_718 : i32
      %multiple_of3A_720 = tpu.assume_multiple %mul3A_719, 8 : i32
      %dma_start3A_721 = tpu.memref_slice %arg11[%multiple_of3A_720] : memref<2000xi32, #tpu.memory_space<vmem>> -> memref<80xi32, #tpu.memory_space<vmem>>
      %dma_start3A_722 = arith.constant 0 : i32
      %dma_start3A_723 = arith.constant 0 : i32
      %dma_start3A_724 = tpu.memref_slice %arg2[%dma_start3A_722, %dma_start3A_723] : memref<10000x128xf32, #tpu.memory_space<hbm>> -> memref<10000x128xf32, #tpu.memory_space<hbm>>
      tpu.enqueue_indirect_dma source(%dma_start3A_724 : memref<10000x128xf32, #tpu.memory_space<hbm>>) target(%arg21 : memref<80x128xf32, #tpu.memory_space<vmem>>) offsets(%dma_start3A_721 : memref<80xi32, #tpu.memory_space<vmem>>) semaphore(%arg26 : memref<!tpu.dma_semaphore, #tpu.memory_space<semaphore_mem>>)
      %not3A = arith.constant true
      %not3A_725 = arith.xori %eq3A_696, %not3A : i1
      %convert_element_type3A_726 = arith.extui %not3A_725 : i1 to i32
      %cond3A_727 = arith.constant 0 : i32
      %cond3A_728 = arith.cmpi ne, %convert_element_type3A_726, %cond3A_727 : i32
      scf.if %cond3A_728 {
        %jit3A_1217 = arith.constant 25 : i32
        %eq3A_1218 = arith.constant 0 : i32
        %eq3A_1219 = arith.cmpi eq, %jit3A_1217, %eq3A_1218 : i32
        %jit3A_1220 = arith.constant 1 : i32
        %select_n3A_1221 = arith.select %eq3A_1219, %jit3A_1220, %jit3A_1217 : i32
        %rem3A_1222 = arith.remsi %add3A_665, %select_n3A_1221 : i32
        %ne3A_1223 = arith.constant 0 : i32
        %ne3A_1224 = arith.cmpi ne, %rem3A_1222, %ne3A_1223 : i32
        %lt3A_1225 = arith.constant 0 : i32
        %lt3A_1226 = arith.cmpi slt, %rem3A_1222, %lt3A_1225 : i32
        %lt3A_1227 = arith.constant 0 : i32
        %lt3A_1228 = arith.cmpi slt, %select_n3A_1221, %lt3A_1227 : i32
        %ne3A_1229 = arith.xori %lt3A_1226, %lt3A_1228 : i1
        %and3A_1230 = arith.andi %ne3A_1229, %ne3A_1224 : i1
        %add3A_1231 = arith.addi %rem3A_1222, %select_n3A_1221 : i32
        %select_n3A_1232 = arith.select %and3A_1230, %add3A_1231, %rem3A_1222 : i32
        %mul3A_1233 = arith.constant 80 : i32
        %mul3A_1234 = arith.muli %select_n3A_1232, %mul3A_1233 : i32
        %multiple_of3A_1235 = tpu.assume_multiple %mul3A_1234, 8 : i32
        %dma_wait3A_1236 = tpu.memref_slice %arg11[%multiple_of3A_1235] : memref<2000xi32, #tpu.memory_space<vmem>> -> memref<80xi32, #tpu.memory_space<vmem>>
        %dma_wait3A_1237 = arith.constant 0 : i32
        %dma_wait3A_1238 = arith.constant 0 : i32
        %dma_wait3A_1239 = tpu.memref_slice %arg2[%dma_wait3A_1237, %dma_wait3A_1238] : memref<10000x128xf32, #tpu.memory_space<hbm>> -> memref<10000x128xf32, #tpu.memory_space<hbm>>
        tpu.wait_indirect_dma semaphore(%arg27 : memref<!tpu.dma_semaphore, #tpu.memory_space<semaphore_mem>>) src(%dma_wait3A_1239 : memref<10000x128xf32, #tpu.memory_space<hbm>>) dst(%arg22 : memref<80x128xf32, #tpu.memory_space<vmem>>)
      } else {
      }
      %parallel_loop3A_729 = arith.constant 0 : i32
      %parallel_loop3A_730 = arith.constant 48 : i32
      %parallel_loop3A_731 = arith.constant 1 : i32
      scf.for %parallel_loop3A_1217 = %parallel_loop3A_729 to %parallel_loop3A_730 step %parallel_loop3A_731  : i32 {
        %parallel_loop3A_1218 = arith.constant 0 : i32
        %parallel_loop3A_1219 = arith.subi %parallel_loop3A_1217, %parallel_loop3A_1218 : i32
        %parallel_loop3A_1220 = vector.broadcast %parallel_loop3A_1219 : i32 to vector<16xi32>
        %parallel_loop3A_1221 = tpu.vector_load_idx %arg19[%parallel_loop3A_1220] : memref<48xf32, #tpu.memory_space<vmem>>[vector<16xi32>], vector<16xf32>,
        %parallel_loop3A_1222 = arith.index_cast %parallel_loop3A_1217 : i32 to index
        %parallel_loop3A_1223 = arith.constant 0 : index
        %parallel_loop3A_1224 = tpu.vector_load %arg22[%parallel_loop3A_1222, %parallel_loop3A_1223] {strides = array<i32>} : memref<80x128xf32, #tpu.memory_space<vmem>>, vector<16xf32>,
        %parallel_loop3A_1225 = arith.mulf %parallel_loop3A_1224, %parallel_loop3A_1221 : vector<16xf32>
        %parallel_loop3A_1226 = arith.index_cast %parallel_loop3A_1217 : i32 to index
        %parallel_loop3A_1227 = arith.constant 0 : index
        %parallel_loop3A_1228 = tpu.vector_load %arg22[%parallel_loop3A_1226, %parallel_loop3A_1227] {strides = array<i32>} : memref<80x128xf32, #tpu.memory_space<vmem>>, vector<16xf32>,
        tpu.vector_store %arg22[%parallel_loop3A_1226, %parallel_loop3A_1227], %parallel_loop3A_1225 {strides = array<i32>} : memref<80x128xf32, #tpu.memory_space<vmem>>, vector<16xf32>,
        %parallel_loop3A_1229 = arith.index_cast %parallel_loop3A_1217 : i32 to index
        %parallel_loop3A_1230 = arith.constant 16 : index
        %parallel_loop3A_1231 = tpu.vector_load %arg22[%parallel_loop3A_1229, %parallel_loop3A_1230] {strides = array<i32>} : memref<80x128xf32, #tpu.memory_space<vmem>>, vector<16xf32>,
        %parallel_loop3A_1232 = arith.mulf %parallel_loop3A_1231, %parallel_loop3A_1221 : vector<16xf32>
        %parallel_loop3A_1233 = arith.index_cast %parallel_loop3A_1217 : i32 to index
        %parallel_loop3A_1234 = arith.constant 16 : index
        %parallel_loop3A_1235 = tpu.vector_load %arg22[%parallel_loop3A_1233, %parallel_loop3A_1234] {strides = array<i32>} : memref<80x128xf32, #tpu.memory_space<vmem>>, vector<16xf32>,
        tpu.vector_store %arg22[%parallel_loop3A_1233, %parallel_loop3A_1234], %parallel_loop3A_1232 {strides = array<i32>} : memref<80x128xf32, #tpu.memory_space<vmem>>, vector<16xf32>,
        %parallel_loop3A_1236 = arith.index_cast %parallel_loop3A_1217 : i32 to index
        %parallel_loop3A_1237 = arith.constant 32 : index
        %parallel_loop3A_1238 = tpu.vector_load %arg22[%parallel_loop3A_1236, %parallel_loop3A_1237] {strides = array<i32>} : memref<80x128xf32, #tpu.memory_space<vmem>>, vector<16xf32>,
        %parallel_loop3A_1239 = arith.mulf %parallel_loop3A_1238, %parallel_loop3A_1221 : vector<16xf32>
        %parallel_loop3A_1240 = arith.index_cast %parallel_loop3A_1217 : i32 to index
        %parallel_loop3A_1241 = arith.constant 32 : index
        %parallel_loop3A_1242 = tpu.vector_load %arg22[%parallel_loop3A_1240, %parallel_loop3A_1241] {strides = array<i32>} : memref<80x128xf32, #tpu.memory_space<vmem>>, vector<16xf32>,
        tpu.vector_store %arg22[%parallel_loop3A_1240, %parallel_loop3A_1241], %parallel_loop3A_1239 {strides = array<i32>} : memref<80x128xf32, #tpu.memory_space<vmem>>, vector<16xf32>,
        %parallel_loop3A_1243 = arith.index_cast %parallel_loop3A_1217 : i32 to index
        %parallel_loop3A_1244 = arith.constant 48 : index
        %parallel_loop3A_1245 = tpu.vector_load %arg22[%parallel_loop3A_1243, %parallel_loop3A_1244] {strides = array<i32>} : memref<80x128xf32, #tpu.memory_space<vmem>>, vector<16xf32>,
        %parallel_loop3A_1246 = arith.mulf %parallel_loop3A_1245, %parallel_loop3A_1221 : vector<16xf32>
        %parallel_loop3A_1247 = arith.index_cast %parallel_loop3A_1217 : i32 to index
        %parallel_loop3A_1248 = arith.constant 48 : index
        %parallel_loop3A_1249 = tpu.vector_load %arg22[%parallel_loop3A_1247, %parallel_loop3A_1248] {strides = array<i32>} : memref<80x128xf32, #tpu.memory_space<vmem>>, vector<16xf32>,
        tpu.vector_store %arg22[%parallel_loop3A_1247, %parallel_loop3A_1248], %parallel_loop3A_1246 {strides = array<i32>} : memref<80x128xf32, #tpu.memory_space<vmem>>, vector<16xf32>,
        %parallel_loop3A_1250 = arith.index_cast %parallel_loop3A_1217 : i32 to index
        %parallel_loop3A_1251 = arith.constant 64 : index
        %parallel_loop3A_1252 = tpu.vector_load %arg22[%parallel_loop3A_1250, %parallel_loop3A_1251] {strides = array<i32>} : memref<80x128xf32, #tpu.memory_space<vmem>>, vector<16xf32>,
        %parallel_loop3A_1253 = arith.mulf %parallel_loop3A_1252, %parallel_loop3A_1221 : vector<16xf32>
        %parallel_loop3A_1254 = arith.index_cast %parallel_loop3A_1217 : i32 to index
        %parallel_loop3A_1255 = arith.constant 64 : index
        %parallel_loop3A_1256 = tpu.vector_load %arg22[%parallel_loop3A_1254, %parallel_loop3A_1255] {strides = array<i32>} : memref<80x128xf32, #tpu.memory_space<vmem>>, vector<16xf32>,
        tpu.vector_store %arg22[%parallel_loop3A_1254, %parallel_loop3A_1255], %parallel_loop3A_1253 {strides = array<i32>} : memref<80x128xf32, #tpu.memory_space<vmem>>, vector<16xf32>,
        %parallel_loop3A_1257 = arith.index_cast %parallel_loop3A_1217 : i32 to index
        %parallel_loop3A_1258 = arith.constant 80 : index
        %parallel_loop3A_1259 = tpu.vector_load %arg22[%parallel_loop3A_1257, %parallel_loop3A_1258] {strides = array<i32>} : memref<80x128xf32, #tpu.memory_space<vmem>>, vector<16xf32>,
        %parallel_loop3A_1260 = arith.mulf %parallel_loop3A_1259, %parallel_loop3A_1221 : vector<16xf32>
        %parallel_loop3A_1261 = arith.index_cast %parallel_loop3A_1217 : i32 to index
        %parallel_loop3A_1262 = arith.constant 80 : index
        %parallel_loop3A_1263 = tpu.vector_load %arg22[%parallel_loop3A_1261, %parallel_loop3A_1262] {strides = array<i32>} : memref<80x128xf32, #tpu.memory_space<vmem>>, vector<16xf32>,
        tpu.vector_store %arg22[%parallel_loop3A_1261, %parallel_loop3A_1262], %parallel_loop3A_1260 {strides = array<i32>} : memref<80x128xf32, #tpu.memory_space<vmem>>, vector<16xf32>,
        %parallel_loop3A_1264 = arith.index_cast %parallel_loop3A_1217 : i32 to index
        %parallel_loop3A_1265 = arith.constant 96 : index
        %parallel_loop3A_1266 = tpu.vector_load %arg22[%parallel_loop3A_1264, %parallel_loop3A_1265] {strides = array<i32>} : memref<80x128xf32, #tpu.memory_space<vmem>>, vector<16xf32>,
        %parallel_loop3A_1267 = arith.mulf %parallel_loop3A_1266, %parallel_loop3A_1221 : vector<16xf32>
        %parallel_loop3A_1268 = arith.index_cast %parallel_loop3A_1217 : i32 to index
        %parallel_loop3A_1269 = arith.constant 96 : index
        %parallel_loop3A_1270 = tpu.vector_load %arg22[%parallel_loop3A_1268, %parallel_loop3A_1269] {strides = array<i32>} : memref<80x128xf32, #tpu.memory_space<vmem>>, vector<16xf32>,
        tpu.vector_store %arg22[%parallel_loop3A_1268, %parallel_loop3A_1269], %parallel_loop3A_1267 {strides = array<i32>} : memref<80x128xf32, #tpu.memory_space<vmem>>, vector<16xf32>,
        %parallel_loop3A_1271 = arith.index_cast %parallel_loop3A_1217 : i32 to index
        %parallel_loop3A_1272 = arith.constant 112 : index
        %parallel_loop3A_1273 = tpu.vector_load %arg22[%parallel_loop3A_1271, %parallel_loop3A_1272] {strides = array<i32>} : memref<80x128xf32, #tpu.memory_space<vmem>>, vector<16xf32>,
        %parallel_loop3A_1274 = arith.mulf %parallel_loop3A_1273, %parallel_loop3A_1221 : vector<16xf32>
        %parallel_loop3A_1275 = arith.index_cast %parallel_loop3A_1217 : i32 to index
        %parallel_loop3A_1276 = arith.constant 112 : index
        %parallel_loop3A_1277 = tpu.vector_load %arg22[%parallel_loop3A_1275, %parallel_loop3A_1276] {strides = array<i32>} : memref<80x128xf32, #tpu.memory_space<vmem>>, vector<16xf32>,
        tpu.vector_store %arg22[%parallel_loop3A_1275, %parallel_loop3A_1276], %parallel_loop3A_1274 {strides = array<i32>} : memref<80x128xf32, #tpu.memory_space<vmem>>, vector<16xf32>,
      } {sc.loop_unroll_factor = 4 : i64, sc.parallel_access}
      %dma_start3A_732 = arith.constant 0 : i32
      %dma_start3A_733 = arith.constant 0 : i32
      %dma_start3A_734 = tpu.memref_slice %arg22[%dma_start3A_732, %dma_start3A_733] : memref<80x128xf32, #tpu.memory_space<vmem>> -> memref<48x128xf32, #tpu.memory_space<vmem>>
      %dma_start3A_735 = arith.constant 0 : i32
      %dma_start3A_736 = arith.constant 0 : i32
      %dma_start3A_737 = tpu.memref_slice %arg24[%dma_start3A_735, %dma_start3A_736] : memref<10000x128xf32, #tpu.memory_space<vmem_shared>> -> memref<10000x128xf32, #tpu.memory_space<vmem_shared>>
      tpu.enqueue_indirect_dma source(%dma_start3A_734 : memref<48x128xf32, #tpu.memory_space<vmem>>) target(%dma_start3A_737 : memref<10000x128xf32, #tpu.memory_space<vmem_shared>>) offsets(%arg15 : memref<48xi32, #tpu.memory_space<vmem>>) semaphore(%arg29 : memref<!tpu.dma_semaphore, #tpu.memory_space<semaphore_mem>>) {add = true}
      %parallel_loop3A_738 = arith.constant 48 : i32
      %parallel_loop3A_739 = arith.constant 80 : i32
      %parallel_loop3A_740 = arith.constant 1 : i32
      scf.for %parallel_loop3A_1217 = %parallel_loop3A_738 to %parallel_loop3A_739 step %parallel_loop3A_740  : i32 {
        %parallel_loop3A_1218 = arith.constant 48 : i32
        %parallel_loop3A_1219 = arith.subi %parallel_loop3A_1217, %parallel_loop3A_1218 : i32
        %parallel_loop3A_1220 = vector.broadcast %parallel_loop3A_1219 : i32 to vector<16xi32>
        %parallel_loop3A_1221 = tpu.vector_load_idx %arg20[%parallel_loop3A_1220] : memref<32xf32, #tpu.memory_space<vmem>>[vector<16xi32>], vector<16xf32>,
        %parallel_loop3A_1222 = arith.index_cast %parallel_loop3A_1217 : i32 to index
        %parallel_loop3A_1223 = arith.constant 0 : index
        %parallel_loop3A_1224 = tpu.vector_load %arg22[%parallel_loop3A_1222, %parallel_loop3A_1223] {strides = array<i32>} : memref<80x128xf32, #tpu.memory_space<vmem>>, vector<16xf32>,
        %parallel_loop3A_1225 = arith.mulf %parallel_loop3A_1224, %parallel_loop3A_1221 : vector<16xf32>
        %parallel_loop3A_1226 = arith.index_cast %parallel_loop3A_1217 : i32 to index
        %parallel_loop3A_1227 = arith.constant 0 : index
        %parallel_loop3A_1228 = tpu.vector_load %arg22[%parallel_loop3A_1226, %parallel_loop3A_1227] {strides = array<i32>} : memref<80x128xf32, #tpu.memory_space<vmem>>, vector<16xf32>,
        tpu.vector_store %arg22[%parallel_loop3A_1226, %parallel_loop3A_1227], %parallel_loop3A_1225 {strides = array<i32>} : memref<80x128xf32, #tpu.memory_space<vmem>>, vector<16xf32>,
        %parallel_loop3A_1229 = arith.index_cast %parallel_loop3A_1217 : i32 to index
        %parallel_loop3A_1230 = arith.constant 16 : index
        %parallel_loop3A_1231 = tpu.vector_load %arg22[%parallel_loop3A_1229, %parallel_loop3A_1230] {strides = array<i32>} : memref<80x128xf32, #tpu.memory_space<vmem>>, vector<16xf32>,
        %parallel_loop3A_1232 = arith.mulf %parallel_loop3A_1231, %parallel_loop3A_1221 : vector<16xf32>
        %parallel_loop3A_1233 = arith.index_cast %parallel_loop3A_1217 : i32 to index
        %parallel_loop3A_1234 = arith.constant 16 : index
        %parallel_loop3A_1235 = tpu.vector_load %arg22[%parallel_loop3A_1233, %parallel_loop3A_1234] {strides = array<i32>} : memref<80x128xf32, #tpu.memory_space<vmem>>, vector<16xf32>,
        tpu.vector_store %arg22[%parallel_loop3A_1233, %parallel_loop3A_1234], %parallel_loop3A_1232 {strides = array<i32>} : memref<80x128xf32, #tpu.memory_space<vmem>>, vector<16xf32>,
        %parallel_loop3A_1236 = arith.index_cast %parallel_loop3A_1217 : i32 to index
        %parallel_loop3A_1237 = arith.constant 32 : index
        %parallel_loop3A_1238 = tpu.vector_load %arg22[%parallel_loop3A_1236, %parallel_loop3A_1237] {strides = array<i32>} : memref<80x128xf32, #tpu.memory_space<vmem>>, vector<16xf32>,
        %parallel_loop3A_1239 = arith.mulf %parallel_loop3A_1238, %parallel_loop3A_1221 : vector<16xf32>
        %parallel_loop3A_1240 = arith.index_cast %parallel_loop3A_1217 : i32 to index
        %parallel_loop3A_1241 = arith.constant 32 : index
        %parallel_loop3A_1242 = tpu.vector_load %arg22[%parallel_loop3A_1240, %parallel_loop3A_1241] {strides = array<i32>} : memref<80x128xf32, #tpu.memory_space<vmem>>, vector<16xf32>,
        tpu.vector_store %arg22[%parallel_loop3A_1240, %parallel_loop3A_1241], %parallel_loop3A_1239 {strides = array<i32>} : memref<80x128xf32, #tpu.memory_space<vmem>>, vector<16xf32>,
        %parallel_loop3A_1243 = arith.index_cast %parallel_loop3A_1217 : i32 to index
        %parallel_loop3A_1244 = arith.constant 48 : index
        %parallel_loop3A_1245 = tpu.vector_load %arg22[%parallel_loop3A_1243, %parallel_loop3A_1244] {strides = array<i32>} : memref<80x128xf32, #tpu.memory_space<vmem>>, vector<16xf32>,
        %parallel_loop3A_1246 = arith.mulf %parallel_loop3A_1245, %parallel_loop3A_1221 : vector<16xf32>
        %parallel_loop3A_1247 = arith.index_cast %parallel_loop3A_1217 : i32 to index
        %parallel_loop3A_1248 = arith.constant 48 : index
        %parallel_loop3A_1249 = tpu.vector_load %arg22[%parallel_loop3A_1247, %parallel_loop3A_1248] {strides = array<i32>} : memref<80x128xf32, #tpu.memory_space<vmem>>, vector<16xf32>,
        tpu.vector_store %arg22[%parallel_loop3A_1247, %parallel_loop3A_1248], %parallel_loop3A_1246 {strides = array<i32>} : memref<80x128xf32, #tpu.memory_space<vmem>>, vector<16xf32>,
        %parallel_loop3A_1250 = arith.index_cast %parallel_loop3A_1217 : i32 to index
        %parallel_loop3A_1251 = arith.constant 64 : index
        %parallel_loop3A_1252 = tpu.vector_load %arg22[%parallel_loop3A_1250, %parallel_loop3A_1251] {strides = array<i32>} : memref<80x128xf32, #tpu.memory_space<vmem>>, vector<16xf32>,
        %parallel_loop3A_1253 = arith.mulf %parallel_loop3A_1252, %parallel_loop3A_1221 : vector<16xf32>
        %parallel_loop3A_1254 = arith.index_cast %parallel_loop3A_1217 : i32 to index
        %parallel_loop3A_1255 = arith.constant 64 : index
        %parallel_loop3A_1256 = tpu.vector_load %arg22[%parallel_loop3A_1254, %parallel_loop3A_1255] {strides = array<i32>} : memref<80x128xf32, #tpu.memory_space<vmem>>, vector<16xf32>,
        tpu.vector_store %arg22[%parallel_loop3A_1254, %parallel_loop3A_1255], %parallel_loop3A_1253 {strides = array<i32>} : memref<80x128xf32, #tpu.memory_space<vmem>>, vector<16xf32>,
        %parallel_loop3A_1257 = arith.index_cast %parallel_loop3A_1217 : i32 to index
        %parallel_loop3A_1258 = arith.constant 80 : index
        %parallel_loop3A_1259 = tpu.vector_load %arg22[%parallel_loop3A_1257, %parallel_loop3A_1258] {strides = array<i32>} : memref<80x128xf32, #tpu.memory_space<vmem>>, vector<16xf32>,
        %parallel_loop3A_1260 = arith.mulf %parallel_loop3A_1259, %parallel_loop3A_1221 : vector<16xf32>
        %parallel_loop3A_1261 = arith.index_cast %parallel_loop3A_1217 : i32 to index
        %parallel_loop3A_1262 = arith.constant 80 : index
        %parallel_loop3A_1263 = tpu.vector_load %arg22[%parallel_loop3A_1261, %parallel_loop3A_1262] {strides = array<i32>} : memref<80x128xf32, #tpu.memory_space<vmem>>, vector<16xf32>,
        tpu.vector_store %arg22[%parallel_loop3A_1261, %parallel_loop3A_1262], %parallel_loop3A_1260 {strides = array<i32>} : memref<80x128xf32, #tpu.memory_space<vmem>>, vector<16xf32>,
        %parallel_loop3A_1264 = arith.index_cast %parallel_loop3A_1217 : i32 to index
        %parallel_loop3A_1265 = arith.constant 96 : index
        %parallel_loop3A_1266 = tpu.vector_load %arg22[%parallel_loop3A_1264, %parallel_loop3A_1265] {strides = array<i32>} : memref<80x128xf32, #tpu.memory_space<vmem>>, vector<16xf32>,
        %parallel_loop3A_1267 = arith.mulf %parallel_loop3A_1266, %parallel_loop3A_1221 : vector<16xf32>
        %parallel_loop3A_1268 = arith.index_cast %parallel_loop3A_1217 : i32 to index
        %parallel_loop3A_1269 = arith.constant 96 : index
        %parallel_loop3A_1270 = tpu.vector_load %arg22[%parallel_loop3A_1268, %parallel_loop3A_1269] {strides = array<i32>} : memref<80x128xf32, #tpu.memory_space<vmem>>, vector<16xf32>,
        tpu.vector_store %arg22[%parallel_loop3A_1268, %parallel_loop3A_1269], %parallel_loop3A_1267 {strides = array<i32>} : memref<80x128xf32, #tpu.memory_space<vmem>>, vector<16xf32>,
        %parallel_loop3A_1271 = arith.index_cast %parallel_loop3A_1217 : i32 to index
        %parallel_loop3A_1272 = arith.constant 112 : index
        %parallel_loop3A_1273 = tpu.vector_load %arg22[%parallel_loop3A_1271, %parallel_loop3A_1272] {strides = array<i32>} : memref<80x128xf32, #tpu.memory_space<vmem>>, vector<16xf32>,
        %parallel_loop3A_1274 = arith.mulf %parallel_loop3A_1273, %parallel_loop3A_1221 : vector<16xf32>
        %parallel_loop3A_1275 = arith.index_cast %parallel_loop3A_1217 : i32 to index
        %parallel_loop3A_1276 = arith.constant 112 : index
        %parallel_loop3A_1277 = tpu.vector_load %arg22[%parallel_loop3A_1275, %parallel_loop3A_1276] {strides = array<i32>} : memref<80x128xf32, #tpu.memory_space<vmem>>, vector<16xf32>,
        tpu.vector_store %arg22[%parallel_loop3A_1275, %parallel_loop3A_1276], %parallel_loop3A_1274 {strides = array<i32>} : memref<80x128xf32, #tpu.memory_space<vmem>>, vector<16xf32>,
      } {sc.loop_unroll_factor = 4 : i64, sc.parallel_access}
      %dma_start3A_741 = arith.constant 48 : i32
      %dma_start3A_742 = arith.constant 0 : i32
      %dma_start3A_743 = tpu.memref_slice %arg22[%dma_start3A_741, %dma_start3A_742] : memref<80x128xf32, #tpu.memory_space<vmem>> -> memref<32x128xf32, #tpu.memory_space<vmem>>
      %dma_start3A_744 = arith.constant 0 : i32
      %dma_start3A_745 = arith.constant 0 : i32
      %dma_start3A_746 = tpu.memref_slice %arg24[%dma_start3A_744, %dma_start3A_745] : memref<10000x128xf32, #tpu.memory_space<vmem_shared>> -> memref<10000x128xf32, #tpu.memory_space<vmem_shared>>
      tpu.enqueue_indirect_dma source(%dma_start3A_743 : memref<32x128xf32, #tpu.memory_space<vmem>>) target(%dma_start3A_746 : memref<10000x128xf32, #tpu.memory_space<vmem_shared>>) offsets(%arg16 : memref<32xi32, #tpu.memory_space<vmem>>) semaphore(%arg29 : memref<!tpu.dma_semaphore, #tpu.memory_space<semaphore_mem>>) {add = true}
      %dma_start3A_747 = arith.constant 0 : i32
      %dma_start3A_748 = tpu.memref_slice %arg25[%dma_start3A_747] : memref<10000xf32, #tpu.memory_space<vmem_shared>> -> memref<10000xf32, #tpu.memory_space<vmem_shared>>
      tpu.enqueue_indirect_dma source(%arg19 : memref<48xf32, #tpu.memory_space<vmem>>) target(%dma_start3A_748 : memref<10000xf32, #tpu.memory_space<vmem_shared>>) offsets(%arg15 : memref<48xi32, #tpu.memory_space<vmem>>) semaphore(%arg29 : memref<!tpu.dma_semaphore, #tpu.memory_space<semaphore_mem>>) {add = true}
      %dma_start3A_749 = arith.constant 0 : i32
      %dma_start3A_750 = tpu.memref_slice %arg25[%dma_start3A_749] : memref<10000xf32, #tpu.memory_space<vmem_shared>> -> memref<10000xf32, #tpu.memory_space<vmem_shared>>
      tpu.enqueue_indirect_dma source(%arg20 : memref<32xf32, #tpu.memory_space<vmem>>) target(%dma_start3A_750 : memref<10000xf32, #tpu.memory_space<vmem_shared>>) offsets(%arg16 : memref<32xi32, #tpu.memory_space<vmem>>) semaphore(%arg29 : memref<!tpu.dma_semaphore, #tpu.memory_space<semaphore_mem>>) {add = true}
      %add3A_751 = arith.constant 1 : i32
      %add3A_752 = arith.addi %add3A_665, %add3A_751 : i32
      %jit3A_753 = arith.constant 25 : i32
      %eq3A_754 = arith.constant 0 : i32
      %eq3A_755 = arith.cmpi eq, %jit3A_753, %eq3A_754 : i32
      %jit3A_756 = arith.constant 1 : i32
      %select_n3A_757 = arith.select %eq3A_755, %jit3A_756, %jit3A_753 : i32
      %rem3A_758 = arith.remsi %add3A_752, %select_n3A_757 : i32
      %ne3A_759 = arith.constant 0 : i32
      %ne3A_760 = arith.cmpi ne, %rem3A_758, %ne3A_759 : i32
      %lt3A_761 = arith.constant 0 : i32
      %lt3A_762 = arith.cmpi slt, %rem3A_758, %lt3A_761 : i32
      %lt3A_763 = arith.constant 0 : i32
      %lt3A_764 = arith.cmpi slt, %select_n3A_757, %lt3A_763 : i32
      %ne3A_765 = arith.xori %lt3A_762, %lt3A_764 : i1
      %and3A_766 = arith.andi %ne3A_765, %ne3A_760 : i1
      %add3A_767 = arith.addi %rem3A_758, %select_n3A_757 : i32
      %select_n3A_768 = arith.select %and3A_766, %add3A_767, %rem3A_758 : i32
      %mul3A_769 = arith.constant 80 : i32
      %mul3A_770 = arith.muli %select_n3A_768, %mul3A_769 : i32
      %add3A_771 = arith.constant 0 : i32
      %add3A_772 = arith.addi %mul3A_770, %add3A_771 : i32
      %get3A_773 = arith.index_cast %add3A_772 : i32 to index
      %get3A_774 = tpu.vector_load %arg11[%get3A_773] {strides = array<i32>} : memref<2000xi32, #tpu.memory_space<vmem>>, vector<16xi32>,
      %add3A_775 = arith.constant 0 : i32
      %add3A_776 = arith.addi %mul3A_770, %add3A_775 : i32
      %get3A_777 = arith.index_cast %add3A_776 : i32 to index
      %get3A_778 = tpu.vector_load %arg12[%get3A_777] {strides = array<i32>} : memref<2000xi32, #tpu.memory_space<vmem>>, vector<16xi32>,
      %swap3A_779 = arith.constant 0 : index
      %swap3A_780 = tpu.vector_load %arg13[%swap3A_779] {strides = array<i32>} : memref<48xi32, #tpu.memory_space<vmem>>, vector<16xi32>,
      tpu.vector_store %arg13[%swap3A_779], %get3A_778 {strides = array<i32>} : memref<48xi32, #tpu.memory_space<vmem>>, vector<16xi32>,
      %gather3A_781 = tpu.vector_load_idx %arg9[%get3A_774] : memref<10000xf32, #tpu.memory_space<vmem>>[vector<16xi32>], vector<16xf32>,
      %gather3A_782 = tpu.vector_load_idx %arg9[%get3A_778] : memref<10000xf32, #tpu.memory_space<vmem>>[vector<16xi32>], vector<16xf32>,
      %gather3A_783 = tpu.vector_load_idx %arg10[%get3A_778] : memref<10000xf32, #tpu.memory_space<vmem>>[vector<16xi32>], vector<16xf32>,
      %add3A_784 = arith.addf %gather3A_781, %gather3A_783 : vector<16xf32>
      %ge3A_785 = arith.constant 0.000000e+00 : f32
      %ge3A_786 = vector.broadcast %ge3A_785 : f32 to vector<16xf32>
      %ge3A_787 = arith.cmpf oge, %add3A_784, %ge3A_786 : vector<16xf32>
      %mul3A_788 = arith.constant 2.000000e-01 : f32
      %mul3A_789 = vector.broadcast %mul3A_788 : f32 to vector<16xf32>
      %mul3A_790 = arith.mulf %add3A_784, %mul3A_789 : vector<16xf32>
      %select_n3A_791 = arith.select %ge3A_787, %add3A_784, %mul3A_790 : vector<16xi1>, vector<16xf32>
      %add3A_792 = arith.addf %gather3A_782, %gather3A_783 : vector<16xf32>
      %ge3A_793 = arith.constant 0.000000e+00 : f32
      %ge3A_794 = vector.broadcast %ge3A_793 : f32 to vector<16xf32>
      %ge3A_795 = arith.cmpf oge, %add3A_792, %ge3A_794 : vector<16xf32>
      %mul3A_796 = arith.constant 2.000000e-01 : f32
      %mul3A_797 = vector.broadcast %mul3A_796 : f32 to vector<16xf32>
      %mul3A_798 = arith.mulf %add3A_792, %mul3A_797 : vector<16xf32>
      %select_n3A_799 = arith.select %ge3A_795, %add3A_792, %mul3A_798 : vector<16xi1>, vector<16xf32>
      %sub3A_800 = arith.subf %select_n3A_791, %select_n3A_799 : vector<16xf32>
      %exp3A_801 = math.exp %sub3A_800 : vector<16xf32>
      %swap3A_802 = arith.constant 0 : index
      %swap3A_803 = tpu.vector_load %arg17[%swap3A_802] {strides = array<i32>} : memref<48xf32, #tpu.memory_space<vmem>>, vector<16xf32>,
      tpu.vector_store %arg17[%swap3A_802], %exp3A_801 {strides = array<i32>} : memref<48xf32, #tpu.memory_space<vmem>>, vector<16xf32>,
      %add3A_804 = arith.constant 16 : i32
      %add3A_805 = arith.addi %mul3A_770, %add3A_804 : i32
      %get3A_806 = arith.index_cast %add3A_805 : i32 to index
      %get3A_807 = tpu.vector_load %arg11[%get3A_806] {strides = array<i32>} : memref<2000xi32, #tpu.memory_space<vmem>>, vector<16xi32>,
      %add3A_808 = arith.constant 16 : i32
      %add3A_809 = arith.addi %mul3A_770, %add3A_808 : i32
      %get3A_810 = arith.index_cast %add3A_809 : i32 to index
      %get3A_811 = tpu.vector_load %arg12[%get3A_810] {strides = array<i32>} : memref<2000xi32, #tpu.memory_space<vmem>>, vector<16xi32>,
      %swap3A_812 = arith.constant 16 : index
      %swap3A_813 = tpu.vector_load %arg13[%swap3A_812] {strides = array<i32>} : memref<48xi32, #tpu.memory_space<vmem>>, vector<16xi32>,
      tpu.vector_store %arg13[%swap3A_812], %get3A_811 {strides = array<i32>} : memref<48xi32, #tpu.memory_space<vmem>>, vector<16xi32>,
      %gather3A_814 = tpu.vector_load_idx %arg9[%get3A_807] : memref<10000xf32, #tpu.memory_space<vmem>>[vector<16xi32>], vector<16xf32>,
      %gather3A_815 = tpu.vector_load_idx %arg9[%get3A_811] : memref<10000xf32, #tpu.memory_space<vmem>>[vector<16xi32>], vector<16xf32>,
      %gather3A_816 = tpu.vector_load_idx %arg10[%get3A_811] : memref<10000xf32, #tpu.memory_space<vmem>>[vector<16xi32>], vector<16xf32>,
      %add3A_817 = arith.addf %gather3A_814, %gather3A_816 : vector<16xf32>
      %ge3A_818 = arith.constant 0.000000e+00 : f32
      %ge3A_819 = vector.broadcast %ge3A_818 : f32 to vector<16xf32>
      %ge3A_820 = arith.cmpf oge, %add3A_817, %ge3A_819 : vector<16xf32>
      %mul3A_821 = arith.constant 2.000000e-01 : f32
      %mul3A_822 = vector.broadcast %mul3A_821 : f32 to vector<16xf32>
      %mul3A_823 = arith.mulf %add3A_817, %mul3A_822 : vector<16xf32>
      %select_n3A_824 = arith.select %ge3A_820, %add3A_817, %mul3A_823 : vector<16xi1>, vector<16xf32>
      %add3A_825 = arith.addf %gather3A_815, %gather3A_816 : vector<16xf32>
      %ge3A_826 = arith.constant 0.000000e+00 : f32
      %ge3A_827 = vector.broadcast %ge3A_826 : f32 to vector<16xf32>
      %ge3A_828 = arith.cmpf oge, %add3A_825, %ge3A_827 : vector<16xf32>
      %mul3A_829 = arith.constant 2.000000e-01 : f32
      %mul3A_830 = vector.broadcast %mul3A_829 : f32 to vector<16xf32>
      %mul3A_831 = arith.mulf %add3A_825, %mul3A_830 : vector<16xf32>
      %select_n3A_832 = arith.select %ge3A_828, %add3A_825, %mul3A_831 : vector<16xi1>, vector<16xf32>
      %sub3A_833 = arith.subf %select_n3A_824, %select_n3A_832 : vector<16xf32>
      %exp3A_834 = math.exp %sub3A_833 : vector<16xf32>
      %swap3A_835 = arith.constant 16 : index
      %swap3A_836 = tpu.vector_load %arg17[%swap3A_835] {strides = array<i32>} : memref<48xf32, #tpu.memory_space<vmem>>, vector<16xf32>,
      tpu.vector_store %arg17[%swap3A_835], %exp3A_834 {strides = array<i32>} : memref<48xf32, #tpu.memory_space<vmem>>, vector<16xf32>,
      %add3A_837 = arith.constant 32 : i32
      %add3A_838 = arith.addi %mul3A_770, %add3A_837 : i32
      %get3A_839 = arith.index_cast %add3A_838 : i32 to index
      %get3A_840 = tpu.vector_load %arg11[%get3A_839] {strides = array<i32>} : memref<2000xi32, #tpu.memory_space<vmem>>, vector<16xi32>,
      %add3A_841 = arith.constant 32 : i32
      %add3A_842 = arith.addi %mul3A_770, %add3A_841 : i32
      %get3A_843 = arith.index_cast %add3A_842 : i32 to index
      %get3A_844 = tpu.vector_load %arg12[%get3A_843] {strides = array<i32>} : memref<2000xi32, #tpu.memory_space<vmem>>, vector<16xi32>,
      %swap3A_845 = arith.constant 32 : index
      %swap3A_846 = tpu.vector_load %arg13[%swap3A_845] {strides = array<i32>} : memref<48xi32, #tpu.memory_space<vmem>>, vector<16xi32>,
      tpu.vector_store %arg13[%swap3A_845], %get3A_844 {strides = array<i32>} : memref<48xi32, #tpu.memory_space<vmem>>, vector<16xi32>,
      %gather3A_847 = tpu.vector_load_idx %arg9[%get3A_840] : memref<10000xf32, #tpu.memory_space<vmem>>[vector<16xi32>], vector<16xf32>,
      %gather3A_848 = tpu.vector_load_idx %arg9[%get3A_844] : memref<10000xf32, #tpu.memory_space<vmem>>[vector<16xi32>], vector<16xf32>,
      %gather3A_849 = tpu.vector_load_idx %arg10[%get3A_844] : memref<10000xf32, #tpu.memory_space<vmem>>[vector<16xi32>], vector<16xf32>,
      %add3A_850 = arith.addf %gather3A_847, %gather3A_849 : vector<16xf32>
      %ge3A_851 = arith.constant 0.000000e+00 : f32
      %ge3A_852 = vector.broadcast %ge3A_851 : f32 to vector<16xf32>
      %ge3A_853 = arith.cmpf oge, %add3A_850, %ge3A_852 : vector<16xf32>
      %mul3A_854 = arith.constant 2.000000e-01 : f32
      %mul3A_855 = vector.broadcast %mul3A_854 : f32 to vector<16xf32>
      %mul3A_856 = arith.mulf %add3A_850, %mul3A_855 : vector<16xf32>
      %select_n3A_857 = arith.select %ge3A_853, %add3A_850, %mul3A_856 : vector<16xi1>, vector<16xf32>
      %add3A_858 = arith.addf %gather3A_848, %gather3A_849 : vector<16xf32>
      %ge3A_859 = arith.constant 0.000000e+00 : f32
      %ge3A_860 = vector.broadcast %ge3A_859 : f32 to vector<16xf32>
      %ge3A_861 = arith.cmpf oge, %add3A_858, %ge3A_860 : vector<16xf32>
      %mul3A_862 = arith.constant 2.000000e-01 : f32
      %mul3A_863 = vector.broadcast %mul3A_862 : f32 to vector<16xf32>
      %mul3A_864 = arith.mulf %add3A_858, %mul3A_863 : vector<16xf32>
      %select_n3A_865 = arith.select %ge3A_861, %add3A_858, %mul3A_864 : vector<16xi1>, vector<16xf32>
      %sub3A_866 = arith.subf %select_n3A_857, %select_n3A_865 : vector<16xf32>
      %exp3A_867 = math.exp %sub3A_866 : vector<16xf32>
      %swap3A_868 = arith.constant 32 : index
      %swap3A_869 = tpu.vector_load %arg17[%swap3A_868] {strides = array<i32>} : memref<48xf32, #tpu.memory_space<vmem>>, vector<16xf32>,
      tpu.vector_store %arg17[%swap3A_868], %exp3A_867 {strides = array<i32>} : memref<48xf32, #tpu.memory_space<vmem>>, vector<16xf32>,
      %add3A_870 = arith.constant 48 : i32
      %add3A_871 = arith.addi %mul3A_770, %add3A_870 : i32
      %get3A_872 = arith.index_cast %add3A_871 : i32 to index
      %get3A_873 = tpu.vector_load %arg11[%get3A_872] {strides = array<i32>} : memref<2000xi32, #tpu.memory_space<vmem>>, vector<16xi32>,
      %add3A_874 = arith.constant 48 : i32
      %add3A_875 = arith.addi %mul3A_770, %add3A_874 : i32
      %get3A_876 = arith.index_cast %add3A_875 : i32 to index
      %get3A_877 = tpu.vector_load %arg12[%get3A_876] {strides = array<i32>} : memref<2000xi32, #tpu.memory_space<vmem>>, vector<16xi32>,
      %swap3A_878 = arith.constant 0 : index
      %swap3A_879 = tpu.vector_load %arg14[%swap3A_878] {strides = array<i32>} : memref<32xi32, #tpu.memory_space<vmem>>, vector<16xi32>,
      tpu.vector_store %arg14[%swap3A_878], %get3A_877 {strides = array<i32>} : memref<32xi32, #tpu.memory_space<vmem>>, vector<16xi32>,
      %gather3A_880 = tpu.vector_load_idx %arg9[%get3A_873] : memref<10000xf32, #tpu.memory_space<vmem>>[vector<16xi32>], vector<16xf32>,
      %gather3A_881 = tpu.vector_load_idx %arg9[%get3A_877] : memref<10000xf32, #tpu.memory_space<vmem>>[vector<16xi32>], vector<16xf32>,
      %gather3A_882 = tpu.vector_load_idx %arg10[%get3A_877] : memref<10000xf32, #tpu.memory_space<vmem>>[vector<16xi32>], vector<16xf32>,
      %add3A_883 = arith.addf %gather3A_880, %gather3A_882 : vector<16xf32>
      %ge3A_884 = arith.constant 0.000000e+00 : f32
      %ge3A_885 = vector.broadcast %ge3A_884 : f32 to vector<16xf32>
      %ge3A_886 = arith.cmpf oge, %add3A_883, %ge3A_885 : vector<16xf32>
      %mul3A_887 = arith.constant 2.000000e-01 : f32
      %mul3A_888 = vector.broadcast %mul3A_887 : f32 to vector<16xf32>
      %mul3A_889 = arith.mulf %add3A_883, %mul3A_888 : vector<16xf32>
      %select_n3A_890 = arith.select %ge3A_886, %add3A_883, %mul3A_889 : vector<16xi1>, vector<16xf32>
      %add3A_891 = arith.addf %gather3A_881, %gather3A_882 : vector<16xf32>
      %ge3A_892 = arith.constant 0.000000e+00 : f32
      %ge3A_893 = vector.broadcast %ge3A_892 : f32 to vector<16xf32>
      %ge3A_894 = arith.cmpf oge, %add3A_891, %ge3A_893 : vector<16xf32>
      %mul3A_895 = arith.constant 2.000000e-01 : f32
      %mul3A_896 = vector.broadcast %mul3A_895 : f32 to vector<16xf32>
      %mul3A_897 = arith.mulf %add3A_891, %mul3A_896 : vector<16xf32>
      %select_n3A_898 = arith.select %ge3A_894, %add3A_891, %mul3A_897 : vector<16xi1>, vector<16xf32>
      %sub3A_899 = arith.subf %select_n3A_890, %select_n3A_898 : vector<16xf32>
      %exp3A_900 = math.exp %sub3A_899 : vector<16xf32>
      %swap3A_901 = arith.constant 0 : index
      %swap3A_902 = tpu.vector_load %arg18[%swap3A_901] {strides = array<i32>} : memref<32xf32, #tpu.memory_space<vmem>>, vector<16xf32>,
      tpu.vector_store %arg18[%swap3A_901], %exp3A_900 {strides = array<i32>} : memref<32xf32, #tpu.memory_space<vmem>>, vector<16xf32>,
      %add3A_903 = arith.constant 64 : i32
      %add3A_904 = arith.addi %mul3A_770, %add3A_903 : i32
      %get3A_905 = arith.index_cast %add3A_904 : i32 to index
      %get3A_906 = tpu.vector_load %arg11[%get3A_905] {strides = array<i32>} : memref<2000xi32, #tpu.memory_space<vmem>>, vector<16xi32>,
      %add3A_907 = arith.constant 64 : i32
      %add3A_908 = arith.addi %mul3A_770, %add3A_907 : i32
      %get3A_909 = arith.index_cast %add3A_908 : i32 to index
      %get3A_910 = tpu.vector_load %arg12[%get3A_909] {strides = array<i32>} : memref<2000xi32, #tpu.memory_space<vmem>>, vector<16xi32>,
      %swap3A_911 = arith.constant 16 : index
      %swap3A_912 = tpu.vector_load %arg14[%swap3A_911] {strides = array<i32>} : memref<32xi32, #tpu.memory_space<vmem>>, vector<16xi32>,
      tpu.vector_store %arg14[%swap3A_911], %get3A_910 {strides = array<i32>} : memref<32xi32, #tpu.memory_space<vmem>>, vector<16xi32>,
      %gather3A_913 = tpu.vector_load_idx %arg9[%get3A_906] : memref<10000xf32, #tpu.memory_space<vmem>>[vector<16xi32>], vector<16xf32>,
      %gather3A_914 = tpu.vector_load_idx %arg9[%get3A_910] : memref<10000xf32, #tpu.memory_space<vmem>>[vector<16xi32>], vector<16xf32>,
      %gather3A_915 = tpu.vector_load_idx %arg10[%get3A_910] : memref<10000xf32, #tpu.memory_space<vmem>>[vector<16xi32>], vector<16xf32>,
      %add3A_916 = arith.addf %gather3A_913, %gather3A_915 : vector<16xf32>
      %ge3A_917 = arith.constant 0.000000e+00 : f32
      %ge3A_918 = vector.broadcast %ge3A_917 : f32 to vector<16xf32>
      %ge3A_919 = arith.cmpf oge, %add3A_916, %ge3A_918 : vector<16xf32>
      %mul3A_920 = arith.constant 2.000000e-01 : f32
      %mul3A_921 = vector.broadcast %mul3A_920 : f32 to vector<16xf32>
      %mul3A_922 = arith.mulf %add3A_916, %mul3A_921 : vector<16xf32>
      %select_n3A_923 = arith.select %ge3A_919, %add3A_916, %mul3A_922 : vector<16xi1>, vector<16xf32>
      %add3A_924 = arith.addf %gather3A_914, %gather3A_915 : vector<16xf32>
      %ge3A_925 = arith.constant 0.000000e+00 : f32
      %ge3A_926 = vector.broadcast %ge3A_925 : f32 to vector<16xf32>
      %ge3A_927 = arith.cmpf oge, %add3A_924, %ge3A_926 : vector<16xf32>
      %mul3A_928 = arith.constant 2.000000e-01 : f32
      %mul3A_929 = vector.broadcast %mul3A_928 : f32 to vector<16xf32>
      %mul3A_930 = arith.mulf %add3A_924, %mul3A_929 : vector<16xf32>
      %select_n3A_931 = arith.select %ge3A_927, %add3A_924, %mul3A_930 : vector<16xi1>, vector<16xf32>
      %sub3A_932 = arith.subf %select_n3A_923, %select_n3A_931 : vector<16xf32>
      %exp3A_933 = math.exp %sub3A_932 : vector<16xf32>
      %swap3A_934 = arith.constant 16 : index
      %swap3A_935 = tpu.vector_load %arg18[%swap3A_934] {strides = array<i32>} : memref<32xf32, #tpu.memory_space<vmem>>, vector<16xf32>,
      tpu.vector_store %arg18[%swap3A_934], %exp3A_933 {strides = array<i32>} : memref<32xf32, #tpu.memory_space<vmem>>, vector<16xf32>,
      %mul3A_936 = arith.constant 2 : i32
      %mul3A_937 = arith.muli %mul3A_936, %scan3A_660 : i32
      %add3A_938 = arith.constant 2 : i32
      %add3A_939 = arith.addi %mul3A_937, %add3A_938 : i32
      %dma_wait3A_940 = arith.constant 0 : i32
      %dma_wait3A_941 = arith.constant 0 : i32
      %dma_wait3A_942 = tpu.memref_slice %arg22[%dma_wait3A_940, %dma_wait3A_941] : memref<80x128xf32, #tpu.memory_space<vmem>> -> memref<48x128xf32, #tpu.memory_space<vmem>>
      %dma_wait3A_943 = arith.constant 0 : i32
      %dma_wait3A_944 = arith.constant 0 : i32
      %dma_wait3A_945 = tpu.memref_slice %arg24[%dma_wait3A_943, %dma_wait3A_944] : memref<10000x128xf32, #tpu.memory_space<vmem_shared>> -> memref<10000x128xf32, #tpu.memory_space<vmem_shared>>
      tpu.wait_indirect_dma semaphore(%arg29 : memref<!tpu.dma_semaphore, #tpu.memory_space<semaphore_mem>>) src(%dma_wait3A_942 : memref<48x128xf32, #tpu.memory_space<vmem>>) dst(%dma_wait3A_945 : memref<10000x128xf32, #tpu.memory_space<vmem_shared>>)
      %dma_wait3A_946 = arith.constant 48 : i32
      %dma_wait3A_947 = arith.constant 0 : i32
      %dma_wait3A_948 = tpu.memref_slice %arg22[%dma_wait3A_946, %dma_wait3A_947] : memref<80x128xf32, #tpu.memory_space<vmem>> -> memref<32x128xf32, #tpu.memory_space<vmem>>
      %dma_wait3A_949 = arith.constant 0 : i32
      %dma_wait3A_950 = arith.constant 0 : i32
      %dma_wait3A_951 = tpu.memref_slice %arg24[%dma_wait3A_949, %dma_wait3A_950] : memref<10000x128xf32, #tpu.memory_space<vmem_shared>> -> memref<10000x128xf32, #tpu.memory_space<vmem_shared>>
      tpu.wait_indirect_dma semaphore(%arg29 : memref<!tpu.dma_semaphore, #tpu.memory_space<semaphore_mem>>) src(%dma_wait3A_948 : memref<32x128xf32, #tpu.memory_space<vmem>>) dst(%dma_wait3A_951 : memref<10000x128xf32, #tpu.memory_space<vmem_shared>>)
      %dma_wait3A_952 = arith.constant 0 : i32
      %dma_wait3A_953 = tpu.memref_slice %arg25[%dma_wait3A_952] : memref<10000xf32, #tpu.memory_space<vmem_shared>> -> memref<10000xf32, #tpu.memory_space<vmem_shared>>
      tpu.wait_indirect_dma semaphore(%arg29 : memref<!tpu.dma_semaphore, #tpu.memory_space<semaphore_mem>>) src(%arg19 : memref<48xf32, #tpu.memory_space<vmem>>) dst(%dma_wait3A_953 : memref<10000xf32, #tpu.memory_space<vmem_shared>>)
      %dma_wait3A_954 = arith.constant 0 : i32
      %dma_wait3A_955 = tpu.memref_slice %arg25[%dma_wait3A_954] : memref<10000xf32, #tpu.memory_space<vmem_shared>> -> memref<10000xf32, #tpu.memory_space<vmem_shared>>
      tpu.wait_indirect_dma semaphore(%arg29 : memref<!tpu.dma_semaphore, #tpu.memory_space<semaphore_mem>>) src(%arg20 : memref<32xf32, #tpu.memory_space<vmem>>) dst(%dma_wait3A_955 : memref<10000xf32, #tpu.memory_space<vmem_shared>>)
      %add3A_956 = arith.constant 1 : i32
      %add3A_957 = arith.addi %add3A_939, %add3A_956 : i32
      %jit3A_958 = arith.constant 25 : i32
      %eq3A_959 = arith.constant 0 : i32
      %eq3A_960 = arith.cmpi eq, %jit3A_958, %eq3A_959 : i32
      %jit3A_961 = arith.constant 1 : i32
      %select_n3A_962 = arith.select %eq3A_960, %jit3A_961, %jit3A_958 : i32
      %rem3A_963 = arith.remsi %add3A_957, %select_n3A_962 : i32
      %ne3A_964 = arith.constant 0 : i32
      %ne3A_965 = arith.cmpi ne, %rem3A_963, %ne3A_964 : i32
      %lt3A_966 = arith.constant 0 : i32
      %lt3A_967 = arith.cmpi slt, %rem3A_963, %lt3A_966 : i32
      %lt3A_968 = arith.constant 0 : i32
      %lt3A_969 = arith.cmpi slt, %select_n3A_962, %lt3A_968 : i32
      %ne3A_970 = arith.xori %lt3A_967, %lt3A_969 : i1
      %and3A_971 = arith.andi %ne3A_970, %ne3A_965 : i1
      %add3A_972 = arith.addi %rem3A_963, %select_n3A_962 : i32
      %select_n3A_973 = arith.select %and3A_971, %add3A_972, %rem3A_963 : i32
      %eq3A_974 = arith.constant 0 : i32
      %eq3A_975 = arith.cmpi eq, %select_n3A_973, %eq3A_974 : i32
      %convert_element_type3A_976 = arith.extui %eq3A_975 : i1 to i32
      %cond3A_977 = arith.constant 0 : i32
      %cond3A_978 = arith.cmpi ne, %convert_element_type3A_976, %cond3A_977 : i32
      scf.if %cond3A_978 {
        %jit3A_1217 = arith.constant 25 : i32
        %eq3A_1218 = arith.constant 0 : i32
        %eq3A_1219 = arith.cmpi eq, %jit3A_1217, %eq3A_1218 : i32
        %jit3A_1220 = arith.constant 1 : i32
        %select_n3A_1221 = arith.select %eq3A_1219, %jit3A_1220, %jit3A_1217 : i32
        %rem3A_1222 = arith.remsi %add3A_939, %select_n3A_1221 : i32
        %ne3A_1223 = arith.constant 0 : i32
        %ne3A_1224 = arith.cmpi ne, %rem3A_1222, %ne3A_1223 : i32
        %lt3A_1225 = arith.constant 0 : i32
        %lt3A_1226 = arith.cmpi slt, %rem3A_1222, %lt3A_1225 : i32
        %lt3A_1227 = arith.constant 0 : i32
        %lt3A_1228 = arith.cmpi slt, %select_n3A_1221, %lt3A_1227 : i32
        %ne3A_1229 = arith.xori %lt3A_1226, %lt3A_1228 : i1
        %and3A_1230 = arith.andi %ne3A_1229, %ne3A_1224 : i1
        %add3A_1231 = arith.addi %rem3A_1222, %select_n3A_1221 : i32
        %select_n3A_1232 = arith.select %and3A_1230, %add3A_1231, %rem3A_1222 : i32
        %mul3A_1233 = arith.constant 80 : i32
        %mul3A_1234 = arith.muli %select_n3A_1232, %mul3A_1233 : i32
        %multiple_of3A_1235 = tpu.assume_multiple %mul3A_1234, 8 : i32
        %dma_wait3A_1236 = tpu.memref_slice %arg11[%multiple_of3A_1235] : memref<2000xi32, #tpu.memory_space<vmem>> -> memref<80xi32, #tpu.memory_space<vmem>>
        %dma_wait3A_1237 = arith.constant 0 : i32
        %dma_wait3A_1238 = arith.constant 0 : i32
        %dma_wait3A_1239 = tpu.memref_slice %arg2[%dma_wait3A_1237, %dma_wait3A_1238] : memref<10000x128xf32, #tpu.memory_space<hbm>> -> memref<10000x128xf32, #tpu.memory_space<hbm>>
        tpu.wait_indirect_dma semaphore(%arg26 : memref<!tpu.dma_semaphore, #tpu.memory_space<semaphore_mem>>) src(%dma_wait3A_1239 : memref<10000x128xf32, #tpu.memory_space<hbm>>) dst(%arg21 : memref<80x128xf32, #tpu.memory_space<vmem>>)
        %add3A_1240 = arith.constant 1 : i32
        %add3A_1241 = arith.addi %add3A_939, %add3A_1240 : i32
        %jit3A_1242 = arith.constant 25 : i32
        %div3A = arith.divsi %add3A_1241, %jit3A_1242 : i32
        %sign3A = arith.constant 0 : i32
        %sign3A_1243 = arith.cmpi sgt, %add3A_1241, %sign3A : i32
        %sign3A_1244 = arith.extui %sign3A_1243 : i1 to i32
        %sign3A_1245 = arith.constant 0 : i32
        %sign3A_1246 = arith.cmpi slt, %add3A_1241, %sign3A_1245 : i32
        %sign3A_1247 = arith.extui %sign3A_1246 : i1 to i32
        %sign3A_1248 = arith.subi %sign3A_1244, %sign3A_1247 : i32
        %sign3A_1249 = arith.constant 0 : i32
        %sign3A_1250 = arith.cmpi sgt, %jit3A_1242, %sign3A_1249 : i32
        %sign3A_1251 = arith.extui %sign3A_1250 : i1 to i32
        %sign3A_1252 = arith.constant 0 : i32
        %sign3A_1253 = arith.cmpi slt, %jit3A_1242, %sign3A_1252 : i32
        %sign3A_1254 = arith.extui %sign3A_1253 : i1 to i32
        %sign3A_1255 = arith.subi %sign3A_1251, %sign3A_1254 : i32
        %ne3A_1256 = arith.cmpi ne, %sign3A_1248, %sign3A_1255 : i32
        %rem3A_1257 = arith.remsi %add3A_1241, %jit3A_1242 : i32
        %ne3A_1258 = arith.constant 0 : i32
        %ne3A_1259 = arith.cmpi ne, %rem3A_1257, %ne3A_1258 : i32
        %and3A_1260 = arith.andi %ne3A_1256, %ne3A_1259 : i1
        %sub3A_1261 = arith.constant 1 : i32
        %sub3A_1262 = arith.subi %div3A, %sub3A_1261 : i32
        %select_n3A_1263 = arith.select %and3A_1260, %sub3A_1262, %div3A : i32
        %mul3A_1264 = arith.constant 2000 : i32
        %mul3A_1265 = arith.muli %select_n3A_1263, %mul3A_1264 : i32
        %add3A_1266 = arith.addi %mul3A_2, %mul3A_1265 : i32
        %multiple_of3A_1267 = tpu.assume_multiple %add3A_1266, 8 : i32
        "tpu.region"() ({
          %run_scoped3A = tpu.sem_alloc : memref<!tpu.dma_semaphore, #tpu.memory_space<semaphore_mem>>
          %dma_start3A_1268 = tpu.memref_slice %arg5[%multiple_of3A_1267] : memref<320000xi32, #tpu.memory_space<hbm>> -> memref<2000xi32, #tpu.memory_space<hbm>>
          %dma_start3A_1269 = tpu.memref_slice %arg5[%multiple_of3A_1267] : memref<320000xi32, #tpu.memory_space<hbm>> -> memref<2000xi32, #tpu.memory_space<hbm>>
          tpu.enqueue_dma source(%dma_start3A_1269 : memref<2000xi32, #tpu.memory_space<hbm>>) target(%arg11 : memref<2000xi32, #tpu.memory_space<vmem>>) target_semaphore(%run_scoped3A : memref<!tpu.dma_semaphore, #tpu.memory_space<semaphore_mem>>)
          %dma_wait3A_1270 = tpu.memref_slice %arg5[%multiple_of3A_1267] : memref<320000xi32, #tpu.memory_space<hbm>> -> memref<2000xi32, #tpu.memory_space<hbm>>
          %dma_wait3A_1271 = tpu.memref_slice %arg5[%multiple_of3A_1267] : memref<320000xi32, #tpu.memory_space<hbm>> -> memref<2000xi32, #tpu.memory_space<hbm>>
          tpu.wait_dma2 semaphore(%run_scoped3A : memref<!tpu.dma_semaphore, #tpu.memory_space<semaphore_mem>>) src(%dma_wait3A_1271 : memref<2000xi32, #tpu.memory_space<hbm>>) dst(%arg11 : memref<2000xi32, #tpu.memory_space<vmem>>)
          tpu.yield
        }) : () -> ()
        "tpu.region"() ({
          %run_scoped3A = tpu.sem_alloc : memref<!tpu.dma_semaphore, #tpu.memory_space<semaphore_mem>>
          %dma_start3A_1268 = tpu.memref_slice %arg6[%multiple_of3A_1267] : memref<320000xi32, #tpu.memory_space<hbm>> -> memref<2000xi32, #tpu.memory_space<hbm>>
          %dma_start3A_1269 = tpu.memref_slice %arg6[%multiple_of3A_1267] : memref<320000xi32, #tpu.memory_space<hbm>> -> memref<2000xi32, #tpu.memory_space<hbm>>
          tpu.enqueue_dma source(%dma_start3A_1269 : memref<2000xi32, #tpu.memory_space<hbm>>) target(%arg12 : memref<2000xi32, #tpu.memory_space<vmem>>) target_semaphore(%run_scoped3A : memref<!tpu.dma_semaphore, #tpu.memory_space<semaphore_mem>>)
          %dma_wait3A_1270 = tpu.memref_slice %arg6[%multiple_of3A_1267] : memref<320000xi32, #tpu.memory_space<hbm>> -> memref<2000xi32, #tpu.memory_space<hbm>>
          %dma_wait3A_1271 = tpu.memref_slice %arg6[%multiple_of3A_1267] : memref<320000xi32, #tpu.memory_space<hbm>> -> memref<2000xi32, #tpu.memory_space<hbm>>
          tpu.wait_dma2 semaphore(%run_scoped3A : memref<!tpu.dma_semaphore, #tpu.memory_space<semaphore_mem>>) src(%dma_wait3A_1271 : memref<2000xi32, #tpu.memory_space<hbm>>) dst(%arg12 : memref<2000xi32, #tpu.memory_space<vmem>>)
          tpu.yield
        }) : () -> ()
      } else {
      }
      %add3A_979 = arith.constant 1 : i32
      %add3A_980 = arith.addi %add3A_939, %add3A_979 : i32
      %jit3A_981 = arith.constant 25 : i32
      %eq3A_982 = arith.constant 0 : i32
      %eq3A_983 = arith.cmpi eq, %jit3A_981, %eq3A_982 : i32
      %jit3A_984 = arith.constant 1 : i32
      %select_n3A_985 = arith.select %eq3A_983, %jit3A_984, %jit3A_981 : i32
      %rem3A_986 = arith.remsi %add3A_980, %select_n3A_985 : i32
      %ne3A_987 = arith.constant 0 : i32
      %ne3A_988 = arith.cmpi ne, %rem3A_986, %ne3A_987 : i32
      %lt3A_989 = arith.constant 0 : i32
      %lt3A_990 = arith.cmpi slt, %rem3A_986, %lt3A_989 : i32
      %lt3A_991 = arith.constant 0 : i32
      %lt3A_992 = arith.cmpi slt, %select_n3A_985, %lt3A_991 : i32
      %ne3A_993 = arith.xori %lt3A_990, %lt3A_992 : i1
      %and3A_994 = arith.andi %ne3A_993, %ne3A_988 : i1
      %add3A_995 = arith.addi %rem3A_986, %select_n3A_985 : i32
      %select_n3A_996 = arith.select %and3A_994, %add3A_995, %rem3A_986 : i32
      %mul3A_997 = arith.constant 80 : i32
      %mul3A_998 = arith.muli %select_n3A_996, %mul3A_997 : i32
      %multiple_of3A_999 = tpu.assume_multiple %mul3A_998, 8 : i32
      %dma_start3A_1000 = tpu.memref_slice %arg11[%multiple_of3A_999] : memref<2000xi32, #tpu.memory_space<vmem>> -> memref<80xi32, #tpu.memory_space<vmem>>
      %dma_start3A_1001 = arith.constant 0 : i32
      %dma_start3A_1002 = arith.constant 0 : i32
      %dma_start3A_1003 = tpu.memref_slice %arg2[%dma_start3A_1001, %dma_start3A_1002] : memref<10000x128xf32, #tpu.memory_space<hbm>> -> memref<10000x128xf32, #tpu.memory_space<hbm>>
      tpu.enqueue_indirect_dma source(%dma_start3A_1003 : memref<10000x128xf32, #tpu.memory_space<hbm>>) target(%arg22 : memref<80x128xf32, #tpu.memory_space<vmem>>) offsets(%dma_start3A_1000 : memref<80xi32, #tpu.memory_space<vmem>>) semaphore(%arg27 : memref<!tpu.dma_semaphore, #tpu.memory_space<semaphore_mem>>)
      %not3A_1004 = arith.constant true
      %not3A_1005 = arith.xori %eq3A_975, %not3A_1004 : i1
      %convert_element_type3A_1006 = arith.extui %not3A_1005 : i1 to i32
      %cond3A_1007 = arith.constant 0 : i32
      %cond3A_1008 = arith.cmpi ne, %convert_element_type3A_1006, %cond3A_1007 : i32
      scf.if %cond3A_1008 {
        %jit3A_1217 = arith.constant 25 : i32
        %eq3A_1218 = arith.constant 0 : i32
        %eq3A_1219 = arith.cmpi eq, %jit3A_1217, %eq3A_1218 : i32
        %jit3A_1220 = arith.constant 1 : i32
        %select_n3A_1221 = arith.select %eq3A_1219, %jit3A_1220, %jit3A_1217 : i32
        %rem3A_1222 = arith.remsi %add3A_939, %select_n3A_1221 : i32
        %ne3A_1223 = arith.constant 0 : i32
        %ne3A_1224 = arith.cmpi ne, %rem3A_1222, %ne3A_1223 : i32
        %lt3A_1225 = arith.constant 0 : i32
        %lt3A_1226 = arith.cmpi slt, %rem3A_1222, %lt3A_1225 : i32
        %lt3A_1227 = arith.constant 0 : i32
        %lt3A_1228 = arith.cmpi slt, %select_n3A_1221, %lt3A_1227 : i32
        %ne3A_1229 = arith.xori %lt3A_1226, %lt3A_1228 : i1
        %and3A_1230 = arith.andi %ne3A_1229, %ne3A_1224 : i1
        %add3A_1231 = arith.addi %rem3A_1222, %select_n3A_1221 : i32
        %select_n3A_1232 = arith.select %and3A_1230, %add3A_1231, %rem3A_1222 : i32
        %mul3A_1233 = arith.constant 80 : i32
        %mul3A_1234 = arith.muli %select_n3A_1232, %mul3A_1233 : i32
        %multiple_of3A_1235 = tpu.assume_multiple %mul3A_1234, 8 : i32
        %dma_wait3A_1236 = tpu.memref_slice %arg11[%multiple_of3A_1235] : memref<2000xi32, #tpu.memory_space<vmem>> -> memref<80xi32, #tpu.memory_space<vmem>>
        %dma_wait3A_1237 = arith.constant 0 : i32
        %dma_wait3A_1238 = arith.constant 0 : i32
        %dma_wait3A_1239 = tpu.memref_slice %arg2[%dma_wait3A_1237, %dma_wait3A_1238] : memref<10000x128xf32, #tpu.memory_space<hbm>> -> memref<10000x128xf32, #tpu.memory_space<hbm>>
        tpu.wait_indirect_dma semaphore(%arg26 : memref<!tpu.dma_semaphore, #tpu.memory_space<semaphore_mem>>) src(%dma_wait3A_1239 : memref<10000x128xf32, #tpu.memory_space<hbm>>) dst(%arg21 : memref<80x128xf32, #tpu.memory_space<vmem>>)
      } else {
      }
      %parallel_loop3A_1009 = arith.constant 0 : i32
      %parallel_loop3A_1010 = arith.constant 48 : i32
      %parallel_loop3A_1011 = arith.constant 1 : i32
      scf.for %parallel_loop3A_1217 = %parallel_loop3A_1009 to %parallel_loop3A_1010 step %parallel_loop3A_1011  : i32 {
        %parallel_loop3A_1218 = arith.constant 0 : i32
        %parallel_loop3A_1219 = arith.subi %parallel_loop3A_1217, %parallel_loop3A_1218 : i32
        %parallel_loop3A_1220 = vector.broadcast %parallel_loop3A_1219 : i32 to vector<16xi32>
        %parallel_loop3A_1221 = tpu.vector_load_idx %arg17[%parallel_loop3A_1220] : memref<48xf32, #tpu.memory_space<vmem>>[vector<16xi32>], vector<16xf32>,
        %parallel_loop3A_1222 = arith.index_cast %parallel_loop3A_1217 : i32 to index
        %parallel_loop3A_1223 = arith.constant 0 : index
        %parallel_loop3A_1224 = tpu.vector_load %arg21[%parallel_loop3A_1222, %parallel_loop3A_1223] {strides = array<i32>} : memref<80x128xf32, #tpu.memory_space<vmem>>, vector<16xf32>,
        %parallel_loop3A_1225 = arith.mulf %parallel_loop3A_1224, %parallel_loop3A_1221 : vector<16xf32>
        %parallel_loop3A_1226 = arith.index_cast %parallel_loop3A_1217 : i32 to index
        %parallel_loop3A_1227 = arith.constant 0 : index
        %parallel_loop3A_1228 = tpu.vector_load %arg21[%parallel_loop3A_1226, %parallel_loop3A_1227] {strides = array<i32>} : memref<80x128xf32, #tpu.memory_space<vmem>>, vector<16xf32>,
        tpu.vector_store %arg21[%parallel_loop3A_1226, %parallel_loop3A_1227], %parallel_loop3A_1225 {strides = array<i32>} : memref<80x128xf32, #tpu.memory_space<vmem>>, vector<16xf32>,
        %parallel_loop3A_1229 = arith.index_cast %parallel_loop3A_1217 : i32 to index
        %parallel_loop3A_1230 = arith.constant 16 : index
        %parallel_loop3A_1231 = tpu.vector_load %arg21[%parallel_loop3A_1229, %parallel_loop3A_1230] {strides = array<i32>} : memref<80x128xf32, #tpu.memory_space<vmem>>, vector<16xf32>,
        %parallel_loop3A_1232 = arith.mulf %parallel_loop3A_1231, %parallel_loop3A_1221 : vector<16xf32>
        %parallel_loop3A_1233 = arith.index_cast %parallel_loop3A_1217 : i32 to index
        %parallel_loop3A_1234 = arith.constant 16 : index
        %parallel_loop3A_1235 = tpu.vector_load %arg21[%parallel_loop3A_1233, %parallel_loop3A_1234] {strides = array<i32>} : memref<80x128xf32, #tpu.memory_space<vmem>>, vector<16xf32>,
        tpu.vector_store %arg21[%parallel_loop3A_1233, %parallel_loop3A_1234], %parallel_loop3A_1232 {strides = array<i32>} : memref<80x128xf32, #tpu.memory_space<vmem>>, vector<16xf32>,
        %parallel_loop3A_1236 = arith.index_cast %parallel_loop3A_1217 : i32 to index
        %parallel_loop3A_1237 = arith.constant 32 : index
        %parallel_loop3A_1238 = tpu.vector_load %arg21[%parallel_loop3A_1236, %parallel_loop3A_1237] {strides = array<i32>} : memref<80x128xf32, #tpu.memory_space<vmem>>, vector<16xf32>,
        %parallel_loop3A_1239 = arith.mulf %parallel_loop3A_1238, %parallel_loop3A_1221 : vector<16xf32>
        %parallel_loop3A_1240 = arith.index_cast %parallel_loop3A_1217 : i32 to index
        %parallel_loop3A_1241 = arith.constant 32 : index
        %parallel_loop3A_1242 = tpu.vector_load %arg21[%parallel_loop3A_1240, %parallel_loop3A_1241] {strides = array<i32>} : memref<80x128xf32, #tpu.memory_space<vmem>>, vector<16xf32>,
        tpu.vector_store %arg21[%parallel_loop3A_1240, %parallel_loop3A_1241], %parallel_loop3A_1239 {strides = array<i32>} : memref<80x128xf32, #tpu.memory_space<vmem>>, vector<16xf32>,
        %parallel_loop3A_1243 = arith.index_cast %parallel_loop3A_1217 : i32 to index
        %parallel_loop3A_1244 = arith.constant 48 : index
        %parallel_loop3A_1245 = tpu.vector_load %arg21[%parallel_loop3A_1243, %parallel_loop3A_1244] {strides = array<i32>} : memref<80x128xf32, #tpu.memory_space<vmem>>, vector<16xf32>,
        %parallel_loop3A_1246 = arith.mulf %parallel_loop3A_1245, %parallel_loop3A_1221 : vector<16xf32>
        %parallel_loop3A_1247 = arith.index_cast %parallel_loop3A_1217 : i32 to index
        %parallel_loop3A_1248 = arith.constant 48 : index
        %parallel_loop3A_1249 = tpu.vector_load %arg21[%parallel_loop3A_1247, %parallel_loop3A_1248] {strides = array<i32>} : memref<80x128xf32, #tpu.memory_space<vmem>>, vector<16xf32>,
        tpu.vector_store %arg21[%parallel_loop3A_1247, %parallel_loop3A_1248], %parallel_loop3A_1246 {strides = array<i32>} : memref<80x128xf32, #tpu.memory_space<vmem>>, vector<16xf32>,
        %parallel_loop3A_1250 = arith.index_cast %parallel_loop3A_1217 : i32 to index
        %parallel_loop3A_1251 = arith.constant 64 : index
        %parallel_loop3A_1252 = tpu.vector_load %arg21[%parallel_loop3A_1250, %parallel_loop3A_1251] {strides = array<i32>} : memref<80x128xf32, #tpu.memory_space<vmem>>, vector<16xf32>,
        %parallel_loop3A_1253 = arith.mulf %parallel_loop3A_1252, %parallel_loop3A_1221 : vector<16xf32>
        %parallel_loop3A_1254 = arith.index_cast %parallel_loop3A_1217 : i32 to index
        %parallel_loop3A_1255 = arith.constant 64 : index
        %parallel_loop3A_1256 = tpu.vector_load %arg21[%parallel_loop3A_1254, %parallel_loop3A_1255] {strides = array<i32>} : memref<80x128xf32, #tpu.memory_space<vmem>>, vector<16xf32>,
        tpu.vector_store %arg21[%parallel_loop3A_1254, %parallel_loop3A_1255], %parallel_loop3A_1253 {strides = array<i32>} : memref<80x128xf32, #tpu.memory_space<vmem>>, vector<16xf32>,
        %parallel_loop3A_1257 = arith.index_cast %parallel_loop3A_1217 : i32 to index
        %parallel_loop3A_1258 = arith.constant 80 : index
        %parallel_loop3A_1259 = tpu.vector_load %arg21[%parallel_loop3A_1257, %parallel_loop3A_1258] {strides = array<i32>} : memref<80x128xf32, #tpu.memory_space<vmem>>, vector<16xf32>,
        %parallel_loop3A_1260 = arith.mulf %parallel_loop3A_1259, %parallel_loop3A_1221 : vector<16xf32>
        %parallel_loop3A_1261 = arith.index_cast %parallel_loop3A_1217 : i32 to index
        %parallel_loop3A_1262 = arith.constant 80 : index
        %parallel_loop3A_1263 = tpu.vector_load %arg21[%parallel_loop3A_1261, %parallel_loop3A_1262] {strides = array<i32>} : memref<80x128xf32, #tpu.memory_space<vmem>>, vector<16xf32>,
        tpu.vector_store %arg21[%parallel_loop3A_1261, %parallel_loop3A_1262], %parallel_loop3A_1260 {strides = array<i32>} : memref<80x128xf32, #tpu.memory_space<vmem>>, vector<16xf32>,
        %parallel_loop3A_1264 = arith.index_cast %parallel_loop3A_1217 : i32 to index
        %parallel_loop3A_1265 = arith.constant 96 : index
        %parallel_loop3A_1266 = tpu.vector_load %arg21[%parallel_loop3A_1264, %parallel_loop3A_1265] {strides = array<i32>} : memref<80x128xf32, #tpu.memory_space<vmem>>, vector<16xf32>,
        %parallel_loop3A_1267 = arith.mulf %parallel_loop3A_1266, %parallel_loop3A_1221 : vector<16xf32>
        %parallel_loop3A_1268 = arith.index_cast %parallel_loop3A_1217 : i32 to index
        %parallel_loop3A_1269 = arith.constant 96 : index
        %parallel_loop3A_1270 = tpu.vector_load %arg21[%parallel_loop3A_1268, %parallel_loop3A_1269] {strides = array<i32>} : memref<80x128xf32, #tpu.memory_space<vmem>>, vector<16xf32>,
        tpu.vector_store %arg21[%parallel_loop3A_1268, %parallel_loop3A_1269], %parallel_loop3A_1267 {strides = array<i32>} : memref<80x128xf32, #tpu.memory_space<vmem>>, vector<16xf32>,
        %parallel_loop3A_1271 = arith.index_cast %parallel_loop3A_1217 : i32 to index
        %parallel_loop3A_1272 = arith.constant 112 : index
        %parallel_loop3A_1273 = tpu.vector_load %arg21[%parallel_loop3A_1271, %parallel_loop3A_1272] {strides = array<i32>} : memref<80x128xf32, #tpu.memory_space<vmem>>, vector<16xf32>,
        %parallel_loop3A_1274 = arith.mulf %parallel_loop3A_1273, %parallel_loop3A_1221 : vector<16xf32>
        %parallel_loop3A_1275 = arith.index_cast %parallel_loop3A_1217 : i32 to index
        %parallel_loop3A_1276 = arith.constant 112 : index
        %parallel_loop3A_1277 = tpu.vector_load %arg21[%parallel_loop3A_1275, %parallel_loop3A_1276] {strides = array<i32>} : memref<80x128xf32, #tpu.memory_space<vmem>>, vector<16xf32>,
        tpu.vector_store %arg21[%parallel_loop3A_1275, %parallel_loop3A_1276], %parallel_loop3A_1274 {strides = array<i32>} : memref<80x128xf32, #tpu.memory_space<vmem>>, vector<16xf32>,
      } {sc.loop_unroll_factor = 4 : i64, sc.parallel_access}
      %dma_start3A_1012 = arith.constant 0 : i32
      %dma_start3A_1013 = arith.constant 0 : i32
      %dma_start3A_1014 = tpu.memref_slice %arg21[%dma_start3A_1012, %dma_start3A_1013] : memref<80x128xf32, #tpu.memory_space<vmem>> -> memref<48x128xf32, #tpu.memory_space<vmem>>
      %dma_start3A_1015 = arith.constant 0 : i32
      %dma_start3A_1016 = arith.constant 0 : i32
      %dma_start3A_1017 = tpu.memref_slice %arg24[%dma_start3A_1015, %dma_start3A_1016] : memref<10000x128xf32, #tpu.memory_space<vmem_shared>> -> memref<10000x128xf32, #tpu.memory_space<vmem_shared>>
      tpu.enqueue_indirect_dma source(%dma_start3A_1014 : memref<48x128xf32, #tpu.memory_space<vmem>>) target(%dma_start3A_1017 : memref<10000x128xf32, #tpu.memory_space<vmem_shared>>) offsets(%arg13 : memref<48xi32, #tpu.memory_space<vmem>>) semaphore(%arg28 : memref<!tpu.dma_semaphore, #tpu.memory_space<semaphore_mem>>) {add = true}
      %parallel_loop3A_1018 = arith.constant 48 : i32
      %parallel_loop3A_1019 = arith.constant 80 : i32
      %parallel_loop3A_1020 = arith.constant 1 : i32
      scf.for %parallel_loop3A_1217 = %parallel_loop3A_1018 to %parallel_loop3A_1019 step %parallel_loop3A_1020  : i32 {
        %parallel_loop3A_1218 = arith.constant 48 : i32
        %parallel_loop3A_1219 = arith.subi %parallel_loop3A_1217, %parallel_loop3A_1218 : i32
        %parallel_loop3A_1220 = vector.broadcast %parallel_loop3A_1219 : i32 to vector<16xi32>
        %parallel_loop3A_1221 = tpu.vector_load_idx %arg18[%parallel_loop3A_1220] : memref<32xf32, #tpu.memory_space<vmem>>[vector<16xi32>], vector<16xf32>,
        %parallel_loop3A_1222 = arith.index_cast %parallel_loop3A_1217 : i32 to index
        %parallel_loop3A_1223 = arith.constant 0 : index
        %parallel_loop3A_1224 = tpu.vector_load %arg21[%parallel_loop3A_1222, %parallel_loop3A_1223] {strides = array<i32>} : memref<80x128xf32, #tpu.memory_space<vmem>>, vector<16xf32>,
        %parallel_loop3A_1225 = arith.mulf %parallel_loop3A_1224, %parallel_loop3A_1221 : vector<16xf32>
        %parallel_loop3A_1226 = arith.index_cast %parallel_loop3A_1217 : i32 to index
        %parallel_loop3A_1227 = arith.constant 0 : index
        %parallel_loop3A_1228 = tpu.vector_load %arg21[%parallel_loop3A_1226, %parallel_loop3A_1227] {strides = array<i32>} : memref<80x128xf32, #tpu.memory_space<vmem>>, vector<16xf32>,
        tpu.vector_store %arg21[%parallel_loop3A_1226, %parallel_loop3A_1227], %parallel_loop3A_1225 {strides = array<i32>} : memref<80x128xf32, #tpu.memory_space<vmem>>, vector<16xf32>,
        %parallel_loop3A_1229 = arith.index_cast %parallel_loop3A_1217 : i32 to index
        %parallel_loop3A_1230 = arith.constant 16 : index
        %parallel_loop3A_1231 = tpu.vector_load %arg21[%parallel_loop3A_1229, %parallel_loop3A_1230] {strides = array<i32>} : memref<80x128xf32, #tpu.memory_space<vmem>>, vector<16xf32>,
        %parallel_loop3A_1232 = arith.mulf %parallel_loop3A_1231, %parallel_loop3A_1221 : vector<16xf32>
        %parallel_loop3A_1233 = arith.index_cast %parallel_loop3A_1217 : i32 to index
        %parallel_loop3A_1234 = arith.constant 16 : index
        %parallel_loop3A_1235 = tpu.vector_load %arg21[%parallel_loop3A_1233, %parallel_loop3A_1234] {strides = array<i32>} : memref<80x128xf32, #tpu.memory_space<vmem>>, vector<16xf32>,
        tpu.vector_store %arg21[%parallel_loop3A_1233, %parallel_loop3A_1234], %parallel_loop3A_1232 {strides = array<i32>} : memref<80x128xf32, #tpu.memory_space<vmem>>, vector<16xf32>,
        %parallel_loop3A_1236 = arith.index_cast %parallel_loop3A_1217 : i32 to index
        %parallel_loop3A_1237 = arith.constant 32 : index
        %parallel_loop3A_1238 = tpu.vector_load %arg21[%parallel_loop3A_1236, %parallel_loop3A_1237] {strides = array<i32>} : memref<80x128xf32, #tpu.memory_space<vmem>>, vector<16xf32>,
        %parallel_loop3A_1239 = arith.mulf %parallel_loop3A_1238, %parallel_loop3A_1221 : vector<16xf32>
        %parallel_loop3A_1240 = arith.index_cast %parallel_loop3A_1217 : i32 to index
        %parallel_loop3A_1241 = arith.constant 32 : index
        %parallel_loop3A_1242 = tpu.vector_load %arg21[%parallel_loop3A_1240, %parallel_loop3A_1241] {strides = array<i32>} : memref<80x128xf32, #tpu.memory_space<vmem>>, vector<16xf32>,
        tpu.vector_store %arg21[%parallel_loop3A_1240, %parallel_loop3A_1241], %parallel_loop3A_1239 {strides = array<i32>} : memref<80x128xf32, #tpu.memory_space<vmem>>, vector<16xf32>,
        %parallel_loop3A_1243 = arith.index_cast %parallel_loop3A_1217 : i32 to index
        %parallel_loop3A_1244 = arith.constant 48 : index
        %parallel_loop3A_1245 = tpu.vector_load %arg21[%parallel_loop3A_1243, %parallel_loop3A_1244] {strides = array<i32>} : memref<80x128xf32, #tpu.memory_space<vmem>>, vector<16xf32>,
        %parallel_loop3A_1246 = arith.mulf %parallel_loop3A_1245, %parallel_loop3A_1221 : vector<16xf32>
        %parallel_loop3A_1247 = arith.index_cast %parallel_loop3A_1217 : i32 to index
        %parallel_loop3A_1248 = arith.constant 48 : index
        %parallel_loop3A_1249 = tpu.vector_load %arg21[%parallel_loop3A_1247, %parallel_loop3A_1248] {strides = array<i32>} : memref<80x128xf32, #tpu.memory_space<vmem>>, vector<16xf32>,
        tpu.vector_store %arg21[%parallel_loop3A_1247, %parallel_loop3A_1248], %parallel_loop3A_1246 {strides = array<i32>} : memref<80x128xf32, #tpu.memory_space<vmem>>, vector<16xf32>,
        %parallel_loop3A_1250 = arith.index_cast %parallel_loop3A_1217 : i32 to index
        %parallel_loop3A_1251 = arith.constant 64 : index
        %parallel_loop3A_1252 = tpu.vector_load %arg21[%parallel_loop3A_1250, %parallel_loop3A_1251] {strides = array<i32>} : memref<80x128xf32, #tpu.memory_space<vmem>>, vector<16xf32>,
        %parallel_loop3A_1253 = arith.mulf %parallel_loop3A_1252, %parallel_loop3A_1221 : vector<16xf32>
        %parallel_loop3A_1254 = arith.index_cast %parallel_loop3A_1217 : i32 to index
        %parallel_loop3A_1255 = arith.constant 64 : index
        %parallel_loop3A_1256 = tpu.vector_load %arg21[%parallel_loop3A_1254, %parallel_loop3A_1255] {strides = array<i32>} : memref<80x128xf32, #tpu.memory_space<vmem>>, vector<16xf32>,
        tpu.vector_store %arg21[%parallel_loop3A_1254, %parallel_loop3A_1255], %parallel_loop3A_1253 {strides = array<i32>} : memref<80x128xf32, #tpu.memory_space<vmem>>, vector<16xf32>,
        %parallel_loop3A_1257 = arith.index_cast %parallel_loop3A_1217 : i32 to index
        %parallel_loop3A_1258 = arith.constant 80 : index
        %parallel_loop3A_1259 = tpu.vector_load %arg21[%parallel_loop3A_1257, %parallel_loop3A_1258] {strides = array<i32>} : memref<80x128xf32, #tpu.memory_space<vmem>>, vector<16xf32>,
        %parallel_loop3A_1260 = arith.mulf %parallel_loop3A_1259, %parallel_loop3A_1221 : vector<16xf32>
        %parallel_loop3A_1261 = arith.index_cast %parallel_loop3A_1217 : i32 to index
        %parallel_loop3A_1262 = arith.constant 80 : index
        %parallel_loop3A_1263 = tpu.vector_load %arg21[%parallel_loop3A_1261, %parallel_loop3A_1262] {strides = array<i32>} : memref<80x128xf32, #tpu.memory_space<vmem>>, vector<16xf32>,
        tpu.vector_store %arg21[%parallel_loop3A_1261, %parallel_loop3A_1262], %parallel_loop3A_1260 {strides = array<i32>} : memref<80x128xf32, #tpu.memory_space<vmem>>, vector<16xf32>,
        %parallel_loop3A_1264 = arith.index_cast %parallel_loop3A_1217 : i32 to index
        %parallel_loop3A_1265 = arith.constant 96 : index
        %parallel_loop3A_1266 = tpu.vector_load %arg21[%parallel_loop3A_1264, %parallel_loop3A_1265] {strides = array<i32>} : memref<80x128xf32, #tpu.memory_space<vmem>>, vector<16xf32>,
        %parallel_loop3A_1267 = arith.mulf %parallel_loop3A_1266, %parallel_loop3A_1221 : vector<16xf32>
        %parallel_loop3A_1268 = arith.index_cast %parallel_loop3A_1217 : i32 to index
        %parallel_loop3A_1269 = arith.constant 96 : index
        %parallel_loop3A_1270 = tpu.vector_load %arg21[%parallel_loop3A_1268, %parallel_loop3A_1269] {strides = array<i32>} : memref<80x128xf32, #tpu.memory_space<vmem>>, vector<16xf32>,
        tpu.vector_store %arg21[%parallel_loop3A_1268, %parallel_loop3A_1269], %parallel_loop3A_1267 {strides = array<i32>} : memref<80x128xf32, #tpu.memory_space<vmem>>, vector<16xf32>,
        %parallel_loop3A_1271 = arith.index_cast %parallel_loop3A_1217 : i32 to index
        %parallel_loop3A_1272 = arith.constant 112 : index
        %parallel_loop3A_1273 = tpu.vector_load %arg21[%parallel_loop3A_1271, %parallel_loop3A_1272] {strides = array<i32>} : memref<80x128xf32, #tpu.memory_space<vmem>>, vector<16xf32>,
        %parallel_loop3A_1274 = arith.mulf %parallel_loop3A_1273, %parallel_loop3A_1221 : vector<16xf32>
        %parallel_loop3A_1275 = arith.index_cast %parallel_loop3A_1217 : i32 to index
        %parallel_loop3A_1276 = arith.constant 112 : index
        %parallel_loop3A_1277 = tpu.vector_load %arg21[%parallel_loop3A_1275, %parallel_loop3A_1276] {strides = array<i32>} : memref<80x128xf32, #tpu.memory_space<vmem>>, vector<16xf32>,
        tpu.vector_store %arg21[%parallel_loop3A_1275, %parallel_loop3A_1276], %parallel_loop3A_1274 {strides = array<i32>} : memref<80x128xf32, #tpu.memory_space<vmem>>, vector<16xf32>,
      } {sc.loop_unroll_factor = 4 : i64, sc.parallel_access}
      %dma_start3A_1021 = arith.constant 48 : i32
      %dma_start3A_1022 = arith.constant 0 : i32
      %dma_start3A_1023 = tpu.memref_slice %arg21[%dma_start3A_1021, %dma_start3A_1022] : memref<80x128xf32, #tpu.memory_space<vmem>> -> memref<32x128xf32, #tpu.memory_space<vmem>>
      %dma_start3A_1024 = arith.constant 0 : i32
      %dma_start3A_1025 = arith.constant 0 : i32
      %dma_start3A_1026 = tpu.memref_slice %arg24[%dma_start3A_1024, %dma_start3A_1025] : memref<10000x128xf32, #tpu.memory_space<vmem_shared>> -> memref<10000x128xf32, #tpu.memory_space<vmem_shared>>
      tpu.enqueue_indirect_dma source(%dma_start3A_1023 : memref<32x128xf32, #tpu.memory_space<vmem>>) target(%dma_start3A_1026 : memref<10000x128xf32, #tpu.memory_space<vmem_shared>>) offsets(%arg14 : memref<32xi32, #tpu.memory_space<vmem>>) semaphore(%arg28 : memref<!tpu.dma_semaphore, #tpu.memory_space<semaphore_mem>>) {add = true}
      %dma_start3A_1027 = arith.constant 0 : i32
      %dma_start3A_1028 = tpu.memref_slice %arg25[%dma_start3A_1027] : memref<10000xf32, #tpu.memory_space<vmem_shared>> -> memref<10000xf32, #tpu.memory_space<vmem_shared>>
      tpu.enqueue_indirect_dma source(%arg17 : memref<48xf32, #tpu.memory_space<vmem>>) target(%dma_start3A_1028 : memref<10000xf32, #tpu.memory_space<vmem_shared>>) offsets(%arg13 : memref<48xi32, #tpu.memory_space<vmem>>) semaphore(%arg28 : memref<!tpu.dma_semaphore, #tpu.memory_space<semaphore_mem>>) {add = true}
      %dma_start3A_1029 = arith.constant 0 : i32
      %dma_start3A_1030 = tpu.memref_slice %arg25[%dma_start3A_1029] : memref<10000xf32, #tpu.memory_space<vmem_shared>> -> memref<10000xf32, #tpu.memory_space<vmem_shared>>
      tpu.enqueue_indirect_dma source(%arg18 : memref<32xf32, #tpu.memory_space<vmem>>) target(%dma_start3A_1030 : memref<10000xf32, #tpu.memory_space<vmem_shared>>) offsets(%arg14 : memref<32xi32, #tpu.memory_space<vmem>>) semaphore(%arg28 : memref<!tpu.dma_semaphore, #tpu.memory_space<semaphore_mem>>) {add = true}
      %add3A_1031 = arith.constant 1 : i32
      %add3A_1032 = arith.addi %add3A_939, %add3A_1031 : i32
      %jit3A_1033 = arith.constant 25 : i32
      %eq3A_1034 = arith.constant 0 : i32
      %eq3A_1035 = arith.cmpi eq, %jit3A_1033, %eq3A_1034 : i32
      %jit3A_1036 = arith.constant 1 : i32
      %select_n3A_1037 = arith.select %eq3A_1035, %jit3A_1036, %jit3A_1033 : i32
      %rem3A_1038 = arith.remsi %add3A_1032, %select_n3A_1037 : i32
      %ne3A_1039 = arith.constant 0 : i32
      %ne3A_1040 = arith.cmpi ne, %rem3A_1038, %ne3A_1039 : i32
      %lt3A_1041 = arith.constant 0 : i32
      %lt3A_1042 = arith.cmpi slt, %rem3A_1038, %lt3A_1041 : i32
      %lt3A_1043 = arith.constant 0 : i32
      %lt3A_1044 = arith.cmpi slt, %select_n3A_1037, %lt3A_1043 : i32
      %ne3A_1045 = arith.xori %lt3A_1042, %lt3A_1044 : i1
      %and3A_1046 = arith.andi %ne3A_1045, %ne3A_1040 : i1
      %add3A_1047 = arith.addi %rem3A_1038, %select_n3A_1037 : i32
      %select_n3A_1048 = arith.select %and3A_1046, %add3A_1047, %rem3A_1038 : i32
      %mul3A_1049 = arith.constant 80 : i32
      %mul3A_1050 = arith.muli %select_n3A_1048, %mul3A_1049 : i32
      %add3A_1051 = arith.constant 0 : i32
      %add3A_1052 = arith.addi %mul3A_1050, %add3A_1051 : i32
      %get3A_1053 = arith.index_cast %add3A_1052 : i32 to index
      %get3A_1054 = tpu.vector_load %arg11[%get3A_1053] {strides = array<i32>} : memref<2000xi32, #tpu.memory_space<vmem>>, vector<16xi32>,
      %add3A_1055 = arith.constant 0 : i32
      %add3A_1056 = arith.addi %mul3A_1050, %add3A_1055 : i32
      %get3A_1057 = arith.index_cast %add3A_1056 : i32 to index
      %get3A_1058 = tpu.vector_load %arg12[%get3A_1057] {strides = array<i32>} : memref<2000xi32, #tpu.memory_space<vmem>>, vector<16xi32>,
      %swap3A_1059 = arith.constant 0 : index
      %swap3A_1060 = tpu.vector_load %arg15[%swap3A_1059] {strides = array<i32>} : memref<48xi32, #tpu.memory_space<vmem>>, vector<16xi32>,
      tpu.vector_store %arg15[%swap3A_1059], %get3A_1058 {strides = array<i32>} : memref<48xi32, #tpu.memory_space<vmem>>, vector<16xi32>,
      %gather3A_1061 = tpu.vector_load_idx %arg9[%get3A_1054] : memref<10000xf32, #tpu.memory_space<vmem>>[vector<16xi32>], vector<16xf32>,
      %gather3A_1062 = tpu.vector_load_idx %arg9[%get3A_1058] : memref<10000xf32, #tpu.memory_space<vmem>>[vector<16xi32>], vector<16xf32>,
      %gather3A_1063 = tpu.vector_load_idx %arg10[%get3A_1058] : memref<10000xf32, #tpu.memory_space<vmem>>[vector<16xi32>], vector<16xf32>,
      %add3A_1064 = arith.addf %gather3A_1061, %gather3A_1063 : vector<16xf32>
      %ge3A_1065 = arith.constant 0.000000e+00 : f32
      %ge3A_1066 = vector.broadcast %ge3A_1065 : f32 to vector<16xf32>
      %ge3A_1067 = arith.cmpf oge, %add3A_1064, %ge3A_1066 : vector<16xf32>
      %mul3A_1068 = arith.constant 2.000000e-01 : f32
      %mul3A_1069 = vector.broadcast %mul3A_1068 : f32 to vector<16xf32>
      %mul3A_1070 = arith.mulf %add3A_1064, %mul3A_1069 : vector<16xf32>
      %select_n3A_1071 = arith.select %ge3A_1067, %add3A_1064, %mul3A_1070 : vector<16xi1>, vector<16xf32>
      %add3A_1072 = arith.addf %gather3A_1062, %gather3A_1063 : vector<16xf32>
      %ge3A_1073 = arith.constant 0.000000e+00 : f32
      %ge3A_1074 = vector.broadcast %ge3A_1073 : f32 to vector<16xf32>
      %ge3A_1075 = arith.cmpf oge, %add3A_1072, %ge3A_1074 : vector<16xf32>
      %mul3A_1076 = arith.constant 2.000000e-01 : f32
      %mul3A_1077 = vector.broadcast %mul3A_1076 : f32 to vector<16xf32>
      %mul3A_1078 = arith.mulf %add3A_1072, %mul3A_1077 : vector<16xf32>
      %select_n3A_1079 = arith.select %ge3A_1075, %add3A_1072, %mul3A_1078 : vector<16xi1>, vector<16xf32>
      %sub3A_1080 = arith.subf %select_n3A_1071, %select_n3A_1079 : vector<16xf32>
      %exp3A_1081 = math.exp %sub3A_1080 : vector<16xf32>
      %swap3A_1082 = arith.constant 0 : index
      %swap3A_1083 = tpu.vector_load %arg19[%swap3A_1082] {strides = array<i32>} : memref<48xf32, #tpu.memory_space<vmem>>, vector<16xf32>,
      tpu.vector_store %arg19[%swap3A_1082], %exp3A_1081 {strides = array<i32>} : memref<48xf32, #tpu.memory_space<vmem>>, vector<16xf32>,
      %add3A_1084 = arith.constant 16 : i32
      %add3A_1085 = arith.addi %mul3A_1050, %add3A_1084 : i32
      %get3A_1086 = arith.index_cast %add3A_1085 : i32 to index
      %get3A_1087 = tpu.vector_load %arg11[%get3A_1086] {strides = array<i32>} : memref<2000xi32, #tpu.memory_space<vmem>>, vector<16xi32>,
      %add3A_1088 = arith.constant 16 : i32
      %add3A_1089 = arith.addi %mul3A_1050, %add3A_1088 : i32
      %get3A_1090 = arith.index_cast %add3A_1089 : i32 to index
      %get3A_1091 = tpu.vector_load %arg12[%get3A_1090] {strides = array<i32>} : memref<2000xi32, #tpu.memory_space<vmem>>, vector<16xi32>,
      %swap3A_1092 = arith.constant 16 : index
      %swap3A_1093 = tpu.vector_load %arg15[%swap3A_1092] {strides = array<i32>} : memref<48xi32, #tpu.memory_space<vmem>>, vector<16xi32>,
      tpu.vector_store %arg15[%swap3A_1092], %get3A_1091 {strides = array<i32>} : memref<48xi32, #tpu.memory_space<vmem>>, vector<16xi32>,
      %gather3A_1094 = tpu.vector_load_idx %arg9[%get3A_1087] : memref<10000xf32, #tpu.memory_space<vmem>>[vector<16xi32>], vector<16xf32>,
      %gather3A_1095 = tpu.vector_load_idx %arg9[%get3A_1091] : memref<10000xf32, #tpu.memory_space<vmem>>[vector<16xi32>], vector<16xf32>,
      %gather3A_1096 = tpu.vector_load_idx %arg10[%get3A_1091] : memref<10000xf32, #tpu.memory_space<vmem>>[vector<16xi32>], vector<16xf32>,
      %add3A_1097 = arith.addf %gather3A_1094, %gather3A_1096 : vector<16xf32>
      %ge3A_1098 = arith.constant 0.000000e+00 : f32
      %ge3A_1099 = vector.broadcast %ge3A_1098 : f32 to vector<16xf32>
      %ge3A_1100 = arith.cmpf oge, %add3A_1097, %ge3A_1099 : vector<16xf32>
      %mul3A_1101 = arith.constant 2.000000e-01 : f32
      %mul3A_1102 = vector.broadcast %mul3A_1101 : f32 to vector<16xf32>
      %mul3A_1103 = arith.mulf %add3A_1097, %mul3A_1102 : vector<16xf32>
      %select_n3A_1104 = arith.select %ge3A_1100, %add3A_1097, %mul3A_1103 : vector<16xi1>, vector<16xf32>
      %add3A_1105 = arith.addf %gather3A_1095, %gather3A_1096 : vector<16xf32>
      %ge3A_1106 = arith.constant 0.000000e+00 : f32
      %ge3A_1107 = vector.broadcast %ge3A_1106 : f32 to vector<16xf32>
      %ge3A_1108 = arith.cmpf oge, %add3A_1105, %ge3A_1107 : vector<16xf32>
      %mul3A_1109 = arith.constant 2.000000e-01 : f32
      %mul3A_1110 = vector.broadcast %mul3A_1109 : f32 to vector<16xf32>
      %mul3A_1111 = arith.mulf %add3A_1105, %mul3A_1110 : vector<16xf32>
      %select_n3A_1112 = arith.select %ge3A_1108, %add3A_1105, %mul3A_1111 : vector<16xi1>, vector<16xf32>
      %sub3A_1113 = arith.subf %select_n3A_1104, %select_n3A_1112 : vector<16xf32>
      %exp3A_1114 = math.exp %sub3A_1113 : vector<16xf32>
      %swap3A_1115 = arith.constant 16 : index
      %swap3A_1116 = tpu.vector_load %arg19[%swap3A_1115] {strides = array<i32>} : memref<48xf32, #tpu.memory_space<vmem>>, vector<16xf32>,
      tpu.vector_store %arg19[%swap3A_1115], %exp3A_1114 {strides = array<i32>} : memref<48xf32, #tpu.memory_space<vmem>>, vector<16xf32>,
      %add3A_1117 = arith.constant 32 : i32
      %add3A_1118 = arith.addi %mul3A_1050, %add3A_1117 : i32
      %get3A_1119 = arith.index_cast %add3A_1118 : i32 to index
      %get3A_1120 = tpu.vector_load %arg11[%get3A_1119] {strides = array<i32>} : memref<2000xi32, #tpu.memory_space<vmem>>, vector<16xi32>,
      %add3A_1121 = arith.constant 32 : i32
      %add3A_1122 = arith.addi %mul3A_1050, %add3A_1121 : i32
      %get3A_1123 = arith.index_cast %add3A_1122 : i32 to index
      %get3A_1124 = tpu.vector_load %arg12[%get3A_1123] {strides = array<i32>} : memref<2000xi32, #tpu.memory_space<vmem>>, vector<16xi32>,
      %swap3A_1125 = arith.constant 32 : index
      %swap3A_1126 = tpu.vector_load %arg15[%swap3A_1125] {strides = array<i32>} : memref<48xi32, #tpu.memory_space<vmem>>, vector<16xi32>,
      tpu.vector_store %arg15[%swap3A_1125], %get3A_1124 {strides = array<i32>} : memref<48xi32, #tpu.memory_space<vmem>>, vector<16xi32>,
      %gather3A_1127 = tpu.vector_load_idx %arg9[%get3A_1120] : memref<10000xf32, #tpu.memory_space<vmem>>[vector<16xi32>], vector<16xf32>,
      %gather3A_1128 = tpu.vector_load_idx %arg9[%get3A_1124] : memref<10000xf32, #tpu.memory_space<vmem>>[vector<16xi32>], vector<16xf32>,
      %gather3A_1129 = tpu.vector_load_idx %arg10[%get3A_1124] : memref<10000xf32, #tpu.memory_space<vmem>>[vector<16xi32>], vector<16xf32>,
      %add3A_1130 = arith.addf %gather3A_1127, %gather3A_1129 : vector<16xf32>
      %ge3A_1131 = arith.constant 0.000000e+00 : f32
      %ge3A_1132 = vector.broadcast %ge3A_1131 : f32 to vector<16xf32>
      %ge3A_1133 = arith.cmpf oge, %add3A_1130, %ge3A_1132 : vector<16xf32>
      %mul3A_1134 = arith.constant 2.000000e-01 : f32
      %mul3A_1135 = vector.broadcast %mul3A_1134 : f32 to vector<16xf32>
      %mul3A_1136 = arith.mulf %add3A_1130, %mul3A_1135 : vector<16xf32>
      %select_n3A_1137 = arith.select %ge3A_1133, %add3A_1130, %mul3A_1136 : vector<16xi1>, vector<16xf32>
      %add3A_1138 = arith.addf %gather3A_1128, %gather3A_1129 : vector<16xf32>
      %ge3A_1139 = arith.constant 0.000000e+00 : f32
      %ge3A_1140 = vector.broadcast %ge3A_1139 : f32 to vector<16xf32>
      %ge3A_1141 = arith.cmpf oge, %add3A_1138, %ge3A_1140 : vector<16xf32>
      %mul3A_1142 = arith.constant 2.000000e-01 : f32
      %mul3A_1143 = vector.broadcast %mul3A_1142 : f32 to vector<16xf32>
      %mul3A_1144 = arith.mulf %add3A_1138, %mul3A_1143 : vector<16xf32>
      %select_n3A_1145 = arith.select %ge3A_1141, %add3A_1138, %mul3A_1144 : vector<16xi1>, vector<16xf32>
      %sub3A_1146 = arith.subf %select_n3A_1137, %select_n3A_1145 : vector<16xf32>
      %exp3A_1147 = math.exp %sub3A_1146 : vector<16xf32>
      %swap3A_1148 = arith.constant 32 : index
      %swap3A_1149 = tpu.vector_load %arg19[%swap3A_1148] {strides = array<i32>} : memref<48xf32, #tpu.memory_space<vmem>>, vector<16xf32>,
      tpu.vector_store %arg19[%swap3A_1148], %exp3A_1147 {strides = array<i32>} : memref<48xf32, #tpu.memory_space<vmem>>, vector<16xf32>,
      %add3A_1150 = arith.constant 48 : i32
      %add3A_1151 = arith.addi %mul3A_1050, %add3A_1150 : i32
      %get3A_1152 = arith.index_cast %add3A_1151 : i32 to index
      %get3A_1153 = tpu.vector_load %arg11[%get3A_1152] {strides = array<i32>} : memref<2000xi32, #tpu.memory_space<vmem>>, vector<16xi32>,
      %add3A_1154 = arith.constant 48 : i32
      %add3A_1155 = arith.addi %mul3A_1050, %add3A_1154 : i32
      %get3A_1156 = arith.index_cast %add3A_1155 : i32 to index
      %get3A_1157 = tpu.vector_load %arg12[%get3A_1156] {strides = array<i32>} : memref<2000xi32, #tpu.memory_space<vmem>>, vector<16xi32>,
      %swap3A_1158 = arith.constant 0 : index
      %swap3A_1159 = tpu.vector_load %arg16[%swap3A_1158] {strides = array<i32>} : memref<32xi32, #tpu.memory_space<vmem>>, vector<16xi32>,
      tpu.vector_store %arg16[%swap3A_1158], %get3A_1157 {strides = array<i32>} : memref<32xi32, #tpu.memory_space<vmem>>, vector<16xi32>,
      %gather3A_1160 = tpu.vector_load_idx %arg9[%get3A_1153] : memref<10000xf32, #tpu.memory_space<vmem>>[vector<16xi32>], vector<16xf32>,
      %gather3A_1161 = tpu.vector_load_idx %arg9[%get3A_1157] : memref<10000xf32, #tpu.memory_space<vmem>>[vector<16xi32>], vector<16xf32>,
      %gather3A_1162 = tpu.vector_load_idx %arg10[%get3A_1157] : memref<10000xf32, #tpu.memory_space<vmem>>[vector<16xi32>], vector<16xf32>,
      %add3A_1163 = arith.addf %gather3A_1160, %gather3A_1162 : vector<16xf32>
      %ge3A_1164 = arith.constant 0.000000e+00 : f32
      %ge3A_1165 = vector.broadcast %ge3A_1164 : f32 to vector<16xf32>
      %ge3A_1166 = arith.cmpf oge, %add3A_1163, %ge3A_1165 : vector<16xf32>
      %mul3A_1167 = arith.constant 2.000000e-01 : f32
      %mul3A_1168 = vector.broadcast %mul3A_1167 : f32 to vector<16xf32>
      %mul3A_1169 = arith.mulf %add3A_1163, %mul3A_1168 : vector<16xf32>
      %select_n3A_1170 = arith.select %ge3A_1166, %add3A_1163, %mul3A_1169 : vector<16xi1>, vector<16xf32>
      %add3A_1171 = arith.addf %gather3A_1161, %gather3A_1162 : vector<16xf32>
      %ge3A_1172 = arith.constant 0.000000e+00 : f32
      %ge3A_1173 = vector.broadcast %ge3A_1172 : f32 to vector<16xf32>
      %ge3A_1174 = arith.cmpf oge, %add3A_1171, %ge3A_1173 : vector<16xf32>
      %mul3A_1175 = arith.constant 2.000000e-01 : f32
      %mul3A_1176 = vector.broadcast %mul3A_1175 : f32 to vector<16xf32>
      %mul3A_1177 = arith.mulf %add3A_1171, %mul3A_1176 : vector<16xf32>
      %select_n3A_1178 = arith.select %ge3A_1174, %add3A_1171, %mul3A_1177 : vector<16xi1>, vector<16xf32>
      %sub3A_1179 = arith.subf %select_n3A_1170, %select_n3A_1178 : vector<16xf32>
      %exp3A_1180 = math.exp %sub3A_1179 : vector<16xf32>
      %swap3A_1181 = arith.constant 0 : index
      %swap3A_1182 = tpu.vector_load %arg20[%swap3A_1181] {strides = array<i32>} : memref<32xf32, #tpu.memory_space<vmem>>, vector<16xf32>,
      tpu.vector_store %arg20[%swap3A_1181], %exp3A_1180 {strides = array<i32>} : memref<32xf32, #tpu.memory_space<vmem>>, vector<16xf32>,
      %add3A_1183 = arith.constant 64 : i32
      %add3A_1184 = arith.addi %mul3A_1050, %add3A_1183 : i32
      %get3A_1185 = arith.index_cast %add3A_1184 : i32 to index
      %get3A_1186 = tpu.vector_load %arg11[%get3A_1185] {strides = array<i32>} : memref<2000xi32, #tpu.memory_space<vmem>>, vector<16xi32>,
      %add3A_1187 = arith.constant 64 : i32
      %add3A_1188 = arith.addi %mul3A_1050, %add3A_1187 : i32
      %get3A_1189 = arith.index_cast %add3A_1188 : i32 to index
      %get3A_1190 = tpu.vector_load %arg12[%get3A_1189] {strides = array<i32>} : memref<2000xi32, #tpu.memory_space<vmem>>, vector<16xi32>,
      %swap3A_1191 = arith.constant 16 : index
      %swap3A_1192 = tpu.vector_load %arg16[%swap3A_1191] {strides = array<i32>} : memref<32xi32, #tpu.memory_space<vmem>>, vector<16xi32>,
      tpu.vector_store %arg16[%swap3A_1191], %get3A_1190 {strides = array<i32>} : memref<32xi32, #tpu.memory_space<vmem>>, vector<16xi32>,
      %gather3A_1193 = tpu.vector_load_idx %arg9[%get3A_1186] : memref<10000xf32, #tpu.memory_space<vmem>>[vector<16xi32>], vector<16xf32>,
      %gather3A_1194 = tpu.vector_load_idx %arg9[%get3A_1190] : memref<10000xf32, #tpu.memory_space<vmem>>[vector<16xi32>], vector<16xf32>,
      %gather3A_1195 = tpu.vector_load_idx %arg10[%get3A_1190] : memref<10000xf32, #tpu.memory_space<vmem>>[vector<16xi32>], vector<16xf32>,
      %add3A_1196 = arith.addf %gather3A_1193, %gather3A_1195 : vector<16xf32>
      %ge3A_1197 = arith.constant 0.000000e+00 : f32
      %ge3A_1198 = vector.broadcast %ge3A_1197 : f32 to vector<16xf32>
      %ge3A_1199 = arith.cmpf oge, %add3A_1196, %ge3A_1198 : vector<16xf32>
      %mul3A_1200 = arith.constant 2.000000e-01 : f32
      %mul3A_1201 = vector.broadcast %mul3A_1200 : f32 to vector<16xf32>
      %mul3A_1202 = arith.mulf %add3A_1196, %mul3A_1201 : vector<16xf32>
      %select_n3A_1203 = arith.select %ge3A_1199, %add3A_1196, %mul3A_1202 : vector<16xi1>, vector<16xf32>
      %add3A_1204 = arith.addf %gather3A_1194, %gather3A_1195 : vector<16xf32>
      %ge3A_1205 = arith.constant 0.000000e+00 : f32
      %ge3A_1206 = vector.broadcast %ge3A_1205 : f32 to vector<16xf32>
      %ge3A_1207 = arith.cmpf oge, %add3A_1204, %ge3A_1206 : vector<16xf32>
      %mul3A_1208 = arith.constant 2.000000e-01 : f32
      %mul3A_1209 = vector.broadcast %mul3A_1208 : f32 to vector<16xf32>
      %mul3A_1210 = arith.mulf %add3A_1204, %mul3A_1209 : vector<16xf32>
      %select_n3A_1211 = arith.select %ge3A_1207, %add3A_1204, %mul3A_1210 : vector<16xi1>, vector<16xf32>
      %sub3A_1212 = arith.subf %select_n3A_1203, %select_n3A_1211 : vector<16xf32>
      %exp3A_1213 = math.exp %sub3A_1212 : vector<16xf32>
      %swap3A_1214 = arith.constant 16 : index
      %swap3A_1215 = tpu.vector_load %arg20[%swap3A_1214] {strides = array<i32>} : memref<32xf32, #tpu.memory_space<vmem>>, vector<16xf32>,
      tpu.vector_store %arg20[%swap3A_1214], %exp3A_1213 {strides = array<i32>} : memref<32xf32, #tpu.memory_space<vmem>>, vector<16xf32>,
      %scan3A_1216 = arith.constant 0 : i32
      scf.yield %scan3A_1216 : i32
    }
    %scan3A_366 = arith.constant 61 : i32
    %dma_wait3A_367 = arith.constant 0 : i32
    %dma_wait3A_368 = arith.constant 0 : i32
    %dma_wait3A_369 = tpu.memref_slice %arg21[%dma_wait3A_367, %dma_wait3A_368] : memref<80x128xf32, #tpu.memory_space<vmem>> -> memref<48x128xf32, #tpu.memory_space<vmem>>
    %dma_wait3A_370 = arith.constant 0 : i32
    %dma_wait3A_371 = arith.constant 0 : i32
    %dma_wait3A_372 = tpu.memref_slice %arg24[%dma_wait3A_370, %dma_wait3A_371] : memref<10000x128xf32, #tpu.memory_space<vmem_shared>> -> memref<10000x128xf32, #tpu.memory_space<vmem_shared>>
    tpu.wait_indirect_dma semaphore(%arg28 : memref<!tpu.dma_semaphore, #tpu.memory_space<semaphore_mem>>) src(%dma_wait3A_369 : memref<48x128xf32, #tpu.memory_space<vmem>>) dst(%dma_wait3A_372 : memref<10000x128xf32, #tpu.memory_space<vmem_shared>>)
    %dma_wait3A_373 = arith.constant 48 : i32
    %dma_wait3A_374 = arith.constant 0 : i32
    %dma_wait3A_375 = tpu.memref_slice %arg21[%dma_wait3A_373, %dma_wait3A_374] : memref<80x128xf32, #tpu.memory_space<vmem>> -> memref<32x128xf32, #tpu.memory_space<vmem>>
    %dma_wait3A_376 = arith.constant 0 : i32
    %dma_wait3A_377 = arith.constant 0 : i32
    %dma_wait3A_378 = tpu.memref_slice %arg24[%dma_wait3A_376, %dma_wait3A_377] : memref<10000x128xf32, #tpu.memory_space<vmem_shared>> -> memref<10000x128xf32, #tpu.memory_space<vmem_shared>>
    tpu.wait_indirect_dma semaphore(%arg28 : memref<!tpu.dma_semaphore, #tpu.memory_space<semaphore_mem>>) src(%dma_wait3A_375 : memref<32x128xf32, #tpu.memory_space<vmem>>) dst(%dma_wait3A_378 : memref<10000x128xf32, #tpu.memory_space<vmem_shared>>)
    %dma_wait3A_379 = arith.constant 0 : i32
    %dma_wait3A_380 = tpu.memref_slice %arg25[%dma_wait3A_379] : memref<10000xf32, #tpu.memory_space<vmem_shared>> -> memref<10000xf32, #tpu.memory_space<vmem_shared>>
    tpu.wait_indirect_dma semaphore(%arg28 : memref<!tpu.dma_semaphore, #tpu.memory_space<semaphore_mem>>) src(%arg17 : memref<48xf32, #tpu.memory_space<vmem>>) dst(%dma_wait3A_380 : memref<10000xf32, #tpu.memory_space<vmem_shared>>)
    %dma_wait3A_381 = arith.constant 0 : i32
    %dma_wait3A_382 = tpu.memref_slice %arg25[%dma_wait3A_381] : memref<10000xf32, #tpu.memory_space<vmem_shared>> -> memref<10000xf32, #tpu.memory_space<vmem_shared>>
    tpu.wait_indirect_dma semaphore(%arg28 : memref<!tpu.dma_semaphore, #tpu.memory_space<semaphore_mem>>) src(%arg18 : memref<32xf32, #tpu.memory_space<vmem>>) dst(%dma_wait3A_382 : memref<10000xf32, #tpu.memory_space<vmem_shared>>)
    %multiple_of3A_383 = arith.constant 1920 : i32
    %multiple_of3A_384 = tpu.assume_multiple %multiple_of3A_383, 8 : i32
    %dma_start3A_385 = tpu.memref_slice %arg11[%multiple_of3A_384] : memref<2000xi32, #tpu.memory_space<vmem>> -> memref<80xi32, #tpu.memory_space<vmem>>
    %dma_start3A_386 = arith.constant 0 : i32
    %dma_start3A_387 = arith.constant 0 : i32
    %dma_start3A_388 = tpu.memref_slice %arg2[%dma_start3A_386, %dma_start3A_387] : memref<10000x128xf32, #tpu.memory_space<hbm>> -> memref<10000x128xf32, #tpu.memory_space<hbm>>
    tpu.enqueue_indirect_dma source(%dma_start3A_388 : memref<10000x128xf32, #tpu.memory_space<hbm>>) target(%arg21 : memref<80x128xf32, #tpu.memory_space<vmem>>) offsets(%dma_start3A_385 : memref<80xi32, #tpu.memory_space<vmem>>) semaphore(%arg26 : memref<!tpu.dma_semaphore, #tpu.memory_space<semaphore_mem>>)
    %multiple_of3A_389 = arith.constant 1840 : i32
    %multiple_of3A_390 = tpu.assume_multiple %multiple_of3A_389, 8 : i32
    %dma_wait3A_391 = tpu.memref_slice %arg11[%multiple_of3A_390] : memref<2000xi32, #tpu.memory_space<vmem>> -> memref<80xi32, #tpu.memory_space<vmem>>
    %dma_wait3A_392 = arith.constant 0 : i32
    %dma_wait3A_393 = arith.constant 0 : i32
    %dma_wait3A_394 = tpu.memref_slice %arg2[%dma_wait3A_392, %dma_wait3A_393] : memref<10000x128xf32, #tpu.memory_space<hbm>> -> memref<10000x128xf32, #tpu.memory_space<hbm>>
    tpu.wait_indirect_dma semaphore(%arg27 : memref<!tpu.dma_semaphore, #tpu.memory_space<semaphore_mem>>) src(%dma_wait3A_394 : memref<10000x128xf32, #tpu.memory_space<hbm>>) dst(%arg22 : memref<80x128xf32, #tpu.memory_space<vmem>>)
    %parallel_loop3A_395 = arith.constant 0 : i32
    %parallel_loop3A_396 = arith.constant 48 : i32
    %parallel_loop3A_397 = arith.constant 1 : i32
    scf.for %parallel_loop3A_660 = %parallel_loop3A_395 to %parallel_loop3A_396 step %parallel_loop3A_397  : i32 {
      %parallel_loop3A_661 = arith.constant 0 : i32
      %parallel_loop3A_662 = arith.subi %parallel_loop3A_660, %parallel_loop3A_661 : i32
      %parallel_loop3A_663 = vector.broadcast %parallel_loop3A_662 : i32 to vector<16xi32>
      %parallel_loop3A_664 = tpu.vector_load_idx %arg19[%parallel_loop3A_663] : memref<48xf32, #tpu.memory_space<vmem>>[vector<16xi32>], vector<16xf32>,
      %parallel_loop3A_665 = arith.index_cast %parallel_loop3A_660 : i32 to index
      %parallel_loop3A_666 = arith.constant 0 : index
      %parallel_loop3A_667 = tpu.vector_load %arg22[%parallel_loop3A_665, %parallel_loop3A_666] {strides = array<i32>} : memref<80x128xf32, #tpu.memory_space<vmem>>, vector<16xf32>,
      %parallel_loop3A_668 = arith.mulf %parallel_loop3A_667, %parallel_loop3A_664 : vector<16xf32>
      %parallel_loop3A_669 = arith.index_cast %parallel_loop3A_660 : i32 to index
      %parallel_loop3A_670 = arith.constant 0 : index
      %parallel_loop3A_671 = tpu.vector_load %arg22[%parallel_loop3A_669, %parallel_loop3A_670] {strides = array<i32>} : memref<80x128xf32, #tpu.memory_space<vmem>>, vector<16xf32>,
      tpu.vector_store %arg22[%parallel_loop3A_669, %parallel_loop3A_670], %parallel_loop3A_668 {strides = array<i32>} : memref<80x128xf32, #tpu.memory_space<vmem>>, vector<16xf32>,
      %parallel_loop3A_672 = arith.index_cast %parallel_loop3A_660 : i32 to index
      %parallel_loop3A_673 = arith.constant 16 : index
      %parallel_loop3A_674 = tpu.vector_load %arg22[%parallel_loop3A_672, %parallel_loop3A_673] {strides = array<i32>} : memref<80x128xf32, #tpu.memory_space<vmem>>, vector<16xf32>,
      %parallel_loop3A_675 = arith.mulf %parallel_loop3A_674, %parallel_loop3A_664 : vector<16xf32>
      %parallel_loop3A_676 = arith.index_cast %parallel_loop3A_660 : i32 to index
      %parallel_loop3A_677 = arith.constant 16 : index
      %parallel_loop3A_678 = tpu.vector_load %arg22[%parallel_loop3A_676, %parallel_loop3A_677] {strides = array<i32>} : memref<80x128xf32, #tpu.memory_space<vmem>>, vector<16xf32>,
      tpu.vector_store %arg22[%parallel_loop3A_676, %parallel_loop3A_677], %parallel_loop3A_675 {strides = array<i32>} : memref<80x128xf32, #tpu.memory_space<vmem>>, vector<16xf32>,
      %parallel_loop3A_679 = arith.index_cast %parallel_loop3A_660 : i32 to index
      %parallel_loop3A_680 = arith.constant 32 : index
      %parallel_loop3A_681 = tpu.vector_load %arg22[%parallel_loop3A_679, %parallel_loop3A_680] {strides = array<i32>} : memref<80x128xf32, #tpu.memory_space<vmem>>, vector<16xf32>,
      %parallel_loop3A_682 = arith.mulf %parallel_loop3A_681, %parallel_loop3A_664 : vector<16xf32>
      %parallel_loop3A_683 = arith.index_cast %parallel_loop3A_660 : i32 to index
      %parallel_loop3A_684 = arith.constant 32 : index
      %parallel_loop3A_685 = tpu.vector_load %arg22[%parallel_loop3A_683, %parallel_loop3A_684] {strides = array<i32>} : memref<80x128xf32, #tpu.memory_space<vmem>>, vector<16xf32>,
      tpu.vector_store %arg22[%parallel_loop3A_683, %parallel_loop3A_684], %parallel_loop3A_682 {strides = array<i32>} : memref<80x128xf32, #tpu.memory_space<vmem>>, vector<16xf32>,
      %parallel_loop3A_686 = arith.index_cast %parallel_loop3A_660 : i32 to index
      %parallel_loop3A_687 = arith.constant 48 : index
      %parallel_loop3A_688 = tpu.vector_load %arg22[%parallel_loop3A_686, %parallel_loop3A_687] {strides = array<i32>} : memref<80x128xf32, #tpu.memory_space<vmem>>, vector<16xf32>,
      %parallel_loop3A_689 = arith.mulf %parallel_loop3A_688, %parallel_loop3A_664 : vector<16xf32>
      %parallel_loop3A_690 = arith.index_cast %parallel_loop3A_660 : i32 to index
      %parallel_loop3A_691 = arith.constant 48 : index
      %parallel_loop3A_692 = tpu.vector_load %arg22[%parallel_loop3A_690, %parallel_loop3A_691] {strides = array<i32>} : memref<80x128xf32, #tpu.memory_space<vmem>>, vector<16xf32>,
      tpu.vector_store %arg22[%parallel_loop3A_690, %parallel_loop3A_691], %parallel_loop3A_689 {strides = array<i32>} : memref<80x128xf32, #tpu.memory_space<vmem>>, vector<16xf32>,
      %parallel_loop3A_693 = arith.index_cast %parallel_loop3A_660 : i32 to index
      %parallel_loop3A_694 = arith.constant 64 : index
      %parallel_loop3A_695 = tpu.vector_load %arg22[%parallel_loop3A_693, %parallel_loop3A_694] {strides = array<i32>} : memref<80x128xf32, #tpu.memory_space<vmem>>, vector<16xf32>,
      %parallel_loop3A_696 = arith.mulf %parallel_loop3A_695, %parallel_loop3A_664 : vector<16xf32>
      %parallel_loop3A_697 = arith.index_cast %parallel_loop3A_660 : i32 to index
      %parallel_loop3A_698 = arith.constant 64 : index
      %parallel_loop3A_699 = tpu.vector_load %arg22[%parallel_loop3A_697, %parallel_loop3A_698] {strides = array<i32>} : memref<80x128xf32, #tpu.memory_space<vmem>>, vector<16xf32>,
      tpu.vector_store %arg22[%parallel_loop3A_697, %parallel_loop3A_698], %parallel_loop3A_696 {strides = array<i32>} : memref<80x128xf32, #tpu.memory_space<vmem>>, vector<16xf32>,
      %parallel_loop3A_700 = arith.index_cast %parallel_loop3A_660 : i32 to index
      %parallel_loop3A_701 = arith.constant 80 : index
      %parallel_loop3A_702 = tpu.vector_load %arg22[%parallel_loop3A_700, %parallel_loop3A_701] {strides = array<i32>} : memref<80x128xf32, #tpu.memory_space<vmem>>, vector<16xf32>,
      %parallel_loop3A_703 = arith.mulf %parallel_loop3A_702, %parallel_loop3A_664 : vector<16xf32>
      %parallel_loop3A_704 = arith.index_cast %parallel_loop3A_660 : i32 to index
      %parallel_loop3A_705 = arith.constant 80 : index
      %parallel_loop3A_706 = tpu.vector_load %arg22[%parallel_loop3A_704, %parallel_loop3A_705] {strides = array<i32>} : memref<80x128xf32, #tpu.memory_space<vmem>>, vector<16xf32>,
      tpu.vector_store %arg22[%parallel_loop3A_704, %parallel_loop3A_705], %parallel_loop3A_703 {strides = array<i32>} : memref<80x128xf32, #tpu.memory_space<vmem>>, vector<16xf32>,
      %parallel_loop3A_707 = arith.index_cast %parallel_loop3A_660 : i32 to index
      %parallel_loop3A_708 = arith.constant 96 : index
      %parallel_loop3A_709 = tpu.vector_load %arg22[%parallel_loop3A_707, %parallel_loop3A_708] {strides = array<i32>} : memref<80x128xf32, #tpu.memory_space<vmem>>, vector<16xf32>,
      %parallel_loop3A_710 = arith.mulf %parallel_loop3A_709, %parallel_loop3A_664 : vector<16xf32>
      %parallel_loop3A_711 = arith.index_cast %parallel_loop3A_660 : i32 to index
      %parallel_loop3A_712 = arith.constant 96 : index
      %parallel_loop3A_713 = tpu.vector_load %arg22[%parallel_loop3A_711, %parallel_loop3A_712] {strides = array<i32>} : memref<80x128xf32, #tpu.memory_space<vmem>>, vector<16xf32>,
      tpu.vector_store %arg22[%parallel_loop3A_711, %parallel_loop3A_712], %parallel_loop3A_710 {strides = array<i32>} : memref<80x128xf32, #tpu.memory_space<vmem>>, vector<16xf32>,
      %parallel_loop3A_714 = arith.index_cast %parallel_loop3A_660 : i32 to index
      %parallel_loop3A_715 = arith.constant 112 : index
      %parallel_loop3A_716 = tpu.vector_load %arg22[%parallel_loop3A_714, %parallel_loop3A_715] {strides = array<i32>} : memref<80x128xf32, #tpu.memory_space<vmem>>, vector<16xf32>,
      %parallel_loop3A_717 = arith.mulf %parallel_loop3A_716, %parallel_loop3A_664 : vector<16xf32>
      %parallel_loop3A_718 = arith.index_cast %parallel_loop3A_660 : i32 to index
      %parallel_loop3A_719 = arith.constant 112 : index
      %parallel_loop3A_720 = tpu.vector_load %arg22[%parallel_loop3A_718, %parallel_loop3A_719] {strides = array<i32>} : memref<80x128xf32, #tpu.memory_space<vmem>>, vector<16xf32>,
      tpu.vector_store %arg22[%parallel_loop3A_718, %parallel_loop3A_719], %parallel_loop3A_717 {strides = array<i32>} : memref<80x128xf32, #tpu.memory_space<vmem>>, vector<16xf32>,
    } {sc.loop_unroll_factor = 4 : i64, sc.parallel_access}
    %dma_start3A_398 = arith.constant 0 : i32
    %dma_start3A_399 = arith.constant 0 : i32
    %dma_start3A_400 = tpu.memref_slice %arg22[%dma_start3A_398, %dma_start3A_399] : memref<80x128xf32, #tpu.memory_space<vmem>> -> memref<48x128xf32, #tpu.memory_space<vmem>>
    %dma_start3A_401 = arith.constant 0 : i32
    %dma_start3A_402 = arith.constant 0 : i32
    %dma_start3A_403 = tpu.memref_slice %arg24[%dma_start3A_401, %dma_start3A_402] : memref<10000x128xf32, #tpu.memory_space<vmem_shared>> -> memref<10000x128xf32, #tpu.memory_space<vmem_shared>>
    tpu.enqueue_indirect_dma source(%dma_start3A_400 : memref<48x128xf32, #tpu.memory_space<vmem>>) target(%dma_start3A_403 : memref<10000x128xf32, #tpu.memory_space<vmem_shared>>) offsets(%arg15 : memref<48xi32, #tpu.memory_space<vmem>>) semaphore(%arg29 : memref<!tpu.dma_semaphore, #tpu.memory_space<semaphore_mem>>) {add = true}
    %parallel_loop3A_404 = arith.constant 48 : i32
    %parallel_loop3A_405 = arith.constant 80 : i32
    %parallel_loop3A_406 = arith.constant 1 : i32
    scf.for %parallel_loop3A_660 = %parallel_loop3A_404 to %parallel_loop3A_405 step %parallel_loop3A_406  : i32 {
      %parallel_loop3A_661 = arith.constant 48 : i32
      %parallel_loop3A_662 = arith.subi %parallel_loop3A_660, %parallel_loop3A_661 : i32
      %parallel_loop3A_663 = vector.broadcast %parallel_loop3A_662 : i32 to vector<16xi32>
      %parallel_loop3A_664 = tpu.vector_load_idx %arg20[%parallel_loop3A_663] : memref<32xf32, #tpu.memory_space<vmem>>[vector<16xi32>], vector<16xf32>,
      %parallel_loop3A_665 = arith.index_cast %parallel_loop3A_660 : i32 to index
      %parallel_loop3A_666 = arith.constant 0 : index
      %parallel_loop3A_667 = tpu.vector_load %arg22[%parallel_loop3A_665, %parallel_loop3A_666] {strides = array<i32>} : memref<80x128xf32, #tpu.memory_space<vmem>>, vector<16xf32>,
      %parallel_loop3A_668 = arith.mulf %parallel_loop3A_667, %parallel_loop3A_664 : vector<16xf32>
      %parallel_loop3A_669 = arith.index_cast %parallel_loop3A_660 : i32 to index
      %parallel_loop3A_670 = arith.constant 0 : index
      %parallel_loop3A_671 = tpu.vector_load %arg22[%parallel_loop3A_669, %parallel_loop3A_670] {strides = array<i32>} : memref<80x128xf32, #tpu.memory_space<vmem>>, vector<16xf32>,
      tpu.vector_store %arg22[%parallel_loop3A_669, %parallel_loop3A_670], %parallel_loop3A_668 {strides = array<i32>} : memref<80x128xf32, #tpu.memory_space<vmem>>, vector<16xf32>,
      %parallel_loop3A_672 = arith.index_cast %parallel_loop3A_660 : i32 to index
      %parallel_loop3A_673 = arith.constant 16 : index
      %parallel_loop3A_674 = tpu.vector_load %arg22[%parallel_loop3A_672, %parallel_loop3A_673] {strides = array<i32>} : memref<80x128xf32, #tpu.memory_space<vmem>>, vector<16xf32>,
      %parallel_loop3A_675 = arith.mulf %parallel_loop3A_674, %parallel_loop3A_664 : vector<16xf32>
      %parallel_loop3A_676 = arith.index_cast %parallel_loop3A_660 : i32 to index
      %parallel_loop3A_677 = arith.constant 16 : index
      %parallel_loop3A_678 = tpu.vector_load %arg22[%parallel_loop3A_676, %parallel_loop3A_677] {strides = array<i32>} : memref<80x128xf32, #tpu.memory_space<vmem>>, vector<16xf32>,
      tpu.vector_store %arg22[%parallel_loop3A_676, %parallel_loop3A_677], %parallel_loop3A_675 {strides = array<i32>} : memref<80x128xf32, #tpu.memory_space<vmem>>, vector<16xf32>,
      %parallel_loop3A_679 = arith.index_cast %parallel_loop3A_660 : i32 to index
      %parallel_loop3A_680 = arith.constant 32 : index
      %parallel_loop3A_681 = tpu.vector_load %arg22[%parallel_loop3A_679, %parallel_loop3A_680] {strides = array<i32>} : memref<80x128xf32, #tpu.memory_space<vmem>>, vector<16xf32>,
      %parallel_loop3A_682 = arith.mulf %parallel_loop3A_681, %parallel_loop3A_664 : vector<16xf32>
      %parallel_loop3A_683 = arith.index_cast %parallel_loop3A_660 : i32 to index
      %parallel_loop3A_684 = arith.constant 32 : index
      %parallel_loop3A_685 = tpu.vector_load %arg22[%parallel_loop3A_683, %parallel_loop3A_684] {strides = array<i32>} : memref<80x128xf32, #tpu.memory_space<vmem>>, vector<16xf32>,
      tpu.vector_store %arg22[%parallel_loop3A_683, %parallel_loop3A_684], %parallel_loop3A_682 {strides = array<i32>} : memref<80x128xf32, #tpu.memory_space<vmem>>, vector<16xf32>,
      %parallel_loop3A_686 = arith.index_cast %parallel_loop3A_660 : i32 to index
      %parallel_loop3A_687 = arith.constant 48 : index
      %parallel_loop3A_688 = tpu.vector_load %arg22[%parallel_loop3A_686, %parallel_loop3A_687] {strides = array<i32>} : memref<80x128xf32, #tpu.memory_space<vmem>>, vector<16xf32>,
      %parallel_loop3A_689 = arith.mulf %parallel_loop3A_688, %parallel_loop3A_664 : vector<16xf32>
      %parallel_loop3A_690 = arith.index_cast %parallel_loop3A_660 : i32 to index
      %parallel_loop3A_691 = arith.constant 48 : index
      %parallel_loop3A_692 = tpu.vector_load %arg22[%parallel_loop3A_690, %parallel_loop3A_691] {strides = array<i32>} : memref<80x128xf32, #tpu.memory_space<vmem>>, vector<16xf32>,
      tpu.vector_store %arg22[%parallel_loop3A_690, %parallel_loop3A_691], %parallel_loop3A_689 {strides = array<i32>} : memref<80x128xf32, #tpu.memory_space<vmem>>, vector<16xf32>,
      %parallel_loop3A_693 = arith.index_cast %parallel_loop3A_660 : i32 to index
      %parallel_loop3A_694 = arith.constant 64 : index
      %parallel_loop3A_695 = tpu.vector_load %arg22[%parallel_loop3A_693, %parallel_loop3A_694] {strides = array<i32>} : memref<80x128xf32, #tpu.memory_space<vmem>>, vector<16xf32>,
      %parallel_loop3A_696 = arith.mulf %parallel_loop3A_695, %parallel_loop3A_664 : vector<16xf32>
      %parallel_loop3A_697 = arith.index_cast %parallel_loop3A_660 : i32 to index
      %parallel_loop3A_698 = arith.constant 64 : index
      %parallel_loop3A_699 = tpu.vector_load %arg22[%parallel_loop3A_697, %parallel_loop3A_698] {strides = array<i32>} : memref<80x128xf32, #tpu.memory_space<vmem>>, vector<16xf32>,
      tpu.vector_store %arg22[%parallel_loop3A_697, %parallel_loop3A_698], %parallel_loop3A_696 {strides = array<i32>} : memref<80x128xf32, #tpu.memory_space<vmem>>, vector<16xf32>,
      %parallel_loop3A_700 = arith.index_cast %parallel_loop3A_660 : i32 to index
      %parallel_loop3A_701 = arith.constant 80 : index
      %parallel_loop3A_702 = tpu.vector_load %arg22[%parallel_loop3A_700, %parallel_loop3A_701] {strides = array<i32>} : memref<80x128xf32, #tpu.memory_space<vmem>>, vector<16xf32>,
      %parallel_loop3A_703 = arith.mulf %parallel_loop3A_702, %parallel_loop3A_664 : vector<16xf32>
      %parallel_loop3A_704 = arith.index_cast %parallel_loop3A_660 : i32 to index
      %parallel_loop3A_705 = arith.constant 80 : index
      %parallel_loop3A_706 = tpu.vector_load %arg22[%parallel_loop3A_704, %parallel_loop3A_705] {strides = array<i32>} : memref<80x128xf32, #tpu.memory_space<vmem>>, vector<16xf32>,
      tpu.vector_store %arg22[%parallel_loop3A_704, %parallel_loop3A_705], %parallel_loop3A_703 {strides = array<i32>} : memref<80x128xf32, #tpu.memory_space<vmem>>, vector<16xf32>,
      %parallel_loop3A_707 = arith.index_cast %parallel_loop3A_660 : i32 to index
      %parallel_loop3A_708 = arith.constant 96 : index
      %parallel_loop3A_709 = tpu.vector_load %arg22[%parallel_loop3A_707, %parallel_loop3A_708] {strides = array<i32>} : memref<80x128xf32, #tpu.memory_space<vmem>>, vector<16xf32>,
      %parallel_loop3A_710 = arith.mulf %parallel_loop3A_709, %parallel_loop3A_664 : vector<16xf32>
      %parallel_loop3A_711 = arith.index_cast %parallel_loop3A_660 : i32 to index
      %parallel_loop3A_712 = arith.constant 96 : index
      %parallel_loop3A_713 = tpu.vector_load %arg22[%parallel_loop3A_711, %parallel_loop3A_712] {strides = array<i32>} : memref<80x128xf32, #tpu.memory_space<vmem>>, vector<16xf32>,
      tpu.vector_store %arg22[%parallel_loop3A_711, %parallel_loop3A_712], %parallel_loop3A_710 {strides = array<i32>} : memref<80x128xf32, #tpu.memory_space<vmem>>, vector<16xf32>,
      %parallel_loop3A_714 = arith.index_cast %parallel_loop3A_660 : i32 to index
      %parallel_loop3A_715 = arith.constant 112 : index
      %parallel_loop3A_716 = tpu.vector_load %arg22[%parallel_loop3A_714, %parallel_loop3A_715] {strides = array<i32>} : memref<80x128xf32, #tpu.memory_space<vmem>>, vector<16xf32>,
      %parallel_loop3A_717 = arith.mulf %parallel_loop3A_716, %parallel_loop3A_664 : vector<16xf32>
      %parallel_loop3A_718 = arith.index_cast %parallel_loop3A_660 : i32 to index
      %parallel_loop3A_719 = arith.constant 112 : index
      %parallel_loop3A_720 = tpu.vector_load %arg22[%parallel_loop3A_718, %parallel_loop3A_719] {strides = array<i32>} : memref<80x128xf32, #tpu.memory_space<vmem>>, vector<16xf32>,
      tpu.vector_store %arg22[%parallel_loop3A_718, %parallel_loop3A_719], %parallel_loop3A_717 {strides = array<i32>} : memref<80x128xf32, #tpu.memory_space<vmem>>, vector<16xf32>,
    } {sc.loop_unroll_factor = 4 : i64, sc.parallel_access}
    %dma_start3A_407 = arith.constant 48 : i32
    %dma_start3A_408 = arith.constant 0 : i32
    %dma_start3A_409 = tpu.memref_slice %arg22[%dma_start3A_407, %dma_start3A_408] : memref<80x128xf32, #tpu.memory_space<vmem>> -> memref<32x128xf32, #tpu.memory_space<vmem>>
    %dma_start3A_410 = arith.constant 0 : i32
    %dma_start3A_411 = arith.constant 0 : i32
    %dma_start3A_412 = tpu.memref_slice %arg24[%dma_start3A_410, %dma_start3A_411] : memref<10000x128xf32, #tpu.memory_space<vmem_shared>> -> memref<10000x128xf32, #tpu.memory_space<vmem_shared>>
    tpu.enqueue_indirect_dma source(%dma_start3A_409 : memref<32x128xf32, #tpu.memory_space<vmem>>) target(%dma_start3A_412 : memref<10000x128xf32, #tpu.memory_space<vmem_shared>>) offsets(%arg16 : memref<32xi32, #tpu.memory_space<vmem>>) semaphore(%arg29 : memref<!tpu.dma_semaphore, #tpu.memory_space<semaphore_mem>>) {add = true}
    %dma_start3A_413 = arith.constant 0 : i32
    %dma_start3A_414 = tpu.memref_slice %arg25[%dma_start3A_413] : memref<10000xf32, #tpu.memory_space<vmem_shared>> -> memref<10000xf32, #tpu.memory_space<vmem_shared>>
    tpu.enqueue_indirect_dma source(%arg19 : memref<48xf32, #tpu.memory_space<vmem>>) target(%dma_start3A_414 : memref<10000xf32, #tpu.memory_space<vmem_shared>>) offsets(%arg15 : memref<48xi32, #tpu.memory_space<vmem>>) semaphore(%arg29 : memref<!tpu.dma_semaphore, #tpu.memory_space<semaphore_mem>>) {add = true}
    %dma_start3A_415 = arith.constant 0 : i32
    %dma_start3A_416 = tpu.memref_slice %arg25[%dma_start3A_415] : memref<10000xf32, #tpu.memory_space<vmem_shared>> -> memref<10000xf32, #tpu.memory_space<vmem_shared>>
    tpu.enqueue_indirect_dma source(%arg20 : memref<32xf32, #tpu.memory_space<vmem>>) target(%dma_start3A_416 : memref<10000xf32, #tpu.memory_space<vmem_shared>>) offsets(%arg16 : memref<32xi32, #tpu.memory_space<vmem>>) semaphore(%arg29 : memref<!tpu.dma_semaphore, #tpu.memory_space<semaphore_mem>>) {add = true}
    %get3A_417 = arith.constant 1920 : index
    %get3A_418 = tpu.vector_load %arg11[%get3A_417] {strides = array<i32>} : memref<2000xi32, #tpu.memory_space<vmem>>, vector<16xi32>,
    %get3A_419 = arith.constant 1920 : index
    %get3A_420 = tpu.vector_load %arg12[%get3A_419] {strides = array<i32>} : memref<2000xi32, #tpu.memory_space<vmem>>, vector<16xi32>,
    %swap3A_421 = arith.constant 0 : index
    %swap3A_422 = tpu.vector_load %arg13[%swap3A_421] {strides = array<i32>} : memref<48xi32, #tpu.memory_space<vmem>>, vector<16xi32>,
    tpu.vector_store %arg13[%swap3A_421], %get3A_420 {strides = array<i32>} : memref<48xi32, #tpu.memory_space<vmem>>, vector<16xi32>,
    %gather3A_423 = tpu.vector_load_idx %arg9[%get3A_418] : memref<10000xf32, #tpu.memory_space<vmem>>[vector<16xi32>], vector<16xf32>,
    %gather3A_424 = tpu.vector_load_idx %arg9[%get3A_420] : memref<10000xf32, #tpu.memory_space<vmem>>[vector<16xi32>], vector<16xf32>,
    %gather3A_425 = tpu.vector_load_idx %arg10[%get3A_420] : memref<10000xf32, #tpu.memory_space<vmem>>[vector<16xi32>], vector<16xf32>,
    %add3A_426 = arith.addf %gather3A_423, %gather3A_425 : vector<16xf32>
    %ge3A_427 = arith.constant 0.000000e+00 : f32
    %ge3A_428 = vector.broadcast %ge3A_427 : f32 to vector<16xf32>
    %ge3A_429 = arith.cmpf oge, %add3A_426, %ge3A_428 : vector<16xf32>
    %mul3A_430 = arith.constant 2.000000e-01 : f32
    %mul3A_431 = vector.broadcast %mul3A_430 : f32 to vector<16xf32>
    %mul3A_432 = arith.mulf %add3A_426, %mul3A_431 : vector<16xf32>
    %select_n3A_433 = arith.select %ge3A_429, %add3A_426, %mul3A_432 : vector<16xi1>, vector<16xf32>
    %add3A_434 = arith.addf %gather3A_424, %gather3A_425 : vector<16xf32>
    %ge3A_435 = arith.constant 0.000000e+00 : f32
    %ge3A_436 = vector.broadcast %ge3A_435 : f32 to vector<16xf32>
    %ge3A_437 = arith.cmpf oge, %add3A_434, %ge3A_436 : vector<16xf32>
    %mul3A_438 = arith.constant 2.000000e-01 : f32
    %mul3A_439 = vector.broadcast %mul3A_438 : f32 to vector<16xf32>
    %mul3A_440 = arith.mulf %add3A_434, %mul3A_439 : vector<16xf32>
    %select_n3A_441 = arith.select %ge3A_437, %add3A_434, %mul3A_440 : vector<16xi1>, vector<16xf32>
    %sub3A_442 = arith.subf %select_n3A_433, %select_n3A_441 : vector<16xf32>
    %exp3A_443 = math.exp %sub3A_442 : vector<16xf32>
    %swap3A_444 = arith.constant 0 : index
    %swap3A_445 = tpu.vector_load %arg17[%swap3A_444] {strides = array<i32>} : memref<48xf32, #tpu.memory_space<vmem>>, vector<16xf32>,
    tpu.vector_store %arg17[%swap3A_444], %exp3A_443 {strides = array<i32>} : memref<48xf32, #tpu.memory_space<vmem>>, vector<16xf32>,
    %get3A_446 = arith.constant 1936 : index
    %get3A_447 = tpu.vector_load %arg11[%get3A_446] {strides = array<i32>} : memref<2000xi32, #tpu.memory_space<vmem>>, vector<16xi32>,
    %get3A_448 = arith.constant 1936 : index
    %get3A_449 = tpu.vector_load %arg12[%get3A_448] {strides = array<i32>} : memref<2000xi32, #tpu.memory_space<vmem>>, vector<16xi32>,
    %swap3A_450 = arith.constant 16 : index
    %swap3A_451 = tpu.vector_load %arg13[%swap3A_450] {strides = array<i32>} : memref<48xi32, #tpu.memory_space<vmem>>, vector<16xi32>,
    tpu.vector_store %arg13[%swap3A_450], %get3A_449 {strides = array<i32>} : memref<48xi32, #tpu.memory_space<vmem>>, vector<16xi32>,
    %gather3A_452 = tpu.vector_load_idx %arg9[%get3A_447] : memref<10000xf32, #tpu.memory_space<vmem>>[vector<16xi32>], vector<16xf32>,
    %gather3A_453 = tpu.vector_load_idx %arg9[%get3A_449] : memref<10000xf32, #tpu.memory_space<vmem>>[vector<16xi32>], vector<16xf32>,
    %gather3A_454 = tpu.vector_load_idx %arg10[%get3A_449] : memref<10000xf32, #tpu.memory_space<vmem>>[vector<16xi32>], vector<16xf32>,
    %add3A_455 = arith.addf %gather3A_452, %gather3A_454 : vector<16xf32>
    %ge3A_456 = arith.constant 0.000000e+00 : f32
    %ge3A_457 = vector.broadcast %ge3A_456 : f32 to vector<16xf32>
    %ge3A_458 = arith.cmpf oge, %add3A_455, %ge3A_457 : vector<16xf32>
    %mul3A_459 = arith.constant 2.000000e-01 : f32
    %mul3A_460 = vector.broadcast %mul3A_459 : f32 to vector<16xf32>
    %mul3A_461 = arith.mulf %add3A_455, %mul3A_460 : vector<16xf32>
    %select_n3A_462 = arith.select %ge3A_458, %add3A_455, %mul3A_461 : vector<16xi1>, vector<16xf32>
    %add3A_463 = arith.addf %gather3A_453, %gather3A_454 : vector<16xf32>
    %ge3A_464 = arith.constant 0.000000e+00 : f32
    %ge3A_465 = vector.broadcast %ge3A_464 : f32 to vector<16xf32>
    %ge3A_466 = arith.cmpf oge, %add3A_463, %ge3A_465 : vector<16xf32>
    %mul3A_467 = arith.constant 2.000000e-01 : f32
    %mul3A_468 = vector.broadcast %mul3A_467 : f32 to vector<16xf32>
    %mul3A_469 = arith.mulf %add3A_463, %mul3A_468 : vector<16xf32>
    %select_n3A_470 = arith.select %ge3A_466, %add3A_463, %mul3A_469 : vector<16xi1>, vector<16xf32>
    %sub3A_471 = arith.subf %select_n3A_462, %select_n3A_470 : vector<16xf32>
    %exp3A_472 = math.exp %sub3A_471 : vector<16xf32>
    %swap3A_473 = arith.constant 16 : index
    %swap3A_474 = tpu.vector_load %arg17[%swap3A_473] {strides = array<i32>} : memref<48xf32, #tpu.memory_space<vmem>>, vector<16xf32>,
    tpu.vector_store %arg17[%swap3A_473], %exp3A_472 {strides = array<i32>} : memref<48xf32, #tpu.memory_space<vmem>>, vector<16xf32>,
    %get3A_475 = arith.constant 1952 : index
    %get3A_476 = tpu.vector_load %arg11[%get3A_475] {strides = array<i32>} : memref<2000xi32, #tpu.memory_space<vmem>>, vector<16xi32>,
    %get3A_477 = arith.constant 1952 : index
    %get3A_478 = tpu.vector_load %arg12[%get3A_477] {strides = array<i32>} : memref<2000xi32, #tpu.memory_space<vmem>>, vector<16xi32>,
    %swap3A_479 = arith.constant 32 : index
    %swap3A_480 = tpu.vector_load %arg13[%swap3A_479] {strides = array<i32>} : memref<48xi32, #tpu.memory_space<vmem>>, vector<16xi32>,
    tpu.vector_store %arg13[%swap3A_479], %get3A_478 {strides = array<i32>} : memref<48xi32, #tpu.memory_space<vmem>>, vector<16xi32>,
    %gather3A_481 = tpu.vector_load_idx %arg9[%get3A_476] : memref<10000xf32, #tpu.memory_space<vmem>>[vector<16xi32>], vector<16xf32>,
    %gather3A_482 = tpu.vector_load_idx %arg9[%get3A_478] : memref<10000xf32, #tpu.memory_space<vmem>>[vector<16xi32>], vector<16xf32>,
    %gather3A_483 = tpu.vector_load_idx %arg10[%get3A_478] : memref<10000xf32, #tpu.memory_space<vmem>>[vector<16xi32>], vector<16xf32>,
    %add3A_484 = arith.addf %gather3A_481, %gather3A_483 : vector<16xf32>
    %ge3A_485 = arith.constant 0.000000e+00 : f32
    %ge3A_486 = vector.broadcast %ge3A_485 : f32 to vector<16xf32>
    %ge3A_487 = arith.cmpf oge, %add3A_484, %ge3A_486 : vector<16xf32>
    %mul3A_488 = arith.constant 2.000000e-01 : f32
    %mul3A_489 = vector.broadcast %mul3A_488 : f32 to vector<16xf32>
    %mul3A_490 = arith.mulf %add3A_484, %mul3A_489 : vector<16xf32>
    %select_n3A_491 = arith.select %ge3A_487, %add3A_484, %mul3A_490 : vector<16xi1>, vector<16xf32>
    %add3A_492 = arith.addf %gather3A_482, %gather3A_483 : vector<16xf32>
    %ge3A_493 = arith.constant 0.000000e+00 : f32
    %ge3A_494 = vector.broadcast %ge3A_493 : f32 to vector<16xf32>
    %ge3A_495 = arith.cmpf oge, %add3A_492, %ge3A_494 : vector<16xf32>
    %mul3A_496 = arith.constant 2.000000e-01 : f32
    %mul3A_497 = vector.broadcast %mul3A_496 : f32 to vector<16xf32>
    %mul3A_498 = arith.mulf %add3A_492, %mul3A_497 : vector<16xf32>
    %select_n3A_499 = arith.select %ge3A_495, %add3A_492, %mul3A_498 : vector<16xi1>, vector<16xf32>
    %sub3A_500 = arith.subf %select_n3A_491, %select_n3A_499 : vector<16xf32>
    %exp3A_501 = math.exp %sub3A_500 : vector<16xf32>
    %swap3A_502 = arith.constant 32 : index
    %swap3A_503 = tpu.vector_load %arg17[%swap3A_502] {strides = array<i32>} : memref<48xf32, #tpu.memory_space<vmem>>, vector<16xf32>,
    tpu.vector_store %arg17[%swap3A_502], %exp3A_501 {strides = array<i32>} : memref<48xf32, #tpu.memory_space<vmem>>, vector<16xf32>,
    %get3A_504 = arith.constant 1968 : index
    %get3A_505 = tpu.vector_load %arg11[%get3A_504] {strides = array<i32>} : memref<2000xi32, #tpu.memory_space<vmem>>, vector<16xi32>,
    %get3A_506 = arith.constant 1968 : index
    %get3A_507 = tpu.vector_load %arg12[%get3A_506] {strides = array<i32>} : memref<2000xi32, #tpu.memory_space<vmem>>, vector<16xi32>,
    %swap3A_508 = arith.constant 0 : index
    %swap3A_509 = tpu.vector_load %arg14[%swap3A_508] {strides = array<i32>} : memref<32xi32, #tpu.memory_space<vmem>>, vector<16xi32>,
    tpu.vector_store %arg14[%swap3A_508], %get3A_507 {strides = array<i32>} : memref<32xi32, #tpu.memory_space<vmem>>, vector<16xi32>,
    %gather3A_510 = tpu.vector_load_idx %arg9[%get3A_505] : memref<10000xf32, #tpu.memory_space<vmem>>[vector<16xi32>], vector<16xf32>,
    %gather3A_511 = tpu.vector_load_idx %arg9[%get3A_507] : memref<10000xf32, #tpu.memory_space<vmem>>[vector<16xi32>], vector<16xf32>,
    %gather3A_512 = tpu.vector_load_idx %arg10[%get3A_507] : memref<10000xf32, #tpu.memory_space<vmem>>[vector<16xi32>], vector<16xf32>,
    %add3A_513 = arith.addf %gather3A_510, %gather3A_512 : vector<16xf32>
    %ge3A_514 = arith.constant 0.000000e+00 : f32
    %ge3A_515 = vector.broadcast %ge3A_514 : f32 to vector<16xf32>
    %ge3A_516 = arith.cmpf oge, %add3A_513, %ge3A_515 : vector<16xf32>
    %mul3A_517 = arith.constant 2.000000e-01 : f32
    %mul3A_518 = vector.broadcast %mul3A_517 : f32 to vector<16xf32>
    %mul3A_519 = arith.mulf %add3A_513, %mul3A_518 : vector<16xf32>
    %select_n3A_520 = arith.select %ge3A_516, %add3A_513, %mul3A_519 : vector<16xi1>, vector<16xf32>
    %add3A_521 = arith.addf %gather3A_511, %gather3A_512 : vector<16xf32>
    %ge3A_522 = arith.constant 0.000000e+00 : f32
    %ge3A_523 = vector.broadcast %ge3A_522 : f32 to vector<16xf32>
    %ge3A_524 = arith.cmpf oge, %add3A_521, %ge3A_523 : vector<16xf32>
    %mul3A_525 = arith.constant 2.000000e-01 : f32
    %mul3A_526 = vector.broadcast %mul3A_525 : f32 to vector<16xf32>
    %mul3A_527 = arith.mulf %add3A_521, %mul3A_526 : vector<16xf32>
    %select_n3A_528 = arith.select %ge3A_524, %add3A_521, %mul3A_527 : vector<16xi1>, vector<16xf32>
    %sub3A_529 = arith.subf %select_n3A_520, %select_n3A_528 : vector<16xf32>
    %exp3A_530 = math.exp %sub3A_529 : vector<16xf32>
    %swap3A_531 = arith.constant 0 : index
    %swap3A_532 = tpu.vector_load %arg18[%swap3A_531] {strides = array<i32>} : memref<32xf32, #tpu.memory_space<vmem>>, vector<16xf32>,
    tpu.vector_store %arg18[%swap3A_531], %exp3A_530 {strides = array<i32>} : memref<32xf32, #tpu.memory_space<vmem>>, vector<16xf32>,
    %get3A_533 = arith.constant 1984 : index
    %get3A_534 = tpu.vector_load %arg11[%get3A_533] {strides = array<i32>} : memref<2000xi32, #tpu.memory_space<vmem>>, vector<16xi32>,
    %get3A_535 = arith.constant 1984 : index
    %get3A_536 = tpu.vector_load %arg12[%get3A_535] {strides = array<i32>} : memref<2000xi32, #tpu.memory_space<vmem>>, vector<16xi32>,
    %swap3A_537 = arith.constant 16 : index
    %swap3A_538 = tpu.vector_load %arg14[%swap3A_537] {strides = array<i32>} : memref<32xi32, #tpu.memory_space<vmem>>, vector<16xi32>,
    tpu.vector_store %arg14[%swap3A_537], %get3A_536 {strides = array<i32>} : memref<32xi32, #tpu.memory_space<vmem>>, vector<16xi32>,
    %gather3A_539 = tpu.vector_load_idx %arg9[%get3A_534] : memref<10000xf32, #tpu.memory_space<vmem>>[vector<16xi32>], vector<16xf32>,
    %gather3A_540 = tpu.vector_load_idx %arg9[%get3A_536] : memref<10000xf32, #tpu.memory_space<vmem>>[vector<16xi32>], vector<16xf32>,
    %gather3A_541 = tpu.vector_load_idx %arg10[%get3A_536] : memref<10000xf32, #tpu.memory_space<vmem>>[vector<16xi32>], vector<16xf32>,
    %add3A_542 = arith.addf %gather3A_539, %gather3A_541 : vector<16xf32>
    %ge3A_543 = arith.constant 0.000000e+00 : f32
    %ge3A_544 = vector.broadcast %ge3A_543 : f32 to vector<16xf32>
    %ge3A_545 = arith.cmpf oge, %add3A_542, %ge3A_544 : vector<16xf32>
    %mul3A_546 = arith.constant 2.000000e-01 : f32
    %mul3A_547 = vector.broadcast %mul3A_546 : f32 to vector<16xf32>
    %mul3A_548 = arith.mulf %add3A_542, %mul3A_547 : vector<16xf32>
    %select_n3A_549 = arith.select %ge3A_545, %add3A_542, %mul3A_548 : vector<16xi1>, vector<16xf32>
    %add3A_550 = arith.addf %gather3A_540, %gather3A_541 : vector<16xf32>
    %ge3A_551 = arith.constant 0.000000e+00 : f32
    %ge3A_552 = vector.broadcast %ge3A_551 : f32 to vector<16xf32>
    %ge3A_553 = arith.cmpf oge, %add3A_550, %ge3A_552 : vector<16xf32>
    %mul3A_554 = arith.constant 2.000000e-01 : f32
    %mul3A_555 = vector.broadcast %mul3A_554 : f32 to vector<16xf32>
    %mul3A_556 = arith.mulf %add3A_550, %mul3A_555 : vector<16xf32>
    %select_n3A_557 = arith.select %ge3A_553, %add3A_550, %mul3A_556 : vector<16xi1>, vector<16xf32>
    %sub3A_558 = arith.subf %select_n3A_549, %select_n3A_557 : vector<16xf32>
    %exp3A_559 = math.exp %sub3A_558 : vector<16xf32>
    %swap3A_560 = arith.constant 16 : index
    %swap3A_561 = tpu.vector_load %arg18[%swap3A_560] {strides = array<i32>} : memref<32xf32, #tpu.memory_space<vmem>>, vector<16xf32>,
    tpu.vector_store %arg18[%swap3A_560], %exp3A_559 {strides = array<i32>} : memref<32xf32, #tpu.memory_space<vmem>>, vector<16xf32>,
    %dma_wait3A_562 = arith.constant 0 : i32
    %dma_wait3A_563 = arith.constant 0 : i32
    %dma_wait3A_564 = tpu.memref_slice %arg22[%dma_wait3A_562, %dma_wait3A_563] : memref<80x128xf32, #tpu.memory_space<vmem>> -> memref<48x128xf32, #tpu.memory_space<vmem>>
    %dma_wait3A_565 = arith.constant 0 : i32
    %dma_wait3A_566 = arith.constant 0 : i32
    %dma_wait3A_567 = tpu.memref_slice %arg24[%dma_wait3A_565, %dma_wait3A_566] : memref<10000x128xf32, #tpu.memory_space<vmem_shared>> -> memref<10000x128xf32, #tpu.memory_space<vmem_shared>>
    tpu.wait_indirect_dma semaphore(%arg29 : memref<!tpu.dma_semaphore, #tpu.memory_space<semaphore_mem>>) src(%dma_wait3A_564 : memref<48x128xf32, #tpu.memory_space<vmem>>) dst(%dma_wait3A_567 : memref<10000x128xf32, #tpu.memory_space<vmem_shared>>)
    %dma_wait3A_568 = arith.constant 48 : i32
    %dma_wait3A_569 = arith.constant 0 : i32
    %dma_wait3A_570 = tpu.memref_slice %arg22[%dma_wait3A_568, %dma_wait3A_569] : memref<80x128xf32, #tpu.memory_space<vmem>> -> memref<32x128xf32, #tpu.memory_space<vmem>>
    %dma_wait3A_571 = arith.constant 0 : i32
    %dma_wait3A_572 = arith.constant 0 : i32
    %dma_wait3A_573 = tpu.memref_slice %arg24[%dma_wait3A_571, %dma_wait3A_572] : memref<10000x128xf32, #tpu.memory_space<vmem_shared>> -> memref<10000x128xf32, #tpu.memory_space<vmem_shared>>
    tpu.wait_indirect_dma semaphore(%arg29 : memref<!tpu.dma_semaphore, #tpu.memory_space<semaphore_mem>>) src(%dma_wait3A_570 : memref<32x128xf32, #tpu.memory_space<vmem>>) dst(%dma_wait3A_573 : memref<10000x128xf32, #tpu.memory_space<vmem_shared>>)
    %dma_wait3A_574 = arith.constant 0 : i32
    %dma_wait3A_575 = tpu.memref_slice %arg25[%dma_wait3A_574] : memref<10000xf32, #tpu.memory_space<vmem_shared>> -> memref<10000xf32, #tpu.memory_space<vmem_shared>>
    tpu.wait_indirect_dma semaphore(%arg29 : memref<!tpu.dma_semaphore, #tpu.memory_space<semaphore_mem>>) src(%arg19 : memref<48xf32, #tpu.memory_space<vmem>>) dst(%dma_wait3A_575 : memref<10000xf32, #tpu.memory_space<vmem_shared>>)
    %dma_wait3A_576 = arith.constant 0 : i32
    %dma_wait3A_577 = tpu.memref_slice %arg25[%dma_wait3A_576] : memref<10000xf32, #tpu.memory_space<vmem_shared>> -> memref<10000xf32, #tpu.memory_space<vmem_shared>>
    tpu.wait_indirect_dma semaphore(%arg29 : memref<!tpu.dma_semaphore, #tpu.memory_space<semaphore_mem>>) src(%arg20 : memref<32xf32, #tpu.memory_space<vmem>>) dst(%dma_wait3A_577 : memref<10000xf32, #tpu.memory_space<vmem_shared>>)
    %multiple_of3A_578 = arith.constant 1920 : i32
    %multiple_of3A_579 = tpu.assume_multiple %multiple_of3A_578, 8 : i32
    %dma_wait3A_580 = tpu.memref_slice %arg11[%multiple_of3A_579] : memref<2000xi32, #tpu.memory_space<vmem>> -> memref<80xi32, #tpu.memory_space<vmem>>
    %dma_wait3A_581 = arith.constant 0 : i32
    %dma_wait3A_582 = arith.constant 0 : i32
    %dma_wait3A_583 = tpu.memref_slice %arg2[%dma_wait3A_581, %dma_wait3A_582] : memref<10000x128xf32, #tpu.memory_space<hbm>> -> memref<10000x128xf32, #tpu.memory_space<hbm>>
    tpu.wait_indirect_dma semaphore(%arg26 : memref<!tpu.dma_semaphore, #tpu.memory_space<semaphore_mem>>) src(%dma_wait3A_583 : memref<10000x128xf32, #tpu.memory_space<hbm>>) dst(%arg21 : memref<80x128xf32, #tpu.memory_space<vmem>>)
    %parallel_loop3A_584 = arith.constant 0 : i32
    %parallel_loop3A_585 = arith.constant 48 : i32
    %parallel_loop3A_586 = arith.constant 1 : i32
    scf.for %parallel_loop3A_660 = %parallel_loop3A_584 to %parallel_loop3A_585 step %parallel_loop3A_586  : i32 {
      %parallel_loop3A_661 = arith.constant 0 : i32
      %parallel_loop3A_662 = arith.subi %parallel_loop3A_660, %parallel_loop3A_661 : i32
      %parallel_loop3A_663 = vector.broadcast %parallel_loop3A_662 : i32 to vector<16xi32>
      %parallel_loop3A_664 = tpu.vector_load_idx %arg17[%parallel_loop3A_663] : memref<48xf32, #tpu.memory_space<vmem>>[vector<16xi32>], vector<16xf32>,
      %parallel_loop3A_665 = arith.index_cast %parallel_loop3A_660 : i32 to index
      %parallel_loop3A_666 = arith.constant 0 : index
      %parallel_loop3A_667 = tpu.vector_load %arg21[%parallel_loop3A_665, %parallel_loop3A_666] {strides = array<i32>} : memref<80x128xf32, #tpu.memory_space<vmem>>, vector<16xf32>,
      %parallel_loop3A_668 = arith.mulf %parallel_loop3A_667, %parallel_loop3A_664 : vector<16xf32>
      %parallel_loop3A_669 = arith.index_cast %parallel_loop3A_660 : i32 to index
      %parallel_loop3A_670 = arith.constant 0 : index
      %parallel_loop3A_671 = tpu.vector_load %arg21[%parallel_loop3A_669, %parallel_loop3A_670] {strides = array<i32>} : memref<80x128xf32, #tpu.memory_space<vmem>>, vector<16xf32>,
      tpu.vector_store %arg21[%parallel_loop3A_669, %parallel_loop3A_670], %parallel_loop3A_668 {strides = array<i32>} : memref<80x128xf32, #tpu.memory_space<vmem>>, vector<16xf32>,
      %parallel_loop3A_672 = arith.index_cast %parallel_loop3A_660 : i32 to index
      %parallel_loop3A_673 = arith.constant 16 : index
      %parallel_loop3A_674 = tpu.vector_load %arg21[%parallel_loop3A_672, %parallel_loop3A_673] {strides = array<i32>} : memref<80x128xf32, #tpu.memory_space<vmem>>, vector<16xf32>,
      %parallel_loop3A_675 = arith.mulf %parallel_loop3A_674, %parallel_loop3A_664 : vector<16xf32>
      %parallel_loop3A_676 = arith.index_cast %parallel_loop3A_660 : i32 to index
      %parallel_loop3A_677 = arith.constant 16 : index
      %parallel_loop3A_678 = tpu.vector_load %arg21[%parallel_loop3A_676, %parallel_loop3A_677] {strides = array<i32>} : memref<80x128xf32, #tpu.memory_space<vmem>>, vector<16xf32>,
      tpu.vector_store %arg21[%parallel_loop3A_676, %parallel_loop3A_677], %parallel_loop3A_675 {strides = array<i32>} : memref<80x128xf32, #tpu.memory_space<vmem>>, vector<16xf32>,
      %parallel_loop3A_679 = arith.index_cast %parallel_loop3A_660 : i32 to index
      %parallel_loop3A_680 = arith.constant 32 : index
      %parallel_loop3A_681 = tpu.vector_load %arg21[%parallel_loop3A_679, %parallel_loop3A_680] {strides = array<i32>} : memref<80x128xf32, #tpu.memory_space<vmem>>, vector<16xf32>,
      %parallel_loop3A_682 = arith.mulf %parallel_loop3A_681, %parallel_loop3A_664 : vector<16xf32>
      %parallel_loop3A_683 = arith.index_cast %parallel_loop3A_660 : i32 to index
      %parallel_loop3A_684 = arith.constant 32 : index
      %parallel_loop3A_685 = tpu.vector_load %arg21[%parallel_loop3A_683, %parallel_loop3A_684] {strides = array<i32>} : memref<80x128xf32, #tpu.memory_space<vmem>>, vector<16xf32>,
      tpu.vector_store %arg21[%parallel_loop3A_683, %parallel_loop3A_684], %parallel_loop3A_682 {strides = array<i32>} : memref<80x128xf32, #tpu.memory_space<vmem>>, vector<16xf32>,
      %parallel_loop3A_686 = arith.index_cast %parallel_loop3A_660 : i32 to index
      %parallel_loop3A_687 = arith.constant 48 : index
      %parallel_loop3A_688 = tpu.vector_load %arg21[%parallel_loop3A_686, %parallel_loop3A_687] {strides = array<i32>} : memref<80x128xf32, #tpu.memory_space<vmem>>, vector<16xf32>,
      %parallel_loop3A_689 = arith.mulf %parallel_loop3A_688, %parallel_loop3A_664 : vector<16xf32>
      %parallel_loop3A_690 = arith.index_cast %parallel_loop3A_660 : i32 to index
      %parallel_loop3A_691 = arith.constant 48 : index
      %parallel_loop3A_692 = tpu.vector_load %arg21[%parallel_loop3A_690, %parallel_loop3A_691] {strides = array<i32>} : memref<80x128xf32, #tpu.memory_space<vmem>>, vector<16xf32>,
      tpu.vector_store %arg21[%parallel_loop3A_690, %parallel_loop3A_691], %parallel_loop3A_689 {strides = array<i32>} : memref<80x128xf32, #tpu.memory_space<vmem>>, vector<16xf32>,
      %parallel_loop3A_693 = arith.index_cast %parallel_loop3A_660 : i32 to index
      %parallel_loop3A_694 = arith.constant 64 : index
      %parallel_loop3A_695 = tpu.vector_load %arg21[%parallel_loop3A_693, %parallel_loop3A_694] {strides = array<i32>} : memref<80x128xf32, #tpu.memory_space<vmem>>, vector<16xf32>,
      %parallel_loop3A_696 = arith.mulf %parallel_loop3A_695, %parallel_loop3A_664 : vector<16xf32>
      %parallel_loop3A_697 = arith.index_cast %parallel_loop3A_660 : i32 to index
      %parallel_loop3A_698 = arith.constant 64 : index
      %parallel_loop3A_699 = tpu.vector_load %arg21[%parallel_loop3A_697, %parallel_loop3A_698] {strides = array<i32>} : memref<80x128xf32, #tpu.memory_space<vmem>>, vector<16xf32>,
      tpu.vector_store %arg21[%parallel_loop3A_697, %parallel_loop3A_698], %parallel_loop3A_696 {strides = array<i32>} : memref<80x128xf32, #tpu.memory_space<vmem>>, vector<16xf32>,
      %parallel_loop3A_700 = arith.index_cast %parallel_loop3A_660 : i32 to index
      %parallel_loop3A_701 = arith.constant 80 : index
      %parallel_loop3A_702 = tpu.vector_load %arg21[%parallel_loop3A_700, %parallel_loop3A_701] {strides = array<i32>} : memref<80x128xf32, #tpu.memory_space<vmem>>, vector<16xf32>,
      %parallel_loop3A_703 = arith.mulf %parallel_loop3A_702, %parallel_loop3A_664 : vector<16xf32>
      %parallel_loop3A_704 = arith.index_cast %parallel_loop3A_660 : i32 to index
      %parallel_loop3A_705 = arith.constant 80 : index
      %parallel_loop3A_706 = tpu.vector_load %arg21[%parallel_loop3A_704, %parallel_loop3A_705] {strides = array<i32>} : memref<80x128xf32, #tpu.memory_space<vmem>>, vector<16xf32>,
      tpu.vector_store %arg21[%parallel_loop3A_704, %parallel_loop3A_705], %parallel_loop3A_703 {strides = array<i32>} : memref<80x128xf32, #tpu.memory_space<vmem>>, vector<16xf32>,
      %parallel_loop3A_707 = arith.index_cast %parallel_loop3A_660 : i32 to index
      %parallel_loop3A_708 = arith.constant 96 : index
      %parallel_loop3A_709 = tpu.vector_load %arg21[%parallel_loop3A_707, %parallel_loop3A_708] {strides = array<i32>} : memref<80x128xf32, #tpu.memory_space<vmem>>, vector<16xf32>,
      %parallel_loop3A_710 = arith.mulf %parallel_loop3A_709, %parallel_loop3A_664 : vector<16xf32>
      %parallel_loop3A_711 = arith.index_cast %parallel_loop3A_660 : i32 to index
      %parallel_loop3A_712 = arith.constant 96 : index
      %parallel_loop3A_713 = tpu.vector_load %arg21[%parallel_loop3A_711, %parallel_loop3A_712] {strides = array<i32>} : memref<80x128xf32, #tpu.memory_space<vmem>>, vector<16xf32>,
      tpu.vector_store %arg21[%parallel_loop3A_711, %parallel_loop3A_712], %parallel_loop3A_710 {strides = array<i32>} : memref<80x128xf32, #tpu.memory_space<vmem>>, vector<16xf32>,
      %parallel_loop3A_714 = arith.index_cast %parallel_loop3A_660 : i32 to index
      %parallel_loop3A_715 = arith.constant 112 : index
      %parallel_loop3A_716 = tpu.vector_load %arg21[%parallel_loop3A_714, %parallel_loop3A_715] {strides = array<i32>} : memref<80x128xf32, #tpu.memory_space<vmem>>, vector<16xf32>,
      %parallel_loop3A_717 = arith.mulf %parallel_loop3A_716, %parallel_loop3A_664 : vector<16xf32>
      %parallel_loop3A_718 = arith.index_cast %parallel_loop3A_660 : i32 to index
      %parallel_loop3A_719 = arith.constant 112 : index
      %parallel_loop3A_720 = tpu.vector_load %arg21[%parallel_loop3A_718, %parallel_loop3A_719] {strides = array<i32>} : memref<80x128xf32, #tpu.memory_space<vmem>>, vector<16xf32>,
      tpu.vector_store %arg21[%parallel_loop3A_718, %parallel_loop3A_719], %parallel_loop3A_717 {strides = array<i32>} : memref<80x128xf32, #tpu.memory_space<vmem>>, vector<16xf32>,
    } {sc.loop_unroll_factor = 4 : i64, sc.parallel_access}
    %dma_start3A_587 = arith.constant 0 : i32
    %dma_start3A_588 = arith.constant 0 : i32
    %dma_start3A_589 = tpu.memref_slice %arg21[%dma_start3A_587, %dma_start3A_588] : memref<80x128xf32, #tpu.memory_space<vmem>> -> memref<48x128xf32, #tpu.memory_space<vmem>>
    %dma_start3A_590 = arith.constant 0 : i32
    %dma_start3A_591 = arith.constant 0 : i32
    %dma_start3A_592 = tpu.memref_slice %arg24[%dma_start3A_590, %dma_start3A_591] : memref<10000x128xf32, #tpu.memory_space<vmem_shared>> -> memref<10000x128xf32, #tpu.memory_space<vmem_shared>>
    tpu.enqueue_indirect_dma source(%dma_start3A_589 : memref<48x128xf32, #tpu.memory_space<vmem>>) target(%dma_start3A_592 : memref<10000x128xf32, #tpu.memory_space<vmem_shared>>) offsets(%arg13 : memref<48xi32, #tpu.memory_space<vmem>>) semaphore(%arg28 : memref<!tpu.dma_semaphore, #tpu.memory_space<semaphore_mem>>) {add = true}
    %parallel_loop3A_593 = arith.constant 48 : i32
    %parallel_loop3A_594 = arith.constant 80 : i32
    %parallel_loop3A_595 = arith.constant 1 : i32
    scf.for %parallel_loop3A_660 = %parallel_loop3A_593 to %parallel_loop3A_594 step %parallel_loop3A_595  : i32 {
      %parallel_loop3A_661 = arith.constant 48 : i32
      %parallel_loop3A_662 = arith.subi %parallel_loop3A_660, %parallel_loop3A_661 : i32
      %parallel_loop3A_663 = vector.broadcast %parallel_loop3A_662 : i32 to vector<16xi32>
      %parallel_loop3A_664 = tpu.vector_load_idx %arg18[%parallel_loop3A_663] : memref<32xf32, #tpu.memory_space<vmem>>[vector<16xi32>], vector<16xf32>,
      %parallel_loop3A_665 = arith.index_cast %parallel_loop3A_660 : i32 to index
      %parallel_loop3A_666 = arith.constant 0 : index
      %parallel_loop3A_667 = tpu.vector_load %arg21[%parallel_loop3A_665, %parallel_loop3A_666] {strides = array<i32>} : memref<80x128xf32, #tpu.memory_space<vmem>>, vector<16xf32>,
      %parallel_loop3A_668 = arith.mulf %parallel_loop3A_667, %parallel_loop3A_664 : vector<16xf32>
      %parallel_loop3A_669 = arith.index_cast %parallel_loop3A_660 : i32 to index
      %parallel_loop3A_670 = arith.constant 0 : index
      %parallel_loop3A_671 = tpu.vector_load %arg21[%parallel_loop3A_669, %parallel_loop3A_670] {strides = array<i32>} : memref<80x128xf32, #tpu.memory_space<vmem>>, vector<16xf32>,
      tpu.vector_store %arg21[%parallel_loop3A_669, %parallel_loop3A_670], %parallel_loop3A_668 {strides = array<i32>} : memref<80x128xf32, #tpu.memory_space<vmem>>, vector<16xf32>,
      %parallel_loop3A_672 = arith.index_cast %parallel_loop3A_660 : i32 to index
      %parallel_loop3A_673 = arith.constant 16 : index
      %parallel_loop3A_674 = tpu.vector_load %arg21[%parallel_loop3A_672, %parallel_loop3A_673] {strides = array<i32>} : memref<80x128xf32, #tpu.memory_space<vmem>>, vector<16xf32>,
      %parallel_loop3A_675 = arith.mulf %parallel_loop3A_674, %parallel_loop3A_664 : vector<16xf32>
      %parallel_loop3A_676 = arith.index_cast %parallel_loop3A_660 : i32 to index
      %parallel_loop3A_677 = arith.constant 16 : index
      %parallel_loop3A_678 = tpu.vector_load %arg21[%parallel_loop3A_676, %parallel_loop3A_677] {strides = array<i32>} : memref<80x128xf32, #tpu.memory_space<vmem>>, vector<16xf32>,
      tpu.vector_store %arg21[%parallel_loop3A_676, %parallel_loop3A_677], %parallel_loop3A_675 {strides = array<i32>} : memref<80x128xf32, #tpu.memory_space<vmem>>, vector<16xf32>,
      %parallel_loop3A_679 = arith.index_cast %parallel_loop3A_660 : i32 to index
      %parallel_loop3A_680 = arith.constant 32 : index
      %parallel_loop3A_681 = tpu.vector_load %arg21[%parallel_loop3A_679, %parallel_loop3A_680] {strides = array<i32>} : memref<80x128xf32, #tpu.memory_space<vmem>>, vector<16xf32>,
      %parallel_loop3A_682 = arith.mulf %parallel_loop3A_681, %parallel_loop3A_664 : vector<16xf32>
      %parallel_loop3A_683 = arith.index_cast %parallel_loop3A_660 : i32 to index
      %parallel_loop3A_684 = arith.constant 32 : index
      %parallel_loop3A_685 = tpu.vector_load %arg21[%parallel_loop3A_683, %parallel_loop3A_684] {strides = array<i32>} : memref<80x128xf32, #tpu.memory_space<vmem>>, vector<16xf32>,
      tpu.vector_store %arg21[%parallel_loop3A_683, %parallel_loop3A_684], %parallel_loop3A_682 {strides = array<i32>} : memref<80x128xf32, #tpu.memory_space<vmem>>, vector<16xf32>,
      %parallel_loop3A_686 = arith.index_cast %parallel_loop3A_660 : i32 to index
      %parallel_loop3A_687 = arith.constant 48 : index
      %parallel_loop3A_688 = tpu.vector_load %arg21[%parallel_loop3A_686, %parallel_loop3A_687] {strides = array<i32>} : memref<80x128xf32, #tpu.memory_space<vmem>>, vector<16xf32>,
      %parallel_loop3A_689 = arith.mulf %parallel_loop3A_688, %parallel_loop3A_664 : vector<16xf32>
      %parallel_loop3A_690 = arith.index_cast %parallel_loop3A_660 : i32 to index
      %parallel_loop3A_691 = arith.constant 48 : index
      %parallel_loop3A_692 = tpu.vector_load %arg21[%parallel_loop3A_690, %parallel_loop3A_691] {strides = array<i32>} : memref<80x128xf32, #tpu.memory_space<vmem>>, vector<16xf32>,
      tpu.vector_store %arg21[%parallel_loop3A_690, %parallel_loop3A_691], %parallel_loop3A_689 {strides = array<i32>} : memref<80x128xf32, #tpu.memory_space<vmem>>, vector<16xf32>,
      %parallel_loop3A_693 = arith.index_cast %parallel_loop3A_660 : i32 to index
      %parallel_loop3A_694 = arith.constant 64 : index
      %parallel_loop3A_695 = tpu.vector_load %arg21[%parallel_loop3A_693, %parallel_loop3A_694] {strides = array<i32>} : memref<80x128xf32, #tpu.memory_space<vmem>>, vector<16xf32>,
      %parallel_loop3A_696 = arith.mulf %parallel_loop3A_695, %parallel_loop3A_664 : vector<16xf32>
      %parallel_loop3A_697 = arith.index_cast %parallel_loop3A_660 : i32 to index
      %parallel_loop3A_698 = arith.constant 64 : index
      %parallel_loop3A_699 = tpu.vector_load %arg21[%parallel_loop3A_697, %parallel_loop3A_698] {strides = array<i32>} : memref<80x128xf32, #tpu.memory_space<vmem>>, vector<16xf32>,
      tpu.vector_store %arg21[%parallel_loop3A_697, %parallel_loop3A_698], %parallel_loop3A_696 {strides = array<i32>} : memref<80x128xf32, #tpu.memory_space<vmem>>, vector<16xf32>,
      %parallel_loop3A_700 = arith.index_cast %parallel_loop3A_660 : i32 to index
      %parallel_loop3A_701 = arith.constant 80 : index
      %parallel_loop3A_702 = tpu.vector_load %arg21[%parallel_loop3A_700, %parallel_loop3A_701] {strides = array<i32>} : memref<80x128xf32, #tpu.memory_space<vmem>>, vector<16xf32>,
      %parallel_loop3A_703 = arith.mulf %parallel_loop3A_702, %parallel_loop3A_664 : vector<16xf32>
      %parallel_loop3A_704 = arith.index_cast %parallel_loop3A_660 : i32 to index
      %parallel_loop3A_705 = arith.constant 80 : index
      %parallel_loop3A_706 = tpu.vector_load %arg21[%parallel_loop3A_704, %parallel_loop3A_705] {strides = array<i32>} : memref<80x128xf32, #tpu.memory_space<vmem>>, vector<16xf32>,
      tpu.vector_store %arg21[%parallel_loop3A_704, %parallel_loop3A_705], %parallel_loop3A_703 {strides = array<i32>} : memref<80x128xf32, #tpu.memory_space<vmem>>, vector<16xf32>,
      %parallel_loop3A_707 = arith.index_cast %parallel_loop3A_660 : i32 to index
      %parallel_loop3A_708 = arith.constant 96 : index
      %parallel_loop3A_709 = tpu.vector_load %arg21[%parallel_loop3A_707, %parallel_loop3A_708] {strides = array<i32>} : memref<80x128xf32, #tpu.memory_space<vmem>>, vector<16xf32>,
      %parallel_loop3A_710 = arith.mulf %parallel_loop3A_709, %parallel_loop3A_664 : vector<16xf32>
      %parallel_loop3A_711 = arith.index_cast %parallel_loop3A_660 : i32 to index
      %parallel_loop3A_712 = arith.constant 96 : index
      %parallel_loop3A_713 = tpu.vector_load %arg21[%parallel_loop3A_711, %parallel_loop3A_712] {strides = array<i32>} : memref<80x128xf32, #tpu.memory_space<vmem>>, vector<16xf32>,
      tpu.vector_store %arg21[%parallel_loop3A_711, %parallel_loop3A_712], %parallel_loop3A_710 {strides = array<i32>} : memref<80x128xf32, #tpu.memory_space<vmem>>, vector<16xf32>,
      %parallel_loop3A_714 = arith.index_cast %parallel_loop3A_660 : i32 to index
      %parallel_loop3A_715 = arith.constant 112 : index
      %parallel_loop3A_716 = tpu.vector_load %arg21[%parallel_loop3A_714, %parallel_loop3A_715] {strides = array<i32>} : memref<80x128xf32, #tpu.memory_space<vmem>>, vector<16xf32>,
      %parallel_loop3A_717 = arith.mulf %parallel_loop3A_716, %parallel_loop3A_664 : vector<16xf32>
      %parallel_loop3A_718 = arith.index_cast %parallel_loop3A_660 : i32 to index
      %parallel_loop3A_719 = arith.constant 112 : index
      %parallel_loop3A_720 = tpu.vector_load %arg21[%parallel_loop3A_718, %parallel_loop3A_719] {strides = array<i32>} : memref<80x128xf32, #tpu.memory_space<vmem>>, vector<16xf32>,
      tpu.vector_store %arg21[%parallel_loop3A_718, %parallel_loop3A_719], %parallel_loop3A_717 {strides = array<i32>} : memref<80x128xf32, #tpu.memory_space<vmem>>, vector<16xf32>,
    } {sc.loop_unroll_factor = 4 : i64, sc.parallel_access}
    %dma_start3A_596 = arith.constant 48 : i32
    %dma_start3A_597 = arith.constant 0 : i32
    %dma_start3A_598 = tpu.memref_slice %arg21[%dma_start3A_596, %dma_start3A_597] : memref<80x128xf32, #tpu.memory_space<vmem>> -> memref<32x128xf32, #tpu.memory_space<vmem>>
    %dma_start3A_599 = arith.constant 0 : i32
    %dma_start3A_600 = arith.constant 0 : i32
    %dma_start3A_601 = tpu.memref_slice %arg24[%dma_start3A_599, %dma_start3A_600] : memref<10000x128xf32, #tpu.memory_space<vmem_shared>> -> memref<10000x128xf32, #tpu.memory_space<vmem_shared>>
    tpu.enqueue_indirect_dma source(%dma_start3A_598 : memref<32x128xf32, #tpu.memory_space<vmem>>) target(%dma_start3A_601 : memref<10000x128xf32, #tpu.memory_space<vmem_shared>>) offsets(%arg14 : memref<32xi32, #tpu.memory_space<vmem>>) semaphore(%arg28 : memref<!tpu.dma_semaphore, #tpu.memory_space<semaphore_mem>>) {add = true}
    %dma_start3A_602 = arith.constant 0 : i32
    %dma_start3A_603 = tpu.memref_slice %arg25[%dma_start3A_602] : memref<10000xf32, #tpu.memory_space<vmem_shared>> -> memref<10000xf32, #tpu.memory_space<vmem_shared>>
    tpu.enqueue_indirect_dma source(%arg17 : memref<48xf32, #tpu.memory_space<vmem>>) target(%dma_start3A_603 : memref<10000xf32, #tpu.memory_space<vmem_shared>>) offsets(%arg13 : memref<48xi32, #tpu.memory_space<vmem>>) semaphore(%arg28 : memref<!tpu.dma_semaphore, #tpu.memory_space<semaphore_mem>>) {add = true}
    %dma_start3A_604 = arith.constant 0 : i32
    %dma_start3A_605 = tpu.memref_slice %arg25[%dma_start3A_604] : memref<10000xf32, #tpu.memory_space<vmem_shared>> -> memref<10000xf32, #tpu.memory_space<vmem_shared>>
    tpu.enqueue_indirect_dma source(%arg18 : memref<32xf32, #tpu.memory_space<vmem>>) target(%dma_start3A_605 : memref<10000xf32, #tpu.memory_space<vmem_shared>>) offsets(%arg14 : memref<32xi32, #tpu.memory_space<vmem>>) semaphore(%arg28 : memref<!tpu.dma_semaphore, #tpu.memory_space<semaphore_mem>>) {add = true}
    %dma_wait3A_606 = arith.constant 0 : i32
    %dma_wait3A_607 = arith.constant 0 : i32
    %dma_wait3A_608 = tpu.memref_slice %arg21[%dma_wait3A_606, %dma_wait3A_607] : memref<80x128xf32, #tpu.memory_space<vmem>> -> memref<48x128xf32, #tpu.memory_space<vmem>>
    %dma_wait3A_609 = arith.constant 0 : i32
    %dma_wait3A_610 = arith.constant 0 : i32
    %dma_wait3A_611 = tpu.memref_slice %arg24[%dma_wait3A_609, %dma_wait3A_610] : memref<10000x128xf32, #tpu.memory_space<vmem_shared>> -> memref<10000x128xf32, #tpu.memory_space<vmem_shared>>
    tpu.wait_indirect_dma semaphore(%arg28 : memref<!tpu.dma_semaphore, #tpu.memory_space<semaphore_mem>>) src(%dma_wait3A_608 : memref<48x128xf32, #tpu.memory_space<vmem>>) dst(%dma_wait3A_611 : memref<10000x128xf32, #tpu.memory_space<vmem_shared>>)
    %dma_wait3A_612 = arith.constant 48 : i32
    %dma_wait3A_613 = arith.constant 0 : i32
    %dma_wait3A_614 = tpu.memref_slice %arg21[%dma_wait3A_612, %dma_wait3A_613] : memref<80x128xf32, #tpu.memory_space<vmem>> -> memref<32x128xf32, #tpu.memory_space<vmem>>
    %dma_wait3A_615 = arith.constant 0 : i32
    %dma_wait3A_616 = arith.constant 0 : i32
    %dma_wait3A_617 = tpu.memref_slice %arg24[%dma_wait3A_615, %dma_wait3A_616] : memref<10000x128xf32, #tpu.memory_space<vmem_shared>> -> memref<10000x128xf32, #tpu.memory_space<vmem_shared>>
    tpu.wait_indirect_dma semaphore(%arg28 : memref<!tpu.dma_semaphore, #tpu.memory_space<semaphore_mem>>) src(%dma_wait3A_614 : memref<32x128xf32, #tpu.memory_space<vmem>>) dst(%dma_wait3A_617 : memref<10000x128xf32, #tpu.memory_space<vmem_shared>>)
    %dma_wait3A_618 = arith.constant 0 : i32
    %dma_wait3A_619 = tpu.memref_slice %arg25[%dma_wait3A_618] : memref<10000xf32, #tpu.memory_space<vmem_shared>> -> memref<10000xf32, #tpu.memory_space<vmem_shared>>
    tpu.wait_indirect_dma semaphore(%arg28 : memref<!tpu.dma_semaphore, #tpu.memory_space<semaphore_mem>>) src(%arg17 : memref<48xf32, #tpu.memory_space<vmem>>) dst(%dma_wait3A_619 : memref<10000xf32, #tpu.memory_space<vmem_shared>>)
    %dma_wait3A_620 = arith.constant 0 : i32
    %dma_wait3A_621 = tpu.memref_slice %arg25[%dma_wait3A_620] : memref<10000xf32, #tpu.memory_space<vmem_shared>> -> memref<10000xf32, #tpu.memory_space<vmem_shared>>
    tpu.wait_indirect_dma semaphore(%arg28 : memref<!tpu.dma_semaphore, #tpu.memory_space<semaphore_mem>>) src(%arg18 : memref<32xf32, #tpu.memory_space<vmem>>) dst(%dma_wait3A_621 : memref<10000xf32, #tpu.memory_space<vmem_shared>>)
    %barrier3A_622 = arith.constant 0 : index
    tpu.barrier barrier_id(%barrier3A_622)
    %add3A_623 = arith.constant 0 : i32
    %add3A_624 = arith.addi %multiple_of3A_22, %add3A_623 : i32
    "tpu.region"() ({
      %run_scoped3A = tpu.sem_alloc : memref<!tpu.dma_semaphore, #tpu.memory_space<semaphore_mem>>
      %dma_start3A_660 = arith.constant 0 : i32
      %dma_start3A_661 = tpu.memref_slice %arg24[%add3A_624, %dma_start3A_660] : memref<10000x128xf32, #tpu.memory_space<vmem_shared>> -> memref<80x128xf32, #tpu.memory_space<vmem_shared>>
      %dma_start3A_662 = arith.constant 0 : i32
      %dma_start3A_663 = tpu.memref_slice %arg24[%add3A_624, %dma_start3A_662] : memref<10000x128xf32, #tpu.memory_space<vmem_shared>> -> memref<80x128xf32, #tpu.memory_space<vmem_shared>>
      tpu.enqueue_dma source(%dma_start3A_663 : memref<80x128xf32, #tpu.memory_space<vmem_shared>>) target(%arg21 : memref<80x128xf32, #tpu.memory_space<vmem>>) target_semaphore(%run_scoped3A : memref<!tpu.dma_semaphore, #tpu.memory_space<semaphore_mem>>)
      %dma_wait3A_664 = arith.constant 0 : i32
      %dma_wait3A_665 = tpu.memref_slice %arg24[%add3A_624, %dma_wait3A_664] : memref<10000x128xf32, #tpu.memory_space<vmem_shared>> -> memref<80x128xf32, #tpu.memory_space<vmem_shared>>
      %dma_wait3A_666 = arith.constant 0 : i32
      %dma_wait3A_667 = tpu.memref_slice %arg24[%add3A_624, %dma_wait3A_666] : memref<10000x128xf32, #tpu.memory_space<vmem_shared>> -> memref<80x128xf32, #tpu.memory_space<vmem_shared>>
      tpu.wait_dma2 semaphore(%run_scoped3A : memref<!tpu.dma_semaphore, #tpu.memory_space<semaphore_mem>>) src(%dma_wait3A_667 : memref<80x128xf32, #tpu.memory_space<vmem_shared>>) dst(%arg21 : memref<80x128xf32, #tpu.memory_space<vmem>>)
      tpu.yield
    }) : () -> ()
    %add3A_625 = arith.constant 0 : i32
    %add3A_626 = arith.addi %multiple_of3A_22, %add3A_625 : i32
    "tpu.region"() ({
      %run_scoped3A = tpu.sem_alloc : memref<!tpu.dma_semaphore, #tpu.memory_space<semaphore_mem>>
      %dma_start3A_660 = arith.constant 0 : i32
      %dma_start3A_661 = tpu.memref_slice %arg7[%arg0, %add3A_626, %dma_start3A_660] : memref<2x10000x128xf32, #tpu.memory_space<hbm>> -> memref<1x80x128xf32, #tpu.memory_space<hbm>>
      %dma_start3A_662 = tpu.memref_squeeze %dma_start3A_661 : memref<1x80x128xf32, #tpu.memory_space<hbm>> -> memref<80x128xf32, #tpu.memory_space<hbm>>
      %dma_start3A_663 = arith.constant 0 : i32
      %dma_start3A_664 = tpu.memref_slice %arg7[%arg0, %add3A_626, %dma_start3A_663] : memref<2x10000x128xf32, #tpu.memory_space<hbm>> -> memref<1x80x128xf32, #tpu.memory_space<hbm>>
      %dma_start3A_665 = tpu.memref_squeeze %dma_start3A_664 : memref<1x80x128xf32, #tpu.memory_space<hbm>> -> memref<80x128xf32, #tpu.memory_space<hbm>>
      tpu.enqueue_dma source(%arg21 : memref<80x128xf32, #tpu.memory_space<vmem>>) target(%dma_start3A_665 : memref<80x128xf32, #tpu.memory_space<hbm>>) target_semaphore(%run_scoped3A : memref<!tpu.dma_semaphore, #tpu.memory_space<semaphore_mem>>)
      %dma_wait3A_666 = arith.constant 0 : i32
      %dma_wait3A_667 = tpu.memref_slice %arg7[%arg0, %add3A_626, %dma_wait3A_666] : memref<2x10000x128xf32, #tpu.memory_space<hbm>> -> memref<1x80x128xf32, #tpu.memory_space<hbm>>
      %dma_wait3A_668 = tpu.memref_squeeze %dma_wait3A_667 : memref<1x80x128xf32, #tpu.memory_space<hbm>> -> memref<80x128xf32, #tpu.memory_space<hbm>>
      %dma_wait3A_669 = arith.constant 0 : i32
      %dma_wait3A_670 = tpu.memref_slice %arg7[%arg0, %add3A_626, %dma_wait3A_669] : memref<2x10000x128xf32, #tpu.memory_space<hbm>> -> memref<1x80x128xf32, #tpu.memory_space<hbm>>
      %dma_wait3A_671 = tpu.memref_squeeze %dma_wait3A_670 : memref<1x80x128xf32, #tpu.memory_space<hbm>> -> memref<80x128xf32, #tpu.memory_space<hbm>>
      tpu.wait_dma2 semaphore(%run_scoped3A : memref<!tpu.dma_semaphore, #tpu.memory_space<semaphore_mem>>) src(%arg21 : memref<80x128xf32, #tpu.memory_space<vmem>>) dst(%dma_wait3A_671 : memref<80x128xf32, #tpu.memory_space<hbm>>)
      tpu.yield
    }) : () -> ()
    %add3A_627 = arith.constant 80 : i32
    %add3A_628 = arith.addi %multiple_of3A_22, %add3A_627 : i32
    "tpu.region"() ({
      %run_scoped3A = tpu.sem_alloc : memref<!tpu.dma_semaphore, #tpu.memory_space<semaphore_mem>>
      %dma_start3A_660 = arith.constant 0 : i32
      %dma_start3A_661 = tpu.memref_slice %arg24[%add3A_628, %dma_start3A_660] : memref<10000x128xf32, #tpu.memory_space<vmem_shared>> -> memref<80x128xf32, #tpu.memory_space<vmem_shared>>
      %dma_start3A_662 = arith.constant 0 : i32
      %dma_start3A_663 = tpu.memref_slice %arg24[%add3A_628, %dma_start3A_662] : memref<10000x128xf32, #tpu.memory_space<vmem_shared>> -> memref<80x128xf32, #tpu.memory_space<vmem_shared>>
      tpu.enqueue_dma source(%dma_start3A_663 : memref<80x128xf32, #tpu.memory_space<vmem_shared>>) target(%arg21 : memref<80x128xf32, #tpu.memory_space<vmem>>) target_semaphore(%run_scoped3A : memref<!tpu.dma_semaphore, #tpu.memory_space<semaphore_mem>>)
      %dma_wait3A_664 = arith.constant 0 : i32
      %dma_wait3A_665 = tpu.memref_slice %arg24[%add3A_628, %dma_wait3A_664] : memref<10000x128xf32, #tpu.memory_space<vmem_shared>> -> memref<80x128xf32, #tpu.memory_space<vmem_shared>>
      %dma_wait3A_666 = arith.constant 0 : i32
      %dma_wait3A_667 = tpu.memref_slice %arg24[%add3A_628, %dma_wait3A_666] : memref<10000x128xf32, #tpu.memory_space<vmem_shared>> -> memref<80x128xf32, #tpu.memory_space<vmem_shared>>
      tpu.wait_dma2 semaphore(%run_scoped3A : memref<!tpu.dma_semaphore, #tpu.memory_space<semaphore_mem>>) src(%dma_wait3A_667 : memref<80x128xf32, #tpu.memory_space<vmem_shared>>) dst(%arg21 : memref<80x128xf32, #tpu.memory_space<vmem>>)
      tpu.yield
    }) : () -> ()
    %add3A_629 = arith.constant 80 : i32
    %add3A_630 = arith.addi %multiple_of3A_22, %add3A_629 : i32
    "tpu.region"() ({
      %run_scoped3A = tpu.sem_alloc : memref<!tpu.dma_semaphore, #tpu.memory_space<semaphore_mem>>
      %dma_start3A_660 = arith.constant 0 : i32
      %dma_start3A_661 = tpu.memref_slice %arg7[%arg0, %add3A_630, %dma_start3A_660] : memref<2x10000x128xf32, #tpu.memory_space<hbm>> -> memref<1x80x128xf32, #tpu.memory_space<hbm>>
      %dma_start3A_662 = tpu.memref_squeeze %dma_start3A_661 : memref<1x80x128xf32, #tpu.memory_space<hbm>> -> memref<80x128xf32, #tpu.memory_space<hbm>>
      %dma_start3A_663 = arith.constant 0 : i32
      %dma_start3A_664 = tpu.memref_slice %arg7[%arg0, %add3A_630, %dma_start3A_663] : memref<2x10000x128xf32, #tpu.memory_space<hbm>> -> memref<1x80x128xf32, #tpu.memory_space<hbm>>
      %dma_start3A_665 = tpu.memref_squeeze %dma_start3A_664 : memref<1x80x128xf32, #tpu.memory_space<hbm>> -> memref<80x128xf32, #tpu.memory_space<hbm>>
      tpu.enqueue_dma source(%arg21 : memref<80x128xf32, #tpu.memory_space<vmem>>) target(%dma_start3A_665 : memref<80x128xf32, #tpu.memory_space<hbm>>) target_semaphore(%run_scoped3A : memref<!tpu.dma_semaphore, #tpu.memory_space<semaphore_mem>>)
      %dma_wait3A_666 = arith.constant 0 : i32
      %dma_wait3A_667 = tpu.memref_slice %arg7[%arg0, %add3A_630, %dma_wait3A_666] : memref<2x10000x128xf32, #tpu.memory_space<hbm>> -> memref<1x80x128xf32, #tpu.memory_space<hbm>>
      %dma_wait3A_668 = tpu.memref_squeeze %dma_wait3A_667 : memref<1x80x128xf32, #tpu.memory_space<hbm>> -> memref<80x128xf32, #tpu.memory_space<hbm>>
      %dma_wait3A_669 = arith.constant 0 : i32
      %dma_wait3A_670 = tpu.memref_slice %arg7[%arg0, %add3A_630, %dma_wait3A_669] : memref<2x10000x128xf32, #tpu.memory_space<hbm>> -> memref<1x80x128xf32, #tpu.memory_space<hbm>>
      %dma_wait3A_671 = tpu.memref_squeeze %dma_wait3A_670 : memref<1x80x128xf32, #tpu.memory_space<hbm>> -> memref<80x128xf32, #tpu.memory_space<hbm>>
      tpu.wait_dma2 semaphore(%run_scoped3A : memref<!tpu.dma_semaphore, #tpu.memory_space<semaphore_mem>>) src(%arg21 : memref<80x128xf32, #tpu.memory_space<vmem>>) dst(%dma_wait3A_671 : memref<80x128xf32, #tpu.memory_space<hbm>>)
      tpu.yield
    }) : () -> ()
    %add3A_631 = arith.constant 160 : i32
    %add3A_632 = arith.addi %multiple_of3A_22, %add3A_631 : i32
    "tpu.region"() ({
      %run_scoped3A = tpu.sem_alloc : memref<!tpu.dma_semaphore, #tpu.memory_space<semaphore_mem>>
      %dma_start3A_660 = arith.constant 0 : i32
      %dma_start3A_661 = tpu.memref_slice %arg24[%add3A_632, %dma_start3A_660] : memref<10000x128xf32, #tpu.memory_space<vmem_shared>> -> memref<80x128xf32, #tpu.memory_space<vmem_shared>>
      %dma_start3A_662 = arith.constant 0 : i32
      %dma_start3A_663 = tpu.memref_slice %arg24[%add3A_632, %dma_start3A_662] : memref<10000x128xf32, #tpu.memory_space<vmem_shared>> -> memref<80x128xf32, #tpu.memory_space<vmem_shared>>
      tpu.enqueue_dma source(%dma_start3A_663 : memref<80x128xf32, #tpu.memory_space<vmem_shared>>) target(%arg21 : memref<80x128xf32, #tpu.memory_space<vmem>>) target_semaphore(%run_scoped3A : memref<!tpu.dma_semaphore, #tpu.memory_space<semaphore_mem>>)
      %dma_wait3A_664 = arith.constant 0 : i32
      %dma_wait3A_665 = tpu.memref_slice %arg24[%add3A_632, %dma_wait3A_664] : memref<10000x128xf32, #tpu.memory_space<vmem_shared>> -> memref<80x128xf32, #tpu.memory_space<vmem_shared>>
      %dma_wait3A_666 = arith.constant 0 : i32
      %dma_wait3A_667 = tpu.memref_slice %arg24[%add3A_632, %dma_wait3A_666] : memref<10000x128xf32, #tpu.memory_space<vmem_shared>> -> memref<80x128xf32, #tpu.memory_space<vmem_shared>>
      tpu.wait_dma2 semaphore(%run_scoped3A : memref<!tpu.dma_semaphore, #tpu.memory_space<semaphore_mem>>) src(%dma_wait3A_667 : memref<80x128xf32, #tpu.memory_space<vmem_shared>>) dst(%arg21 : memref<80x128xf32, #tpu.memory_space<vmem>>)
      tpu.yield
    }) : () -> ()
    %add3A_633 = arith.constant 160 : i32
    %add3A_634 = arith.addi %multiple_of3A_22, %add3A_633 : i32
    "tpu.region"() ({
      %run_scoped3A = tpu.sem_alloc : memref<!tpu.dma_semaphore, #tpu.memory_space<semaphore_mem>>
      %dma_start3A_660 = arith.constant 0 : i32
      %dma_start3A_661 = tpu.memref_slice %arg7[%arg0, %add3A_634, %dma_start3A_660] : memref<2x10000x128xf32, #tpu.memory_space<hbm>> -> memref<1x80x128xf32, #tpu.memory_space<hbm>>
      %dma_start3A_662 = tpu.memref_squeeze %dma_start3A_661 : memref<1x80x128xf32, #tpu.memory_space<hbm>> -> memref<80x128xf32, #tpu.memory_space<hbm>>
      %dma_start3A_663 = arith.constant 0 : i32
      %dma_start3A_664 = tpu.memref_slice %arg7[%arg0, %add3A_634, %dma_start3A_663] : memref<2x10000x128xf32, #tpu.memory_space<hbm>> -> memref<1x80x128xf32, #tpu.memory_space<hbm>>
      %dma_start3A_665 = tpu.memref_squeeze %dma_start3A_664 : memref<1x80x128xf32, #tpu.memory_space<hbm>> -> memref<80x128xf32, #tpu.memory_space<hbm>>
      tpu.enqueue_dma source(%arg21 : memref<80x128xf32, #tpu.memory_space<vmem>>) target(%dma_start3A_665 : memref<80x128xf32, #tpu.memory_space<hbm>>) target_semaphore(%run_scoped3A : memref<!tpu.dma_semaphore, #tpu.memory_space<semaphore_mem>>)
      %dma_wait3A_666 = arith.constant 0 : i32
      %dma_wait3A_667 = tpu.memref_slice %arg7[%arg0, %add3A_634, %dma_wait3A_666] : memref<2x10000x128xf32, #tpu.memory_space<hbm>> -> memref<1x80x128xf32, #tpu.memory_space<hbm>>
      %dma_wait3A_668 = tpu.memref_squeeze %dma_wait3A_667 : memref<1x80x128xf32, #tpu.memory_space<hbm>> -> memref<80x128xf32, #tpu.memory_space<hbm>>
      %dma_wait3A_669 = arith.constant 0 : i32
      %dma_wait3A_670 = tpu.memref_slice %arg7[%arg0, %add3A_634, %dma_wait3A_669] : memref<2x10000x128xf32, #tpu.memory_space<hbm>> -> memref<1x80x128xf32, #tpu.memory_space<hbm>>
      %dma_wait3A_671 = tpu.memref_squeeze %dma_wait3A_670 : memref<1x80x128xf32, #tpu.memory_space<hbm>> -> memref<80x128xf32, #tpu.memory_space<hbm>>
      tpu.wait_dma2 semaphore(%run_scoped3A : memref<!tpu.dma_semaphore, #tpu.memory_space<semaphore_mem>>) src(%arg21 : memref<80x128xf32, #tpu.memory_space<vmem>>) dst(%dma_wait3A_671 : memref<80x128xf32, #tpu.memory_space<hbm>>)
      tpu.yield
    }) : () -> ()
    %add3A_635 = arith.constant 240 : i32
    %add3A_636 = arith.addi %multiple_of3A_22, %add3A_635 : i32
    "tpu.region"() ({
      %run_scoped3A = tpu.sem_alloc : memref<!tpu.dma_semaphore, #tpu.memory_space<semaphore_mem>>
      %dma_start3A_660 = arith.constant 0 : i32
      %dma_start3A_661 = tpu.memref_slice %arg24[%add3A_636, %dma_start3A_660] : memref<10000x128xf32, #tpu.memory_space<vmem_shared>> -> memref<80x128xf32, #tpu.memory_space<vmem_shared>>
      %dma_start3A_662 = arith.constant 0 : i32
      %dma_start3A_663 = tpu.memref_slice %arg24[%add3A_636, %dma_start3A_662] : memref<10000x128xf32, #tpu.memory_space<vmem_shared>> -> memref<80x128xf32, #tpu.memory_space<vmem_shared>>
      tpu.enqueue_dma source(%dma_start3A_663 : memref<80x128xf32, #tpu.memory_space<vmem_shared>>) target(%arg21 : memref<80x128xf32, #tpu.memory_space<vmem>>) target_semaphore(%run_scoped3A : memref<!tpu.dma_semaphore, #tpu.memory_space<semaphore_mem>>)
      %dma_wait3A_664 = arith.constant 0 : i32
      %dma_wait3A_665 = tpu.memref_slice %arg24[%add3A_636, %dma_wait3A_664] : memref<10000x128xf32, #tpu.memory_space<vmem_shared>> -> memref<80x128xf32, #tpu.memory_space<vmem_shared>>
      %dma_wait3A_666 = arith.constant 0 : i32
      %dma_wait3A_667 = tpu.memref_slice %arg24[%add3A_636, %dma_wait3A_666] : memref<10000x128xf32, #tpu.memory_space<vmem_shared>> -> memref<80x128xf32, #tpu.memory_space<vmem_shared>>
      tpu.wait_dma2 semaphore(%run_scoped3A : memref<!tpu.dma_semaphore, #tpu.memory_space<semaphore_mem>>) src(%dma_wait3A_667 : memref<80x128xf32, #tpu.memory_space<vmem_shared>>) dst(%arg21 : memref<80x128xf32, #tpu.memory_space<vmem>>)
      tpu.yield
    }) : () -> ()
    %add3A_637 = arith.constant 240 : i32
    %add3A_638 = arith.addi %multiple_of3A_22, %add3A_637 : i32
    "tpu.region"() ({
      %run_scoped3A = tpu.sem_alloc : memref<!tpu.dma_semaphore, #tpu.memory_space<semaphore_mem>>
      %dma_start3A_660 = arith.constant 0 : i32
      %dma_start3A_661 = tpu.memref_slice %arg7[%arg0, %add3A_638, %dma_start3A_660] : memref<2x10000x128xf32, #tpu.memory_space<hbm>> -> memref<1x80x128xf32, #tpu.memory_space<hbm>>
      %dma_start3A_662 = tpu.memref_squeeze %dma_start3A_661 : memref<1x80x128xf32, #tpu.memory_space<hbm>> -> memref<80x128xf32, #tpu.memory_space<hbm>>
      %dma_start3A_663 = arith.constant 0 : i32
      %dma_start3A_664 = tpu.memref_slice %arg7[%arg0, %add3A_638, %dma_start3A_663] : memref<2x10000x128xf32, #tpu.memory_space<hbm>> -> memref<1x80x128xf32, #tpu.memory_space<hbm>>
      %dma_start3A_665 = tpu.memref_squeeze %dma_start3A_664 : memref<1x80x128xf32, #tpu.memory_space<hbm>> -> memref<80x128xf32, #tpu.memory_space<hbm>>
      tpu.enqueue_dma source(%arg21 : memref<80x128xf32, #tpu.memory_space<vmem>>) target(%dma_start3A_665 : memref<80x128xf32, #tpu.memory_space<hbm>>) target_semaphore(%run_scoped3A : memref<!tpu.dma_semaphore, #tpu.memory_space<semaphore_mem>>)
      %dma_wait3A_666 = arith.constant 0 : i32
      %dma_wait3A_667 = tpu.memref_slice %arg7[%arg0, %add3A_638, %dma_wait3A_666] : memref<2x10000x128xf32, #tpu.memory_space<hbm>> -> memref<1x80x128xf32, #tpu.memory_space<hbm>>
      %dma_wait3A_668 = tpu.memref_squeeze %dma_wait3A_667 : memref<1x80x128xf32, #tpu.memory_space<hbm>> -> memref<80x128xf32, #tpu.memory_space<hbm>>
      %dma_wait3A_669 = arith.constant 0 : i32
      %dma_wait3A_670 = tpu.memref_slice %arg7[%arg0, %add3A_638, %dma_wait3A_669] : memref<2x10000x128xf32, #tpu.memory_space<hbm>> -> memref<1x80x128xf32, #tpu.memory_space<hbm>>
      %dma_wait3A_671 = tpu.memref_squeeze %dma_wait3A_670 : memref<1x80x128xf32, #tpu.memory_space<hbm>> -> memref<80x128xf32, #tpu.memory_space<hbm>>
      tpu.wait_dma2 semaphore(%run_scoped3A : memref<!tpu.dma_semaphore, #tpu.memory_space<semaphore_mem>>) src(%arg21 : memref<80x128xf32, #tpu.memory_space<vmem>>) dst(%dma_wait3A_671 : memref<80x128xf32, #tpu.memory_space<hbm>>)
      tpu.yield
    }) : () -> ()
    %add3A_639 = arith.constant 320 : i32
    %add3A_640 = arith.addi %multiple_of3A_22, %add3A_639 : i32
    "tpu.region"() ({
      %run_scoped3A = tpu.sem_alloc : memref<!tpu.dma_semaphore, #tpu.memory_space<semaphore_mem>>
      %dma_start3A_660 = arith.constant 0 : i32
      %dma_start3A_661 = tpu.memref_slice %arg24[%add3A_640, %dma_start3A_660] : memref<10000x128xf32, #tpu.memory_space<vmem_shared>> -> memref<80x128xf32, #tpu.memory_space<vmem_shared>>
      %dma_start3A_662 = arith.constant 0 : i32
      %dma_start3A_663 = tpu.memref_slice %arg24[%add3A_640, %dma_start3A_662] : memref<10000x128xf32, #tpu.memory_space<vmem_shared>> -> memref<80x128xf32, #tpu.memory_space<vmem_shared>>
      tpu.enqueue_dma source(%dma_start3A_663 : memref<80x128xf32, #tpu.memory_space<vmem_shared>>) target(%arg21 : memref<80x128xf32, #tpu.memory_space<vmem>>) target_semaphore(%run_scoped3A : memref<!tpu.dma_semaphore, #tpu.memory_space<semaphore_mem>>)
      %dma_wait3A_664 = arith.constant 0 : i32
      %dma_wait3A_665 = tpu.memref_slice %arg24[%add3A_640, %dma_wait3A_664] : memref<10000x128xf32, #tpu.memory_space<vmem_shared>> -> memref<80x128xf32, #tpu.memory_space<vmem_shared>>
      %dma_wait3A_666 = arith.constant 0 : i32
      %dma_wait3A_667 = tpu.memref_slice %arg24[%add3A_640, %dma_wait3A_666] : memref<10000x128xf32, #tpu.memory_space<vmem_shared>> -> memref<80x128xf32, #tpu.memory_space<vmem_shared>>
      tpu.wait_dma2 semaphore(%run_scoped3A : memref<!tpu.dma_semaphore, #tpu.memory_space<semaphore_mem>>) src(%dma_wait3A_667 : memref<80x128xf32, #tpu.memory_space<vmem_shared>>) dst(%arg21 : memref<80x128xf32, #tpu.memory_space<vmem>>)
      tpu.yield
    }) : () -> ()
    %add3A_641 = arith.constant 320 : i32
    %add3A_642 = arith.addi %multiple_of3A_22, %add3A_641 : i32
    "tpu.region"() ({
      %run_scoped3A = tpu.sem_alloc : memref<!tpu.dma_semaphore, #tpu.memory_space<semaphore_mem>>
      %dma_start3A_660 = arith.constant 0 : i32
      %dma_start3A_661 = tpu.memref_slice %arg7[%arg0, %add3A_642, %dma_start3A_660] : memref<2x10000x128xf32, #tpu.memory_space<hbm>> -> memref<1x80x128xf32, #tpu.memory_space<hbm>>
      %dma_start3A_662 = tpu.memref_squeeze %dma_start3A_661 : memref<1x80x128xf32, #tpu.memory_space<hbm>> -> memref<80x128xf32, #tpu.memory_space<hbm>>
      %dma_start3A_663 = arith.constant 0 : i32
      %dma_start3A_664 = tpu.memref_slice %arg7[%arg0, %add3A_642, %dma_start3A_663] : memref<2x10000x128xf32, #tpu.memory_space<hbm>> -> memref<1x80x128xf32, #tpu.memory_space<hbm>>
      %dma_start3A_665 = tpu.memref_squeeze %dma_start3A_664 : memref<1x80x128xf32, #tpu.memory_space<hbm>> -> memref<80x128xf32, #tpu.memory_space<hbm>>
      tpu.enqueue_dma source(%arg21 : memref<80x128xf32, #tpu.memory_space<vmem>>) target(%dma_start3A_665 : memref<80x128xf32, #tpu.memory_space<hbm>>) target_semaphore(%run_scoped3A : memref<!tpu.dma_semaphore, #tpu.memory_space<semaphore_mem>>)
      %dma_wait3A_666 = arith.constant 0 : i32
      %dma_wait3A_667 = tpu.memref_slice %arg7[%arg0, %add3A_642, %dma_wait3A_666] : memref<2x10000x128xf32, #tpu.memory_space<hbm>> -> memref<1x80x128xf32, #tpu.memory_space<hbm>>
      %dma_wait3A_668 = tpu.memref_squeeze %dma_wait3A_667 : memref<1x80x128xf32, #tpu.memory_space<hbm>> -> memref<80x128xf32, #tpu.memory_space<hbm>>
      %dma_wait3A_669 = arith.constant 0 : i32
      %dma_wait3A_670 = tpu.memref_slice %arg7[%arg0, %add3A_642, %dma_wait3A_669] : memref<2x10000x128xf32, #tpu.memory_space<hbm>> -> memref<1x80x128xf32, #tpu.memory_space<hbm>>
      %dma_wait3A_671 = tpu.memref_squeeze %dma_wait3A_670 : memref<1x80x128xf32, #tpu.memory_space<hbm>> -> memref<80x128xf32, #tpu.memory_space<hbm>>
      tpu.wait_dma2 semaphore(%run_scoped3A : memref<!tpu.dma_semaphore, #tpu.memory_space<semaphore_mem>>) src(%arg21 : memref<80x128xf32, #tpu.memory_space<vmem>>) dst(%dma_wait3A_671 : memref<80x128xf32, #tpu.memory_space<hbm>>)
      tpu.yield
    }) : () -> ()
    %add3A_643 = arith.constant 400 : i32
    %add3A_644 = arith.addi %multiple_of3A_22, %add3A_643 : i32
    "tpu.region"() ({
      %run_scoped3A = tpu.sem_alloc : memref<!tpu.dma_semaphore, #tpu.memory_space<semaphore_mem>>
      %dma_start3A_660 = arith.constant 0 : i32
      %dma_start3A_661 = tpu.memref_slice %arg24[%add3A_644, %dma_start3A_660] : memref<10000x128xf32, #tpu.memory_space<vmem_shared>> -> memref<80x128xf32, #tpu.memory_space<vmem_shared>>
      %dma_start3A_662 = arith.constant 0 : i32
      %dma_start3A_663 = tpu.memref_slice %arg24[%add3A_644, %dma_start3A_662] : memref<10000x128xf32, #tpu.memory_space<vmem_shared>> -> memref<80x128xf32, #tpu.memory_space<vmem_shared>>
      tpu.enqueue_dma source(%dma_start3A_663 : memref<80x128xf32, #tpu.memory_space<vmem_shared>>) target(%arg21 : memref<80x128xf32, #tpu.memory_space<vmem>>) target_semaphore(%run_scoped3A : memref<!tpu.dma_semaphore, #tpu.memory_space<semaphore_mem>>)
      %dma_wait3A_664 = arith.constant 0 : i32
      %dma_wait3A_665 = tpu.memref_slice %arg24[%add3A_644, %dma_wait3A_664] : memref<10000x128xf32, #tpu.memory_space<vmem_shared>> -> memref<80x128xf32, #tpu.memory_space<vmem_shared>>
      %dma_wait3A_666 = arith.constant 0 : i32
      %dma_wait3A_667 = tpu.memref_slice %arg24[%add3A_644, %dma_wait3A_666] : memref<10000x128xf32, #tpu.memory_space<vmem_shared>> -> memref<80x128xf32, #tpu.memory_space<vmem_shared>>
      tpu.wait_dma2 semaphore(%run_scoped3A : memref<!tpu.dma_semaphore, #tpu.memory_space<semaphore_mem>>) src(%dma_wait3A_667 : memref<80x128xf32, #tpu.memory_space<vmem_shared>>) dst(%arg21 : memref<80x128xf32, #tpu.memory_space<vmem>>)
      tpu.yield
    }) : () -> ()
    %add3A_645 = arith.constant 400 : i32
    %add3A_646 = arith.addi %multiple_of3A_22, %add3A_645 : i32
    "tpu.region"() ({
      %run_scoped3A = tpu.sem_alloc : memref<!tpu.dma_semaphore, #tpu.memory_space<semaphore_mem>>
      %dma_start3A_660 = arith.constant 0 : i32
      %dma_start3A_661 = tpu.memref_slice %arg7[%arg0, %add3A_646, %dma_start3A_660] : memref<2x10000x128xf32, #tpu.memory_space<hbm>> -> memref<1x80x128xf32, #tpu.memory_space<hbm>>
      %dma_start3A_662 = tpu.memref_squeeze %dma_start3A_661 : memref<1x80x128xf32, #tpu.memory_space<hbm>> -> memref<80x128xf32, #tpu.memory_space<hbm>>
      %dma_start3A_663 = arith.constant 0 : i32
      %dma_start3A_664 = tpu.memref_slice %arg7[%arg0, %add3A_646, %dma_start3A_663] : memref<2x10000x128xf32, #tpu.memory_space<hbm>> -> memref<1x80x128xf32, #tpu.memory_space<hbm>>
      %dma_start3A_665 = tpu.memref_squeeze %dma_start3A_664 : memref<1x80x128xf32, #tpu.memory_space<hbm>> -> memref<80x128xf32, #tpu.memory_space<hbm>>
      tpu.enqueue_dma source(%arg21 : memref<80x128xf32, #tpu.memory_space<vmem>>) target(%dma_start3A_665 : memref<80x128xf32, #tpu.memory_space<hbm>>) target_semaphore(%run_scoped3A : memref<!tpu.dma_semaphore, #tpu.memory_space<semaphore_mem>>)
      %dma_wait3A_666 = arith.constant 0 : i32
      %dma_wait3A_667 = tpu.memref_slice %arg7[%arg0, %add3A_646, %dma_wait3A_666] : memref<2x10000x128xf32, #tpu.memory_space<hbm>> -> memref<1x80x128xf32, #tpu.memory_space<hbm>>
      %dma_wait3A_668 = tpu.memref_squeeze %dma_wait3A_667 : memref<1x80x128xf32, #tpu.memory_space<hbm>> -> memref<80x128xf32, #tpu.memory_space<hbm>>
      %dma_wait3A_669 = arith.constant 0 : i32
      %dma_wait3A_670 = tpu.memref_slice %arg7[%arg0, %add3A_646, %dma_wait3A_669] : memref<2x10000x128xf32, #tpu.memory_space<hbm>> -> memref<1x80x128xf32, #tpu.memory_space<hbm>>
      %dma_wait3A_671 = tpu.memref_squeeze %dma_wait3A_670 : memref<1x80x128xf32, #tpu.memory_space<hbm>> -> memref<80x128xf32, #tpu.memory_space<hbm>>
      tpu.wait_dma2 semaphore(%run_scoped3A : memref<!tpu.dma_semaphore, #tpu.memory_space<semaphore_mem>>) src(%arg21 : memref<80x128xf32, #tpu.memory_space<vmem>>) dst(%dma_wait3A_671 : memref<80x128xf32, #tpu.memory_space<hbm>>)
      tpu.yield
    }) : () -> ()
    %add3A_647 = arith.constant 480 : i32
    %add3A_648 = arith.addi %multiple_of3A_22, %add3A_647 : i32
    "tpu.region"() ({
      %run_scoped3A = tpu.sem_alloc : memref<!tpu.dma_semaphore, #tpu.memory_space<semaphore_mem>>
      %dma_start3A_660 = arith.constant 0 : i32
      %dma_start3A_661 = tpu.memref_slice %arg24[%add3A_648, %dma_start3A_660] : memref<10000x128xf32, #tpu.memory_space<vmem_shared>> -> memref<80x128xf32, #tpu.memory_space<vmem_shared>>
      %dma_start3A_662 = arith.constant 0 : i32
      %dma_start3A_663 = tpu.memref_slice %arg24[%add3A_648, %dma_start3A_662] : memref<10000x128xf32, #tpu.memory_space<vmem_shared>> -> memref<80x128xf32, #tpu.memory_space<vmem_shared>>
      tpu.enqueue_dma source(%dma_start3A_663 : memref<80x128xf32, #tpu.memory_space<vmem_shared>>) target(%arg21 : memref<80x128xf32, #tpu.memory_space<vmem>>) target_semaphore(%run_scoped3A : memref<!tpu.dma_semaphore, #tpu.memory_space<semaphore_mem>>)
      %dma_wait3A_664 = arith.constant 0 : i32
      %dma_wait3A_665 = tpu.memref_slice %arg24[%add3A_648, %dma_wait3A_664] : memref<10000x128xf32, #tpu.memory_space<vmem_shared>> -> memref<80x128xf32, #tpu.memory_space<vmem_shared>>
      %dma_wait3A_666 = arith.constant 0 : i32
      %dma_wait3A_667 = tpu.memref_slice %arg24[%add3A_648, %dma_wait3A_666] : memref<10000x128xf32, #tpu.memory_space<vmem_shared>> -> memref<80x128xf32, #tpu.memory_space<vmem_shared>>
      tpu.wait_dma2 semaphore(%run_scoped3A : memref<!tpu.dma_semaphore, #tpu.memory_space<semaphore_mem>>) src(%dma_wait3A_667 : memref<80x128xf32, #tpu.memory_space<vmem_shared>>) dst(%arg21 : memref<80x128xf32, #tpu.memory_space<vmem>>)
      tpu.yield
    }) : () -> ()
    %add3A_649 = arith.constant 480 : i32
    %add3A_650 = arith.addi %multiple_of3A_22, %add3A_649 : i32
    "tpu.region"() ({
      %run_scoped3A = tpu.sem_alloc : memref<!tpu.dma_semaphore, #tpu.memory_space<semaphore_mem>>
      %dma_start3A_660 = arith.constant 0 : i32
      %dma_start3A_661 = tpu.memref_slice %arg7[%arg0, %add3A_650, %dma_start3A_660] : memref<2x10000x128xf32, #tpu.memory_space<hbm>> -> memref<1x80x128xf32, #tpu.memory_space<hbm>>
      %dma_start3A_662 = tpu.memref_squeeze %dma_start3A_661 : memref<1x80x128xf32, #tpu.memory_space<hbm>> -> memref<80x128xf32, #tpu.memory_space<hbm>>
      %dma_start3A_663 = arith.constant 0 : i32
      %dma_start3A_664 = tpu.memref_slice %arg7[%arg0, %add3A_650, %dma_start3A_663] : memref<2x10000x128xf32, #tpu.memory_space<hbm>> -> memref<1x80x128xf32, #tpu.memory_space<hbm>>
      %dma_start3A_665 = tpu.memref_squeeze %dma_start3A_664 : memref<1x80x128xf32, #tpu.memory_space<hbm>> -> memref<80x128xf32, #tpu.memory_space<hbm>>
      tpu.enqueue_dma source(%arg21 : memref<80x128xf32, #tpu.memory_space<vmem>>) target(%dma_start3A_665 : memref<80x128xf32, #tpu.memory_space<hbm>>) target_semaphore(%run_scoped3A : memref<!tpu.dma_semaphore, #tpu.memory_space<semaphore_mem>>)
      %dma_wait3A_666 = arith.constant 0 : i32
      %dma_wait3A_667 = tpu.memref_slice %arg7[%arg0, %add3A_650, %dma_wait3A_666] : memref<2x10000x128xf32, #tpu.memory_space<hbm>> -> memref<1x80x128xf32, #tpu.memory_space<hbm>>
      %dma_wait3A_668 = tpu.memref_squeeze %dma_wait3A_667 : memref<1x80x128xf32, #tpu.memory_space<hbm>> -> memref<80x128xf32, #tpu.memory_space<hbm>>
      %dma_wait3A_669 = arith.constant 0 : i32
      %dma_wait3A_670 = tpu.memref_slice %arg7[%arg0, %add3A_650, %dma_wait3A_669] : memref<2x10000x128xf32, #tpu.memory_space<hbm>> -> memref<1x80x128xf32, #tpu.memory_space<hbm>>
      %dma_wait3A_671 = tpu.memref_squeeze %dma_wait3A_670 : memref<1x80x128xf32, #tpu.memory_space<hbm>> -> memref<80x128xf32, #tpu.memory_space<hbm>>
      tpu.wait_dma2 semaphore(%run_scoped3A : memref<!tpu.dma_semaphore, #tpu.memory_space<semaphore_mem>>) src(%arg21 : memref<80x128xf32, #tpu.memory_space<vmem>>) dst(%dma_wait3A_671 : memref<80x128xf32, #tpu.memory_space<hbm>>)
      tpu.yield
    }) : () -> ()
    %add3A_651 = arith.constant 560 : i32
    %add3A_652 = arith.addi %multiple_of3A_22, %add3A_651 : i32
    "tpu.region"() ({
      %run_scoped3A = tpu.sem_alloc : memref<!tpu.dma_semaphore, #tpu.memory_space<semaphore_mem>>
      %dma_start3A_660 = arith.constant 0 : i32
      %dma_start3A_661 = arith.constant 0 : i32
      %dma_start3A_662 = tpu.memref_slice %arg21[%dma_start3A_660, %dma_start3A_661] : memref<80x128xf32, #tpu.memory_space<vmem>> -> memref<72x128xf32, #tpu.memory_space<vmem>>
      %dma_start3A_663 = arith.constant 0 : i32
      %dma_start3A_664 = tpu.memref_slice %arg24[%add3A_652, %dma_start3A_663] : memref<10000x128xf32, #tpu.memory_space<vmem_shared>> -> memref<72x128xf32, #tpu.memory_space<vmem_shared>>
      %dma_start3A_665 = arith.constant 0 : i32
      %dma_start3A_666 = arith.constant 0 : i32
      %dma_start3A_667 = tpu.memref_slice %arg21[%dma_start3A_665, %dma_start3A_666] : memref<80x128xf32, #tpu.memory_space<vmem>> -> memref<72x128xf32, #tpu.memory_space<vmem>>
      %dma_start3A_668 = arith.constant 0 : i32
      %dma_start3A_669 = tpu.memref_slice %arg24[%add3A_652, %dma_start3A_668] : memref<10000x128xf32, #tpu.memory_space<vmem_shared>> -> memref<72x128xf32, #tpu.memory_space<vmem_shared>>
      tpu.enqueue_dma source(%dma_start3A_669 : memref<72x128xf32, #tpu.memory_space<vmem_shared>>) target(%dma_start3A_667 : memref<72x128xf32, #tpu.memory_space<vmem>>) target_semaphore(%run_scoped3A : memref<!tpu.dma_semaphore, #tpu.memory_space<semaphore_mem>>)
      %dma_wait3A_670 = arith.constant 0 : i32
      %dma_wait3A_671 = arith.constant 0 : i32
      %dma_wait3A_672 = tpu.memref_slice %arg21[%dma_wait3A_670, %dma_wait3A_671] : memref<80x128xf32, #tpu.memory_space<vmem>> -> memref<72x128xf32, #tpu.memory_space<vmem>>
      %dma_wait3A_673 = arith.constant 0 : i32
      %dma_wait3A_674 = tpu.memref_slice %arg24[%add3A_652, %dma_wait3A_673] : memref<10000x128xf32, #tpu.memory_space<vmem_shared>> -> memref<72x128xf32, #tpu.memory_space<vmem_shared>>
      %dma_wait3A_675 = arith.constant 0 : i32
      %dma_wait3A_676 = arith.constant 0 : i32
      %dma_wait3A_677 = tpu.memref_slice %arg21[%dma_wait3A_675, %dma_wait3A_676] : memref<80x128xf32, #tpu.memory_space<vmem>> -> memref<72x128xf32, #tpu.memory_space<vmem>>
      %dma_wait3A_678 = arith.constant 0 : i32
      %dma_wait3A_679 = tpu.memref_slice %arg24[%add3A_652, %dma_wait3A_678] : memref<10000x128xf32, #tpu.memory_space<vmem_shared>> -> memref<72x128xf32, #tpu.memory_space<vmem_shared>>
      tpu.wait_dma2 semaphore(%run_scoped3A : memref<!tpu.dma_semaphore, #tpu.memory_space<semaphore_mem>>) src(%dma_wait3A_679 : memref<72x128xf32, #tpu.memory_space<vmem_shared>>) dst(%dma_wait3A_677 : memref<72x128xf32, #tpu.memory_space<vmem>>)
      tpu.yield
    }) : () -> ()
    %add3A_653 = arith.constant 560 : i32
    %add3A_654 = arith.addi %multiple_of3A_22, %add3A_653 : i32
    "tpu.region"() ({
      %run_scoped3A = tpu.sem_alloc : memref<!tpu.dma_semaphore, #tpu.memory_space<semaphore_mem>>
      %dma_start3A_660 = arith.constant 0 : i32
      %dma_start3A_661 = arith.constant 0 : i32
      %dma_start3A_662 = tpu.memref_slice %arg21[%dma_start3A_660, %dma_start3A_661] : memref<80x128xf32, #tpu.memory_space<vmem>> -> memref<72x128xf32, #tpu.memory_space<vmem>>
      %dma_start3A_663 = arith.constant 0 : i32
      %dma_start3A_664 = tpu.memref_slice %arg7[%arg0, %add3A_654, %dma_start3A_663] : memref<2x10000x128xf32, #tpu.memory_space<hbm>> -> memref<1x72x128xf32, #tpu.memory_space<hbm>>
      %dma_start3A_665 = tpu.memref_squeeze %dma_start3A_664 : memref<1x72x128xf32, #tpu.memory_space<hbm>> -> memref<72x128xf32, #tpu.memory_space<hbm>>
      %dma_start3A_666 = arith.constant 0 : i32
      %dma_start3A_667 = tpu.memref_slice %arg7[%arg0, %add3A_654, %dma_start3A_666] : memref<2x10000x128xf32, #tpu.memory_space<hbm>> -> memref<1x72x128xf32, #tpu.memory_space<hbm>>
      %dma_start3A_668 = tpu.memref_squeeze %dma_start3A_667 : memref<1x72x128xf32, #tpu.memory_space<hbm>> -> memref<72x128xf32, #tpu.memory_space<hbm>>
      %dma_start3A_669 = arith.constant 0 : i32
      %dma_start3A_670 = arith.constant 0 : i32
      %dma_start3A_671 = tpu.memref_slice %arg21[%dma_start3A_669, %dma_start3A_670] : memref<80x128xf32, #tpu.memory_space<vmem>> -> memref<72x128xf32, #tpu.memory_space<vmem>>
      tpu.enqueue_dma source(%dma_start3A_671 : memref<72x128xf32, #tpu.memory_space<vmem>>) target(%dma_start3A_668 : memref<72x128xf32, #tpu.memory_space<hbm>>) target_semaphore(%run_scoped3A : memref<!tpu.dma_semaphore, #tpu.memory_space<semaphore_mem>>)
      %dma_wait3A_672 = arith.constant 0 : i32
      %dma_wait3A_673 = arith.constant 0 : i32
      %dma_wait3A_674 = tpu.memref_slice %arg21[%dma_wait3A_672, %dma_wait3A_673] : memref<80x128xf32, #tpu.memory_space<vmem>> -> memref<72x128xf32, #tpu.memory_space<vmem>>
      %dma_wait3A_675 = arith.constant 0 : i32
      %dma_wait3A_676 = tpu.memref_slice %arg7[%arg0, %add3A_654, %dma_wait3A_675] : memref<2x10000x128xf32, #tpu.memory_space<hbm>> -> memref<1x72x128xf32, #tpu.memory_space<hbm>>
      %dma_wait3A_677 = tpu.memref_squeeze %dma_wait3A_676 : memref<1x72x128xf32, #tpu.memory_space<hbm>> -> memref<72x128xf32, #tpu.memory_space<hbm>>
      %dma_wait3A_678 = arith.constant 0 : i32
      %dma_wait3A_679 = tpu.memref_slice %arg7[%arg0, %add3A_654, %dma_wait3A_678] : memref<2x10000x128xf32, #tpu.memory_space<hbm>> -> memref<1x72x128xf32, #tpu.memory_space<hbm>>
      %dma_wait3A_680 = tpu.memref_squeeze %dma_wait3A_679 : memref<1x72x128xf32, #tpu.memory_space<hbm>> -> memref<72x128xf32, #tpu.memory_space<hbm>>
      %dma_wait3A_681 = arith.constant 0 : i32
      %dma_wait3A_682 = arith.constant 0 : i32
      %dma_wait3A_683 = tpu.memref_slice %arg21[%dma_wait3A_681, %dma_wait3A_682] : memref<80x128xf32, #tpu.memory_space<vmem>> -> memref<72x128xf32, #tpu.memory_space<vmem>>
      tpu.wait_dma2 semaphore(%run_scoped3A : memref<!tpu.dma_semaphore, #tpu.memory_space<semaphore_mem>>) src(%dma_wait3A_683 : memref<72x128xf32, #tpu.memory_space<vmem>>) dst(%dma_wait3A_680 : memref<72x128xf32, #tpu.memory_space<hbm>>)
      tpu.yield
    }) : () -> ()
    %lt3A_655 = arith.constant 10 : i32
    %lt3A_656 = arith.cmpi slt, %arg1, %lt3A_655 : i32
    %convert_element_type3A_657 = arith.extui %lt3A_656 : i1 to i32
    %cond3A_658 = arith.constant 0 : i32
    %cond3A_659 = arith.cmpi ne, %convert_element_type3A_657, %cond3A_658 : i32
    scf.if %cond3A_659 {
      %mul3A_660 = arith.constant 1000 : i32
      %mul3A_661 = arith.muli %arg1, %mul3A_660 : i32
      "tpu.region"() ({
        %run_scoped3A = tpu.sem_alloc : memref<!tpu.dma_semaphore, #tpu.memory_space<semaphore_mem>>
        %dma_start3A_667 = arith.constant 0 : i32
        %dma_start3A_668 = tpu.memref_slice %arg23[%dma_start3A_667] : memref<1024xf32, #tpu.memory_space<vmem>> -> memref<1000xf32, #tpu.memory_space<vmem>>
        %dma_start3A_669 = tpu.memref_slice %arg25[%mul3A_661] : memref<10000xf32, #tpu.memory_space<vmem_shared>> -> memref<1000xf32, #tpu.memory_space<vmem_shared>>
        %dma_start3A_670 = arith.constant 0 : i32
        %dma_start3A_671 = tpu.memref_slice %arg23[%dma_start3A_670] : memref<1024xf32, #tpu.memory_space<vmem>> -> memref<1000xf32, #tpu.memory_space<vmem>>
        %dma_start3A_672 = tpu.memref_slice %arg25[%mul3A_661] : memref<10000xf32, #tpu.memory_space<vmem_shared>> -> memref<1000xf32, #tpu.memory_space<vmem_shared>>
        tpu.enqueue_dma source(%dma_start3A_672 : memref<1000xf32, #tpu.memory_space<vmem_shared>>) target(%dma_start3A_671 : memref<1000xf32, #tpu.memory_space<vmem>>) target_semaphore(%run_scoped3A : memref<!tpu.dma_semaphore, #tpu.memory_space<semaphore_mem>>)
        %dma_wait3A_673 = arith.constant 0 : i32
        %dma_wait3A_674 = tpu.memref_slice %arg23[%dma_wait3A_673] : memref<1024xf32, #tpu.memory_space<vmem>> -> memref<1000xf32, #tpu.memory_space<vmem>>
        %dma_wait3A_675 = tpu.memref_slice %arg25[%mul3A_661] : memref<10000xf32, #tpu.memory_space<vmem_shared>> -> memref<1000xf32, #tpu.memory_space<vmem_shared>>
        %dma_wait3A_676 = arith.constant 0 : i32
        %dma_wait3A_677 = tpu.memref_slice %arg23[%dma_wait3A_676] : memref<1024xf32, #tpu.memory_space<vmem>> -> memref<1000xf32, #tpu.memory_space<vmem>>
        %dma_wait3A_678 = tpu.memref_slice %arg25[%mul3A_661] : memref<10000xf32, #tpu.memory_space<vmem_shared>> -> memref<1000xf32, #tpu.memory_space<vmem_shared>>
        tpu.wait_dma2 semaphore(%run_scoped3A : memref<!tpu.dma_semaphore, #tpu.memory_space<semaphore_mem>>) src(%dma_wait3A_678 : memref<1000xf32, #tpu.memory_space<vmem_shared>>) dst(%dma_wait3A_677 : memref<1000xf32, #tpu.memory_space<vmem>>)
        tpu.yield
      }) : () -> ()
      %mul3A_662 = arith.constant 10000 : i32
      %mul3A_663 = arith.muli %arg0, %mul3A_662 : i32
      %mul3A_664 = arith.constant 1000 : i32
      %mul3A_665 = arith.muli %arg1, %mul3A_664 : i32
      %add3A_666 = arith.addi %mul3A_663, %mul3A_665 : i32
      "tpu.region"() ({
        %run_scoped3A = tpu.sem_alloc : memref<!tpu.dma_semaphore, #tpu.memory_space<semaphore_mem>>
        %dma_start3A_667 = arith.constant 0 : i32
        %dma_start3A_668 = tpu.memref_slice %arg23[%dma_start3A_667] : memref<1024xf32, #tpu.memory_space<vmem>> -> memref<1000xf32, #tpu.memory_space<vmem>>
        %dma_start3A_669 = tpu.memref_slice %arg8[%add3A_666] : memref<20000xf32, #tpu.memory_space<hbm>> -> memref<1000xf32, #tpu.memory_space<hbm>>
        %dma_start3A_670 = tpu.memref_slice %arg8[%add3A_666] : memref<20000xf32, #tpu.memory_space<hbm>> -> memref<1000xf32, #tpu.memory_space<hbm>>
        %dma_start3A_671 = arith.constant 0 : i32
        %dma_start3A_672 = tpu.memref_slice %arg23[%dma_start3A_671] : memref<1024xf32, #tpu.memory_space<vmem>> -> memref<1000xf32, #tpu.memory_space<vmem>>
        tpu.enqueue_dma source(%dma_start3A_672 : memref<1000xf32, #tpu.memory_space<vmem>>) target(%dma_start3A_670 : memref<1000xf32, #tpu.memory_space<hbm>>) target_semaphore(%run_scoped3A : memref<!tpu.dma_semaphore, #tpu.memory_space<semaphore_mem>>)
        %dma_wait3A_673 = arith.constant 0 : i32
        %dma_wait3A_674 = tpu.memref_slice %arg23[%dma_wait3A_673] : memref<1024xf32, #tpu.memory_space<vmem>> -> memref<1000xf32, #tpu.memory_space<vmem>>
        %dma_wait3A_675 = tpu.memref_slice %arg8[%add3A_666] : memref<20000xf32, #tpu.memory_space<hbm>> -> memref<1000xf32, #tpu.memory_space<hbm>>
        %dma_wait3A_676 = tpu.memref_slice %arg8[%add3A_666] : memref<20000xf32, #tpu.memory_space<hbm>> -> memref<1000xf32, #tpu.memory_space<hbm>>
        %dma_wait3A_677 = arith.constant 0 : i32
        %dma_wait3A_678 = tpu.memref_slice %arg23[%dma_wait3A_677] : memref<1024xf32, #tpu.memory_space<vmem>> -> memref<1000xf32, #tpu.memory_space<vmem>>
        tpu.wait_dma2 semaphore(%run_scoped3A : memref<!tpu.dma_semaphore, #tpu.memory_space<semaphore_mem>>) src(%dma_wait3A_678 : memref<1000xf32, #tpu.memory_space<vmem>>) dst(%dma_wait3A_676 : memref<1000xf32, #tpu.memory_space<hbm>>)
        tpu.yield
      }) : () -> ()
    } else {
    }
    return
  }
}

module attributes {stable_mosaic.version = 14 : i64} {
  func.func @_prep_body(%arg0: memref<10000x128xf32, #tpu.memory_space<vmem>>, %arg1: memref<128x128xf32, #tpu.memory_space<vmem>>, %arg2: memref<1x128xf32, #tpu.memory_space<vmem>>, %arg3: memref<1x128xf32, #tpu.memory_space<vmem>>, %arg4: memref<2x320000xi32, #tpu.memory_space<vmem>>, %arg5: memref<10000x128xf32, #tpu.memory_space<vmem>>, %arg6: memref<10000x1xf32, #tpu.memory_space<vmem>>, %arg7: memref<10000x1xf32, #tpu.memory_space<vmem>>, %arg8: memref<320000xi32, #tpu.memory_space<vmem>>, %arg9: memref<320000xi32, #tpu.memory_space<vmem>>) attributes {dimension_semantics = [], scalar_prefetch = 0 : i64, scratch_operands = 0 : i64, tpu.core_type = #tpu.core_type<tc>} {
    %get3A = arith.constant 0 : index
    %get3A_0 = arith.constant 0 : index
    %get3A_1 = vector.load %arg0[%get3A, %get3A_0] : memref<10000x128xf32, #tpu.memory_space<vmem>>, vector<10000x128xf32>
    %get3A_2 = arith.constant 0 : index
    %get3A_3 = arith.constant 0 : index
    %get3A_4 = vector.load %arg1[%get3A_2, %get3A_3] : memref<128x128xf32, #tpu.memory_space<vmem>>, vector<128x128xf32>
    %dot_general3A = arith.constant dense<0.000000e+00> : vector<10000x128xf32>
    %dot_general3A_5 = tpu.matmul %get3A_1, %get3A_4, %dot_general3A {dimension_numbers = #tpu.dot_dimension_numbers<[1], [0], [0], [1], [0, 0, 1, 1], [], []>, transpose_lhs_hint = false} : vector<10000x128xf32>, vector<128x128xf32>, vector<10000x128xf32> -> vector<10000x128xf32>
    %swap3A = arith.constant 0 : index
    %swap3A_6 = arith.constant 0 : index
    %swap3A_7 = vector.load %arg5[%swap3A, %swap3A_6] : memref<10000x128xf32, #tpu.memory_space<vmem>>, vector<10000x128xf32>
    tpu.vector_store %arg5[%swap3A, %swap3A_6], %dot_general3A_5 {strides = array<i32>} : memref<10000x128xf32, #tpu.memory_space<vmem>>, vector<10000x128xf32>,
    %get3A_8 = arith.constant 0 : index
    %get3A_9 = arith.constant 0 : index
    %get3A_10 = vector.load %arg2[%get3A_8, %get3A_9] : memref<1x128xf32, #tpu.memory_space<vmem>>, vector<1x128xf32>
    %mul3A = vector.broadcast %get3A_10 : vector<1x128xf32> to vector<10000x128xf32>
    %mul3A_11 = arith.mulf %dot_general3A_5, %mul3A : vector<10000x128xf32>
    %reduce_sum3A = arith.constant dense<0.000000e+00> : vector<10000xf32>
    %reduce_sum3A_12 = vector.multi_reduction <add>, %mul3A_11, %reduce_sum3A [1] : vector<10000x128xf32> to vector<10000xf32>
    %broadcast_in_dim3A = vector.shape_cast %reduce_sum3A_12 : vector<10000xf32> to vector<10000x1xf32>
    %swap3A_13 = arith.constant 0 : index
    %swap3A_14 = arith.constant 0 : index
    %swap3A_15 = vector.load %arg6[%swap3A_13, %swap3A_14] : memref<10000x1xf32, #tpu.memory_space<vmem>>, vector<10000x1xf32>
    tpu.vector_store %arg6[%swap3A_13, %swap3A_14], %broadcast_in_dim3A {strides = array<i32>} : memref<10000x1xf32, #tpu.memory_space<vmem>>, vector<10000x1xf32>,
    %get3A_16 = arith.constant 0 : index
    %get3A_17 = arith.constant 0 : index
    %get3A_18 = vector.load %arg3[%get3A_16, %get3A_17] : memref<1x128xf32, #tpu.memory_space<vmem>>, vector<1x128xf32>
    %mul3A_19 = vector.broadcast %get3A_18 : vector<1x128xf32> to vector<10000x128xf32>
    %mul3A_20 = arith.mulf %dot_general3A_5, %mul3A_19 : vector<10000x128xf32>
    %reduce_sum3A_21 = arith.constant dense<0.000000e+00> : vector<10000xf32>
    %reduce_sum3A_22 = vector.multi_reduction <add>, %mul3A_20, %reduce_sum3A_21 [1] : vector<10000x128xf32> to vector<10000xf32>
    %broadcast_in_dim3A_23 = vector.shape_cast %reduce_sum3A_22 : vector<10000xf32> to vector<10000x1xf32>
    %swap3A_24 = arith.constant 0 : index
    %swap3A_25 = arith.constant 0 : index
    %swap3A_26 = vector.load %arg7[%swap3A_24, %swap3A_25] : memref<10000x1xf32, #tpu.memory_space<vmem>>, vector<10000x1xf32>
    tpu.vector_store %arg7[%swap3A_24, %swap3A_25], %broadcast_in_dim3A_23 {strides = array<i32>} : memref<10000x1xf32, #tpu.memory_space<vmem>>, vector<10000x1xf32>,
    %get3A_27 = arith.constant 0 : index
    %get3A_28 = arith.constant 0 : index
    %get3A_29 = vector.load %arg4[%get3A_27, %get3A_28] : memref<2x320000xi32, #tpu.memory_space<vmem>>, vector<1x320000xi32>
    %get3A_30 = vector.shape_cast %get3A_29 : vector<1x320000xi32> to vector<320000xi32>
    %swap3A_31 = arith.constant 0 : index
    %swap3A_32 = vector.load %arg8[%swap3A_31] : memref<320000xi32, #tpu.memory_space<vmem>>, vector<320000xi32>
    tpu.vector_store %arg8[%swap3A_31], %get3A_30 {strides = array<i32>} : memref<320000xi32, #tpu.memory_space<vmem>>, vector<320000xi32>,
    %get3A_33 = arith.constant 1 : index
    %get3A_34 = arith.constant 0 : index
    %get3A_35 = vector.load %arg4[%get3A_33, %get3A_34] : memref<2x320000xi32, #tpu.memory_space<vmem>>, vector<1x320000xi32>
    %get3A_36 = vector.shape_cast %get3A_35 : vector<1x320000xi32> to vector<320000xi32>
    %swap3A_37 = arith.constant 0 : index
    %swap3A_38 = vector.load %arg9[%swap3A_37] : memref<320000xi32, #tpu.memory_space<vmem>>, vector<320000xi32>
    tpu.vector_store %arg9[%swap3A_37], %get3A_36 {strides = array<i32>} : memref<320000xi32, #tpu.memory_space<vmem>>, vector<320000xi32>,
    return
  }
}

module attributes {stable_mosaic.version = 14 : i64} {
  func.func @_combine_body(%arg0: memref<10000x128xf32, #tpu.memory_space<vmem>>, %arg1: memref<2x10000x128xf32, #tpu.memory_space<vmem>>, %arg2: memref<2x10000x1xf32, #tpu.memory_space<vmem>>, %arg3: memref<1x128xf32, #tpu.memory_space<vmem>>, %arg4: memref<10000x128xf32, #tpu.memory_space<vmem>>) attributes {dimension_semantics = [], scalar_prefetch = 0 : i64, scratch_operands = 0 : i64, tpu.core_type = #tpu.core_type<tc>} {
    %get3A = arith.constant 0 : index
    %get3A_0 = arith.constant 0 : index
    %get3A_1 = arith.constant 0 : index
    %get3A_2 = vector.load %arg1[%get3A, %get3A_0, %get3A_1] : memref<2x10000x128xf32, #tpu.memory_space<vmem>>, vector<1x10000x128xf32>
    %get3A_3 = vector.shape_cast %get3A_2 : vector<1x10000x128xf32> to vector<10000x128xf32>
    %get3A_4 = arith.constant 1 : index
    %get3A_5 = arith.constant 0 : index
    %get3A_6 = arith.constant 0 : index
    %get3A_7 = vector.load %arg1[%get3A_4, %get3A_5, %get3A_6] : memref<2x10000x128xf32, #tpu.memory_space<vmem>>, vector<1x10000x128xf32>
    %get3A_8 = vector.shape_cast %get3A_7 : vector<1x10000x128xf32> to vector<10000x128xf32>
    %add3A = arith.addf %get3A_3, %get3A_8 : vector<10000x128xf32>
    %get3A_9 = arith.constant 0 : index
    %get3A_10 = arith.constant 0 : index
    %get3A_11 = arith.constant 0 : index
    %get3A_12 = vector.load %arg2[%get3A_9, %get3A_10, %get3A_11] : memref<2x10000x1xf32, #tpu.memory_space<vmem>>, vector<1x10000x1xf32>
    %get3A_13 = vector.shape_cast %get3A_12 : vector<1x10000x1xf32> to vector<10000x1xf32>
    %get3A_14 = arith.constant 1 : index
    %get3A_15 = arith.constant 0 : index
    %get3A_16 = arith.constant 0 : index
    %get3A_17 = vector.load %arg2[%get3A_14, %get3A_15, %get3A_16] : memref<2x10000x1xf32, #tpu.memory_space<vmem>>, vector<1x10000x1xf32>
    %get3A_18 = vector.shape_cast %get3A_17 : vector<1x10000x1xf32> to vector<10000x1xf32>
    %add3A_19 = arith.addf %get3A_13, %get3A_18 : vector<10000x1xf32>
    %get3A_20 = arith.constant 0 : index
    %get3A_21 = arith.constant 0 : index
    %get3A_22 = vector.load %arg0[%get3A_20, %get3A_21] : memref<10000x128xf32, #tpu.memory_space<vmem>>, vector<10000x128xf32>
    %add3A_23 = arith.addf %get3A_22, %add3A : vector<10000x128xf32>
    %add3A_24 = arith.constant 1.000000e+00 : f32
    %add3A_25 = vector.broadcast %add3A_24 : f32 to vector<10000x1xf32>
    %add3A_26 = arith.addf %add3A_25, %add3A_19 : vector<10000x1xf32>
    %div3A = vector.broadcast %add3A_26 : vector<10000x1xf32> to vector<10000x128xf32>
    %div3A_27 = arith.divf %add3A_23, %div3A : vector<10000x128xf32>
    %get3A_28 = arith.constant 0 : index
    %get3A_29 = arith.constant 0 : index
    %get3A_30 = vector.load %arg3[%get3A_28, %get3A_29] : memref<1x128xf32, #tpu.memory_space<vmem>>, vector<1x128xf32>
    %add3A_31 = vector.broadcast %get3A_30 : vector<1x128xf32> to vector<10000x128xf32>
    %add3A_32 = arith.addf %div3A_27, %add3A_31 : vector<10000x128xf32>
    %swap3A = arith.constant 0 : index
    %swap3A_33 = arith.constant 0 : index
    %swap3A_34 = vector.load %arg4[%swap3A, %swap3A_33] : memref<10000x128xf32, #tpu.memory_space<vmem>>, vector<10000x128xf32>
    tpu.vector_store %arg4[%swap3A, %swap3A_33], %add3A_32 {strides = array<i32>} : memref<10000x128xf32, #tpu.memory_space<vmem>>, vector<10000x128xf32>,
    return
  }
}

</mosaic_0001>

<sc_bundles>
// kernel: kernel.5.cloned.1.call-start
scs
__scs_entry_jumppad:
0x0: {  	(pc) =	sbr.rel $0x88, $3  }
0x1: {  	(tag) =	ssettag $0x0;
	lr =	simm.s32 $0x1  }
0x2: {  	[smem:$0x3F9B] =	sst lr;
	_ =	strace $0xD0000000  }
0x3: {  	_ = 	snop  }
0x4: {  	_ = 	snop  }
0x5: {  	_ = 	snop  }
0x6: {  	_ = 	snop  }
0x7: {  	_ = 	snop  }
__scs_overlays_trampoline_lowered:
0x8: {  	[smem:$0x3FAA] =	sst s0  }
0x9: {  	[smem:$0x3FAB] =	sst s1  }
0xa: {  	[smem:$0x3FAC] =	sst s2  }
0xb: {  	[smem:$0x3FAD] =	sst s3  }
0xc: {  	[smem:$0x3FAE] =	sst s4  }
0xd: {  	[smem:$0x3FAF] =	sst s5  }
0xe: {  	[smem:$0x3FB0] =	sst s6  }
0xf: {  	[smem:$0x3FB1] =	sst s7  }
0x10: {  	[smem:$0x3FB2] =	sst s8  }
0x11: {  	[smem:$0x3FB3] =	sst s9;
	s0 =	simm.s32 @!p0 $0x0  }
0x12: {  	s1 =	sld [smem:$0x3F99];
	s0 =	simm.s32 @p0 $0x1  }
0x13: {  	[smem:$0x3FB4] =	sst s0;
	s0 =	simm.s32 @!p1 $0x0  }
0x14: {  	s2 =	sld [smem:$0x3F98];
	s0 =	simm.s32 @p1 $0x1  }
0x15: {  	[smem:$0x3FB5] =	sst s0;
	s0 =	simm.s32 @!p2 $0x0  }
0x16: {  	s3 =	sld [smem:$0x3FDB];
	s0 =	simm.s32 @p2 $0x1  }
0x17: {  	s4 =	simm.s32 $0x1BF5;
	[smem:$0x3FB7] =	sst s0  }
0x18: {  	s0 =	sld [smem:$0x3F9A];
	_ =	swait.ge [sflag:s4], $0x0  }
0x19: {  	s7 =	sld [smem:$0x3F9B]  }
0x1a: {  	s8 =	sadd.s32 $0xFFFFE003, lr  }
0x1b: {  	s9 =	sadd.s32 $0xFFFFFEF7, lr;
	s5 =	simm.s32 $0xFFFFFFFF;
	p2 =	slt.u32 s8, $0xFFFFF086  }
0x1c: {  	p1 =	slt.u32 s9, $0xF7A;
	s5 =	simm.s32 @!p2 $0x0  }
0x1d: {  	s5 =	simm.s32 @p1 $0x1;
	p0 =	seq.s32 s7, s2  }
0x1e: {  	s7 =	smul.u32 @!p0 $0xF7A, s2;
	p2 =	seq.s32 @!p0 s5, $0x0  }
0x1f: {  	s9 =	smul.u32 $0xF7A, s1;
	s8 =	simm.s32 @!p0 $0x1BF5;
	p2 =	por !p2, p0  }
0x20: {  	[sflag:s8] =	ssyncset.s32 @!p0 $0xFFFFF086;
	s6 =	sadd.s32 @!p0 s3, s7;
	s7 =	simm.s32 @!p0 $0x108  }
0x21: {  	s3 =	sadd.s32 s3, s9;
	s6 =	sadd.s32 @!p0 $0x88, s6;
	s7 =	simm.s32 @p2 $0x1082  }
0x22: {  	[simem:s7], [sflag:s8] =	dma.local @!p0 [hbm:s6], $0xF7A  }
0x23: {  	s9 =	sor.u32 $0xD0000000, s2;
	s6 =	simm.s32 $0x108;
	_ =	swait.ge @!p0 [sflag:s8], $0x0  }
0x24: {  	s3 =	sadd.s32 $0x88, s3;
	s6 =	simm.s32 @!p1 $0x1082;
	[sflag:s4] =	ssyncset.s32 $0xFFFFF086  }
0x25: {  	[simem:s6], [sflag:s4] =	dma.local [hbm:s3], $0xF7A  }
0x26: {  	[smem:$0x3F9B] =	sst s1;
	(tag) =	ssettag s2;
	_ =	strace s9  }
0x27: {  	s1 =	sld [smem:$0x3FAB]  }
0x28: {  	s2 =	sld [smem:$0x3FAC]  }
0x29: {  	s4 =	sld [smem:$0x3FAE]  }
0x2a: {  	p0 =	seq.s32 s5, $0x0;
	s5 =	sld [smem:$0x3FAF]  }
0x2b: {  	s6 =	sld [smem:$0x3FB0]  }
0x2c: {  	s7 =	sld [smem:$0x3FB1]  }
0x2d: {  	s3 =	simm.s32 $0x108;
	s8 =	sld [smem:$0x3FB2]  }
0x2e: {  	s3 =	simm.s32 @!p0 $0x1082;
	s9 =	sld [smem:$0x3FB3]  }
0x2f: {  	lr =	sadd.s32 s0, s3;
	s0 =	sld [smem:$0x3FAA]  }
0x30: {  	s3 =	sld [smem:$0x3FAD]  }
0x31: {  	[smem:$0x3FB6] =	sst s10  }
0x32: {  	s10 =	sld [smem:$0x3FB4];
	_ =	sdelay $0x3  }
0x33: {  	p0 =	seq.s32 s10, $0x1;
	s10 =	sld [smem:$0x3FB6];
	_ =	sdelay $0x3  }
0x34: {  	[smem:$0x3FB6] =	sst s10  }
0x35: {  	s10 =	sld [smem:$0x3FB5];
	_ =	sdelay $0x3  }
0x36: {  	p1 =	seq.s32 s10, $0x1;
	s10 =	sld [smem:$0x3FB6];
	_ =	sdelay $0x3  }
0x37: {  	[smem:$0x3FB6] =	sst s10  }
0x38: {  	s10 =	sld [smem:$0x3FB7]  }
0x39: {  	_ = 	snop;
	(pc) =	sbr.ind lr, $3  }
0x3a: {  	_ = 	snop  }
0x3b: {  	_ = 	snop  }
0x3c: {  	p2 =	seq.s32 s10, $0x1;
	s10 =	sld [smem:$0x3FB6]  }
0x3d: {  	_ =	shalt  }
0x3e: {  	_ =	shalt  }
0x3f: {  	_ =	shalt  }
0x40: {  	_ =	shalt  }
0x41: {  	_ =	shalt  }
0x42: {  	_ =	shalt  }
0x43: {  	_ =	shalt  }
0x44: {  	_ =	shalt  }
0x45: {  	_ =	shalt  }
0x46: {  	_ =	shalt  }
0x47: {  	_ =	shalt  }
0x48: {  	_ =	shalt  }
0x49: {  	_ =	shalt  }
0x4a: {  	_ =	shalt  }
0x4b: {  	_ =	shalt  }
0x4c: {  	_ =	shalt  }
0x4d: {  	_ =	shalt  }
0x4e: {  	_ =	shalt  }
0x4f: {  	_ =	shalt  }
0x50: {  	_ =	shalt  }
0x51: {  	_ =	shalt  }
0x52: {  	_ =	shalt  }
0x53: {  	_ =	shalt  }
0x54: {  	_ =	shalt  }
0x55: {  	_ =	shalt  }
0x56: {  	_ =	shalt  }
0x57: {  	_ =	shalt  }
0x58: {  	_ =	shalt  }
0x59: {  	_ =	shalt  }
0x5a: {  	_ =	shalt  }
0x5b: {  	_ =	shalt  }
0x5c: {  	_ =	shalt  }
0x5d: {  	_ =	shalt  }
0x5e: {  	_ =	shalt  }
0x5f: {  	_ =	shalt  }
0x60: {  	_ =	shalt  }
0x61: {  	_ =	shalt  }
0x62: {  	_ =	shalt  }
0x63: {  	_ =	shalt  }
0x64: {  	_ =	shalt  }
0x65: {  	_ =	shalt  }
0x66: {  	_ =	shalt  }
0x67: {  	_ =	shalt  }
0x68: {  	_ =	shalt  }
0x69: {  	_ =	shalt  }
0x6a: {  	_ =	shalt  }
0x6b: {  	_ =	shalt  }
0x6c: {  	_ =	shalt  }
0x6d: {  	_ =	shalt  }
0x6e: {  	_ =	shalt  }
0x6f: {  	_ =	shalt  }
0x70: {  	_ =	shalt  }
0x71: {  	_ =	shalt  }
0x72: {  	_ =	shalt  }
0x73: {  	_ =	shalt  }
0x74: {  	_ =	shalt  }
0x75: {  	_ =	shalt  }
0x76: {  	_ =	shalt  }
0x77: {  	_ =	shalt  }
0x78: {  	_ =	shalt  }
0x79: {  	_ =	shalt  }
0x7a: {  	_ =	shalt  }
0x7b: {  	_ =	shalt  }
0x7c: {  	_ =	shalt  }
0x7d: {  	_ =	shalt  }
0x7e: {  	_ =	shalt  }
0x7f: {  	_ =	shalt  }
0x80: {  	_ =	shalt  }
0x81: {  	_ =	shalt  }
0x82: {  	_ =	shalt  }
0x83: {  	_ =	shalt  }
0x84: {  	_ =	shalt  }
0x85: {  	_ =	shalt  }
0x86: {  	_ =	shalt  }
0x87: {  	_ =	shalt  }
.Lfunc_end0:
.L_simem_size_0:
called_computation_lowered:
.L_overlay_start_0:
0x88: {  	s2 =	sld [smem:$0x3FD9]  }
0x89: {  	s3 =	sld [smem:$0x3FFE];
	_ =	sdelay $0x1  }
0x8a: {  	s1 =	srdreg.scid  }
0x8b: {  	s0 =	sand.u32 $0x1, s1  }
0x8c: {  	s17 =	sshll.u32 s0, $0xA;
	s2 =	sadd.s32 s3, s2  }
0x8d: {  	s2 =	sadd.s32 s2, s17  }
0x8e: {  	[smem:$0x3FC2] =	sst s2  }
0x8f: {  	_ = 	snop  }
0x90: {  	s2 =	sld [smem:$0x3FD0];
	(tm) =	ssettm $0x1  }
0x91: {  	s18 =	sld [smem:$0x3FFB];
	_ =	sdelay $0x3  }
0x92: {  	_ =	strace s18  }
0x93: {  	s3 =	sld [smem:$0x3FFC];
	_ =	sdelay $0x3  }
0x94: {  	_ =	strace s3  }
0x95: {  	s3 =	sld [smem:$0x3FFD];
	_ =	sdelay $0x3  }
0x96: {  	_ =	strace s3  }
0x97: {  	_ =	strace $0x8FFFFFFF  }
0x98: {  	s19 =	sld [smem:$0x3FDB];
	_ =	sdelay $0x1  }
0x99: {  	s4 =	simm.s32 $_scs_section_size  }
0x9a: {  	s5 =	simm.s32 $_size__tile_overlayer_lowered;
	s6 =	simm.s32 $_tile_overlayer_lowered  }
0x9b: {  	s22 =	simm.s32 $0x1BFF;
	s21 =	sshll.u32 s6, $0x1;
	s3 =	sadd.s32 s4, s19  }
0x9c: {  	s7 =	simm.s32 $0x0;
	s20 =	sshll.u32 s5, $0x1;
	s5 =	sadd.s32 s21, s3  }
0x9d: {  	[timem:s7], [sflag:s22] =	dma.local [hbm:s5], s20  }
0x9e: {  	_ =	swait.ge [sflag:s22], s20  }
0x9f: {  	s4 =	ssub.s32 $0x0, s20;
	[sflag:s22] =	ssyncset.done $0x0  }
0xa0: {  	[sflag:s22] =	ssyncadd.s32 s4;
	_ =	sdelay $0x1  }
0xa1: {  	s23 =	simm.s32 $0x1B8B  }
0xa2: {  	_ =	swait.ge [sflag:s23], $0x1  }
0xa3: {  	[sflag:s23] =	ssyncset.done $0x0  }
0xa4: {  	s25 =	simm.s32 $0x1B8E;
	s24 =	sld [smem:$0x3FFE];
	[sflag:s23] =	ssyncadd.s32 $0xFFFFFFFF  }
0xa5: {  	s26 =	simm.s32 $execute0_lowered;
	[smem:$0x3FD2] =	sst s25  }
0xa6: {  	s5 =	sshll.u32 s26, $0x1;
	_ =	strace $0x80000046;
	[dreg:$0x1] =	wrdreg $0xFFFFFFFF  }
0xa7: {  	s28 =	simm.s32 $_size_execute0_lowered;
	s3 =	sadd.s32 s3, s5;
	[dreg:$0x0] =	wrdreg $0x0  }
0xa8: {  	s5 =	sshll.u32 s28, $0x1;
	[dreg:$0x2] =	wrdreg s3  }
0xa9: {  	[dreg:$0x3] =	wrdreg s5  }
0xaa: {  	[dreg:$0x4] =	wrdreg $0xC0  }
0xab: {  	_ =	task [dreg:s7], $0x5FFFF  }
0xac: {  	[dreg:$0x1] =	wrdreg $0xFFFFFFFF  }
0xad: {  	[dreg:$0x0] =	wrdreg $0x60  }
0xae: {  	[dreg:$0x2] =	wrdreg s2  }
0xaf: {  	[dreg:$0x3] =	wrdreg s24  }
0xb0: {  	[dreg:$0x4] =	wrdreg $0xB7000  }
0xb1: {  	[dreg:$0x5] =	wrdreg $0x1EF800  }
0xb2: {  	[dreg:$0x6] =	wrdreg $0x9  }
0xb3: {  	_ =	task.clear_ibuf [dreg:s7], $0x7FFFF;
	_ =	strace $0x90000046  }
0xb4: {  	s29 =	simm.s32 $0x9;
	_ =	strace $0x80000048  }
0xb5: {  	_ =	swait.ge [sflag:s29], $0x1  }
0xb6: {  	[sflag:s29] =	ssyncadd.s32 $0xFFFFFFFF  }
0xb7: {  	_ =	strace $0x90000048  }
0xb8: {  	_ =	sfence  }
0xb9: {  	s30 =	sld [smem:$0x0];
	_ =	sdelay $0x2  }
0xba: {  	s31 =	sshll.u32 s1, $0xD;
	s1 =	sshrl.u32 s1, $0x2  }
0xbb: {  	s3 =	sand.u32 $0x4000, s31;
	s1 =	sadd.s32 s1, s30  }
0xbc: {  	s0 =	sor.u32 s3, s0;
	s1 =	sshll.u32 s1, $0x11  }
0xbd: {  	s0 =	sor.u32 s1, s0  }
0xbe: {  	s0 =	sadd.s32 $0x8F2B, s0  }
0xbf: {  	[sflag:s0] =	ssyncadd.remote.s32 $0x1  }
0xc0: {  	_ =	sfence.sel $0xFFFF  }
0xc1: {  	[dreg:$0x0] =	wrdreg $0xFFFFFFFF;
	(pc) =	sbr.abs _section_cstart, $3  }
0xc2: {  	[dreg:$0x1] =	wrdreg $0xFFFFFFFF  }
0xc3: {  	_ =	task.clear_ibuf [dreg:s7], $0x2FFFF;
	_ =	strace $0x9FFFFFFF  }
0xc4: {  	(tm) =	ssettm $0x7FFFFFFF  }
0xc5: {  	_ =	shalt  }
tec
execute0_lowered:
.L_overlay_start_1:
0x0: {  	(tag) =	ssettag $0x1  }
0x1: {  	s1 =	rddreg [dreg:$0x0];
	s0 =	srdreg.scid  }
0x2: {  	s21 =	stileid.u32;
	s5 =	rddreg [dreg:$0x1]  }
0x3: {  	s2 =	rddreg [dreg:$0x2];
	s3 =	simm.s32 $0x0;
	s31 =	simm.s32 $0x3  }
0x4: {  	s6 =	sand.u32 $0x1, s0;
	s0 =	smul.u32 $0x3E8, s21;
	[smem:$0x7FF] =	sst s3  }
0x5: {  	s7 =	sadd.s32 $0x16600, s5;
	s8 =	smul.u32 $0x278, s21;
	s10 =	sshll.u32 s21, $0x1  }
0x6: {  	p0 =	sgt.u32 s21, $0x9;
	s4 =	smul.u32 $0x2710, s6;
	s15 =	ssub.s32 $0x2, s6  }
0x7: {  	s10 =	sor.u32 s6, s10;
	s6 =	smul.u32 $0x138800, s6;
	s11 =	sshrl.u32 s15, $0x1  }
0x8: {  	s8 =	smin.u32 s8, $0x2498;
	s4 =	sadd.s32 s0, s4;
	s11 =	ssub.s32 s15, s11  }
0x9: {  	s8 =	sshll.u32 s8, $0x7;
	s9 =	sshrl.u32 s4, $0x3;
	s4 =	smul.u32 $0x2710, s10  }
0xa: {  	s10 =	sadd.s32 $0x2800, s8;
	s13 =	sadd.s32 $0x5000, s8;
	s14 =	sadd.s32 $0x7800, s8  }
0xb: {  	s15 =	sadd.s32 $0xA000, s8;
	s17 =	sadd.s32 $0xC800, s8;
	s12 =	sadd.s32 s6, s8  }
0xc: {  	s19 =	sadd.s32 $0xF000, s8;
	s20 =	sadd.s32 $0x11800, s8;
	s12 =	sshrl.u32 s12, $0x3  }
0xd: {  	s16 =	sadd.s32 s6, s10;
	s18 =	sadd.s32 s6, s13;
	s23 =	sadd.s32 s6, s14  }
0xe: {  	s24 =	sadd.s32 s6, s15;
	s25 =	sadd.s32 s6, s17;
	s28 =	sadd.s32 s13, s2  }
0xf: {  	s29 =	sadd.s32 s14, s2;
	s12 =	sadd.s32 s7, s12;
	s16 =	sshrl.u32 s16, $0x3  }
0x10: {  	s18 =	sshrl.u32 s18, $0x3;
	[dreg:$0x5] =	wrdreg s12;
	s12 =	sadd.s32 s7, s16  }
0x11: {  	s30 =	sshrl.u32 s25, $0x3;
	s22 =	sadd.s32 s7, s18;
	[dreg:$0x6] =	wrdreg s12  }
0x12: {  	s18 =	sadd.s32 s7, s30;
	[dreg:$0x7] =	wrdreg s22;
	s12 =	sshrl.u32 s23, $0x3  }
0x13: {  	s26 =	sshrl.u32 s24, $0x3;
	[dreg:$0xa] =	wrdreg s18;
	s12 =	sadd.s32 s7, s12  }
0x14: {  	s22 =	sadd.s32 s6, s19;
	[dreg:$0x8] =	wrdreg s12;
	s12 =	sadd.s32 s7, s26  }
0x15: {  	s6 =	sadd.s32 s6, s20;
	s23 =	sshrl.u32 s22, $0x3;
	[dreg:$0x9] =	wrdreg s12  }
0x16: {  	s6 =	sshrl.u32 s6, $0x3;
	s16 =	sadd.s32 s7, s23;
	s12 =	rddreg [dreg:$0x3]  }
0x17: {  	s24 =	sadd.s32 $0x15000, s5;
	s6 =	sadd.s32 s7, s6;
	[dreg:$0xb] =	wrdreg s16  }
0x18: {  	s25 =	sshrl.u32 s4, $0x3;
	s18 =	sadd.s32 $0xB200, s5;
	[dreg:$0xc] =	wrdreg s6  }
0x19: {  	s26 =	sadd.s32 $0x15600, s5;
	_ =	strace $0x80000047;
	[dreg:$0xd] =	wrdreg s24  }
0x1a: {  	s15 =	sadd.s32 s15, s2;
	s7 =	sadd.s32 s18, s25;
	[dreg:$0xe] =	wrdreg s26  }
0x1b: {  	s17 =	sadd.s32 s17, s2;
	s13 =	simm.s32 $0x6100;
	[dreg:$0x10] =	wrdreg s7  }
0x1c: {  	s14 =	simm.s32 $0x30;
	s22 =	sadd.s32 s19, s2;
	[dreg:$0x15] =	wrdreg s15  }
0x1d: {  	s19 =	simm.s32 $0x20;
	s23 =	sadd.s32 s20, s2;
	[dreg:$0x16] =	wrdreg s17  }
0x1e: {  	s20 =	simm.s32 $0x5F80;
	s6 =	sadd.s32 s9, s5;
	[dreg:$0x17] =	wrdreg s22  }
0x1f: {  	s16 =	sadd.s32 $0x1400, s5;
	s9 =	smul.u32 $0xFA0, s21;
	[dreg:$0x18] =	wrdreg s23  }
0x20: {  	s21 =	simm.s32 $0x6080;
	s30 =	sadd.s32 s16, s25;
	[dreg:$0x13] =	wrdreg s28  }
0x21: {  	s25 =	sadd.s32 s8, s2;
	s26 =	sadd.s32 s10, s2;
	[dreg:$0x14] =	wrdreg s29  }
0x22: {  	s0 =	sadd.s32 s0, s12;
	s24 =	sadd.s32 $0x15C00, s6;
	[dreg:$0xf] =	wrdreg s30  }
0x23: {  	s6 =	simm.s32 $0x2780;
	s7 =	simm.s32 $0x4F00;
	[dreg:$0x1a] =	wrdreg s0  }
0x24: {  	s15 =	simm.s32 $0x5F00;
	s17 =	simm.s32 $0x6180;
	[dreg:$0x1b] =	wrdreg s24  }
0x25: {  	s8 =	simm.s32 $0x6280;
	s23 =	simm.s32 $0x4;
	[dreg:$0x11] =	wrdreg s25  }
0x26: {  	s5 =	sshrl.u32 s9, $0x2;
	s30 =	smax.u32 s11, $0x1;
	[dreg:$0x12] =	wrdreg s26  }
0x27: {  	s11 =	simm.s32 $0x6200;
	s5 =	sadd.s32 s5, s12;
	[dreg:$0x1c] =	wrdreg s30  }
0x28: {  	v0 =	vimm.f32 $0.0e+00;
	s9 =	simm.s32 $0x0;
	[dreg:$0x19] =	wrdreg s5;
	s5 =	simm.s32 $0x5  }
.LBB2_1:
0x29: {  	[dreg:$0x1d] =	wrdreg s9  }
0x2a: {  	s0 =	rddreg [dreg:$0xd]  }
0x2b: {  	[tilespmem:s3], [sflag:$0x5] =	stream.linear.gather [hbm4b:s0+s3], $0x2780, $0x38;
	[tilespmem:$0x1F1F8] =	vst v63  }
0x2c: {  	_ =	swait.ge [sflag:s5], $0x2780  }
0x2d: {  	[sflag:s5] =	ssyncset.done $0x0  }
0x2e: {  	s10 =	rddreg [dreg:$0xe];
	[sflag:s5] =	ssyncadd.s32 $0xFFFFD880  }
0x2f: {  	[tilespmem:s6], [sflag:$0x5] =	stream.linear.gather [hbm4b:s10+s3], $0x2780, $0x38;
	[tilespmem:$0x1F1F8] =	vst v63  }
0x30: {  	_ =	swait.ge [sflag:s5], $0x2780  }
0x31: {  	[sflag:s5] =	ssyncset.done $0x0  }
0x32: {  	s22 =	rddreg [dreg:$0xf];
	[sflag:s5] =	ssyncadd.s32 $0xFFFFD880  }
0x33: {  	[tilespmem:s7], [sflag:$0x5] =	stream.linear.gather [hbm4b:s22+s3], $0x7D0, $0x38;
	[tilespmem:$0x1F1F8] =	vst v63  }
0x34: {  	_ =	swait.ge [sflag:s5], $0x7D0  }
0x35: {  	[sflag:s5] =	ssyncset.done $0x0  }
0x36: {  	s30 =	simm.s32 $0x5700;
	s24 =	rddreg [dreg:$0x10];
	[sflag:s5] =	ssyncadd.s32 $0xFFFFF830  }
0x37: {  	[tilespmem:s30], [sflag:$0x5] =	stream.linear.gather [hbm4b:s24+s3], $0x7D0, $0x38;
	[tilespmem:$0x1F1F8] =	vst v63  }
0x38: {  	_ =	swait.ge [sflag:s5], $0x7D0  }
0x39: {  	[sflag:s5] =	ssyncset.done $0x0  }
0x3a: {  	s9 =	simm.s32 $0x0;
	s10 =	simm.s32 $0x0;
	[sflag:s5] =	ssyncadd.s32 $0xFFFFF830  }
.LBB2_2:
0x3b: {  	p1 =	sne.s32 s10, $0x9FC0  }
.Ltmp0:
0x3c: {  	_ = 	snop;
	(pc) =	sbr.rel @p1 .LBB2_2-.Ltmp0, $4  }
0x3d: {  	s22 =	sand.u32 $0xFE00, s10  }
0x3e: {  	s24 =	sand.u32 $0x70, s9;
	s22 =	sshrl.u32 s22, $0x2  }
0x3f: {  	s22 =	sor.u32 s24, s22  }
0x40: {  	s9 =	sadd.s32 $0x10, s9;
	s10 =	sadd.s32 $0x40, s10;
	[tilespmem:s22+$0x6300] =	vst v0  }
0x41: {  	s9 =	simm.s32 $0x40;
	s10 =	simm.s32 $0x0  }
.LBB2_4:
0x42: {  	p1 =	sne.s32 s9, $0xFC0;
	[tilespmem:s10+$0xB300] =	vst v0;
	s10 =	smov.u32 s9;
	s9 =	sadd.s32 $0x40, s9  }
.Ltmp1:
0x43: {  	(pc) =	sbr.rel @p1 .LBB2_4-.Ltmp1, $2  }
0x44: {  	_ =	sdelay $0x2  }
0x45: {  	s10 =	sshra.s32 s10, $0x2  }
0x46: {  	[tilespmem:s10+$0xB300] =	vst v0;
	s24 =	simm.s32 $0x6300  }
0x47: {  	[spmem:s25] =	stream.linear.scatter [tilespmem:s24], [sflag:$0x5], $0x2800, $0x38;
	[tilespmem:$0x1F1F8] =	vst v63  }
0x48: {  	_ =	swait.ge [sflag:s5], $0x2800  }
0x49: {  	[sflag:s5] =	ssyncset.done $0x0  }
0x4a: {  	[sflag:s5] =	ssyncadd.s32 $0xFFFFD800  }
0x4b: {  	[spmem:s26] =	stream.linear.scatter [tilespmem:s24], [sflag:$0x5], $0x2800, $0x38;
	[tilespmem:$0x1F1F8] =	vst v63  }
0x4c: {  	_ =	swait.ge [sflag:s5], $0x2800  }
0x4d: {  	[sflag:s5] =	ssyncset.done $0x0  }
0x4e: {  	[sflag:s5] =	ssyncadd.s32 $0xFFFFD800  }
0x4f: {  	[spmem:s28] =	stream.linear.scatter [tilespmem:s24], [sflag:$0x5], $0x2800, $0x38;
	[tilespmem:$0x1F1F8] =	vst v63  }
0x50: {  	_ =	swait.ge [sflag:s5], $0x2800  }
0x51: {  	[sflag:s5] =	ssyncset.done $0x0  }
0x52: {  	[sflag:s5] =	ssyncadd.s32 $0xFFFFD800  }
0x53: {  	[spmem:s29] =	stream.linear.scatter [tilespmem:s24], [sflag:$0x5], $0x2800, $0x38;
	[tilespmem:$0x1F1F8] =	vst v63  }
0x54: {  	_ =	swait.ge [sflag:s5], $0x2800  }
0x55: {  	[sflag:s5] =	ssyncset.done $0x0  }
0x56: {  	s0 =	rddreg [dreg:$0x15];
	[sflag:s5] =	ssyncadd.s32 $0xFFFFD800  }
0x57: {  	[spmem:s0] =	stream.linear.scatter [tilespmem:s24], [sflag:$0x5], $0x2800, $0x38;
	[tilespmem:$0x1F1F8] =	vst v63  }
0x58: {  	_ =	swait.ge [sflag:s5], $0x2800  }
0x59: {  	[sflag:s5] =	ssyncset.done $0x0  }
0x5a: {  	s26 =	rddreg [dreg:$0x16];
	[sflag:s5] =	ssyncadd.s32 $0xFFFFD800  }
0x5b: {  	[spmem:s26] =	stream.linear.scatter [tilespmem:s24], [sflag:$0x5], $0x2800, $0x38;
	[tilespmem:$0x1F1F8] =	vst v63  }
0x5c: {  	_ =	swait.ge [sflag:s5], $0x2800  }
0x5d: {  	[sflag:s5] =	ssyncset.done $0x0  }
0x5e: {  	s28 =	rddreg [dreg:$0x17];
	[sflag:s5] =	ssyncadd.s32 $0xFFFFD800  }
0x5f: {  	[spmem:s28] =	stream.linear.scatter [tilespmem:s24], [sflag:$0x5], $0x2800, $0x38;
	[tilespmem:$0x1F1F8] =	vst v63  }
0x60: {  	_ =	swait.ge [sflag:s5], $0x2800  }
0x61: {  	[sflag:s5] =	ssyncset.done $0x0  }
0x62: {  	s29 =	rddreg [dreg:$0x18];
	[sflag:s5] =	ssyncadd.s32 $0xFFFFD800  }
0x63: {  	[spmem:s29] =	stream.linear.scatter [tilespmem:s24], [sflag:$0x5], $0x2400, $0x38;
	[tilespmem:$0x1F1F8] =	vst v63  }
0x64: {  	_ =	swait.ge [sflag:s5], $0x2400  }
0x65: {  	[sflag:s5] =	ssyncset.done $0x0  }
0x66: {  	s9 =	simm.s32 @!p0 $0xB300;
	s0 =	rddreg [dreg:$0x19];
	[sflag:s5] =	ssyncadd.s32 $0xFFFFDC00  }
0x67: {  	[spmem:s0] =	stream.linear.scatter @!p0 [tilespmem:s9], [sflag:$0x5], $0x3E8, $0x38;
	[tilespmem:$0x1F1F8] =	vst v63  }
0x68: {  	s9 =	simm.s32 @!p0 $0x5  }
0x69: {  	_ =	swait.ge @!p0 [sflag:s9], $0x3E8  }
0x6a: {  	[sflag:s9] =	ssyncset.done @!p0 $0x0  }
0x6b: {  	[sflag:s9] =	ssyncadd.s32 @!p0 $0xFFFFFC18  }
0x6c: {  	[bflag:$0x0] =	sbarrier.arrive $0xFFFF  }
0x6d: {  	v1 =	vld [tilespmem:$0x4F00]  }
0x6e: {  	v2 =	vld [tilespmem:$0x5700];
	_ =	sdelay $0x5  }
0x6f: {  	s30 =	simm.s32 $0x0;
	[tilespmem:$0x5F00] =	vst v2  }
0x70: {  	v1 =	vld.idx.msk [tilespmem:v1+s30+$0x0], $0xffff  }
0x71: {  	v3 =	vld.idx.msk [tilespmem:v2+s30+$0x0], $0xffff  }
0x72: {  	v2 =	vld.idx.msk [tilespmem:v2+s6+$0x0], $0xffff;
	_ =	sdelay $0x4  }
0x73: {  	v1 =	vadd.f32 v2, v1;
	v2 =	vadd.f32 v2, v3;
	_ =	sdelay $0x1  }
0x74: {  	v3 =	vmul.f32 $2.000000030e-01, v1;
	v4 =	vmul.f32 $2.000000030e-01, v2  }
0x75: {  	vm0 =	vge.f32 v1, $0.0e+00;
	vm1 =	vge.f32 v2, $0.0e+00  }
0x76: {  	v1 =	vsel vm0, v1, v3;
	v2 =	vsel vm1, v2, v4  }
0x77: {  	v1 =	vsub.f32 v1, v2;
	_ =	sdelay $0x1  }
0x78: {  	v1 =	vmul.f32 $1.442695020e+00, v1;
	_ =	sdelay $0x1  }
0x79: {  	(erf) = vpow2.f32 v1;
	_ =	sdelay $0x2  }
0x7a: {  	v1 =	vld [tilespmem:$0x4F10]  }
0x7b: {  	v2 =	vld [tilespmem:$0x5710];
	_ =	sdelay $0x4  }
0x7c: {  	[tilespmem:$0x5F10] =	vst v2;
	v3 =	vpop (erf)  }
0x7d: {  	[tilespmem:$0x6100] =	vst v3  }
0x7e: {  	v1 =	vld.idx.msk [tilespmem:v1+s30+$0x0], $0xffff  }
0x7f: {  	v3 =	vld.idx.msk [tilespmem:v2+s30+$0x0], $0xffff  }
0x80: {  	v2 =	vld.idx.msk [tilespmem:v2+s6+$0x0], $0xffff;
	_ =	sdelay $0x4  }
0x81: {  	v1 =	vadd.f32 v2, v1;
	v2 =	vadd.f32 v2, v3;
	_ =	sdelay $0x1  }
0x82: {  	v3 =	vmul.f32 $2.000000030e-01, v1;
	v4 =	vmul.f32 $2.000000030e-01, v2  }
0x83: {  	vm8 =	vge.f32 v1, $0.0e+00;
	vm9 =	vge.f32 v2, $0.0e+00  }
0x84: {  	v1 =	vsel vm8, v1, v3;
	v2 =	vsel vm9, v2, v4  }
0x85: {  	v1 =	vsub.f32 v1, v2;
	_ =	sdelay $0x1  }
0x86: {  	v1 =	vmul.f32 $1.442695020e+00, v1;
	_ =	sdelay $0x1  }
0x87: {  	(erf) = vpow2.f32 v1;
	_ =	sdelay $0x2  }
0x88: {  	v1 =	vld [tilespmem:$0x4F20]  }
0x89: {  	v2 =	vld [tilespmem:$0x5720];
	_ =	sdelay $0x4  }
0x8a: {  	[tilespmem:$0x5F20] =	vst v2;
	v3 =	vpop (erf)  }
0x8b: {  	[tilespmem:$0x6110] =	vst v3  }
0x8c: {  	v1 =	vld.idx.msk [tilespmem:v1+s30+$0x0], $0xffff  }
0x8d: {  	v3 =	vld.idx.msk [tilespmem:v2+s30+$0x0], $0xffff  }
0x8e: {  	v2 =	vld.idx.msk [tilespmem:v2+s6+$0x0], $0xffff;
	_ =	sdelay $0x4  }
0x8f: {  	v1 =	vadd.f32 v2, v1;
	v2 =	vadd.f32 v2, v3;
	_ =	sdelay $0x1  }
0x90: {  	v3 =	vmul.f32 $2.000000030e-01, v1;
	v4 =	vmul.f32 $2.000000030e-01, v2  }
0x91: {  	vm10 =	vge.f32 v1, $0.0e+00;
	vm11 =	vge.f32 v2, $0.0e+00  }
0x92: {  	v1 =	vsel vm10, v1, v3;
	v2 =	vsel vm11, v2, v4  }
0x93: {  	v1 =	vsub.f32 v1, v2;
	_ =	sdelay $0x1  }
0x94: {  	v1 =	vmul.f32 $1.442695020e+00, v1;
	_ =	sdelay $0x1  }
0x95: {  	(erf) = vpow2.f32 v1;
	_ =	sdelay $0x2  }
0x96: {  	v1 =	vld [tilespmem:$0x4F30]  }
0x97: {  	v2 =	vld [tilespmem:$0x5730];
	_ =	sdelay $0x4  }
0x98: {  	[tilespmem:$0x5F80] =	vst v2;
	v3 =	vpop (erf)  }
0x99: {  	[tilespmem:$0x6120] =	vst v3  }
0x9a: {  	v1 =	vld.idx.msk [tilespmem:v1+s30+$0x0], $0xffff  }
0x9b: {  	v3 =	vld.idx.msk [tilespmem:v2+s30+$0x0], $0xffff  }
0x9c: {  	v2 =	vld.idx.msk [tilespmem:v2+s6+$0x0], $0xffff;
	_ =	sdelay $0x4  }
0x9d: {  	v1 =	vadd.f32 v2, v1;
	v2 =	vadd.f32 v2, v3;
	_ =	sdelay $0x1  }
0x9e: {  	v3 =	vmul.f32 $2.000000030e-01, v1;
	v4 =	vmul.f32 $2.000000030e-01, v2  }
0x9f: {  	vm12 =	vge.f32 v1, $0.0e+00;
	vm13 =	vge.f32 v2, $0.0e+00  }
0xa0: {  	v1 =	vsel vm12, v1, v3;
	v2 =	vsel vm13, v2, v4  }
0xa1: {  	v1 =	vsub.f32 v1, v2;
	_ =	sdelay $0x1  }
0xa2: {  	v1 =	vmul.f32 $1.442695020e+00, v1;
	_ =	sdelay $0x1  }
0xa3: {  	(erf) = vpow2.f32 v1;
	_ =	sdelay $0x2  }
0xa4: {  	v1 =	vld [tilespmem:$0x4F40]  }
0xa5: {  	v2 =	vld [tilespmem:$0x5740];
	_ =	sdelay $0x4  }
0xa6: {  	[tilespmem:$0x5F90] =	vst v2;
	v3 =	vpop (erf)  }
0xa7: {  	[tilespmem:$0x6180] =	vst v3  }
0xa8: {  	v1 =	vld.idx.msk [tilespmem:v1+s30+$0x0], $0xffff  }
0xa9: {  	v3 =	vld.idx.msk [tilespmem:v2+s30+$0x0], $0xffff  }
0xaa: {  	v2 =	vld.idx.msk [tilespmem:v2+s6+$0x0], $0xffff;
	_ =	sdelay $0x4  }
0xab: {  	v1 =	vadd.f32 v2, v1;
	v2 =	vadd.f32 v2, v3;
	_ =	sdelay $0x1  }
0xac: {  	v3 =	vmul.f32 $2.000000030e-01, v1;
	v4 =	vmul.f32 $2.000000030e-01, v2  }
0xad: {  	vm14 =	vge.f32 v1, $0.0e+00;
	vm15 =	vge.f32 v2, $0.0e+00  }
0xae: {  	v1 =	vsel vm14, v1, v3;
	v2 =	vsel vm15, v2, v4  }
0xaf: {  	v1 =	vsub.f32 v1, v2;
	_ =	sdelay $0x1  }
0xb0: {  	v1 =	vmul.f32 $1.442695020e+00, v1;
	_ =	sdelay $0x1  }
0xb1: {  	(erf) = vpow2.f32 v1;
	_ =	sdelay $0x8  }
0xb2: {  	v2 =	vmov s30;
	v1 =	vpop (erf)  }
0xb3: {  	s22 =	simm.s32 $0x4F50;
	s9 =	simm.s32 $0x50;
	[tilespmem:$0x6190] =	vst v1;
	v1 =	vand.u32 $0xFFFFFFFC, v2  }
0xb4: {  	[tilespmem:s24], [sflag:$0x1] =	stream.indirect.gather [hbm4b:s1+s9], $0x80, s7, s9, $0xb8;
	v1 =	vbroadcast v1, $0x0;
	[tilespmem:$0x1F1F8] =	vst v63  }
0xb5: {  	s25 =	simm.s32 $0x1;
	s0 =	simm.s32 $0x2;
	s24 =	simm.s32 $0x8B00  }
0xb6: {  	[tilespmem:s24], [sflag:$0x2] =	stream.indirect.gather [hbm4b:s1+s9], $0x80, s22, s9, $0xb8;
	[tilespmem:$0x1F1F8] =	vst v63  }
0xb7: {  	v2 =	vmov s0;
	_ =	swait.ge [sflag:s25], $0x2800  }
0xb8: {  	v2 =	vand.u32 $0xFFFFFFFE, v2;
	[sflag:s25] =	ssyncset.done $0x0  }
0xb9: {  	v2 =	vbroadcast v2, $0x0;
	[sflag:s25] =	ssyncadd.s32 $0xFFFFD800  }
0xba: {  	s10 =	simm.s32 $0x6400;
	v1 =	vld.idx.msk [tilespmem:v1+s13+$0x0], $0xffff  }
0xbb: {  	s26 =	simm.s32 $0x1;
	v4 =	vld [tilespmem:s10+$0x70]  }
0xbc: {  	v3 =	vmov s26;
	v5 =	vld [tilespmem:s10+$0xFFFFFF00]  }
0xbd: {  	v3 =	vand.u32 $0xFFFFFFFD, v3;
	v6 =	vld [tilespmem:s10+$0xFFFFFF10]  }
0xbe: {  	v3 =	vbroadcast v3, $0x0;
	v7 =	vld [tilespmem:s10+$0xFFFFFF20]  }
0xbf: {  	v2 =	vld.idx.msk [tilespmem:v2+s13+$0x0], $0xffff  }
0xc0: {  	v8 =	vld [tilespmem:s10+$0xFFFFFF30]  }
0xc1: {  	v9 =	vld [tilespmem:s10+$0xFFFFFF40]  }
0xc2: {  	v10 =	vld [tilespmem:s10+$0xFFFFFF50]  }
0xc3: {  	v11 =	vld [tilespmem:s10+$0xFFFFFF60];
	v5 =	vmul.f32 v5, v1  }
0xc4: {  	v3 =	vld.idx.msk [tilespmem:v3+s13+$0x0], $0xffff;
	v4 =	vmul.f32 v4, v2  }
0xc5: {  	v13 =	vld [tilespmem:s10+$0x40];
	[tilespmem:s10+$0xFFFFFF00] =	vst v5;
	v5 =	vmul.f32 v6, v1  }
0xc6: {  	v6 =	vld [tilespmem:s10+$0xFFFFFF70];
	[tilespmem:s10+$0x70] =	vst v4;
	v4 =	vmul.f32 v7, v1  }
0xc7: {  	v7 =	vld [tilespmem:s10+$0xFFFFFF80];
	[tilespmem:s10+$0xFFFFFF10] =	vst v5;
	v5 =	vmul.f32 v8, v1  }
0xc8: {  	v8 =	vld [tilespmem:s10+$0xFFFFFF90];
	[tilespmem:s10+$0xFFFFFF20] =	vst v4;
	v4 =	vmul.f32 v9, v1  }
0xc9: {  	v9 =	vld [tilespmem:s10+$0xFFFFFFA0];
	[tilespmem:s10+$0xFFFFFF30] =	vst v5;
	v5 =	vmul.f32 v10, v1  }
0xca: {  	v10 =	vld [tilespmem:s10+$0xFFFFFFB0];
	[tilespmem:s10+$0xFFFFFF40] =	vst v4;
	v4 =	vmul.f32 v11, v1  }
0xcb: {  	v11 =	vld [tilespmem:s10+$0xFFFFFFC0];
	v6 =	vmul.f32 v6, v1;
	[tilespmem:s10+$0xFFFFFF50] =	vst v5  }
0xcc: {  	v5 =	vmul.f32 v7, v3;
	v7 =	vld [tilespmem:s10+$0xFFFFFFD0];
	[tilespmem:s10+$0xFFFFFF60] =	vst v4  }
0xcd: {  	s28 =	simm.s32 $0x3;
	v4 =	vld [tilespmem:s10+$0xFFFFFFE0];
	v8 =	vmul.f32 v8, v3;
	[tilespmem:s10+$0xFFFFFF70] =	vst v6  }
0xce: {  	v12 =	vmov s28;
	v6 =	vld [tilespmem:s10+$0xFFFFFFF0];
	[tilespmem:s10+$0xFFFFFF80] =	vst v5;
	v5 =	vmul.f32 v9, v3  }
0xcf: {  	v9 =	vld [tilespmem:s10+$0x0];
	[tilespmem:s10+$0xFFFFFF90] =	vst v8;
	v8 =	vmul.f32 v10, v3  }
0xd0: {  	v10 =	vld [tilespmem:s10+$0x10];
	[tilespmem:s10+$0xFFFFFFA0] =	vst v5;
	v5 =	vmul.f32 v11, v3  }
0xd1: {  	[tilespmem:s10+$0xFFFFFFB0] =	vst v8;
	v7 =	vmul.f32 v7, v3;
	v8 =	vld [tilespmem:s10+$0x20]  }
0xd2: {  	v11 =	vld [tilespmem:s10+$0x30];
	[tilespmem:s10+$0xFFFFFFC0] =	vst v5;
	v4 =	vmul.f32 v4, v3  }
0xd3: {  	v1 =	vld.idx.msk [tilespmem:v12+s13+$0x0], $0xffff;
	v3 =	vmul.f32 v6, v3;
	[tilespmem:s10+$0xFFFFFFD0] =	vst v7  }
0xd4: {  	v5 =	vmul.f32 v9, v2;
	[tilespmem:s10+$0xFFFFFFE0] =	vst v4;
	v4 =	vld [tilespmem:s10+$0x50]  }
0xd5: {  	s29 =	simm.s32 $0x4;
	[tilespmem:s10+$0xFFFFFFF0] =	vst v3;
	v6 =	vmul.f32 v10, v2;
	v3 =	vld [tilespmem:s10+$0x60]  }
0xd6: {  	s30 =	simm.s32 $0x7;
	v7 =	vmov s29;
	[tilespmem:s10+$0x0] =	vst v5;
	v9 =	vmul.f32 v8, v2;
	v8 =	vld [tilespmem:s10+$0x80]  }
0xd7: {  	s22 =	simm.s32 $0x5;
	v12 =	vand.u32 $0xFFFFFFFC, v7;
	v7 =	vld [tilespmem:s10+$0x90];
	v5 =	vmov s30;
	v10 =	vmul.f32 v11, v2;
	[tilespmem:s10+$0x10] =	vst v6  }
0xd8: {  	s9 =	simm.s32 $0x8;
	s24 =	simm.s32 $0x6400;
	v11 =	vmul.f32 v13, v2;
	v6 =	vbroadcast v12, $0x0;
	v12 =	vmov s22;
	s22 =	simm.s32 $0x6;
	[tilespmem:s10+$0x20] =	vst v9;
	v9 =	vld [tilespmem:s10+$0xA0]  }
.LBB2_6:
0xd9: {  	p1 =	slt.u32 s9, $0x2C;
	v12 =	vand.u32 $0xFFFFFFFD, v12;
	v13 =	vmov s22;
	[tilespmem:s10+$0x30] =	vst v10;
	v4 =	vmul.f32 v4, v2;
	v10 =	vld [tilespmem:s10+$0xB0]  }
0xda: {  	v12 =	vbroadcast v12, $0x0;
	v13 =	vand.u32 $0xFFFFFFFE, v13;
	[tilespmem:s10+$0x40] =	vst v11;
	v2 =	vmul.f32 v3, v2;
	v3 =	vld [tilespmem:s10+$0xC0]  }
0xdb: {  	v11 =	vbroadcast v13, $0x0;
	[tilespmem:s10+$0x50] =	vst v4;
	v4 =	vmul.f32 v8, v1;
	v8 =	vld [tilespmem:s10+$0xD0]  }
0xdc: {  	[tilespmem:s10+$0x60] =	vst v2;
	v2 =	vmul.f32 v7, v1;
	v7 =	vld [tilespmem:s10+$0xE0]  }
0xdd: {  	[tilespmem:s10+$0x80] =	vst v4;
	v4 =	vmul.f32 v9, v1;
	v9 =	vld [tilespmem:s10+$0xF0]  }
0xde: {  	v5 =	vld.idx.msk [tilespmem:v5+s13+$0x0], $0xffff;
	[tilespmem:s10+$0x90] =	vst v2;
	v2 =	vmul.f32 v10, v1  }
0xdf: {  	v6 =	vld.idx.msk [tilespmem:v6+s13+$0x0], $0xffff;
	[tilespmem:s10+$0xA0] =	vst v4;
	v3 =	vmul.f32 v3, v1  }
0xe0: {  	v4 =	vld.idx.msk [tilespmem:v12+s13+$0x0], $0xffff;
	[tilespmem:s10+$0xB0] =	vst v2;
	v8 =	vmul.f32 v8, v1  }
0xe1: {  	s10 =	sadd.s32 $0x200, s10;
	v2 =	vld.idx.msk [tilespmem:v11+s13+$0x0], $0xffff;
	[tilespmem:s24+$0xC0] =	vst v3;
	v3 =	vmul.f32 v7, v1  }
0xe2: {  	v7 =	vld [tilespmem:s10+$0x70];
	[tilespmem:s24+$0xD0] =	vst v8;
	v9 =	vmul.f32 v9, v1  }
0xe3: {  	v8 =	vld [tilespmem:s10+$0xFFFFFF00];
	[tilespmem:s24+$0xE0] =	vst v3  }
0xe4: {  	v1 =	vmov v5;
	v3 =	vld [tilespmem:s10+$0xFFFFFF10];
	[tilespmem:s24+$0xF0] =	vst v9;
	s24 =	smov.u32 s10  }
0xe5: {  	v5 =	vld [tilespmem:s10+$0xFFFFFF20]  }
0xe6: {  	v9 =	vld [tilespmem:s10+$0xFFFFFF30]  }
0xe7: {  	v10 =	vld [tilespmem:s10+$0xFFFFFF40];
	v7 =	vmul.f32 v7, v2  }
0xe8: {  	v8 =	vmul.f32 v8, v6;
	v11 =	vld [tilespmem:s10+$0xFFFFFF50]  }
0xe9: {  	v3 =	vmul.f32 v3, v6;
	v12 =	vld [tilespmem:s10+$0xFFFFFF60];
	[tilespmem:s10+$0x70] =	vst v7  }
0xea: {  	[tilespmem:s10+$0xFFFFFF00] =	vst v8;
	v5 =	vmul.f32 v5, v6;
	v7 =	vld [tilespmem:s10+$0xFFFFFF70]  }
0xeb: {  	[tilespmem:s10+$0xFFFFFF10] =	vst v3;
	v3 =	vmul.f32 v9, v6;
	v8 =	vld [tilespmem:s10+$0xFFFFFF80]  }
0xec: {  	[tilespmem:s10+$0xFFFFFF20] =	vst v5;
	v5 =	vmul.f32 v10, v6;
	v9 =	vld [tilespmem:s10+$0xFFFFFF90]  }
0xed: {  	[tilespmem:s10+$0xFFFFFF30] =	vst v3;
	v3 =	vmul.f32 v11, v6;
	v10 =	vld [tilespmem:s10+$0xFFFFFFA0]  }
0xee: {  	[tilespmem:s10+$0xFFFFFF40] =	vst v5;
	v5 =	vmul.f32 v12, v6;
	v11 =	vld [tilespmem:s10+$0xFFFFFFB0]  }
0xef: {  	[tilespmem:s10+$0xFFFFFF50] =	vst v3;
	v3 =	vmul.f32 v7, v6;
	v6 =	vld [tilespmem:s10+$0xFFFFFFC0]  }
0xf0: {  	[tilespmem:s10+$0xFFFFFF60] =	vst v5;
	v5 =	vmul.f32 v8, v4;
	v7 =	vld [tilespmem:s10+$0xFFFFFFD0]  }
0xf1: {  	[tilespmem:s10+$0xFFFFFF70] =	vst v3;
	v3 =	vmul.f32 v9, v4;
	v8 =	vld [tilespmem:s10+$0xFFFFFFE0]  }
0xf2: {  	[tilespmem:s10+$0xFFFFFF80] =	vst v5;
	v5 =	vmul.f32 v10, v4;
	v9 =	vld [tilespmem:s10+$0xFFFFFFF0]  }
0xf3: {  	[tilespmem:s10+$0xFFFFFF90] =	vst v3;
	v3 =	vmul.f32 v11, v4;
	v10 =	vld [tilespmem:s10+$0x0]  }
0xf4: {  	[tilespmem:s10+$0xFFFFFFA0] =	vst v5;
	v5 =	vmul.f32 v6, v4;
	v6 =	vld [tilespmem:s10+$0x10]  }
0xf5: {  	[tilespmem:s10+$0xFFFFFFB0] =	vst v3;
	v3 =	vmul.f32 v7, v4;
	v7 =	vld [tilespmem:s10+$0x20]  }
0xf6: {  	[tilespmem:s10+$0xFFFFFFC0] =	vst v5;
	v5 =	vmul.f32 v8, v4;
	v11 =	vld [tilespmem:s10+$0x30]  }
0xf7: {  	[tilespmem:s10+$0xFFFFFFD0] =	vst v3;
	v3 =	vmul.f32 v9, v4;
	v9 =	vld [tilespmem:s10+$0x40]  }
.Ltmp2:
0xf8: {  	[tilespmem:s10+$0xFFFFFFE0] =	vst v5;
	v5 =	vmul.f32 v10, v2;
	v4 =	vld [tilespmem:s10+$0x50];
	(pc) =	sbr.rel @p1 .LBB2_6-.Ltmp2, $4  }
0xf9: {  	[tilespmem:s10+$0xFFFFFFF0] =	vst v3;
	v6 =	vmul.f32 v6, v2;
	v3 =	vld [tilespmem:s10+$0x60]  }
0xfa: {  	s22 =	sadd.s32 $0x3, s9;
	v10 =	vmov s9;
	[tilespmem:s10+$0x0] =	vst v5;
	v13 =	vmul.f32 v7, v2;
	v8 =	vld [tilespmem:s10+$0x80]  }
0xfb: {  	s25 =	sadd.s32 $0x1, s9;
	v12 =	vand.u32 $0xFFFFFFFC, v10;
	v5 =	vmov s22;
	[tilespmem:s10+$0x10] =	vst v6;
	v10 =	vmul.f32 v11, v2;
	v7 =	vld [tilespmem:s10+$0x90]  }
0xfc: {  	s22 =	sadd.s32 $0x2, s9;
	s9 =	sadd.s32 $0x4, s9;
	v6 =	vbroadcast v12, $0x0;
	v12 =	vmov s25;
	[tilespmem:s10+$0x20] =	vst v13;
	v11 =	vmul.f32 v9, v2;
	v9 =	vld [tilespmem:s10+$0xA0]  }
0xfd: {  	v13 =	vld [tilespmem:s10+$0xB0]  }
0xfe: {  	v15 =	vld [tilespmem:s10+$0xC0]  }
0xff: {  	v14 =	vmov s22;
	v16 =	vld [tilespmem:s10+$0xD0]  }
0x100: {  	v17 =	vld [tilespmem:s10+$0xE0];
	[tilespmem:s10+$0x30] =	vst v10;
	v4 =	vmul.f32 v4, v2;
	v14 =	vand.u32 $0xFFFFFFFE, v14  }
0x101: {  	v5 =	vld.idx.msk [tilespmem:v5+s13+$0x0], $0xffff;
	[tilespmem:s10+$0x40] =	vst v11;
	v2 =	vmul.f32 v3, v2;
	v14 =	vbroadcast v14, $0x0  }
0x102: {  	v12 =	vand.u32 $0xFFFFFFFD, v12;
	s9 =	sadd.s32 $0x200, s10;
	v3 =	vld.idx.msk [tilespmem:v6+s13+$0x0], $0xffff;
	v8 =	vmul.f32 v8, v1;
	[tilespmem:s10+$0x50] =	vst v4  }
0x103: {  	v12 =	vbroadcast v12, $0x0;
	v10 =	vld [tilespmem:s9+$0xFFFFFF00];
	v4 =	vmul.f32 v7, v1;
	[tilespmem:s10+$0x60] =	vst v2  }
0x104: {  	[tilespmem:s10+$0x80] =	vst v8;
	v8 =	vld [tilespmem:s10+$0xF0];
	v2 =	vmul.f32 v9, v1  }
0x105: {  	v11 =	vld [tilespmem:s9+$0xFFFFFF10];
	[tilespmem:s10+$0x90] =	vst v4;
	v4 =	vmul.f32 v13, v1  }
0x106: {  	v9 =	vld [tilespmem:s9+$0x70];
	[tilespmem:s10+$0xA0] =	vst v2;
	v2 =	vmul.f32 v15, v1  }
0x107: {  	[tilespmem:s10+$0xB0] =	vst v4;
	v4 =	vmul.f32 v16, v1;
	v7 =	vld.idx.msk [tilespmem:v14+s13+$0x0], $0xffff  }
0x108: {  	v61 =	vld [tilespmem:s9+$0xFFFFFF20];
	[tilespmem:s24+$0xC0] =	vst v2;
	v2 =	vmul.f32 v17, v1  }
0x109: {  	v6 =	vld.idx.msk [tilespmem:v12+s13+$0x0], $0xffff;
	[tilespmem:s24+$0xD0] =	vst v4;
	v1 =	vmul.f32 v8, v1  }
0x10a: {  	v4 =	vld [tilespmem:s9+$0xFFFFFF30];
	[tilespmem:s24+$0xE0] =	vst v2  }
0x10b: {  	v2 =	vld [tilespmem:s9+$0xFFFFFF40];
	[tilespmem:s24+$0xF0] =	vst v1;
	v1 =	vmul.f32 v10, v3  }
0x10c: {  	v8 =	vmul.f32 v9, v7;
	v9 =	vld [tilespmem:s9+$0xFFFFFF50]  }
0x10d: {  	v10 =	vmul.f32 v11, v3;
	v11 =	vld [tilespmem:s9+$0xFFFFFF60];
	[tilespmem:s9+$0xFFFFFF00] =	vst v1  }
0x10e: {  	v1 =	vmul.f32 v61, v3;
	[tilespmem:s9+$0x70] =	vst v8;
	v8 =	vld [tilespmem:s9+$0xFFFFFF70]  }
0x10f: {  	[tilespmem:s9+$0xFFFFFF10] =	vst v10;
	v10 =	vld [tilespmem:s9+$0xFFFFFF80];
	v4 =	vmul.f32 v4, v3  }
0x110: {  	[tilespmem:s9+$0xFFFFFF20] =	vst v1;
	v1 =	vmul.f32 v2, v3;
	v2 =	vld [tilespmem:s9+$0xFFFFFF90]  }
0x111: {  	[tilespmem:s9+$0xFFFFFF30] =	vst v4;
	v4 =	vmul.f32 v9, v3;
	v9 =	vld [tilespmem:s9+$0xFFFFFFA0]  }
0x112: {  	[tilespmem:s9+$0xFFFFFF40] =	vst v1;
	v1 =	vmul.f32 v11, v3;
	v11 =	vld [tilespmem:s9+$0xFFFFFFB0]  }
0x113: {  	[tilespmem:s9+$0xFFFFFF50] =	vst v4;
	v3 =	vmul.f32 v8, v3;
	v4 =	vld [tilespmem:s9+$0xFFFFFFC0]  }
0x114: {  	[tilespmem:s9+$0xFFFFFF60] =	vst v1;
	v1 =	vmul.f32 v10, v6;
	v8 =	vld [tilespmem:s9+$0xFFFFFFD0]  }
0x115: {  	v2 =	vmul.f32 v2, v6;
	[tilespmem:s9+$0xFFFFFF70] =	vst v3;
	v3 =	vld [tilespmem:s9+$0xFFFFFFE0]  }
0x116: {  	[tilespmem:s9+$0xFFFFFF80] =	vst v1;
	v1 =	vmul.f32 v9, v6;
	v9 =	vld [tilespmem:s9+$0xFFFFFFF0]  }
0x117: {  	v10 =	vld [tilespmem:s9+$0x0];
	[tilespmem:s9+$0xFFFFFF90] =	vst v2;
	v2 =	vmul.f32 v11, v6  }
0x118: {  	[tilespmem:s9+$0xFFFFFFA0] =	vst v1;
	v1 =	vmul.f32 v4, v6;
	v4 =	vld [tilespmem:s9+$0x10]  }
0x119: {  	[tilespmem:s9+$0xFFFFFFB0] =	vst v2;
	v2 =	vmul.f32 v8, v6;
	v8 =	vld [tilespmem:s9+$0x20]  }
0x11a: {  	[tilespmem:s9+$0xFFFFFFC0] =	vst v1;
	v1 =	vmul.f32 v3, v6;
	v3 =	vld [tilespmem:s9+$0x30]  }
0x11b: {  	[tilespmem:s9+$0xFFFFFFD0] =	vst v2;
	v2 =	vmul.f32 v9, v6;
	v6 =	vld [tilespmem:s9+$0x40]  }
0x11c: {  	v9 =	vld [tilespmem:s9+$0x50];
	[tilespmem:s9+$0xFFFFFFE0] =	vst v1;
	v1 =	vmul.f32 v10, v7  }
0x11d: {  	[tilespmem:s9+$0xFFFFFFF0] =	vst v2;
	v2 =	vmul.f32 v4, v7;
	v4 =	vld [tilespmem:s9+$0x60]  }
0x11e: {  	[tilespmem:s9+$0x0] =	vst v1;
	v1 =	vmul.f32 v8, v7;
	v8 =	vld [tilespmem:s9+$0x80]  }
0x11f: {  	[tilespmem:s9+$0x10] =	vst v2;
	v2 =	vmul.f32 v3, v7;
	v3 =	vld [tilespmem:s9+$0x90]  }
0x120: {  	[tilespmem:s9+$0x20] =	vst v1;
	v1 =	vmul.f32 v6, v7;
	v6 =	vld [tilespmem:s9+$0xA0]  }
0x121: {  	[tilespmem:s9+$0x30] =	vst v2;
	v2 =	vmul.f32 v9, v7;
	v9 =	vld [tilespmem:s9+$0xB0]  }
0x122: {  	[tilespmem:s9+$0x40] =	vst v1;
	v1 =	vmul.f32 v4, v7;
	v4 =	vld [tilespmem:s9+$0xC0]  }
0x123: {  	v7 =	vld [tilespmem:s9+$0xD0];
	[tilespmem:s9+$0x50] =	vst v2;
	v2 =	vmul.f32 v8, v5  }
0x124: {  	[tilespmem:s9+$0x60] =	vst v1;
	v1 =	vmul.f32 v3, v5;
	v3 =	vld [tilespmem:s9+$0xE0]  }
0x125: {  	s26 =	simm.s32 $0x0;
	[tilespmem:s9+$0x80] =	vst v2;
	v2 =	vmul.f32 v6, v5;
	v6 =	vld [tilespmem:s9+$0xF0]  }
0x126: {  	v8 =	vmov s26;
	[tilespmem:s9+$0x90] =	vst v1;
	v1 =	vmul.f32 v9, v5  }
0x127: {  	[tilespmem:s9+$0xA0] =	vst v2;
	v2 =	vmul.f32 v4, v5;
	v4 =	vand.u32 $0xFFFFFFFC, v8  }
0x128: {  	[tilespmem:s9+$0xB0] =	vst v1;
	v1 =	vmul.f32 v7, v5;
	v4 =	vbroadcast v4, $0x0  }
0x129: {  	[tilespmem:s9+$0xC0] =	vst v2;
	v2 =	vmul.f32 v3, v5  }
0x12a: {  	s28 =	simm.s32 $0x2;
	[tilespmem:s9+$0xD0] =	vst v1;
	v1 =	vmul.f32 v6, v5  }
0x12b: {  	v8 =	vmov s28;
	[tilespmem:s9+$0xE0] =	vst v2  }
0x12c: {  	s0 =	simm.s32 $0x6300;
	v7 =	vand.u32 $0xFFFFFFFE, v8;
	[tilespmem:s9+$0xF0] =	vst v1  }
0x12d: {  	v3 =	vbroadcast v7, $0x0;
	[spmem:s2] =	stream.indirect.scatter.add.f32 [tilespmem:s0], [sflag:$0x3], $0x80, s15, s14, $0xb8;
	[tilespmem:$0x1F1F8] =	vst v63  }
0x12e: {  	s10 =	simm.s32 $0x7CF0;
	v2 =	vld.idx.msk [tilespmem:v4+s17+$0x0], $0xffff  }
0x12f: {  	v4 =	vld [tilespmem:s10+$0xFFFFFF80]  }
0x130: {  	v5 =	vld [tilespmem:s10+$0xFFFFFE10]  }
0x131: {  	v6 =	vld [tilespmem:s10+$0xFFFFFE20]  }
0x132: {  	s29 =	simm.s32 $0x1;
	v7 =	vld [tilespmem:s10+$0xFFFFFE30]  }
0x133: {  	v1 =	vld.idx.msk [tilespmem:v3+s17+$0x0], $0xffff;
	v3 =	vmov s29  }
0x134: {  	v8 =	vld [tilespmem:s10+$0xFFFFFE40];
	v3 =	vand.u32 $0xFFFFFFFD, v3  }
0x135: {  	v9 =	vld [tilespmem:s10+$0xFFFFFE50];
	v3 =	vbroadcast v3, $0x0  }
0x136: {  	v10 =	vld [tilespmem:s10+$0xFFFFFE60]  }
0x137: {  	v11 =	vld [tilespmem:s10+$0xFFFFFE70];
	v5 =	vmul.f32 v5, v2  }
0x138: {  	v63 =	vld [tilespmem:s10+$0xFFFFFEE0];
	v4 =	vmul.f32 v4, v1  }
0x139: {  	[tilespmem:s10+$0xFFFFFE10] =	vst v5;
	v5 =	vmul.f32 v6, v2;
	v6 =	vld [tilespmem:s10+$0xFFFFFE80]  }
0x13a: {  	s30 =	simm.s32 $0x3;
	[tilespmem:s10+$0xFFFFFF80] =	vst v4;
	v4 =	vmul.f32 v7, v2;
	v7 =	vld [tilespmem:s10+$0xFFFFFE90]  }
0x13b: {  	v62 =	vmov s30;
	v3 =	vld.idx.msk [tilespmem:v3+s17+$0x0], $0xffff;
	[tilespmem:s10+$0xFFFFFE20] =	vst v5;
	v5 =	vmul.f32 v8, v2  }
0x13c: {  	v8 =	vld [tilespmem:s10+$0xFFFFFEA0];
	[tilespmem:s10+$0xFFFFFE30] =	vst v4;
	v4 =	vmul.f32 v9, v2  }
0x13d: {  	v9 =	vld [tilespmem:s10+$0xFFFFFEB0];
	[tilespmem:s10+$0xFFFFFE40] =	vst v5;
	v5 =	vmul.f32 v10, v2  }
0x13e: {  	v10 =	vld [tilespmem:s10+$0xFFFFFEC0];
	[tilespmem:s10+$0xFFFFFE50] =	vst v4;
	v4 =	vmul.f32 v11, v2  }
0x13f: {  	v11 =	vld [tilespmem:s10+$0xFFFFFED0];
	v6 =	vmul.f32 v6, v2;
	[tilespmem:s10+$0xFFFFFE60] =	vst v5  }
0x140: {  	v2 =	vld.idx.msk [tilespmem:v62+s17+$0x0], $0xffff;
	v5 =	vmul.f32 v7, v3;
	[tilespmem:s10+$0xFFFFFE70] =	vst v4  }
0x141: {  	v4 =	vld [tilespmem:s10+$0xFFFFFEF0];
	v7 =	vmul.f32 v8, v3;
	[tilespmem:s10+$0xFFFFFE80] =	vst v6  }
0x142: {  	v8 =	vld [tilespmem:s10+$0xFFFFFF00];
	[tilespmem:s10+$0xFFFFFE90] =	vst v5;
	v5 =	vmul.f32 v9, v3  }
0x143: {  	[tilespmem:s10+$0xFFFFFEA0] =	vst v7;
	v6 =	vmul.f32 v10, v3;
	v10 =	vld [tilespmem:s10+$0xFFFFFF10]  }
0x144: {  	v7 =	vld [tilespmem:s10+$0xFFFFFF20];
	[tilespmem:s10+$0xFFFFFEB0] =	vst v5;
	v5 =	vmul.f32 v11, v3  }
0x145: {  	v9 =	vmul.f32 v63, v3;
	[tilespmem:s10+$0xFFFFFEC0] =	vst v6;
	v6 =	vld [tilespmem:s10+$0xFFFFFF30]  }
0x146: {  	v11 =	vmul.f32 v4, v3;
	[tilespmem:s10+$0xFFFFFED0] =	vst v5;
	v5 =	vld [tilespmem:s10+$0xFFFFFF40]  }
0x147: {  	[tilespmem:s10+$0xFFFFFEE0] =	vst v9;
	v4 =	vld [tilespmem:s10+$0xFFFFFF50];
	v9 =	vmul.f32 v8, v3  }
0x148: {  	s22 =	simm.s32 $0x7CF0;
	s24 =	simm.s32 $0x30;
	v3 =	vld [tilespmem:s10+$0xFFFFFF60];
	[tilespmem:s10+$0xFFFFFEF0] =	vst v11;
	v8 =	vmul.f32 v10, v1  }
.LBB2_8:
0x149: {  	s9 =	sadd.s32 $0xFFFFFFD7, s24;
	[tilespmem:s10+$0xFFFFFF00] =	vst v9;
	v7 =	vmul.f32 v7, v1;
	v9 =	vld [tilespmem:s10+$0xFFFFFF70]  }
0x14a: {  	s25 =	sadd.s32 $0xFFFFFFD4, s24;
	s26 =	sadd.s32 $0xFFFFFFD5, s24;
	v10 =	vmov s9;
	[tilespmem:s10+$0xFFFFFF10] =	vst v8;
	v6 =	vmul.f32 v6, v1;
	v8 =	vld [tilespmem:s10+$0xFFFFFF90]  }
0x14b: {  	v11 =	vmov s25;
	v12 =	vmov s26;
	[tilespmem:s10+$0xFFFFFF20] =	vst v7;
	v5 =	vmul.f32 v5, v1;
	v7 =	vld [tilespmem:s10+$0xFFFFFFA0]  }
0x14c: {  	s9 =	sadd.s32 $0xFFFFFFD6, s24;
	s24 =	sadd.s32 $0x4, s24;
	v11 =	vand.u32 $0xFFFFFFFC, v11;
	v12 =	vand.u32 $0xFFFFFFFD, v12;
	[tilespmem:s10+$0xFFFFFF30] =	vst v6;
	v4 =	vmul.f32 v4, v1;
	v6 =	vld [tilespmem:s10+$0xFFFFFFB0]  }
0x14d: {  	v13 =	vmov s9;
	p1 =	slt.u32 s24, $0x4C;
	v11 =	vbroadcast v11, $0x0;
	[tilespmem:s10+$0xFFFFFF40] =	vst v5;
	v3 =	vmul.f32 v3, v1;
	v5 =	vld [tilespmem:s10+$0xFFFFFFC0]  }
0x14e: {  	v12 =	vbroadcast v12, $0x0;
	v13 =	vand.u32 $0xFFFFFFFE, v13;
	[tilespmem:s10+$0xFFFFFF50] =	vst v4;
	v1 =	vmul.f32 v9, v1;
	v4 =	vld [tilespmem:s10+$0xFFFFFFD0]  }
0x14f: {  	v9 =	vbroadcast v13, $0x0;
	[tilespmem:s10+$0xFFFFFF60] =	vst v3;
	v3 =	vmul.f32 v8, v2;
	v8 =	vld [tilespmem:s10+$0xFFFFFFE0]  }
0x150: {  	[tilespmem:s10+$0xFFFFFF70] =	vst v1;
	v1 =	vmul.f32 v7, v2;
	v7 =	vld [tilespmem:s10+$0xFFFFFFF0]  }
0x151: {  	[tilespmem:s10+$0xFFFFFF90] =	vst v3;
	v3 =	vmul.f32 v6, v2;
	v6 =	vld [tilespmem:s10+$0x0]  }
0x152: {  	v10 =	vld.idx.msk [tilespmem:v10+s17+$0x0], $0xffff;
	[tilespmem:s10+$0xFFFFFFA0] =	vst v1;
	v1 =	vmul.f32 v5, v2  }
0x153: {  	v5 =	vld.idx.msk [tilespmem:v11+s17+$0x0], $0xffff;
	[tilespmem:s10+$0xFFFFFFB0] =	vst v3;
	v3 =	vmul.f32 v4, v2  }
0x154: {  	v4 =	vld.idx.msk [tilespmem:v12+s17+$0x0], $0xffff;
	[tilespmem:s10+$0xFFFFFFC0] =	vst v1;
	v8 =	vmul.f32 v8, v2  }
0x155: {  	s10 =	sadd.s32 $0x200, s10;
	v1 =	vld.idx.msk [tilespmem:v9+s17+$0x0], $0xffff;
	[tilespmem:s22+$0xFFFFFFD0] =	vst v3;
	v3 =	vmul.f32 v7, v2  }
0x156: {  	v7 =	vld [tilespmem:s10+$0xFFFFFF80];
	[tilespmem:s22+$0xFFFFFFE0] =	vst v8;
	v8 =	vmul.f32 v6, v2  }
0x157: {  	v6 =	vld [tilespmem:s10+$0xFFFFFE10];
	[tilespmem:s22+$0xFFFFFFF0] =	vst v3  }
0x158: {  	v2 =	vmov v10;
	v3 =	vld [tilespmem:s10+$0xFFFFFE20];
	[tilespmem:s22+$0x0] =	vst v8;
	s22 =	smov.u32 s10  }
0x159: {  	v8 =	vld [tilespmem:s10+$0xFFFFFE30]  }
0x15a: {  	v9 =	vld [tilespmem:s10+$0xFFFFFE40]  }
0x15b: {  	v10 =	vld [tilespmem:s10+$0xFFFFFE50];
	v7 =	vmul.f32 v7, v1  }
0x15c: {  	v6 =	vmul.f32 v6, v5;
	v11 =	vld [tilespmem:s10+$0xFFFFFE60]  }
0x15d: {  	v3 =	vmul.f32 v3, v5;
	v12 =	vld [tilespmem:s10+$0xFFFFFE70];
	[tilespmem:s10+$0xFFFFFF80] =	vst v7  }
0x15e: {  	[tilespmem:s10+$0xFFFFFE10] =	vst v6;
	v6 =	vmul.f32 v8, v5;
	v7 =	vld [tilespmem:s10+$0xFFFFFE80]  }
0x15f: {  	[tilespmem:s10+$0xFFFFFE20] =	vst v3;
	v3 =	vmul.f32 v9, v5;
	v8 =	vld [tilespmem:s10+$0xFFFFFE90]  }
0x160: {  	[tilespmem:s10+$0xFFFFFE30] =	vst v6;
	v6 =	vmul.f32 v10, v5;
	v9 =	vld [tilespmem:s10+$0xFFFFFEA0]  }
0x161: {  	[tilespmem:s10+$0xFFFFFE40] =	vst v3;
	v3 =	vmul.f32 v11, v5;
	v10 =	vld [tilespmem:s10+$0xFFFFFEB0]  }
0x162: {  	[tilespmem:s10+$0xFFFFFE50] =	vst v6;
	v6 =	vmul.f32 v12, v5;
	v11 =	vld [tilespmem:s10+$0xFFFFFEC0]  }
0x163: {  	[tilespmem:s10+$0xFFFFFE60] =	vst v3;
	v3 =	vmul.f32 v7, v5;
	v5 =	vld [tilespmem:s10+$0xFFFFFED0]  }
0x164: {  	[tilespmem:s10+$0xFFFFFE70] =	vst v6;
	v6 =	vmul.f32 v8, v4;
	v8 =	vld [tilespmem:s10+$0xFFFFFEE0]  }
0x165: {  	[tilespmem:s10+$0xFFFFFE80] =	vst v3;
	v3 =	vmul.f32 v9, v4;
	v9 =	vld [tilespmem:s10+$0xFFFFFEF0]  }
0x166: {  	[tilespmem:s10+$0xFFFFFE90] =	vst v6;
	v6 =	vmul.f32 v10, v4;
	v10 =	vld [tilespmem:s10+$0xFFFFFF00]  }
0x167: {  	[tilespmem:s10+$0xFFFFFEA0] =	vst v3;
	v3 =	vmul.f32 v11, v4;
	v11 =	vld [tilespmem:s10+$0xFFFFFF10]  }
.Ltmp3:
0x168: {  	[tilespmem:s10+$0xFFFFFEB0] =	vst v6;
	v5 =	vmul.f32 v5, v4;
	v7 =	vld [tilespmem:s10+$0xFFFFFF20];
	(pc) =	sbr.rel @p1 .LBB2_8-.Ltmp3, $4  }
0x169: {  	[tilespmem:s10+$0xFFFFFEC0] =	vst v3;
	v3 =	vmul.f32 v8, v4;
	v6 =	vld [tilespmem:s10+$0xFFFFFF30]  }
0x16a: {  	[tilespmem:s10+$0xFFFFFED0] =	vst v5;
	v8 =	vmul.f32 v9, v4;
	v5 =	vld [tilespmem:s10+$0xFFFFFF40]  }
0x16b: {  	[tilespmem:s10+$0xFFFFFEE0] =	vst v3;
	v9 =	vmul.f32 v10, v4;
	v4 =	vld [tilespmem:s10+$0xFFFFFF50]  }
0x16c: {  	[tilespmem:s10+$0xFFFFFEF0] =	vst v8;
	v8 =	vmul.f32 v11, v1;
	v3 =	vld [tilespmem:s10+$0xFFFFFF60]  }
0x16d: {  	[tilespmem:s10+$0xFFFFFF00] =	vst v9;
	v7 =	vmul.f32 v7, v1;
	v50 =	vld [tilespmem:s10+$0xFFFFFF90]  }
0x16e: {  	v10 =	vld [tilespmem:s10+$0xFFFFFF70];
	[tilespmem:s10+$0xFFFFFF10] =	vst v8;
	v6 =	vmul.f32 v6, v1  }
0x16f: {  	v51 =	vld [tilespmem:s10+$0xFFFFFFA0];
	[tilespmem:s10+$0xFFFFFF20] =	vst v7;
	v5 =	vmul.f32 v5, v1  }
0x170: {  	v52 =	vld [tilespmem:s10+$0xFFFFFFB0];
	[tilespmem:s10+$0xFFFFFF30] =	vst v6;
	v4 =	vmul.f32 v4, v1  }
0x171: {  	v53 =	vld [tilespmem:s10+$0xFFFFFFC0];
	[tilespmem:s10+$0xFFFFFF40] =	vst v5;
	v3 =	vmul.f32 v3, v1  }
0x172: {  	v54 =	vld [tilespmem:s10+$0xFFFFFFD0];
	[tilespmem:s10+$0xFFFFFF50] =	vst v4;
	v55 =	vmul.f32 v50, v2  }
0x173: {  	v56 =	vld [tilespmem:s10+$0xFFFFFFE0];
	v1 =	vmul.f32 v10, v1;
	[tilespmem:s10+$0xFFFFFF60] =	vst v3  }
0x174: {  	v8 =	vmul.f32 v51, v2;
	v3 =	vld [tilespmem:s10+$0xFFFFFFF0];
	[tilespmem:s10+$0xFFFFFF90] =	vst v55  }
0x175: {  	v57 =	vld [tilespmem:s10+$0x0];
	[tilespmem:s10+$0xFFFFFF70] =	vst v1;
	v1 =	vmul.f32 v52, v2  }
0x176: {  	v6 =	vmul.f32 v53, v2;
	[tilespmem:s10+$0xFFFFFFA0] =	vst v8  }
0x177: {  	[tilespmem:s10+$0xFFFFFFB0] =	vst v1;
	v1 =	vmul.f32 v54, v2  }
0x178: {  	v58 =	vmul.f32 v56, v2;
	[tilespmem:s10+$0xFFFFFFC0] =	vst v6  }
0x179: {  	[tilespmem:s22+$0xFFFFFFD0] =	vst v1;
	v1 =	vmul.f32 v3, v2  }
0x17a: {  	[tilespmem:s22+$0xFFFFFFE0] =	vst v58;
	v2 =	vmul.f32 v57, v2  }
0x17b: {  	[tilespmem:s22+$0xFFFFFFF0] =	vst v1  }
0x17c: {  	s0 =	simm.s32 $0x7B00;
	[tilespmem:s22+$0x0] =	vst v2  }
0x17d: {  	[spmem:s2] =	stream.indirect.scatter.add.f32 [tilespmem:s0], [sflag:$0x3], $0x80, s20, s19, $0xb8;
	[tilespmem:$0x1F1F8] =	vst v63  }
0x17e: {  	_ = 	snop  }
0x17f: {  	[spmem:s12] =	stream.indirect.scatter.add.f32 [tilespmem:s13], [sflag:$0x3], $0x1, s15, s14, $0xb8;
	[tilespmem:$0x1F1F8] =	vst v63  }
0x180: {  	_ = 	snop  }
0x181: {  	[spmem:s12] =	stream.indirect.scatter.add.f32 [tilespmem:s17], [sflag:$0x3], $0x1, s20, s19, $0xb8;
	[tilespmem:$0x1F1F8] =	vst v63  }
0x182: {  	v1 =	vld [tilespmem:$0x4F50]  }
0x183: {  	v2 =	vld [tilespmem:$0x5750];
	_ =	sdelay $0x5  }
0x184: {  	s25 =	simm.s32 $0x0;
	[tilespmem:$0x6000] =	vst v2  }
0x185: {  	v1 =	vld.idx.msk [tilespmem:v1+s25+$0x0], $0xffff  }
0x186: {  	v3 =	vld.idx.msk [tilespmem:v2+s25+$0x0], $0xffff  }
0x187: {  	v2 =	vld.idx.msk [tilespmem:v2+s6+$0x0], $0xffff;
	_ =	sdelay $0x4  }
0x188: {  	v1 =	vadd.f32 v2, v1;
	v2 =	vadd.f32 v2, v3;
	_ =	sdelay $0x1  }
0x189: {  	v3 =	vmul.f32 $2.000000030e-01, v1;
	v59 =	vmul.f32 $2.000000030e-01, v2  }
0x18a: {  	vm0 =	vge.f32 v1, $0.0e+00;
	vm1 =	vge.f32 v2, $0.0e+00  }
0x18b: {  	v1 =	vsel vm0, v1, v3;
	v2 =	vsel vm1, v2, v59  }
0x18c: {  	v1 =	vsub.f32 v1, v2;
	_ =	sdelay $0x1  }
0x18d: {  	v1 =	vmul.f32 $1.442695020e+00, v1;
	_ =	sdelay $0x1  }
0x18e: {  	(erf) = vpow2.f32 v1;
	_ =	sdelay $0x2  }
0x18f: {  	v1 =	vld [tilespmem:$0x4F60]  }
0x190: {  	v2 =	vld [tilespmem:$0x5760];
	_ =	sdelay $0x4  }
0x191: {  	[tilespmem:$0x6010] =	vst v2;
	v3 =	vpop (erf)  }
0x192: {  	[tilespmem:$0x6200] =	vst v3  }
0x193: {  	v1 =	vld.idx.msk [tilespmem:v1+s25+$0x0], $0xffff  }
0x194: {  	v3 =	vld.idx.msk [tilespmem:v2+s25+$0x0], $0xffff  }
0x195: {  	v2 =	vld.idx.msk [tilespmem:v2+s6+$0x0], $0xffff;
	_ =	sdelay $0x4  }
0x196: {  	v1 =	vadd.f32 v2, v1;
	v2 =	vadd.f32 v2, v3;
	_ =	sdelay $0x1  }
0x197: {  	v3 =	vmul.f32 $2.000000030e-01, v1;
	v60 =	vmul.f32 $2.000000030e-01, v2  }
0x198: {  	vm8 =	vge.f32 v1, $0.0e+00;
	vm9 =	vge.f32 v2, $0.0e+00  }
0x199: {  	v1 =	vsel vm8, v1, v3;
	v2 =	vsel vm9, v2, v60  }
0x19a: {  	v1 =	vsub.f32 v1, v2;
	_ =	sdelay $0x1  }
0x19b: {  	v1 =	vmul.f32 $1.442695020e+00, v1;
	_ =	sdelay $0x1  }
0x19c: {  	(erf) = vpow2.f32 v1;
	_ =	sdelay $0x2  }
0x19d: {  	v1 =	vld [tilespmem:$0x4F70]  }
0x19e: {  	v2 =	vld [tilespmem:$0x5770];
	_ =	sdelay $0x4  }
0x19f: {  	[tilespmem:$0x6020] =	vst v2;
	v3 =	vpop (erf)  }
0x1a0: {  	[tilespmem:$0x6210] =	vst v3  }
0x1a1: {  	v1 =	vld.idx.msk [tilespmem:v1+s25+$0x0], $0xffff  }
0x1a2: {  	v3 =	vld.idx.msk [tilespmem:v2+s25+$0x0], $0xffff  }
0x1a3: {  	v2 =	vld.idx.msk [tilespmem:v2+s6+$0x0], $0xffff;
	_ =	sdelay $0x4  }
0x1a4: {  	v1 =	vadd.f32 v2, v1;
	v2 =	vadd.f32 v2, v3;
	_ =	sdelay $0x1  }
0x1a5: {  	v3 =	vmul.f32 $2.000000030e-01, v1;
	v61 =	vmul.f32 $2.000000030e-01, v2  }
0x1a6: {  	vm10 =	vge.f32 v1, $0.0e+00;
	vm11 =	vge.f32 v2, $0.0e+00  }
0x1a7: {  	v1 =	vsel vm10, v1, v3;
	v2 =	vsel vm11, v2, v61  }
0x1a8: {  	v1 =	vsub.f32 v1, v2;
	_ =	sdelay $0x1  }
0x1a9: {  	v1 =	vmul.f32 $1.442695020e+00, v1;
	_ =	sdelay $0x1  }
0x1aa: {  	(erf) = vpow2.f32 v1;
	_ =	sdelay $0x2  }
0x1ab: {  	v1 =	vld [tilespmem:$0x4F80]  }
0x1ac: {  	v2 =	vld [tilespmem:$0x5780];
	_ =	sdelay $0x4  }
0x1ad: {  	[tilespmem:$0x6080] =	vst v2;
	v3 =	vpop (erf)  }
0x1ae: {  	[tilespmem:$0x6220] =	vst v3  }
0x1af: {  	v1 =	vld.idx.msk [tilespmem:v1+s25+$0x0], $0xffff  }
0x1b0: {  	v3 =	vld.idx.msk [tilespmem:v2+s25+$0x0], $0xffff  }
0x1b1: {  	v2 =	vld.idx.msk [tilespmem:v2+s6+$0x0], $0xffff;
	_ =	sdelay $0x4  }
0x1b2: {  	v1 =	vadd.f32 v2, v1;
	v2 =	vadd.f32 v2, v3;
	_ =	sdelay $0x1  }
0x1b3: {  	v3 =	vmul.f32 $2.000000030e-01, v1;
	v62 =	vmul.f32 $2.000000030e-01, v2  }
0x1b4: {  	vm12 =	vge.f32 v1, $0.0e+00;
	vm13 =	vge.f32 v2, $0.0e+00  }
0x1b5: {  	v1 =	vsel vm12, v1, v3;
	v2 =	vsel vm13, v2, v62  }
0x1b6: {  	v1 =	vsub.f32 v1, v2;
	_ =	sdelay $0x1  }
0x1b7: {  	v1 =	vmul.f32 $1.442695020e+00, v1;
	_ =	sdelay $0x1  }
0x1b8: {  	(erf) = vpow2.f32 v1;
	_ =	sdelay $0x2  }
0x1b9: {  	v1 =	vld [tilespmem:$0x4F90]  }
0x1ba: {  	v2 =	vld [tilespmem:$0x5790];
	_ =	sdelay $0x4  }
0x1bb: {  	[tilespmem:$0x6090] =	vst v2;
	v3 =	vpop (erf)  }
0x1bc: {  	[tilespmem:$0x6280] =	vst v3  }
0x1bd: {  	v1 =	vld.idx.msk [tilespmem:v1+s25+$0x0], $0xffff  }
0x1be: {  	v3 =	vld.idx.msk [tilespmem:v2+s25+$0x0], $0xffff  }
0x1bf: {  	v2 =	vld.idx.msk [tilespmem:v2+s6+$0x0], $0xffff;
	_ =	sdelay $0x4  }
0x1c0: {  	v1 =	vadd.f32 v2, v1;
	v2 =	vadd.f32 v2, v3;
	_ =	sdelay $0x1  }
0x1c1: {  	v3 =	vmul.f32 $2.000000030e-01, v1;
	v63 =	vmul.f32 $2.000000030e-01, v2  }
0x1c2: {  	vm14 =	vge.f32 v1, $0.0e+00;
	vm15 =	vge.f32 v2, $0.0e+00  }
0x1c3: {  	v1 =	vsel vm14, v1, v3;
	v2 =	vsel vm15, v2, v63  }
0x1c4: {  	v1 =	vsub.f32 v1, v2;
	_ =	sdelay $0x1  }
0x1c5: {  	v1 =	vmul.f32 $1.442695020e+00, v1;
	_ =	sdelay $0x1  }
0x1c6: {  	(erf) = vpow2.f32 v1;
	_ =	sdelay $0x8  }
0x1c7: {  	v1 =	vpop (erf)  }
0x1c8: {  	s26 =	simm.s32 $0x0;
	[tilespmem:$0x6290] =	vst v1  }
.LBB2_10:
0x1c9: {  	s28 =	sshll.u32 s26, $0x1  }
0x1ca: {  	_ =	swait.ge [sflag:s31], $0x1800;
	s10 =	sadd.s32 $0x2, s28  }
0x1cb: {  	[sflag:s31] =	ssyncset.done $0x0;
	s9 =	sand.u32 $0xFE, s10  }
0x1cc: {  	[sflag:s31] =	ssyncadd.s32 $0xFFFFE800;
	s9 =	smul.u32 $0x29, s9  }
0x1cd: {  	_ =	swait.ge [sflag:s31], $0x1000  }
0x1ce: {  	[sflag:s31] =	ssyncset.done $0x0;
	s9 =	sshrl.u32 s9, $0xA  }
0x1cf: {  	[sflag:s31] =	ssyncadd.s32 $0xFFFFF000;
	s9 =	smul.u32 $0x19, s9  }
0x1d0: {  	_ =	swait.ge [sflag:s31], $0x30  }
0x1d1: {  	[sflag:s31] =	ssyncset.done $0x0;
	s9 =	ssub.s32 s10, s9  }
0x1d2: {  	[sflag:s31] =	ssyncadd.s32 $0xFFFFFFD0;
	s22 =	sand.u32 $0xFF, s9  }
0x1d3: {  	_ =	swait.ge [sflag:s31], $0x20;
	p1 =	sne.s32 s22, $0x0  }
0x1d4: {  	[sflag:s31] =	ssyncset.done $0x0;
	s29 =	smul.u32 @p1 $0x50, s22  }
0x1d5: {  	[sflag:s31] =	ssyncadd.s32 $0xFFFFFFE0;
	s24 =	simm.s32 @p1 $0x50;
	s10 =	sand.u32 @!p1 $0xFF, s10  }
0x1d6: {  	s30 =	simm.s32 @p1 $0x6300;
	s10 =	smul.u32 @!p1 $0x29, s10;
	s9 =	sadd.s32 @p1 $0x4F00, s29  }
0x1d7: {  	[tilespmem:s30], [sflag:$0x1] =	stream.indirect.gather @p1 [hbm4b:s1+s24], $0x80, s9, s24, $0xb8;
	[tilespmem:$0x1F1F8] =	vst v63  }
0x1d8: {  	s24 =	simm.s32 @p1 $0x2  }
0x1d9: {  	s10 =	sshrl.u32 @!p1 s10, $0xA;
	_ =	swait.ge @p1 [sflag:s24], $0x2800  }
0x1da: {  	s10 =	smul.u32 @!p1 $0x7D0, s10;
	[sflag:s24] =	ssyncset.done @p1 $0x0  }
0x1db: {  	[sflag:s24] =	ssyncadd.s32 @p1 $0xFFFFD800;
	s24 =	simm.s32 @!p1 $0x2  }
0x1dc: {  	s10 =	sadd.s32 @!p1 s4, s10;
	_ =	swait.ge @!p1 [sflag:s24], $0x2800  }
0x1dd: {  	s7 =	simm.s32 @!p1 $0x4F00;
	s10 =	sshrl.u32 @!p1 s10, $0x3;
	[sflag:s24] =	ssyncset.done @!p1 $0x0  }
0x1de: {  	s30 =	simm.s32 @!p1 $0x0;
	[sflag:s24] =	ssyncadd.s32 @!p1 $0xFFFFD800;
	s24 =	sadd.s32 @!p1 s16, s10  }
0x1df: {  	[tilespmem:s7], [sflag:$0x5] =	stream.linear.gather @!p1 [hbm4b:s24+s30], $0x7D0, $0x38;
	[tilespmem:$0x1F1F8] =	vst v63  }
0x1e0: {  	s7 =	simm.s32 @!p1 $0x5  }
0x1e1: {  	_ =	swait.ge @!p1 [sflag:s7], $0x7D0  }
0x1e2: {  	v1 =	vmov s25;
	s0 =	simm.s32 $0x2;
	[sflag:s7] =	ssyncset.done @!p1 $0x0  }
0x1e3: {  	v2 =	vmov s0;
	v1 =	vand.u32 $0xFFFFFFFC, v1;
	s10 =	sadd.s32 @!p1 s18, s10;
	s24 =	simm.s32 @!p1 $0x5700;
	[sflag:s7] =	ssyncadd.s32 @!p1 $0xFFFFF830  }
0x1e4: {  	v1 =	vbroadcast v1, $0x0;
	v2 =	vand.u32 $0xFFFFFFFE, v2;
	[tilespmem:s24], [sflag:$0x5] =	stream.linear.gather @!p1 [hbm4b:s10+s30], $0x7D0, $0x38;
	[tilespmem:$0x1F1F8] =	vst v63  }
0x1e5: {  	v2 =	vbroadcast v2, $0x0;
	s10 =	smul.u32 @!p1 $0x140, s22;
	_ =	swait.ge @!p1 [sflag:s7], $0x7D0  }
0x1e6: {  	[sflag:s7] =	ssyncset.done @!p1 $0x0  }
0x1e7: {  	[sflag:s7] =	ssyncadd.s32 @!p1 $0xFFFFF830;
	s7 =	sshrl.u32 @!p1 s10, $0x2  }
0x1e8: {  	s22 =	simm.s32 @!p1 $0x6300;
	s10 =	sadd.s32 @!p1 $0x4F00, s7;
	s7 =	simm.s32 @!p1 $0x50  }
0x1e9: {  	[tilespmem:s22], [sflag:$0x1] =	stream.indirect.gather @!p1 [hbm4b:s1+s7], $0x80, s10, s7, $0xb8;
	[tilespmem:$0x1F1F8] =	vst v63  }
0x1ea: {  	v1 =	vld.idx.msk [tilespmem:v1+s11+$0x0], $0xffff  }
0x1eb: {  	s24 =	simm.s32 $0x8C00;
	v2 =	vld.idx.msk [tilespmem:v2+s11+$0x0], $0xffff  }
0x1ec: {  	v4 =	vld [tilespmem:s24+$0x70]  }
0x1ed: {  	v5 =	vld [tilespmem:s24+$0xFFFFFF00]  }
0x1ee: {  	s22 =	simm.s32 $0x1;
	v6 =	vld [tilespmem:s24+$0xFFFFFF10]  }
0x1ef: {  	v3 =	vmov s22;
	v7 =	vld [tilespmem:s24+$0xFFFFFF20]  }
0x1f0: {  	v8 =	vld [tilespmem:s24+$0xFFFFFF30];
	v3 =	vand.u32 $0xFFFFFFFD, v3  }
0x1f1: {  	v9 =	vld [tilespmem:s24+$0xFFFFFF40];
	v3 =	vbroadcast v3, $0x0  }
0x1f2: {  	v10 =	vld [tilespmem:s24+$0xFFFFFF50]  }
0x1f3: {  	v11 =	vld [tilespmem:s24+$0xFFFFFF60];
	v5 =	vmul.f32 v5, v1  }
0x1f4: {  	v13 =	vld [tilespmem:s24+$0x40];
	v4 =	vmul.f32 v4, v2  }
0x1f5: {  	[tilespmem:s24+$0xFFFFFF00] =	vst v5;
	v5 =	vmul.f32 v6, v1;
	v6 =	vld [tilespmem:s24+$0xFFFFFF70]  }
0x1f6: {  	[tilespmem:s24+$0x70] =	vst v4;
	v4 =	vmul.f32 v7, v1;
	v7 =	vld [tilespmem:s24+$0xFFFFFF80]  }
0x1f7: {  	v3 =	vld.idx.msk [tilespmem:v3+s11+$0x0], $0xffff;
	[tilespmem:s24+$0xFFFFFF10] =	vst v5;
	v5 =	vmul.f32 v8, v1  }
0x1f8: {  	v8 =	vld [tilespmem:s24+$0xFFFFFF90];
	[tilespmem:s24+$0xFFFFFF20] =	vst v4;
	v4 =	vmul.f32 v9, v1  }
0x1f9: {  	v9 =	vld [tilespmem:s24+$0xFFFFFFA0];
	[tilespmem:s24+$0xFFFFFF30] =	vst v5;
	v5 =	vmul.f32 v10, v1  }
0x1fa: {  	v10 =	vld [tilespmem:s24+$0xFFFFFFB0];
	[tilespmem:s24+$0xFFFFFF40] =	vst v4;
	v4 =	vmul.f32 v11, v1  }
0x1fb: {  	v11 =	vld [tilespmem:s24+$0xFFFFFFC0];
	v6 =	vmul.f32 v6, v1;
	[tilespmem:s24+$0xFFFFFF50] =	vst v5  }
0x1fc: {  	v5 =	vmul.f32 v7, v3;
	v7 =	vld [tilespmem:s24+$0xFFFFFFD0];
	[tilespmem:s24+$0xFFFFFF60] =	vst v4  }
0x1fd: {  	s0 =	simm.s32 $0x3;
	v4 =	vld [tilespmem:s24+$0xFFFFFFE0];
	v8 =	vmul.f32 v8, v3;
	[tilespmem:s24+$0xFFFFFF70] =	vst v6  }
0x1fe: {  	v12 =	vmov s0;
	v6 =	vld [tilespmem:s24+$0xFFFFFFF0];
	[tilespmem:s24+$0xFFFFFF80] =	vst v5;
	v5 =	vmul.f32 v9, v3  }
0x1ff: {  	v9 =	vld [tilespmem:s24+$0x0];
	[tilespmem:s24+$0xFFFFFF90] =	vst v8;
	v8 =	vmul.f32 v10, v3  }
0x200: {  	v10 =	vld [tilespmem:s24+$0x10];
	[tilespmem:s24+$0xFFFFFFA0] =	vst v5;
	v5 =	vmul.f32 v11, v3  }
0x201: {  	[tilespmem:s24+$0xFFFFFFB0] =	vst v8;
	v7 =	vmul.f32 v7, v3;
	v8 =	vld [tilespmem:s24+$0x20]  }
0x202: {  	v11 =	vld [tilespmem:s24+$0x30];
	v4 =	vmul.f32 v4, v3;
	[tilespmem:s24+$0xFFFFFFC0] =	vst v5  }
0x203: {  	v1 =	vld.idx.msk [tilespmem:v12+s11+$0x0], $0xffff;
	v3 =	vmul.f32 v6, v3;
	[tilespmem:s24+$0xFFFFFFD0] =	vst v7  }
0x204: {  	[tilespmem:s24+$0xFFFFFFE0] =	vst v4;
	v5 =	vmul.f32 v9, v2;
	v4 =	vld [tilespmem:s24+$0x50]  }
0x205: {  	s22 =	simm.s32 $0x4;
	[tilespmem:s24+$0xFFFFFFF0] =	vst v3;
	v6 =	vmul.f32 v10, v2;
	v3 =	vld [tilespmem:s24+$0x60]  }
0x206: {  	s0 =	simm.s32 $0x7;
	v7 =	vmov s22;
	[tilespmem:s24+$0x0] =	vst v5;
	v9 =	vmul.f32 v8, v2;
	v8 =	vld [tilespmem:s24+$0x80]  }
0x207: {  	s29 =	simm.s32 @!p1 $0x0;
	s30 =	simm.s32 $0x6;
	s22 =	simm.s32 $0x5;
	v12 =	vand.u32 $0xFFFFFFFC, v7;
	v7 =	vld [tilespmem:s24+$0x90];
	v5 =	vmov s0;
	v10 =	vmul.f32 v11, v2;
	[tilespmem:s24+$0x10] =	vst v6  }
0x208: {  	s10 =	smov.u32 @p1 s9;
	s9 =	simm.s32 $0x8;
	v11 =	vmul.f32 v13, v2;
	v6 =	vbroadcast v12, $0x0;
	v12 =	vmov s22;
	s22 =	simm.s32 $0x8C00;
	[tilespmem:s24+$0x20] =	vst v9;
	v9 =	vld [tilespmem:s24+$0xA0]  }
.LBB2_11:
0x209: {  	p1 =	slt.u32 s9, $0x2C;
	v12 =	vand.u32 $0xFFFFFFFD, v12;
	v13 =	vmov s30;
	[tilespmem:s24+$0x30] =	vst v10;
	v4 =	vmul.f32 v4, v2;
	v10 =	vld [tilespmem:s24+$0xB0]  }
0x20a: {  	v12 =	vbroadcast v12, $0x0;
	v13 =	vand.u32 $0xFFFFFFFE, v13;
	[tilespmem:s24+$0x40] =	vst v11;
	v2 =	vmul.f32 v3, v2;
	v3 =	vld [tilespmem:s24+$0xC0]  }
0x20b: {  	v11 =	vbroadcast v13, $0x0;
	[tilespmem:s24+$0x50] =	vst v4;
	v4 =	vmul.f32 v8, v1;
	v8 =	vld [tilespmem:s24+$0xD0]  }
0x20c: {  	[tilespmem:s24+$0x60] =	vst v2;
	v2 =	vmul.f32 v7, v1;
	v7 =	vld [tilespmem:s24+$0xE0]  }
0x20d: {  	[tilespmem:s24+$0x80] =	vst v4;
	v4 =	vmul.f32 v9, v1;
	v9 =	vld [tilespmem:s24+$0xF0]  }
0x20e: {  	v5 =	vld.idx.msk [tilespmem:v5+s11+$0x0], $0xffff;
	[tilespmem:s24+$0x90] =	vst v2;
	v2 =	vmul.f32 v10, v1  }
0x20f: {  	v6 =	vld.idx.msk [tilespmem:v6+s11+$0x0], $0xffff;
	[tilespmem:s24+$0xA0] =	vst v4;
	v3 =	vmul.f32 v3, v1  }
0x210: {  	v4 =	vld.idx.msk [tilespmem:v12+s11+$0x0], $0xffff;
	[tilespmem:s24+$0xB0] =	vst v2;
	v8 =	vmul.f32 v8, v1  }
0x211: {  	s24 =	sadd.s32 $0x200, s24;
	v2 =	vld.idx.msk [tilespmem:v11+s11+$0x0], $0xffff;
	[tilespmem:s22+$0xC0] =	vst v3;
	v3 =	vmul.f32 v7, v1  }
0x212: {  	v7 =	vld [tilespmem:s24+$0x70];
	[tilespmem:s22+$0xD0] =	vst v8;
	v9 =	vmul.f32 v9, v1  }
0x213: {  	v8 =	vld [tilespmem:s24+$0xFFFFFF00];
	[tilespmem:s22+$0xE0] =	vst v3  }
0x214: {  	v1 =	vmov v5;
	v3 =	vld [tilespmem:s24+$0xFFFFFF10];
	[tilespmem:s22+$0xF0] =	vst v9;
	s22 =	smov.u32 s24  }
0x215: {  	v5 =	vld [tilespmem:s24+$0xFFFFFF20]  }
0x216: {  	v9 =	vld [tilespmem:s24+$0xFFFFFF30]  }
0x217: {  	v10 =	vld [tilespmem:s24+$0xFFFFFF40];
	v7 =	vmul.f32 v7, v2  }
0x218: {  	v8 =	vmul.f32 v8, v6;
	v11 =	vld [tilespmem:s24+$0xFFFFFF50]  }
0x219: {  	v3 =	vmul.f32 v3, v6;
	v12 =	vld [tilespmem:s24+$0xFFFFFF60];
	[tilespmem:s24+$0x70] =	vst v7  }
0x21a: {  	[tilespmem:s24+$0xFFFFFF00] =	vst v8;
	v5 =	vmul.f32 v5, v6;
	v7 =	vld [tilespmem:s24+$0xFFFFFF70]  }
0x21b: {  	[tilespmem:s24+$0xFFFFFF10] =	vst v3;
	v3 =	vmul.f32 v9, v6;
	v8 =	vld [tilespmem:s24+$0xFFFFFF80]  }
0x21c: {  	[tilespmem:s24+$0xFFFFFF20] =	vst v5;
	v5 =	vmul.f32 v10, v6;
	v9 =	vld [tilespmem:s24+$0xFFFFFF90]  }
0x21d: {  	[tilespmem:s24+$0xFFFFFF30] =	vst v3;
	v3 =	vmul.f32 v11, v6;
	v10 =	vld [tilespmem:s24+$0xFFFFFFA0]  }
0x21e: {  	[tilespmem:s24+$0xFFFFFF40] =	vst v5;
	v5 =	vmul.f32 v12, v6;
	v11 =	vld [tilespmem:s24+$0xFFFFFFB0]  }
0x21f: {  	[tilespmem:s24+$0xFFFFFF50] =	vst v3;
	v3 =	vmul.f32 v7, v6;
	v6 =	vld [tilespmem:s24+$0xFFFFFFC0]  }
0x220: {  	[tilespmem:s24+$0xFFFFFF60] =	vst v5;
	v5 =	vmul.f32 v8, v4;
	v7 =	vld [tilespmem:s24+$0xFFFFFFD0]  }
0x221: {  	[tilespmem:s24+$0xFFFFFF70] =	vst v3;
	v3 =	vmul.f32 v9, v4;
	v8 =	vld [tilespmem:s24+$0xFFFFFFE0]  }
0x222: {  	[tilespmem:s24+$0xFFFFFF80] =	vst v5;
	v5 =	vmul.f32 v10, v4;
	v9 =	vld [tilespmem:s24+$0xFFFFFFF0]  }
0x223: {  	[tilespmem:s24+$0xFFFFFF90] =	vst v3;
	v3 =	vmul.f32 v11, v4;
	v10 =	vld [tilespmem:s24+$0x0]  }
0x224: {  	[tilespmem:s24+$0xFFFFFFA0] =	vst v5;
	v5 =	vmul.f32 v6, v4;
	v6 =	vld [tilespmem:s24+$0x10]  }
0x225: {  	[tilespmem:s24+$0xFFFFFFB0] =	vst v3;
	v3 =	vmul.f32 v7, v4;
	v7 =	vld [tilespmem:s24+$0x20]  }
0x226: {  	[tilespmem:s24+$0xFFFFFFC0] =	vst v5;
	v5 =	vmul.f32 v8, v4;
	v11 =	vld [tilespmem:s24+$0x30]  }
0x227: {  	[tilespmem:s24+$0xFFFFFFD0] =	vst v3;
	v3 =	vmul.f32 v9, v4;
	v9 =	vld [tilespmem:s24+$0x40]  }
.Ltmp4:
0x228: {  	[tilespmem:s24+$0xFFFFFFE0] =	vst v5;
	v5 =	vmul.f32 v10, v2;
	v4 =	vld [tilespmem:s24+$0x50];
	(pc) =	sbr.rel @p1 .LBB2_11-.Ltmp4, $4  }
0x229: {  	[tilespmem:s24+$0xFFFFFFF0] =	vst v3;
	v6 =	vmul.f32 v6, v2;
	v3 =	vld [tilespmem:s24+$0x60]  }
0x22a: {  	s7 =	sadd.s32 $0x3, s9;
	v10 =	vmov s9;
	[tilespmem:s24+$0x0] =	vst v5;
	v13 =	vmul.f32 v7, v2;
	v8 =	vld [tilespmem:s24+$0x80]  }
0x22b: {  	s30 =	sadd.s32 $0x1, s9;
	v12 =	vand.u32 $0xFFFFFFFC, v10;
	v5 =	vmov s7;
	[tilespmem:s24+$0x10] =	vst v6;
	v10 =	vmul.f32 v11, v2;
	v7 =	vld [tilespmem:s24+$0x90]  }
0x22c: {  	v6 =	vbroadcast v12, $0x0;
	v12 =	vmov s30;
	s30 =	sadd.s32 $0x2, s9;
	s9 =	sadd.s32 $0x4, s9;
	[tilespmem:s24+$0x20] =	vst v13;
	v11 =	vmul.f32 v9, v2;
	v9 =	vld [tilespmem:s24+$0xA0]  }
0x22d: {  	v13 =	vld [tilespmem:s24+$0xB0]  }
0x22e: {  	v15 =	vld [tilespmem:s24+$0xC0]  }
0x22f: {  	v14 =	vmov s30;
	v16 =	vld [tilespmem:s24+$0xD0]  }
0x230: {  	v17 =	vld [tilespmem:s24+$0xE0];
	[tilespmem:s24+$0x30] =	vst v10;
	v4 =	vmul.f32 v4, v2;
	v14 =	vand.u32 $0xFFFFFFFE, v14  }
0x231: {  	v5 =	vld.idx.msk [tilespmem:v5+s11+$0x0], $0xffff;
	[tilespmem:s24+$0x40] =	vst v11;
	v2 =	vmul.f32 v3, v2;
	v14 =	vbroadcast v14, $0x0  }
0x232: {  	v12 =	vand.u32 $0xFFFFFFFD, v12;
	s9 =	sadd.s32 $0x200, s24;
	v3 =	vld.idx.msk [tilespmem:v6+s11+$0x0], $0xffff;
	v8 =	vmul.f32 v8, v1;
	[tilespmem:s24+$0x50] =	vst v4  }
0x233: {  	v12 =	vbroadcast v12, $0x0;
	v10 =	vld [tilespmem:s9+$0xFFFFFF00];
	v4 =	vmul.f32 v7, v1;
	[tilespmem:s24+$0x60] =	vst v2  }
0x234: {  	[tilespmem:s24+$0x80] =	vst v8;
	v8 =	vld [tilespmem:s24+$0xF0];
	v2 =	vmul.f32 v9, v1  }
0x235: {  	v11 =	vld [tilespmem:s9+$0xFFFFFF10];
	[tilespmem:s24+$0x90] =	vst v4;
	v4 =	vmul.f32 v13, v1  }
0x236: {  	v9 =	vld [tilespmem:s9+$0x70];
	[tilespmem:s24+$0xA0] =	vst v2;
	v2 =	vmul.f32 v15, v1  }
0x237: {  	[tilespmem:s24+$0xB0] =	vst v4;
	v4 =	vmul.f32 v16, v1;
	v7 =	vld.idx.msk [tilespmem:v14+s11+$0x0], $0xffff  }
0x238: {  	v61 =	vld [tilespmem:s9+$0xFFFFFF20];
	[tilespmem:s22+$0xC0] =	vst v2;
	v2 =	vmul.f32 v17, v1  }
0x239: {  	v6 =	vld.idx.msk [tilespmem:v12+s11+$0x0], $0xffff;
	[tilespmem:s22+$0xD0] =	vst v4;
	v1 =	vmul.f32 v8, v1  }
0x23a: {  	v4 =	vld [tilespmem:s9+$0xFFFFFF30];
	[tilespmem:s22+$0xE0] =	vst v2  }
0x23b: {  	v2 =	vld [tilespmem:s9+$0xFFFFFF40];
	[tilespmem:s22+$0xF0] =	vst v1;
	v1 =	vmul.f32 v10, v3  }
0x23c: {  	v8 =	vmul.f32 v9, v7;
	v9 =	vld [tilespmem:s9+$0xFFFFFF50]  }
0x23d: {  	v10 =	vmul.f32 v11, v3;
	v11 =	vld [tilespmem:s9+$0xFFFFFF60];
	[tilespmem:s9+$0xFFFFFF00] =	vst v1  }
0x23e: {  	v1 =	vmul.f32 v61, v3;
	[tilespmem:s9+$0x70] =	vst v8;
	v8 =	vld [tilespmem:s9+$0xFFFFFF70]  }
0x23f: {  	[tilespmem:s9+$0xFFFFFF10] =	vst v10;
	v10 =	vld [tilespmem:s9+$0xFFFFFF80];
	v4 =	vmul.f32 v4, v3  }
0x240: {  	[tilespmem:s9+$0xFFFFFF20] =	vst v1;
	v1 =	vmul.f32 v2, v3;
	v2 =	vld [tilespmem:s9+$0xFFFFFF90]  }
0x241: {  	[tilespmem:s9+$0xFFFFFF30] =	vst v4;
	v4 =	vmul.f32 v9, v3;
	v9 =	vld [tilespmem:s9+$0xFFFFFFA0]  }
0x242: {  	[tilespmem:s9+$0xFFFFFF40] =	vst v1;
	v1 =	vmul.f32 v11, v3;
	v11 =	vld [tilespmem:s9+$0xFFFFFFB0]  }
0x243: {  	[tilespmem:s9+$0xFFFFFF50] =	vst v4;
	v3 =	vmul.f32 v8, v3;
	v4 =	vld [tilespmem:s9+$0xFFFFFFC0]  }
0x244: {  	[tilespmem:s9+$0xFFFFFF60] =	vst v1;
	v1 =	vmul.f32 v10, v6;
	v8 =	vld [tilespmem:s9+$0xFFFFFFD0]  }
0x245: {  	v2 =	vmul.f32 v2, v6;
	[tilespmem:s9+$0xFFFFFF70] =	vst v3;
	v3 =	vld [tilespmem:s9+$0xFFFFFFE0]  }
0x246: {  	[tilespmem:s9+$0xFFFFFF80] =	vst v1;
	v1 =	vmul.f32 v9, v6;
	v9 =	vld [tilespmem:s9+$0xFFFFFFF0]  }
0x247: {  	v10 =	vld [tilespmem:s9+$0x0];
	[tilespmem:s9+$0xFFFFFF90] =	vst v2;
	v2 =	vmul.f32 v11, v6  }
0x248: {  	[tilespmem:s9+$0xFFFFFFA0] =	vst v1;
	v1 =	vmul.f32 v4, v6;
	v4 =	vld [tilespmem:s9+$0x10]  }
0x249: {  	[tilespmem:s9+$0xFFFFFFB0] =	vst v2;
	v2 =	vmul.f32 v8, v6;
	v8 =	vld [tilespmem:s9+$0x20]  }
0x24a: {  	[tilespmem:s9+$0xFFFFFFC0] =	vst v1;
	v1 =	vmul.f32 v3, v6;
	v3 =	vld [tilespmem:s9+$0x30]  }
0x24b: {  	[tilespmem:s9+$0xFFFFFFD0] =	vst v2;
	v2 =	vmul.f32 v9, v6;
	v6 =	vld [tilespmem:s9+$0x40]  }
0x24c: {  	v9 =	vld [tilespmem:s9+$0x50];
	[tilespmem:s9+$0xFFFFFFE0] =	vst v1;
	v1 =	vmul.f32 v10, v7  }
0x24d: {  	[tilespmem:s9+$0xFFFFFFF0] =	vst v2;
	v2 =	vmul.f32 v4, v7;
	v4 =	vld [tilespmem:s9+$0x60]  }
0x24e: {  	[tilespmem:s9+$0x0] =	vst v1;
	v1 =	vmul.f32 v8, v7;
	v8 =	vld [tilespmem:s9+$0x80]  }
0x24f: {  	[tilespmem:s9+$0x10] =	vst v2;
	v2 =	vmul.f32 v3, v7;
	v3 =	vld [tilespmem:s9+$0x90]  }
0x250: {  	[tilespmem:s9+$0x20] =	vst v1;
	v1 =	vmul.f32 v6, v7;
	v6 =	vld [tilespmem:s9+$0xA0]  }
0x251: {  	[tilespmem:s9+$0x30] =	vst v2;
	v2 =	vmul.f32 v9, v7;
	v9 =	vld [tilespmem:s9+$0xB0]  }
0x252: {  	[tilespmem:s9+$0x40] =	vst v1;
	v1 =	vmul.f32 v4, v7;
	v4 =	vld [tilespmem:s9+$0xC0]  }
0x253: {  	v7 =	vld [tilespmem:s9+$0xD0];
	[tilespmem:s9+$0x50] =	vst v2;
	v2 =	vmul.f32 v8, v5  }
0x254: {  	[tilespmem:s9+$0x60] =	vst v1;
	v1 =	vmul.f32 v3, v5;
	v3 =	vld [tilespmem:s9+$0xE0]  }
0x255: {  	s7 =	simm.s32 $0x0;
	[tilespmem:s9+$0x80] =	vst v2;
	v2 =	vmul.f32 v6, v5;
	v6 =	vld [tilespmem:s9+$0xF0]  }
0x256: {  	v8 =	vmov s7;
	[tilespmem:s9+$0x90] =	vst v1;
	v1 =	vmul.f32 v9, v5  }
0x257: {  	[tilespmem:s9+$0xA0] =	vst v2;
	v2 =	vmul.f32 v4, v5;
	v4 =	vand.u32 $0xFFFFFFFC, v8  }
0x258: {  	[tilespmem:s9+$0xB0] =	vst v1;
	v1 =	vmul.f32 v7, v5;
	v4 =	vbroadcast v4, $0x0  }
0x259: {  	[tilespmem:s9+$0xC0] =	vst v2;
	v2 =	vmul.f32 v3, v5  }
0x25a: {  	s0 =	simm.s32 $0x2;
	[tilespmem:s9+$0xD0] =	vst v1;
	v1 =	vmul.f32 v6, v5  }
0x25b: {  	v8 =	vmov s0;
	[tilespmem:s9+$0xE0] =	vst v2  }
0x25c: {  	s0 =	simm.s32 $0x8B00;
	v7 =	vand.u32 $0xFFFFFFFE, v8;
	[tilespmem:s9+$0xF0] =	vst v1;
	s9 =	simm.s32 $0x6000  }
0x25d: {  	v3 =	vbroadcast v7, $0x0;
	[spmem:s2] =	stream.indirect.scatter.add.f32 [tilespmem:s0], [sflag:$0x4], $0x80, s9, s14, $0xb8;
	[tilespmem:$0x1F1F8] =	vst v63  }
0x25e: {  	s24 =	simm.s32 $0xA4F0;
	v2 =	vld.idx.msk [tilespmem:v4+s8+$0x0], $0xffff  }
0x25f: {  	v4 =	vld [tilespmem:s24+$0xFFFFFF80]  }
0x260: {  	v5 =	vld [tilespmem:s24+$0xFFFFFE10]  }
0x261: {  	v6 =	vld [tilespmem:s24+$0xFFFFFE20]  }
0x262: {  	s22 =	simm.s32 $0x1;
	v7 =	vld [tilespmem:s24+$0xFFFFFE30]  }
0x263: {  	v1 =	vld.idx.msk [tilespmem:v3+s8+$0x0], $0xffff;
	v3 =	vmov s22  }
0x264: {  	v8 =	vld [tilespmem:s24+$0xFFFFFE40];
	v3 =	vand.u32 $0xFFFFFFFD, v3  }
0x265: {  	v9 =	vld [tilespmem:s24+$0xFFFFFE50];
	v3 =	vbroadcast v3, $0x0  }
0x266: {  	v10 =	vld [tilespmem:s24+$0xFFFFFE60]  }
0x267: {  	v11 =	vld [tilespmem:s24+$0xFFFFFE70];
	v5 =	vmul.f32 v5, v2  }
0x268: {  	v63 =	vld [tilespmem:s24+$0xFFFFFEE0];
	v4 =	vmul.f32 v4, v1  }
0x269: {  	[tilespmem:s24+$0xFFFFFE10] =	vst v5;
	v5 =	vmul.f32 v6, v2;
	v6 =	vld [tilespmem:s24+$0xFFFFFE80]  }
0x26a: {  	s30 =	simm.s32 $0x3;
	[tilespmem:s24+$0xFFFFFF80] =	vst v4;
	v4 =	vmul.f32 v7, v2;
	v7 =	vld [tilespmem:s24+$0xFFFFFE90]  }
0x26b: {  	v62 =	vmov s30;
	v3 =	vld.idx.msk [tilespmem:v3+s8+$0x0], $0xffff;
	[tilespmem:s24+$0xFFFFFE20] =	vst v5;
	v5 =	vmul.f32 v8, v2  }
0x26c: {  	v8 =	vld [tilespmem:s24+$0xFFFFFEA0];
	[tilespmem:s24+$0xFFFFFE30] =	vst v4;
	v4 =	vmul.f32 v9, v2  }
0x26d: {  	v9 =	vld [tilespmem:s24+$0xFFFFFEB0];
	[tilespmem:s24+$0xFFFFFE40] =	vst v5;
	v5 =	vmul.f32 v10, v2  }
0x26e: {  	v10 =	vld [tilespmem:s24+$0xFFFFFEC0];
	[tilespmem:s24+$0xFFFFFE50] =	vst v4;
	v4 =	vmul.f32 v11, v2  }
0x26f: {  	v11 =	vld [tilespmem:s24+$0xFFFFFED0];
	v6 =	vmul.f32 v6, v2;
	[tilespmem:s24+$0xFFFFFE60] =	vst v5  }
0x270: {  	v2 =	vld.idx.msk [tilespmem:v62+s8+$0x0], $0xffff;
	v5 =	vmul.f32 v7, v3;
	[tilespmem:s24+$0xFFFFFE70] =	vst v4  }
0x271: {  	v4 =	vld [tilespmem:s24+$0xFFFFFEF0];
	v7 =	vmul.f32 v8, v3;
	[tilespmem:s24+$0xFFFFFE80] =	vst v6  }
0x272: {  	v8 =	vld [tilespmem:s24+$0xFFFFFF00];
	[tilespmem:s24+$0xFFFFFE90] =	vst v5;
	v5 =	vmul.f32 v9, v3  }
0x273: {  	[tilespmem:s24+$0xFFFFFEA0] =	vst v7;
	v6 =	vmul.f32 v10, v3;
	v10 =	vld [tilespmem:s24+$0xFFFFFF10]  }
0x274: {  	v7 =	vld [tilespmem:s24+$0xFFFFFF20];
	[tilespmem:s24+$0xFFFFFEB0] =	vst v5;
	v5 =	vmul.f32 v11, v3  }
0x275: {  	v9 =	vmul.f32 v63, v3;
	[tilespmem:s24+$0xFFFFFEC0] =	vst v6;
	v6 =	vld [tilespmem:s24+$0xFFFFFF30]  }
0x276: {  	v11 =	vmul.f32 v4, v3;
	[tilespmem:s24+$0xFFFFFED0] =	vst v5;
	v5 =	vld [tilespmem:s24+$0xFFFFFF40]  }
0x277: {  	[tilespmem:s24+$0xFFFFFEE0] =	vst v9;
	v4 =	vld [tilespmem:s24+$0xFFFFFF50];
	v9 =	vmul.f32 v8, v3  }
0x278: {  	s9 =	simm.s32 $0x30;
	s22 =	simm.s32 $0xA4F0;
	v3 =	vld [tilespmem:s24+$0xFFFFFF60];
	[tilespmem:s24+$0xFFFFFEF0] =	vst v11;
	v8 =	vmul.f32 v10, v1  }
.LBB2_13:
0x279: {  	s7 =	sadd.s32 $0xFFFFFFD7, s9;
	[tilespmem:s24+$0xFFFFFF00] =	vst v9;
	v7 =	vmul.f32 v7, v1;
	v9 =	vld [tilespmem:s24+$0xFFFFFF70]  }
0x27a: {  	s30 =	sadd.s32 $0xFFFFFFD4, s9;
	s0 =	sadd.s32 $0xFFFFFFD5, s9;
	v10 =	vmov s7;
	[tilespmem:s24+$0xFFFFFF10] =	vst v8;
	v6 =	vmul.f32 v6, v1;
	v8 =	vld [tilespmem:s24+$0xFFFFFF90]  }
0x27b: {  	v11 =	vmov s30;
	v12 =	vmov s0;
	[tilespmem:s24+$0xFFFFFF20] =	vst v7;
	v5 =	vmul.f32 v5, v1;
	v7 =	vld [tilespmem:s24+$0xFFFFFFA0]  }
0x27c: {  	s0 =	sadd.s32 $0xFFFFFFD6, s9;
	s9 =	sadd.s32 $0x4, s9;
	v11 =	vand.u32 $0xFFFFFFFC, v11;
	v12 =	vand.u32 $0xFFFFFFFD, v12;
	[tilespmem:s24+$0xFFFFFF30] =	vst v6;
	v4 =	vmul.f32 v4, v1;
	v6 =	vld [tilespmem:s24+$0xFFFFFFB0]  }
0x27d: {  	v13 =	vmov s0;
	p1 =	slt.u32 s9, $0x4C;
	v11 =	vbroadcast v11, $0x0;
	[tilespmem:s24+$0xFFFFFF40] =	vst v5;
	v3 =	vmul.f32 v3, v1;
	v5 =	vld [tilespmem:s24+$0xFFFFFFC0]  }
0x27e: {  	v12 =	vbroadcast v12, $0x0;
	v13 =	vand.u32 $0xFFFFFFFE, v13;
	[tilespmem:s24+$0xFFFFFF50] =	vst v4;
	v1 =	vmul.f32 v9, v1;
	v4 =	vld [tilespmem:s24+$0xFFFFFFD0]  }
0x27f: {  	v9 =	vbroadcast v13, $0x0;
	[tilespmem:s24+$0xFFFFFF60] =	vst v3;
	v3 =	vmul.f32 v8, v2;
	v8 =	vld [tilespmem:s24+$0xFFFFFFE0]  }
0x280: {  	[tilespmem:s24+$0xFFFFFF70] =	vst v1;
	v1 =	vmul.f32 v7, v2;
	v7 =	vld [tilespmem:s24+$0xFFFFFFF0]  }
0x281: {  	[tilespmem:s24+$0xFFFFFF90] =	vst v3;
	v3 =	vmul.f32 v6, v2;
	v6 =	vld [tilespmem:s24+$0x0]  }
0x282: {  	v10 =	vld.idx.msk [tilespmem:v10+s8+$0x0], $0xffff;
	[tilespmem:s24+$0xFFFFFFA0] =	vst v1;
	v1 =	vmul.f32 v5, v2  }
0x283: {  	v5 =	vld.idx.msk [tilespmem:v11+s8+$0x0], $0xffff;
	[tilespmem:s24+$0xFFFFFFB0] =	vst v3;
	v3 =	vmul.f32 v4, v2  }
0x284: {  	v4 =	vld.idx.msk [tilespmem:v12+s8+$0x0], $0xffff;
	[tilespmem:s24+$0xFFFFFFC0] =	vst v1;
	v8 =	vmul.f32 v8, v2  }
0x285: {  	s24 =	sadd.s32 $0x200, s24;
	v1 =	vld.idx.msk [tilespmem:v9+s8+$0x0], $0xffff;
	[tilespmem:s22+$0xFFFFFFD0] =	vst v3;
	v3 =	vmul.f32 v7, v2  }
0x286: {  	v7 =	vld [tilespmem:s24+$0xFFFFFF80];
	[tilespmem:s22+$0xFFFFFFE0] =	vst v8;
	v8 =	vmul.f32 v6, v2  }
0x287: {  	v6 =	vld [tilespmem:s24+$0xFFFFFE10];
	[tilespmem:s22+$0xFFFFFFF0] =	vst v3  }
0x288: {  	v2 =	vmov v10;
	v3 =	vld [tilespmem:s24+$0xFFFFFE20];
	[tilespmem:s22+$0x0] =	vst v8;
	s22 =	smov.u32 s24  }
0x289: {  	v8 =	vld [tilespmem:s24+$0xFFFFFE30]  }
0x28a: {  	v9 =	vld [tilespmem:s24+$0xFFFFFE40]  }
0x28b: {  	v10 =	vld [tilespmem:s24+$0xFFFFFE50];
	v7 =	vmul.f32 v7, v1  }
0x28c: {  	v6 =	vmul.f32 v6, v5;
	v11 =	vld [tilespmem:s24+$0xFFFFFE60]  }
0x28d: {  	v3 =	vmul.f32 v3, v5;
	v12 =	vld [tilespmem:s24+$0xFFFFFE70];
	[tilespmem:s24+$0xFFFFFF80] =	vst v7  }
0x28e: {  	[tilespmem:s24+$0xFFFFFE10] =	vst v6;
	v6 =	vmul.f32 v8, v5;
	v7 =	vld [tilespmem:s24+$0xFFFFFE80]  }
0x28f: {  	[tilespmem:s24+$0xFFFFFE20] =	vst v3;
	v3 =	vmul.f32 v9, v5;
	v8 =	vld [tilespmem:s24+$0xFFFFFE90]  }
0x290: {  	[tilespmem:s24+$0xFFFFFE30] =	vst v6;
	v6 =	vmul.f32 v10, v5;
	v9 =	vld [tilespmem:s24+$0xFFFFFEA0]  }
0x291: {  	[tilespmem:s24+$0xFFFFFE40] =	vst v3;
	v3 =	vmul.f32 v11, v5;
	v10 =	vld [tilespmem:s24+$0xFFFFFEB0]  }
0x292: {  	[tilespmem:s24+$0xFFFFFE50] =	vst v6;
	v6 =	vmul.f32 v12, v5;
	v11 =	vld [tilespmem:s24+$0xFFFFFEC0]  }
0x293: {  	[tilespmem:s24+$0xFFFFFE60] =	vst v3;
	v3 =	vmul.f32 v7, v5;
	v5 =	vld [tilespmem:s24+$0xFFFFFED0]  }
0x294: {  	[tilespmem:s24+$0xFFFFFE70] =	vst v6;
	v6 =	vmul.f32 v8, v4;
	v8 =	vld [tilespmem:s24+$0xFFFFFEE0]  }
0x295: {  	[tilespmem:s24+$0xFFFFFE80] =	vst v3;
	v3 =	vmul.f32 v9, v4;
	v9 =	vld [tilespmem:s24+$0xFFFFFEF0]  }
0x296: {  	[tilespmem:s24+$0xFFFFFE90] =	vst v6;
	v6 =	vmul.f32 v10, v4;
	v10 =	vld [tilespmem:s24+$0xFFFFFF00]  }
0x297: {  	[tilespmem:s24+$0xFFFFFEA0] =	vst v3;
	v3 =	vmul.f32 v11, v4;
	v11 =	vld [tilespmem:s24+$0xFFFFFF10]  }
.Ltmp5:
0x298: {  	[tilespmem:s24+$0xFFFFFEB0] =	vst v6;
	v5 =	vmul.f32 v5, v4;
	v7 =	vld [tilespmem:s24+$0xFFFFFF20];
	(pc) =	sbr.rel @p1 .LBB2_13-.Ltmp5, $4  }
0x299: {  	[tilespmem:s24+$0xFFFFFEC0] =	vst v3;
	v3 =	vmul.f32 v8, v4;
	v6 =	vld [tilespmem:s24+$0xFFFFFF30]  }
0x29a: {  	[tilespmem:s24+$0xFFFFFED0] =	vst v5;
	v8 =	vmul.f32 v9, v4;
	v5 =	vld [tilespmem:s24+$0xFFFFFF40]  }
0x29b: {  	[tilespmem:s24+$0xFFFFFEE0] =	vst v3;
	v9 =	vmul.f32 v10, v4;
	v4 =	vld [tilespmem:s24+$0xFFFFFF50]  }
0x29c: {  	[tilespmem:s24+$0xFFFFFEF0] =	vst v8;
	v8 =	vmul.f32 v11, v1;
	v3 =	vld [tilespmem:s24+$0xFFFFFF60]  }
0x29d: {  	[tilespmem:s24+$0xFFFFFF00] =	vst v9;
	v7 =	vmul.f32 v7, v1;
	v9 =	vld [tilespmem:s24+$0xFFFFFF90]  }
0x29e: {  	v10 =	vld [tilespmem:s24+$0xFFFFFF70];
	[tilespmem:s24+$0xFFFFFF10] =	vst v8;
	v6 =	vmul.f32 v6, v1  }
0x29f: {  	v8 =	vld [tilespmem:s24+$0xFFFFFFA0];
	[tilespmem:s24+$0xFFFFFF20] =	vst v7;
	v5 =	vmul.f32 v5, v1  }
0x2a0: {  	v7 =	vld [tilespmem:s24+$0xFFFFFFB0];
	[tilespmem:s24+$0xFFFFFF30] =	vst v6;
	v4 =	vmul.f32 v4, v1  }
0x2a1: {  	v6 =	vld [tilespmem:s24+$0xFFFFFFC0];
	[tilespmem:s24+$0xFFFFFF40] =	vst v5;
	v3 =	vmul.f32 v3, v1  }
0x2a2: {  	v5 =	vld [tilespmem:s24+$0xFFFFFFD0];
	[tilespmem:s24+$0xFFFFFF50] =	vst v4;
	v4 =	vmul.f32 v9, v2  }
0x2a3: {  	v9 =	vld [tilespmem:s24+$0xFFFFFFE0];
	v1 =	vmul.f32 v10, v1;
	[tilespmem:s24+$0xFFFFFF60] =	vst v3  }
0x2a4: {  	v3 =	vld [tilespmem:s24+$0xFFFFFFF0];
	v8 =	vmul.f32 v8, v2;
	[tilespmem:s24+$0xFFFFFF90] =	vst v4  }
0x2a5: {  	[tilespmem:s24+$0xFFFFFF70] =	vst v1;
	v1 =	vmul.f32 v7, v2;
	v4 =	vld [tilespmem:s24+$0x0]  }
0x2a6: {  	[tilespmem:s24+$0xFFFFFFA0] =	vst v8;
	v6 =	vmul.f32 v6, v2  }
0x2a7: {  	[tilespmem:s24+$0xFFFFFFB0] =	vst v1;
	v1 =	vmul.f32 v5, v2  }
0x2a8: {  	[tilespmem:s24+$0xFFFFFFC0] =	vst v6;
	v5 =	vmul.f32 v9, v2  }
0x2a9: {  	[tilespmem:s22+$0xFFFFFFD0] =	vst v1;
	v1 =	vmul.f32 v3, v2  }
0x2aa: {  	[tilespmem:s22+$0xFFFFFFE0] =	vst v5;
	v2 =	vmul.f32 v4, v2  }
0x2ab: {  	[tilespmem:s22+$0xFFFFFFF0] =	vst v1  }
0x2ac: {  	s0 =	simm.s32 $0xA300;
	[tilespmem:s22+$0x0] =	vst v2  }
0x2ad: {  	[spmem:s2] =	stream.indirect.scatter.add.f32 [tilespmem:s0], [sflag:$0x4], $0x80, s21, s19, $0xb8;
	[tilespmem:$0x1F1F8] =	vst v63  }
0x2ae: {  	s22 =	simm.s32 $0x6000  }
0x2af: {  	[spmem:s12] =	stream.indirect.scatter.add.f32 [tilespmem:s11], [sflag:$0x4], $0x1, s22, s14, $0xb8;
	[tilespmem:$0x1F1F8] =	vst v63  }
0x2b0: {  	_ = 	snop  }
0x2b1: {  	[spmem:s12] =	stream.indirect.scatter.add.f32 [tilespmem:s8], [sflag:$0x4], $0x1, s21, s19, $0xb8;
	[tilespmem:$0x1F1F8] =	vst v63  }
0x2b2: {  	v1 =	vld [tilespmem:s10+$0x0]  }
0x2b3: {  	v2 =	vld [tilespmem:s29+$0x5700];
	_ =	sdelay $0x5  }
0x2b4: {  	[tilespmem:$0x5F00] =	vst v2  }
0x2b5: {  	v1 =	vld.idx.msk [tilespmem:v1+s3+$0x0], $0xffff  }
0x2b6: {  	v3 =	vld.idx.msk [tilespmem:v2+s3+$0x0], $0xffff  }
0x2b7: {  	v2 =	vld.idx.msk [tilespmem:v2+s6+$0x0], $0xffff;
	_ =	sdelay $0x4  }
0x2b8: {  	v1 =	vadd.f32 v2, v1;
	v2 =	vadd.f32 v2, v3;
	_ =	sdelay $0x1  }
0x2b9: {  	v3 =	vmul.f32 $2.000000030e-01, v1;
	v4 =	vmul.f32 $2.000000030e-01, v2  }
0x2ba: {  	vm0 =	vge.f32 v1, $0.0e+00;
	vm1 =	vge.f32 v2, $0.0e+00  }
0x2bb: {  	v1 =	vsel vm0, v1, v3;
	v2 =	vsel vm1, v2, v4  }
0x2bc: {  	v1 =	vsub.f32 v1, v2;
	_ =	sdelay $0x1  }
0x2bd: {  	v1 =	vmul.f32 $1.442695020e+00, v1;
	_ =	sdelay $0x1  }
0x2be: {  	(erf) = vpow2.f32 v1;
	_ =	sdelay $0x8  }
0x2bf: {  	v1 =	vpop (erf)  }
0x2c0: {  	[tilespmem:$0x6100] =	vst v1  }
0x2c1: {  	v1 =	vld [tilespmem:s29+$0x4F10]  }
0x2c2: {  	v2 =	vld [tilespmem:s29+$0x5710];
	_ =	sdelay $0x5  }
0x2c3: {  	[tilespmem:$0x5F10] =	vst v2  }
0x2c4: {  	v1 =	vld.idx.msk [tilespmem:v1+s3+$0x0], $0xffff  }
0x2c5: {  	v3 =	vld.idx.msk [tilespmem:v2+s3+$0x0], $0xffff  }
0x2c6: {  	v2 =	vld.idx.msk [tilespmem:v2+s6+$0x0], $0xffff;
	_ =	sdelay $0x4  }
0x2c7: {  	v1 =	vadd.f32 v2, v1;
	v2 =	vadd.f32 v2, v3;
	_ =	sdelay $0x1  }
0x2c8: {  	v3 =	vmul.f32 $2.000000030e-01, v1;
	v4 =	vmul.f32 $2.000000030e-01, v2  }
0x2c9: {  	vm8 =	vge.f32 v1, $0.0e+00;
	vm9 =	vge.f32 v2, $0.0e+00  }
0x2ca: {  	v1 =	vsel vm8, v1, v3;
	v2 =	vsel vm9, v2, v4  }
0x2cb: {  	v1 =	vsub.f32 v1, v2;
	_ =	sdelay $0x1  }
0x2cc: {  	v1 =	vmul.f32 $1.442695020e+00, v1;
	_ =	sdelay $0x1  }
0x2cd: {  	(erf) = vpow2.f32 v1;
	_ =	sdelay $0x8  }
0x2ce: {  	v1 =	vpop (erf)  }
0x2cf: {  	[tilespmem:$0x6110] =	vst v1  }
0x2d0: {  	v1 =	vld [tilespmem:s29+$0x4F20]  }
0x2d1: {  	v2 =	vld [tilespmem:s29+$0x5720];
	_ =	sdelay $0x5  }
0x2d2: {  	[tilespmem:$0x5F20] =	vst v2  }
0x2d3: {  	v1 =	vld.idx.msk [tilespmem:v1+s3+$0x0], $0xffff  }
0x2d4: {  	v3 =	vld.idx.msk [tilespmem:v2+s3+$0x0], $0xffff  }
0x2d5: {  	v2 =	vld.idx.msk [tilespmem:v2+s6+$0x0], $0xffff;
	_ =	sdelay $0x4  }
0x2d6: {  	v1 =	vadd.f32 v2, v1;
	v2 =	vadd.f32 v2, v3;
	_ =	sdelay $0x1  }
0x2d7: {  	v3 =	vmul.f32 $2.000000030e-01, v1;
	v4 =	vmul.f32 $2.000000030e-01, v2  }
0x2d8: {  	vm10 =	vge.f32 v1, $0.0e+00;
	vm11 =	vge.f32 v2, $0.0e+00  }
0x2d9: {  	v1 =	vsel vm10, v1, v3;
	v2 =	vsel vm11, v2, v4  }
0x2da: {  	v1 =	vsub.f32 v1, v2;
	_ =	sdelay $0x1  }
0x2db: {  	v1 =	vmul.f32 $1.442695020e+00, v1;
	_ =	sdelay $0x1  }
0x2dc: {  	(erf) = vpow2.f32 v1;
	_ =	sdelay $0x8  }
0x2dd: {  	v1 =	vpop (erf)  }
0x2de: {  	[tilespmem:$0x6120] =	vst v1  }
0x2df: {  	v1 =	vld [tilespmem:s29+$0x4F30]  }
0x2e0: {  	v2 =	vld [tilespmem:s29+$0x5730];
	_ =	sdelay $0x5  }
0x2e1: {  	[tilespmem:$0x5F80] =	vst v2  }
0x2e2: {  	v1 =	vld.idx.msk [tilespmem:v1+s3+$0x0], $0xffff  }
0x2e3: {  	v3 =	vld.idx.msk [tilespmem:v2+s3+$0x0], $0xffff  }
0x2e4: {  	v2 =	vld.idx.msk [tilespmem:v2+s6+$0x0], $0xffff;
	_ =	sdelay $0x4  }
0x2e5: {  	v1 =	vadd.f32 v2, v1;
	v2 =	vadd.f32 v2, v3;
	_ =	sdelay $0x1  }
0x2e6: {  	v3 =	vmul.f32 $2.000000030e-01, v1;
	v4 =	vmul.f32 $2.000000030e-01, v2  }
0x2e7: {  	vm12 =	vge.f32 v1, $0.0e+00;
	vm13 =	vge.f32 v2, $0.0e+00  }
0x2e8: {  	v1 =	vsel vm12, v1, v3;
	v2 =	vsel vm13, v2, v4  }
0x2e9: {  	v1 =	vsub.f32 v1, v2;
	_ =	sdelay $0x1  }
0x2ea: {  	v1 =	vmul.f32 $1.442695020e+00, v1;
	_ =	sdelay $0x1  }
0x2eb: {  	(erf) = vpow2.f32 v1;
	_ =	sdelay $0x8  }
0x2ec: {  	v1 =	vpop (erf)  }
0x2ed: {  	[tilespmem:$0x6180] =	vst v1  }
0x2ee: {  	v1 =	vld [tilespmem:s29+$0x4F40]  }
0x2ef: {  	v2 =	vld [tilespmem:s29+$0x5740];
	_ =	sdelay $0x5  }
0x2f0: {  	[tilespmem:$0x5F90] =	vst v2  }
0x2f1: {  	v1 =	vld.idx.msk [tilespmem:v1+s3+$0x0], $0xffff  }
0x2f2: {  	v3 =	vld.idx.msk [tilespmem:v2+s3+$0x0], $0xffff  }
0x2f3: {  	v2 =	vld.idx.msk [tilespmem:v2+s6+$0x0], $0xffff;
	_ =	sdelay $0x4  }
0x2f4: {  	v1 =	vadd.f32 v2, v1;
	v2 =	vadd.f32 v2, v3;
	_ =	sdelay $0x1  }
0x2f5: {  	v3 =	vmul.f32 $2.000000030e-01, v1;
	v4 =	vmul.f32 $2.000000030e-01, v2  }
0x2f6: {  	vm14 =	vge.f32 v1, $0.0e+00;
	vm15 =	vge.f32 v2, $0.0e+00  }
0x2f7: {  	v1 =	vsel vm14, v1, v3;
	v2 =	vsel vm15, v2, v4  }
0x2f8: {  	v1 =	vsub.f32 v1, v2;
	_ =	sdelay $0x1  }
0x2f9: {  	v1 =	vmul.f32 $1.442695020e+00, v1;
	_ =	sdelay $0x1  }
0x2fa: {  	(erf) = vpow2.f32 v1;
	_ =	sdelay $0x8  }
0x2fb: {  	v1 =	vpop (erf)  }
0x2fc: {  	[tilespmem:$0x6190] =	vst v1  }
0x2fd: {  	_ =	swait.ge [sflag:s23], $0x1800  }
0x2fe: {  	s0 =	sadd.s32 $0x3, s28;
	[sflag:s23] =	ssyncset.done $0x0  }
0x2ff: {  	s7 =	smulhi.u32 $0x51EB851F, s0;
	[sflag:s23] =	ssyncadd.s32 $0xFFFFE800  }
0x300: {  	_ =	swait.ge [sflag:s23], $0x1000  }
0x301: {  	s7 =	sshrl.u32 s7, $0x3;
	[sflag:s23] =	ssyncset.done $0x0  }
0x302: {  	s7 =	smul.u32 $0x19, s7;
	[sflag:s23] =	ssyncadd.s32 $0xFFFFF000  }
0x303: {  	_ =	swait.ge [sflag:s23], $0x30  }
0x304: {  	s7 =	ssub.s32 s0, s7;
	[sflag:s23] =	ssyncset.done $0x0  }
0x305: {  	p1 =	sne.s32 s7, $0x0;
	[sflag:s23] =	ssyncadd.s32 $0xFFFFFFD0  }
0x306: {  	s28 =	smul.u32 @p1 $0x50, s7;
	_ =	swait.ge [sflag:s23], $0x20  }
0x307: {  	s7 =	simm.s32 @p1 $0x50;
	s9 =	simm.s32 @p1 $0x8B00;
	[sflag:s23] =	ssyncset.done $0x0  }
0x308: {  	s0 =	smulhi.u32 @!p1 $0x51EB851F, s0;
	s29 =	sadd.s32 @p1 $0x4F00, s28;
	[sflag:s23] =	ssyncadd.s32 $0xFFFFFFE0  }
0x309: {  	[tilespmem:s9], [sflag:$0x2] =	stream.indirect.gather @p1 [hbm4b:s1+s7], $0x80, s29, s7, $0xb8;
	[tilespmem:$0x1F1F8] =	vst v63  }
0x30a: {  	s7 =	simm.s32 @p1 $0x1  }
0x30b: {  	s0 =	sshrl.u32 @!p1 s0, $0x3;
	_ =	swait.ge @p1 [sflag:s7], $0x2800  }
0x30c: {  	s0 =	smul.u32 @!p1 $0x7D0, s0;
	[sflag:s7] =	ssyncset.done @p1 $0x0  }
0x30d: {  	[sflag:s7] =	ssyncadd.s32 @p1 $0xFFFFD800;
	s7 =	simm.s32 @!p1 $0x1  }
0x30e: {  	s0 =	sadd.s32 @!p1 s4, s0;
	_ =	swait.ge @!p1 [sflag:s7], $0x2800  }
0x30f: {  	s10 =	simm.s32 @!p1 $0x4F00;
	s0 =	sshrl.u32 @!p1 s0, $0x3;
	[sflag:s7] =	ssyncset.done @!p1 $0x0  }
0x310: {  	s9 =	simm.s32 @!p1 $0x0;
	[sflag:s7] =	ssyncadd.s32 @!p1 $0xFFFFD800;
	s7 =	sadd.s32 @!p1 s16, s0  }
0x311: {  	[tilespmem:s10], [sflag:$0x5] =	stream.linear.gather @!p1 [hbm4b:s7+s9], $0x7D0, $0x38;
	[tilespmem:$0x1F1F8] =	vst v63  }
0x312: {  	s24 =	simm.s32 $0x0;
	s7 =	simm.s32 @!p1 $0x5  }
0x313: {  	s30 =	simm.s32 $0x2;
	v1 =	vmov s24;
	_ =	swait.ge @!p1 [sflag:s7], $0x7D0  }
0x314: {  	v2 =	vmov s30;
	v1 =	vand.u32 $0xFFFFFFFC, v1;
	[sflag:s7] =	ssyncset.done @!p1 $0x0  }
0x315: {  	s22 =	simm.s32 @!p1 $0x5700;
	v2 =	vand.u32 $0xFFFFFFFE, v2;
	v1 =	vbroadcast v1, $0x0;
	s0 =	sadd.s32 @!p1 s18, s0;
	[sflag:s7] =	ssyncadd.s32 @!p1 $0xFFFFF830  }
0x316: {  	v2 =	vbroadcast v2, $0x0;
	[tilespmem:s22], [sflag:$0x5] =	stream.linear.gather @!p1 [hbm4b:s0+s9], $0x7D0, $0x38;
	[tilespmem:$0x1F1F8] =	vst v63  }
0x317: {  	_ =	swait.ge @!p1 [sflag:s7], $0x7D0  }
0x318: {  	[sflag:s7] =	ssyncset.done @!p1 $0x0  }
0x319: {  	s0 =	simm.s32 @!p1 $0x50;
	[sflag:s7] =	ssyncadd.s32 @!p1 $0xFFFFF830;
	s7 =	simm.s32 @!p1 $0x8B00  }
0x31a: {  	[tilespmem:s7], [sflag:$0x2] =	stream.indirect.gather @!p1 [hbm4b:s1+s0], $0x80, s10, s0, $0xb8;
	[tilespmem:$0x1F1F8] =	vst v63  }
0x31b: {  	v1 =	vld.idx.msk [tilespmem:v1+s13+$0x0], $0xffff  }
0x31c: {  	s10 =	simm.s32 $0x6400;
	v2 =	vld.idx.msk [tilespmem:v2+s13+$0x0], $0xffff  }
0x31d: {  	v4 =	vld [tilespmem:s10+$0x70]  }
0x31e: {  	v5 =	vld [tilespmem:s10+$0xFFFFFF00]  }
0x31f: {  	s7 =	simm.s32 $0x1;
	v6 =	vld [tilespmem:s10+$0xFFFFFF10]  }
0x320: {  	v3 =	vmov s7;
	v7 =	vld [tilespmem:s10+$0xFFFFFF20]  }
0x321: {  	v8 =	vld [tilespmem:s10+$0xFFFFFF30];
	v3 =	vand.u32 $0xFFFFFFFD, v3  }
0x322: {  	v9 =	vld [tilespmem:s10+$0xFFFFFF40];
	v3 =	vbroadcast v3, $0x0  }
0x323: {  	v10 =	vld [tilespmem:s10+$0xFFFFFF50]  }
0x324: {  	v11 =	vld [tilespmem:s10+$0xFFFFFF60];
	v5 =	vmul.f32 v5, v1  }
0x325: {  	v13 =	vld [tilespmem:s10+$0x40];
	v4 =	vmul.f32 v4, v2  }
0x326: {  	[tilespmem:s10+$0xFFFFFF00] =	vst v5;
	v5 =	vmul.f32 v6, v1;
	v6 =	vld [tilespmem:s10+$0xFFFFFF70]  }
0x327: {  	[tilespmem:s10+$0x70] =	vst v4;
	v4 =	vmul.f32 v7, v1;
	v7 =	vld [tilespmem:s10+$0xFFFFFF80]  }
0x328: {  	v3 =	vld.idx.msk [tilespmem:v3+s13+$0x0], $0xffff;
	[tilespmem:s10+$0xFFFFFF10] =	vst v5;
	v5 =	vmul.f32 v8, v1  }
0x329: {  	v8 =	vld [tilespmem:s10+$0xFFFFFF90];
	[tilespmem:s10+$0xFFFFFF20] =	vst v4;
	v4 =	vmul.f32 v9, v1  }
0x32a: {  	v9 =	vld [tilespmem:s10+$0xFFFFFFA0];
	[tilespmem:s10+$0xFFFFFF30] =	vst v5;
	v5 =	vmul.f32 v10, v1  }
0x32b: {  	v10 =	vld [tilespmem:s10+$0xFFFFFFB0];
	[tilespmem:s10+$0xFFFFFF40] =	vst v4;
	v4 =	vmul.f32 v11, v1  }
0x32c: {  	v11 =	vld [tilespmem:s10+$0xFFFFFFC0];
	v6 =	vmul.f32 v6, v1;
	[tilespmem:s10+$0xFFFFFF50] =	vst v5  }
0x32d: {  	v5 =	vmul.f32 v7, v3;
	v7 =	vld [tilespmem:s10+$0xFFFFFFD0];
	[tilespmem:s10+$0xFFFFFF60] =	vst v4  }
0x32e: {  	s9 =	simm.s32 $0x3;
	v4 =	vld [tilespmem:s10+$0xFFFFFFE0];
	v8 =	vmul.f32 v8, v3;
	[tilespmem:s10+$0xFFFFFF70] =	vst v6  }
0x32f: {  	v12 =	vmov s9;
	v6 =	vld [tilespmem:s10+$0xFFFFFFF0];
	[tilespmem:s10+$0xFFFFFF80] =	vst v5;
	v5 =	vmul.f32 v9, v3  }
0x330: {  	v9 =	vld [tilespmem:s10+$0x0];
	[tilespmem:s10+$0xFFFFFF90] =	vst v8;
	v8 =	vmul.f32 v10, v3  }
0x331: {  	v10 =	vld [tilespmem:s10+$0x10];
	[tilespmem:s10+$0xFFFFFFA0] =	vst v5;
	v5 =	vmul.f32 v11, v3  }
0x332: {  	[tilespmem:s10+$0xFFFFFFB0] =	vst v8;
	v7 =	vmul.f32 v7, v3;
	v8 =	vld [tilespmem:s10+$0x20]  }
0x333: {  	v11 =	vld [tilespmem:s10+$0x30];
	v4 =	vmul.f32 v4, v3;
	[tilespmem:s10+$0xFFFFFFC0] =	vst v5  }
0x334: {  	v1 =	vld.idx.msk [tilespmem:v12+s13+$0x0], $0xffff;
	v3 =	vmul.f32 v6, v3;
	[tilespmem:s10+$0xFFFFFFD0] =	vst v7  }
0x335: {  	[tilespmem:s10+$0xFFFFFFE0] =	vst v4;
	v5 =	vmul.f32 v9, v2;
	v4 =	vld [tilespmem:s10+$0x50]  }
0x336: {  	s22 =	simm.s32 $0x4;
	[tilespmem:s10+$0xFFFFFFF0] =	vst v3;
	v6 =	vmul.f32 v10, v2;
	v3 =	vld [tilespmem:s10+$0x60]  }
0x337: {  	s24 =	simm.s32 $0x7;
	v7 =	vmov s22;
	[tilespmem:s10+$0x0] =	vst v5;
	v9 =	vmul.f32 v8, v2;
	v8 =	vld [tilespmem:s10+$0x80]  }
0x338: {  	s28 =	simm.s32 @!p1 $0x0;
	s30 =	simm.s32 $0x5;
	s29 =	simm.s32 @!p1 $0x4F00;
	v12 =	vand.u32 $0xFFFFFFFC, v7;
	v7 =	vld [tilespmem:s10+$0x90];
	v5 =	vmov s24;
	v10 =	vmul.f32 v11, v2;
	[tilespmem:s10+$0x10] =	vst v6  }
0x339: {  	s9 =	simm.s32 $0x8;
	s22 =	simm.s32 $0x6400;
	s24 =	simm.s32 $0x6;
	v11 =	vmul.f32 v13, v2;
	v6 =	vbroadcast v12, $0x0;
	v12 =	vmov s30;
	[tilespmem:s10+$0x20] =	vst v9;
	v9 =	vld [tilespmem:s10+$0xA0]  }
.LBB2_15:
0x33a: {  	p1 =	slt.u32 s9, $0x2C;
	v12 =	vand.u32 $0xFFFFFFFD, v12;
	v13 =	vmov s24;
	[tilespmem:s10+$0x30] =	vst v10;
	v4 =	vmul.f32 v4, v2;
	v10 =	vld [tilespmem:s10+$0xB0]  }
0x33b: {  	v12 =	vbroadcast v12, $0x0;
	v13 =	vand.u32 $0xFFFFFFFE, v13;
	[tilespmem:s10+$0x40] =	vst v11;
	v2 =	vmul.f32 v3, v2;
	v3 =	vld [tilespmem:s10+$0xC0]  }
0x33c: {  	v11 =	vbroadcast v13, $0x0;
	[tilespmem:s10+$0x50] =	vst v4;
	v4 =	vmul.f32 v8, v1;
	v8 =	vld [tilespmem:s10+$0xD0]  }
0x33d: {  	[tilespmem:s10+$0x60] =	vst v2;
	v2 =	vmul.f32 v7, v1;
	v7 =	vld [tilespmem:s10+$0xE0]  }
0x33e: {  	[tilespmem:s10+$0x80] =	vst v4;
	v4 =	vmul.f32 v9, v1;
	v9 =	vld [tilespmem:s10+$0xF0]  }
0x33f: {  	v5 =	vld.idx.msk [tilespmem:v5+s13+$0x0], $0xffff;
	[tilespmem:s10+$0x90] =	vst v2;
	v2 =	vmul.f32 v10, v1  }
0x340: {  	v6 =	vld.idx.msk [tilespmem:v6+s13+$0x0], $0xffff;
	[tilespmem:s10+$0xA0] =	vst v4;
	v3 =	vmul.f32 v3, v1  }
0x341: {  	v4 =	vld.idx.msk [tilespmem:v12+s13+$0x0], $0xffff;
	[tilespmem:s10+$0xB0] =	vst v2;
	v8 =	vmul.f32 v8, v1  }
0x342: {  	s10 =	sadd.s32 $0x200, s10;
	v2 =	vld.idx.msk [tilespmem:v11+s13+$0x0], $0xffff;
	[tilespmem:s22+$0xC0] =	vst v3;
	v3 =	vmul.f32 v7, v1  }
0x343: {  	v7 =	vld [tilespmem:s10+$0x70];
	[tilespmem:s22+$0xD0] =	vst v8;
	v9 =	vmul.f32 v9, v1  }
0x344: {  	v8 =	vld [tilespmem:s10+$0xFFFFFF00];
	[tilespmem:s22+$0xE0] =	vst v3  }
0x345: {  	v1 =	vmov v5;
	v3 =	vld [tilespmem:s10+$0xFFFFFF10];
	[tilespmem:s22+$0xF0] =	vst v9;
	s22 =	smov.u32 s10  }
0x346: {  	v5 =	vld [tilespmem:s10+$0xFFFFFF20]  }
0x347: {  	v9 =	vld [tilespmem:s10+$0xFFFFFF30]  }
0x348: {  	v10 =	vld [tilespmem:s10+$0xFFFFFF40];
	v7 =	vmul.f32 v7, v2  }
0x349: {  	v8 =	vmul.f32 v8, v6;
	v11 =	vld [tilespmem:s10+$0xFFFFFF50]  }
0x34a: {  	v3 =	vmul.f32 v3, v6;
	v12 =	vld [tilespmem:s10+$0xFFFFFF60];
	[tilespmem:s10+$0x70] =	vst v7  }
0x34b: {  	[tilespmem:s10+$0xFFFFFF00] =	vst v8;
	v5 =	vmul.f32 v5, v6;
	v7 =	vld [tilespmem:s10+$0xFFFFFF70]  }
0x34c: {  	[tilespmem:s10+$0xFFFFFF10] =	vst v3;
	v3 =	vmul.f32 v9, v6;
	v8 =	vld [tilespmem:s10+$0xFFFFFF80]  }
0x34d: {  	[tilespmem:s10+$0xFFFFFF20] =	vst v5;
	v5 =	vmul.f32 v10, v6;
	v9 =	vld [tilespmem:s10+$0xFFFFFF90]  }
0x34e: {  	[tilespmem:s10+$0xFFFFFF30] =	vst v3;
	v3 =	vmul.f32 v11, v6;
	v10 =	vld [tilespmem:s10+$0xFFFFFFA0]  }
0x34f: {  	[tilespmem:s10+$0xFFFFFF40] =	vst v5;
	v5 =	vmul.f32 v12, v6;
	v11 =	vld [tilespmem:s10+$0xFFFFFFB0]  }
0x350: {  	[tilespmem:s10+$0xFFFFFF50] =	vst v3;
	v3 =	vmul.f32 v7, v6;
	v6 =	vld [tilespmem:s10+$0xFFFFFFC0]  }
0x351: {  	[tilespmem:s10+$0xFFFFFF60] =	vst v5;
	v5 =	vmul.f32 v8, v4;
	v7 =	vld [tilespmem:s10+$0xFFFFFFD0]  }
0x352: {  	[tilespmem:s10+$0xFFFFFF70] =	vst v3;
	v3 =	vmul.f32 v9, v4;
	v8 =	vld [tilespmem:s10+$0xFFFFFFE0]  }
0x353: {  	[tilespmem:s10+$0xFFFFFF80] =	vst v5;
	v5 =	vmul.f32 v10, v4;
	v9 =	vld [tilespmem:s10+$0xFFFFFFF0]  }
0x354: {  	[tilespmem:s10+$0xFFFFFF90] =	vst v3;
	v3 =	vmul.f32 v11, v4;
	v10 =	vld [tilespmem:s10+$0x0]  }
0x355: {  	[tilespmem:s10+$0xFFFFFFA0] =	vst v5;
	v5 =	vmul.f32 v6, v4;
	v6 =	vld [tilespmem:s10+$0x10]  }
0x356: {  	[tilespmem:s10+$0xFFFFFFB0] =	vst v3;
	v3 =	vmul.f32 v7, v4;
	v7 =	vld [tilespmem:s10+$0x20]  }
0x357: {  	[tilespmem:s10+$0xFFFFFFC0] =	vst v5;
	v5 =	vmul.f32 v8, v4;
	v11 =	vld [tilespmem:s10+$0x30]  }
0x358: {  	[tilespmem:s10+$0xFFFFFFD0] =	vst v3;
	v3 =	vmul.f32 v9, v4;
	v9 =	vld [tilespmem:s10+$0x40]  }
.Ltmp6:
0x359: {  	[tilespmem:s10+$0xFFFFFFE0] =	vst v5;
	v5 =	vmul.f32 v10, v2;
	v4 =	vld [tilespmem:s10+$0x50];
	(pc) =	sbr.rel @p1 .LBB2_15-.Ltmp6, $4  }
0x35a: {  	[tilespmem:s10+$0xFFFFFFF0] =	vst v3;
	v6 =	vmul.f32 v6, v2;
	v3 =	vld [tilespmem:s10+$0x60]  }
0x35b: {  	s0 =	sadd.s32 $0x3, s9;
	v10 =	vmov s9;
	[tilespmem:s10+$0x0] =	vst v5;
	v13 =	vmul.f32 v7, v2;
	v8 =	vld [tilespmem:s10+$0x80]  }
0x35c: {  	s7 =	sadd.s32 $0x1, s9;
	v12 =	vand.u32 $0xFFFFFFFC, v10;
	v5 =	vmov s0;
	[tilespmem:s10+$0x10] =	vst v6;
	v10 =	vmul.f32 v11, v2;
	v7 =	vld [tilespmem:s10+$0x90]  }
0x35d: {  	s24 =	sadd.s32 $0x2, s9;
	s9 =	sadd.s32 $0x4, s9;
	v6 =	vbroadcast v12, $0x0;
	v12 =	vmov s7;
	[tilespmem:s10+$0x20] =	vst v13;
	v11 =	vmul.f32 v9, v2;
	v9 =	vld [tilespmem:s10+$0xA0]  }
0x35e: {  	v13 =	vld [tilespmem:s10+$0xB0]  }
0x35f: {  	v15 =	vld [tilespmem:s10+$0xC0]  }
0x360: {  	v14 =	vmov s24;
	v16 =	vld [tilespmem:s10+$0xD0]  }
0x361: {  	v17 =	vld [tilespmem:s10+$0xE0];
	[tilespmem:s10+$0x30] =	vst v10;
	v4 =	vmul.f32 v4, v2;
	v14 =	vand.u32 $0xFFFFFFFE, v14  }
0x362: {  	v5 =	vld.idx.msk [tilespmem:v5+s13+$0x0], $0xffff;
	[tilespmem:s10+$0x40] =	vst v11;
	v2 =	vmul.f32 v3, v2;
	v14 =	vbroadcast v14, $0x0  }
0x363: {  	v12 =	vand.u32 $0xFFFFFFFD, v12;
	s9 =	sadd.s32 $0x200, s10;
	v3 =	vld.idx.msk [tilespmem:v6+s13+$0x0], $0xffff;
	v8 =	vmul.f32 v8, v1;
	[tilespmem:s10+$0x50] =	vst v4  }
0x364: {  	v12 =	vbroadcast v12, $0x0;
	v10 =	vld [tilespmem:s9+$0xFFFFFF00];
	v4 =	vmul.f32 v7, v1;
	[tilespmem:s10+$0x60] =	vst v2  }
0x365: {  	[tilespmem:s10+$0x80] =	vst v8;
	v8 =	vld [tilespmem:s10+$0xF0];
	v2 =	vmul.f32 v9, v1  }
0x366: {  	v11 =	vld [tilespmem:s9+$0xFFFFFF10];
	[tilespmem:s10+$0x90] =	vst v4;
	v4 =	vmul.f32 v13, v1  }
0x367: {  	v9 =	vld [tilespmem:s9+$0x70];
	[tilespmem:s10+$0xA0] =	vst v2;
	v2 =	vmul.f32 v15, v1  }
0x368: {  	[tilespmem:s10+$0xB0] =	vst v4;
	v4 =	vmul.f32 v16, v1;
	v7 =	vld.idx.msk [tilespmem:v14+s13+$0x0], $0xffff  }
0x369: {  	v61 =	vld [tilespmem:s9+$0xFFFFFF20];
	[tilespmem:s22+$0xC0] =	vst v2;
	v2 =	vmul.f32 v17, v1  }
0x36a: {  	v6 =	vld.idx.msk [tilespmem:v12+s13+$0x0], $0xffff;
	[tilespmem:s22+$0xD0] =	vst v4;
	v1 =	vmul.f32 v8, v1  }
0x36b: {  	v4 =	vld [tilespmem:s9+$0xFFFFFF30];
	[tilespmem:s22+$0xE0] =	vst v2  }
0x36c: {  	v2 =	vld [tilespmem:s9+$0xFFFFFF40];
	[tilespmem:s22+$0xF0] =	vst v1;
	v1 =	vmul.f32 v10, v3  }
0x36d: {  	v8 =	vmul.f32 v9, v7;
	v9 =	vld [tilespmem:s9+$0xFFFFFF50]  }
0x36e: {  	v10 =	vmul.f32 v11, v3;
	v11 =	vld [tilespmem:s9+$0xFFFFFF60];
	[tilespmem:s9+$0xFFFFFF00] =	vst v1  }
0x36f: {  	v1 =	vmul.f32 v61, v3;
	[tilespmem:s9+$0x70] =	vst v8;
	v8 =	vld [tilespmem:s9+$0xFFFFFF70]  }
0x370: {  	[tilespmem:s9+$0xFFFFFF10] =	vst v10;
	v10 =	vld [tilespmem:s9+$0xFFFFFF80];
	v4 =	vmul.f32 v4, v3  }
0x371: {  	[tilespmem:s9+$0xFFFFFF20] =	vst v1;
	v1 =	vmul.f32 v2, v3;
	v2 =	vld [tilespmem:s9+$0xFFFFFF90]  }
0x372: {  	[tilespmem:s9+$0xFFFFFF30] =	vst v4;
	v4 =	vmul.f32 v9, v3;
	v9 =	vld [tilespmem:s9+$0xFFFFFFA0]  }
0x373: {  	[tilespmem:s9+$0xFFFFFF40] =	vst v1;
	v1 =	vmul.f32 v11, v3;
	v11 =	vld [tilespmem:s9+$0xFFFFFFB0]  }
0x374: {  	[tilespmem:s9+$0xFFFFFF50] =	vst v4;
	v3 =	vmul.f32 v8, v3;
	v4 =	vld [tilespmem:s9+$0xFFFFFFC0]  }
0x375: {  	[tilespmem:s9+$0xFFFFFF60] =	vst v1;
	v1 =	vmul.f32 v10, v6;
	v8 =	vld [tilespmem:s9+$0xFFFFFFD0]  }
0x376: {  	v2 =	vmul.f32 v2, v6;
	[tilespmem:s9+$0xFFFFFF70] =	vst v3;
	v3 =	vld [tilespmem:s9+$0xFFFFFFE0]  }
0x377: {  	[tilespmem:s9+$0xFFFFFF80] =	vst v1;
	v1 =	vmul.f32 v9, v6;
	v9 =	vld [tilespmem:s9+$0xFFFFFFF0]  }
0x378: {  	v10 =	vld [tilespmem:s9+$0x0];
	[tilespmem:s9+$0xFFFFFF90] =	vst v2;
	v2 =	vmul.f32 v11, v6  }
0x379: {  	[tilespmem:s9+$0xFFFFFFA0] =	vst v1;
	v1 =	vmul.f32 v4, v6;
	v4 =	vld [tilespmem:s9+$0x10]  }
0x37a: {  	[tilespmem:s9+$0xFFFFFFB0] =	vst v2;
	v2 =	vmul.f32 v8, v6;
	v8 =	vld [tilespmem:s9+$0x20]  }
0x37b: {  	[tilespmem:s9+$0xFFFFFFC0] =	vst v1;
	v1 =	vmul.f32 v3, v6;
	v3 =	vld [tilespmem:s9+$0x30]  }
0x37c: {  	[tilespmem:s9+$0xFFFFFFD0] =	vst v2;
	v2 =	vmul.f32 v9, v6;
	v6 =	vld [tilespmem:s9+$0x40]  }
0x37d: {  	v9 =	vld [tilespmem:s9+$0x50];
	[tilespmem:s9+$0xFFFFFFE0] =	vst v1;
	v1 =	vmul.f32 v10, v7  }
0x37e: {  	[tilespmem:s9+$0xFFFFFFF0] =	vst v2;
	v2 =	vmul.f32 v4, v7;
	v4 =	vld [tilespmem:s9+$0x60]  }
0x37f: {  	[tilespmem:s9+$0x0] =	vst v1;
	v1 =	vmul.f32 v8, v7;
	v8 =	vld [tilespmem:s9+$0x80]  }
0x380: {  	[tilespmem:s9+$0x10] =	vst v2;
	v2 =	vmul.f32 v3, v7;
	v3 =	vld [tilespmem:s9+$0x90]  }
0x381: {  	[tilespmem:s9+$0x20] =	vst v1;
	v1 =	vmul.f32 v6, v7;
	v6 =	vld [tilespmem:s9+$0xA0]  }
0x382: {  	[tilespmem:s9+$0x30] =	vst v2;
	v2 =	vmul.f32 v9, v7;
	v9 =	vld [tilespmem:s9+$0xB0]  }
0x383: {  	[tilespmem:s9+$0x40] =	vst v1;
	v1 =	vmul.f32 v4, v7;
	v4 =	vld [tilespmem:s9+$0xC0]  }
0x384: {  	v7 =	vld [tilespmem:s9+$0xD0];
	[tilespmem:s9+$0x50] =	vst v2;
	v2 =	vmul.f32 v8, v5  }
0x385: {  	[tilespmem:s9+$0x60] =	vst v1;
	v1 =	vmul.f32 v3, v5;
	v3 =	vld [tilespmem:s9+$0xE0]  }
0x386: {  	s0 =	simm.s32 $0x0;
	[tilespmem:s9+$0x80] =	vst v2;
	v2 =	vmul.f32 v6, v5;
	v6 =	vld [tilespmem:s9+$0xF0]  }
0x387: {  	v8 =	vmov s0;
	[tilespmem:s9+$0x90] =	vst v1;
	v1 =	vmul.f32 v9, v5  }
0x388: {  	[tilespmem:s9+$0xA0] =	vst v2;
	v2 =	vmul.f32 v4, v5;
	v4 =	vand.u32 $0xFFFFFFFC, v8  }
0x389: {  	[tilespmem:s9+$0xB0] =	vst v1;
	v1 =	vmul.f32 v7, v5;
	v4 =	vbroadcast v4, $0x0  }
0x38a: {  	[tilespmem:s9+$0xC0] =	vst v2;
	v2 =	vmul.f32 v3, v5  }
0x38b: {  	s10 =	simm.s32 $0x2;
	[tilespmem:s9+$0xD0] =	vst v1;
	v1 =	vmul.f32 v6, v5  }
0x38c: {  	v8 =	vmov s10;
	[tilespmem:s9+$0xE0] =	vst v2  }
0x38d: {  	s22 =	simm.s32 $0x6300;
	v7 =	vand.u32 $0xFFFFFFFE, v8;
	[tilespmem:s9+$0xF0] =	vst v1  }
0x38e: {  	v3 =	vbroadcast v7, $0x0;
	[spmem:s2] =	stream.indirect.scatter.add.f32 [tilespmem:s22], [sflag:$0x3], $0x80, s15, s14, $0xb8;
	[tilespmem:$0x1F1F8] =	vst v63  }
0x38f: {  	s10 =	simm.s32 $0x7CF0;
	v2 =	vld.idx.msk [tilespmem:v4+s17+$0x0], $0xffff  }
0x390: {  	v4 =	vld [tilespmem:s10+$0xFFFFFF80]  }
0x391: {  	v5 =	vld [tilespmem:s10+$0xFFFFFE10]  }
0x392: {  	v6 =	vld [tilespmem:s10+$0xFFFFFE20]  }
0x393: {  	s24 =	simm.s32 $0x1;
	v7 =	vld [tilespmem:s10+$0xFFFFFE30]  }
0x394: {  	v1 =	vld.idx.msk [tilespmem:v3+s17+$0x0], $0xffff;
	v3 =	vmov s24  }
0x395: {  	v8 =	vld [tilespmem:s10+$0xFFFFFE40];
	v3 =	vand.u32 $0xFFFFFFFD, v3  }
0x396: {  	v9 =	vld [tilespmem:s10+$0xFFFFFE50];
	v3 =	vbroadcast v3, $0x0  }
0x397: {  	v10 =	vld [tilespmem:s10+$0xFFFFFE60]  }
0x398: {  	v11 =	vld [tilespmem:s10+$0xFFFFFE70];
	v5 =	vmul.f32 v5, v2  }
0x399: {  	v63 =	vld [tilespmem:s10+$0xFFFFFEE0];
	v4 =	vmul.f32 v4, v1  }
0x39a: {  	[tilespmem:s10+$0xFFFFFE10] =	vst v5;
	v5 =	vmul.f32 v6, v2;
	v6 =	vld [tilespmem:s10+$0xFFFFFE80]  }
0x39b: {  	s30 =	simm.s32 $0x3;
	[tilespmem:s10+$0xFFFFFF80] =	vst v4;
	v4 =	vmul.f32 v7, v2;
	v7 =	vld [tilespmem:s10+$0xFFFFFE90]  }
0x39c: {  	v62 =	vmov s30;
	v3 =	vld.idx.msk [tilespmem:v3+s17+$0x0], $0xffff;
	[tilespmem:s10+$0xFFFFFE20] =	vst v5;
	v5 =	vmul.f32 v8, v2  }
0x39d: {  	v8 =	vld [tilespmem:s10+$0xFFFFFEA0];
	[tilespmem:s10+$0xFFFFFE30] =	vst v4;
	v4 =	vmul.f32 v9, v2  }
0x39e: {  	v9 =	vld [tilespmem:s10+$0xFFFFFEB0];
	[tilespmem:s10+$0xFFFFFE40] =	vst v5;
	v5 =	vmul.f32 v10, v2  }
0x39f: {  	v10 =	vld [tilespmem:s10+$0xFFFFFEC0];
	[tilespmem:s10+$0xFFFFFE50] =	vst v4;
	v4 =	vmul.f32 v11, v2  }
0x3a0: {  	v11 =	vld [tilespmem:s10+$0xFFFFFED0];
	v6 =	vmul.f32 v6, v2;
	[tilespmem:s10+$0xFFFFFE60] =	vst v5  }
0x3a1: {  	v2 =	vld.idx.msk [tilespmem:v62+s17+$0x0], $0xffff;
	v5 =	vmul.f32 v7, v3;
	[tilespmem:s10+$0xFFFFFE70] =	vst v4  }
0x3a2: {  	v4 =	vld [tilespmem:s10+$0xFFFFFEF0];
	v7 =	vmul.f32 v8, v3;
	[tilespmem:s10+$0xFFFFFE80] =	vst v6  }
0x3a3: {  	v8 =	vld [tilespmem:s10+$0xFFFFFF00];
	[tilespmem:s10+$0xFFFFFE90] =	vst v5;
	v5 =	vmul.f32 v9, v3  }
0x3a4: {  	[tilespmem:s10+$0xFFFFFEA0] =	vst v7;
	v6 =	vmul.f32 v10, v3;
	v10 =	vld [tilespmem:s10+$0xFFFFFF10]  }
0x3a5: {  	v7 =	vld [tilespmem:s10+$0xFFFFFF20];
	[tilespmem:s10+$0xFFFFFEB0] =	vst v5;
	v5 =	vmul.f32 v11, v3  }
0x3a6: {  	v9 =	vmul.f32 v63, v3;
	[tilespmem:s10+$0xFFFFFEC0] =	vst v6;
	v6 =	vld [tilespmem:s10+$0xFFFFFF30]  }
0x3a7: {  	v11 =	vmul.f32 v4, v3;
	[tilespmem:s10+$0xFFFFFED0] =	vst v5;
	v5 =	vld [tilespmem:s10+$0xFFFFFF40]  }
0x3a8: {  	[tilespmem:s10+$0xFFFFFEE0] =	vst v9;
	v4 =	vld [tilespmem:s10+$0xFFFFFF50];
	v9 =	vmul.f32 v8, v3  }
0x3a9: {  	s9 =	simm.s32 $0x30;
	s22 =	simm.s32 $0x7CF0;
	v3 =	vld [tilespmem:s10+$0xFFFFFF60];
	[tilespmem:s10+$0xFFFFFEF0] =	vst v11;
	v8 =	vmul.f32 v10, v1  }
.LBB2_17:
0x3aa: {  	s0 =	sadd.s32 $0xFFFFFFD7, s9;
	[tilespmem:s10+$0xFFFFFF00] =	vst v9;
	v7 =	vmul.f32 v7, v1;
	v9 =	vld [tilespmem:s10+$0xFFFFFF70]  }
0x3ab: {  	s7 =	sadd.s32 $0xFFFFFFD4, s9;
	s24 =	sadd.s32 $0xFFFFFFD5, s9;
	v10 =	vmov s0;
	[tilespmem:s10+$0xFFFFFF10] =	vst v8;
	v6 =	vmul.f32 v6, v1;
	v8 =	vld [tilespmem:s10+$0xFFFFFF90]  }
0x3ac: {  	v11 =	vmov s7;
	v12 =	vmov s24;
	[tilespmem:s10+$0xFFFFFF20] =	vst v7;
	v5 =	vmul.f32 v5, v1;
	v7 =	vld [tilespmem:s10+$0xFFFFFFA0]  }
0x3ad: {  	s0 =	sadd.s32 $0xFFFFFFD6, s9;
	s9 =	sadd.s32 $0x4, s9;
	v11 =	vand.u32 $0xFFFFFFFC, v11;
	v12 =	vand.u32 $0xFFFFFFFD, v12;
	[tilespmem:s10+$0xFFFFFF30] =	vst v6;
	v4 =	vmul.f32 v4, v1;
	v6 =	vld [tilespmem:s10+$0xFFFFFFB0]  }
0x3ae: {  	v13 =	vmov s0;
	p1 =	slt.u32 s9, $0x4C;
	v11 =	vbroadcast v11, $0x0;
	[tilespmem:s10+$0xFFFFFF40] =	vst v5;
	v3 =	vmul.f32 v3, v1;
	v5 =	vld [tilespmem:s10+$0xFFFFFFC0]  }
0x3af: {  	v12 =	vbroadcast v12, $0x0;
	v13 =	vand.u32 $0xFFFFFFFE, v13;
	[tilespmem:s10+$0xFFFFFF50] =	vst v4;
	v1 =	vmul.f32 v9, v1;
	v4 =	vld [tilespmem:s10+$0xFFFFFFD0]  }
0x3b0: {  	v9 =	vbroadcast v13, $0x0;
	[tilespmem:s10+$0xFFFFFF60] =	vst v3;
	v3 =	vmul.f32 v8, v2;
	v8 =	vld [tilespmem:s10+$0xFFFFFFE0]  }
0x3b1: {  	[tilespmem:s10+$0xFFFFFF70] =	vst v1;
	v1 =	vmul.f32 v7, v2;
	v7 =	vld [tilespmem:s10+$0xFFFFFFF0]  }
0x3b2: {  	[tilespmem:s10+$0xFFFFFF90] =	vst v3;
	v3 =	vmul.f32 v6, v2;
	v6 =	vld [tilespmem:s10+$0x0]  }
0x3b3: {  	v10 =	vld.idx.msk [tilespmem:v10+s17+$0x0], $0xffff;
	[tilespmem:s10+$0xFFFFFFA0] =	vst v1;
	v1 =	vmul.f32 v5, v2  }
0x3b4: {  	v5 =	vld.idx.msk [tilespmem:v11+s17+$0x0], $0xffff;
	[tilespmem:s10+$0xFFFFFFB0] =	vst v3;
	v3 =	vmul.f32 v4, v2  }
0x3b5: {  	v4 =	vld.idx.msk [tilespmem:v12+s17+$0x0], $0xffff;
	[tilespmem:s10+$0xFFFFFFC0] =	vst v1;
	v8 =	vmul.f32 v8, v2  }
0x3b6: {  	s10 =	sadd.s32 $0x200, s10;
	v1 =	vld.idx.msk [tilespmem:v9+s17+$0x0], $0xffff;
	[tilespmem:s22+$0xFFFFFFD0] =	vst v3;
	v3 =	vmul.f32 v7, v2  }
0x3b7: {  	v7 =	vld [tilespmem:s10+$0xFFFFFF80];
	[tilespmem:s22+$0xFFFFFFE0] =	vst v8;
	v8 =	vmul.f32 v6, v2  }
0x3b8: {  	v6 =	vld [tilespmem:s10+$0xFFFFFE10];
	[tilespmem:s22+$0xFFFFFFF0] =	vst v3  }
0x3b9: {  	v2 =	vmov v10;
	v3 =	vld [tilespmem:s10+$0xFFFFFE20];
	[tilespmem:s22+$0x0] =	vst v8;
	s22 =	smov.u32 s10  }
0x3ba: {  	v8 =	vld [tilespmem:s10+$0xFFFFFE30]  }
0x3bb: {  	v9 =	vld [tilespmem:s10+$0xFFFFFE40]  }
0x3bc: {  	v10 =	vld [tilespmem:s10+$0xFFFFFE50];
	v7 =	vmul.f32 v7, v1  }
0x3bd: {  	v6 =	vmul.f32 v6, v5;
	v11 =	vld [tilespmem:s10+$0xFFFFFE60]  }
0x3be: {  	v3 =	vmul.f32 v3, v5;
	v12 =	vld [tilespmem:s10+$0xFFFFFE70];
	[tilespmem:s10+$0xFFFFFF80] =	vst v7  }
0x3bf: {  	[tilespmem:s10+$0xFFFFFE10] =	vst v6;
	v6 =	vmul.f32 v8, v5;
	v7 =	vld [tilespmem:s10+$0xFFFFFE80]  }
0x3c0: {  	[tilespmem:s10+$0xFFFFFE20] =	vst v3;
	v3 =	vmul.f32 v9, v5;
	v8 =	vld [tilespmem:s10+$0xFFFFFE90]  }
0x3c1: {  	[tilespmem:s10+$0xFFFFFE30] =	vst v6;
	v6 =	vmul.f32 v10, v5;
	v9 =	vld [tilespmem:s10+$0xFFFFFEA0]  }
0x3c2: {  	[tilespmem:s10+$0xFFFFFE40] =	vst v3;
	v3 =	vmul.f32 v11, v5;
	v10 =	vld [tilespmem:s10+$0xFFFFFEB0]  }
0x3c3: {  	[tilespmem:s10+$0xFFFFFE50] =	vst v6;
	v6 =	vmul.f32 v12, v5;
	v11 =	vld [tilespmem:s10+$0xFFFFFEC0]  }
0x3c4: {  	[tilespmem:s10+$0xFFFFFE60] =	vst v3;
	v3 =	vmul.f32 v7, v5;
	v5 =	vld [tilespmem:s10+$0xFFFFFED0]  }
0x3c5: {  	[tilespmem:s10+$0xFFFFFE70] =	vst v6;
	v6 =	vmul.f32 v8, v4;
	v8 =	vld [tilespmem:s10+$0xFFFFFEE0]  }
0x3c6: {  	[tilespmem:s10+$0xFFFFFE80] =	vst v3;
	v3 =	vmul.f32 v9, v4;
	v9 =	vld [tilespmem:s10+$0xFFFFFEF0]  }
0x3c7: {  	[tilespmem:s10+$0xFFFFFE90] =	vst v6;
	v6 =	vmul.f32 v10, v4;
	v10 =	vld [tilespmem:s10+$0xFFFFFF00]  }
0x3c8: {  	[tilespmem:s10+$0xFFFFFEA0] =	vst v3;
	v3 =	vmul.f32 v11, v4;
	v11 =	vld [tilespmem:s10+$0xFFFFFF10]  }
.Ltmp7:
0x3c9: {  	[tilespmem:s10+$0xFFFFFEB0] =	vst v6;
	v5 =	vmul.f32 v5, v4;
	v7 =	vld [tilespmem:s10+$0xFFFFFF20];
	(pc) =	sbr.rel @p1 .LBB2_17-.Ltmp7, $4  }
0x3ca: {  	[tilespmem:s10+$0xFFFFFEC0] =	vst v3;
	v3 =	vmul.f32 v8, v4;
	v6 =	vld [tilespmem:s10+$0xFFFFFF30]  }
0x3cb: {  	[tilespmem:s10+$0xFFFFFED0] =	vst v5;
	v8 =	vmul.f32 v9, v4;
	v5 =	vld [tilespmem:s10+$0xFFFFFF40]  }
0x3cc: {  	[tilespmem:s10+$0xFFFFFEE0] =	vst v3;
	v9 =	vmul.f32 v10, v4;
	v4 =	vld [tilespmem:s10+$0xFFFFFF50]  }
0x3cd: {  	[tilespmem:s10+$0xFFFFFEF0] =	vst v8;
	v8 =	vmul.f32 v11, v1;
	v3 =	vld [tilespmem:s10+$0xFFFFFF60]  }
0x3ce: {  	[tilespmem:s10+$0xFFFFFF00] =	vst v9;
	v7 =	vmul.f32 v7, v1;
	v50 =	vld [tilespmem:s10+$0xFFFFFF90]  }
0x3cf: {  	v10 =	vld [tilespmem:s10+$0xFFFFFF70];
	[tilespmem:s10+$0xFFFFFF10] =	vst v8;
	v6 =	vmul.f32 v6, v1  }
0x3d0: {  	v51 =	vld [tilespmem:s10+$0xFFFFFFA0];
	[tilespmem:s10+$0xFFFFFF20] =	vst v7;
	v5 =	vmul.f32 v5, v1  }
0x3d1: {  	v52 =	vld [tilespmem:s10+$0xFFFFFFB0];
	[tilespmem:s10+$0xFFFFFF30] =	vst v6;
	v4 =	vmul.f32 v4, v1  }
0x3d2: {  	v53 =	vld [tilespmem:s10+$0xFFFFFFC0];
	[tilespmem:s10+$0xFFFFFF40] =	vst v5;
	v3 =	vmul.f32 v3, v1  }
0x3d3: {  	v54 =	vld [tilespmem:s10+$0xFFFFFFD0];
	[tilespmem:s10+$0xFFFFFF50] =	vst v4;
	v55 =	vmul.f32 v50, v2  }
0x3d4: {  	v56 =	vld [tilespmem:s10+$0xFFFFFFE0];
	v1 =	vmul.f32 v10, v1;
	[tilespmem:s10+$0xFFFFFF60] =	vst v3  }
0x3d5: {  	v8 =	vmul.f32 v51, v2;
	v3 =	vld [tilespmem:s10+$0xFFFFFFF0];
	[tilespmem:s10+$0xFFFFFF90] =	vst v55  }
0x3d6: {  	v57 =	vld [tilespmem:s10+$0x0];
	[tilespmem:s10+$0xFFFFFF70] =	vst v1;
	v1 =	vmul.f32 v52, v2  }
0x3d7: {  	v6 =	vmul.f32 v53, v2;
	[tilespmem:s10+$0xFFFFFFA0] =	vst v8  }
0x3d8: {  	[tilespmem:s10+$0xFFFFFFB0] =	vst v1;
	v1 =	vmul.f32 v54, v2  }
0x3d9: {  	v58 =	vmul.f32 v56, v2;
	[tilespmem:s10+$0xFFFFFFC0] =	vst v6  }
0x3da: {  	[tilespmem:s22+$0xFFFFFFD0] =	vst v1;
	v1 =	vmul.f32 v3, v2  }
0x3db: {  	[tilespmem:s22+$0xFFFFFFE0] =	vst v58;
	v2 =	vmul.f32 v57, v2  }
0x3dc: {  	[tilespmem:s22+$0xFFFFFFF0] =	vst v1  }
0x3dd: {  	s0 =	simm.s32 $0x7B00;
	[tilespmem:s22+$0x0] =	vst v2  }
0x3de: {  	[spmem:s2] =	stream.indirect.scatter.add.f32 [tilespmem:s0], [sflag:$0x3], $0x80, s20, s19, $0xb8;
	[tilespmem:$0x1F1F8] =	vst v63  }
0x3df: {  	_ = 	snop  }
0x3e0: {  	[spmem:s12] =	stream.indirect.scatter.add.f32 [tilespmem:s13], [sflag:$0x3], $0x1, s15, s14, $0xb8;
	[tilespmem:$0x1F1F8] =	vst v63  }
0x3e1: {  	_ = 	snop  }
0x3e2: {  	[spmem:s12] =	stream.indirect.scatter.add.f32 [tilespmem:s17], [sflag:$0x3], $0x1, s20, s19, $0xb8;
	[tilespmem:$0x1F1F8] =	vst v63  }
0x3e3: {  	v1 =	vld [tilespmem:s29+$0x0]  }
0x3e4: {  	v2 =	vld [tilespmem:s28+$0x5700];
	_ =	sdelay $0x5  }
0x3e5: {  	[tilespmem:$0x6000] =	vst v2  }
0x3e6: {  	v1 =	vld.idx.msk [tilespmem:v1+s3+$0x0], $0xffff  }
0x3e7: {  	v3 =	vld.idx.msk [tilespmem:v2+s3+$0x0], $0xffff  }
0x3e8: {  	v2 =	vld.idx.msk [tilespmem:v2+s6+$0x0], $0xffff;
	_ =	sdelay $0x4  }
0x3e9: {  	v1 =	vadd.f32 v2, v1;
	v2 =	vadd.f32 v2, v3;
	_ =	sdelay $0x1  }
0x3ea: {  	v3 =	vmul.f32 $2.000000030e-01, v1;
	v59 =	vmul.f32 $2.000000030e-01, v2  }
0x3eb: {  	vm0 =	vge.f32 v1, $0.0e+00;
	vm1 =	vge.f32 v2, $0.0e+00  }
0x3ec: {  	v1 =	vsel vm0, v1, v3;
	v2 =	vsel vm1, v2, v59  }
0x3ed: {  	v1 =	vsub.f32 v1, v2;
	_ =	sdelay $0x1  }
0x3ee: {  	v1 =	vmul.f32 $1.442695020e+00, v1;
	_ =	sdelay $0x1  }
0x3ef: {  	(erf) = vpow2.f32 v1;
	_ =	sdelay $0x8  }
0x3f0: {  	v1 =	vpop (erf)  }
0x3f1: {  	[tilespmem:$0x6200] =	vst v1  }
0x3f2: {  	v1 =	vld [tilespmem:s28+$0x4F10]  }
0x3f3: {  	v2 =	vld [tilespmem:s28+$0x5710];
	_ =	sdelay $0x5  }
0x3f4: {  	[tilespmem:$0x6010] =	vst v2  }
0x3f5: {  	v1 =	vld.idx.msk [tilespmem:v1+s3+$0x0], $0xffff  }
0x3f6: {  	v3 =	vld.idx.msk [tilespmem:v2+s3+$0x0], $0xffff  }
0x3f7: {  	v2 =	vld.idx.msk [tilespmem:v2+s6+$0x0], $0xffff;
	_ =	sdelay $0x4  }
0x3f8: {  	v1 =	vadd.f32 v2, v1;
	v2 =	vadd.f32 v2, v3;
	_ =	sdelay $0x1  }
0x3f9: {  	v3 =	vmul.f32 $2.000000030e-01, v1;
	v60 =	vmul.f32 $2.000000030e-01, v2  }
0x3fa: {  	vm8 =	vge.f32 v1, $0.0e+00;
	vm9 =	vge.f32 v2, $0.0e+00  }
0x3fb: {  	v1 =	vsel vm8, v1, v3;
	v2 =	vsel vm9, v2, v60  }
0x3fc: {  	v1 =	vsub.f32 v1, v2;
	_ =	sdelay $0x1  }
0x3fd: {  	v1 =	vmul.f32 $1.442695020e+00, v1;
	_ =	sdelay $0x1  }
0x3fe: {  	(erf) = vpow2.f32 v1;
	_ =	sdelay $0x8  }
0x3ff: {  	v1 =	vpop (erf)  }
0x400: {  	[tilespmem:$0x6210] =	vst v1  }
0x401: {  	v1 =	vld [tilespmem:s28+$0x4F20]  }
0x402: {  	v2 =	vld [tilespmem:s28+$0x5720];
	_ =	sdelay $0x5  }
0x403: {  	[tilespmem:$0x6020] =	vst v2  }
0x404: {  	v1 =	vld.idx.msk [tilespmem:v1+s3+$0x0], $0xffff  }
0x405: {  	v3 =	vld.idx.msk [tilespmem:v2+s3+$0x0], $0xffff  }
0x406: {  	v2 =	vld.idx.msk [tilespmem:v2+s6+$0x0], $0xffff;
	_ =	sdelay $0x4  }
0x407: {  	v1 =	vadd.f32 v2, v1;
	v2 =	vadd.f32 v2, v3;
	_ =	sdelay $0x1  }
0x408: {  	v3 =	vmul.f32 $2.000000030e-01, v1;
	v61 =	vmul.f32 $2.000000030e-01, v2  }
0x409: {  	vm10 =	vge.f32 v1, $0.0e+00;
	vm11 =	vge.f32 v2, $0.0e+00  }
0x40a: {  	v1 =	vsel vm10, v1, v3;
	v2 =	vsel vm11, v2, v61  }
0x40b: {  	v1 =	vsub.f32 v1, v2;
	_ =	sdelay $0x1  }
0x40c: {  	v1 =	vmul.f32 $1.442695020e+00, v1;
	_ =	sdelay $0x1  }
0x40d: {  	(erf) = vpow2.f32 v1;
	_ =	sdelay $0x8  }
0x40e: {  	v1 =	vpop (erf)  }
0x40f: {  	[tilespmem:$0x6220] =	vst v1  }
0x410: {  	v1 =	vld [tilespmem:s28+$0x4F30]  }
0x411: {  	v2 =	vld [tilespmem:s28+$0x5730];
	_ =	sdelay $0x5  }
0x412: {  	[tilespmem:$0x6080] =	vst v2  }
0x413: {  	v1 =	vld.idx.msk [tilespmem:v1+s3+$0x0], $0xffff  }
0x414: {  	v3 =	vld.idx.msk [tilespmem:v2+s3+$0x0], $0xffff  }
0x415: {  	v2 =	vld.idx.msk [tilespmem:v2+s6+$0x0], $0xffff;
	_ =	sdelay $0x4  }
0x416: {  	v1 =	vadd.f32 v2, v1;
	v2 =	vadd.f32 v2, v3;
	_ =	sdelay $0x1  }
0x417: {  	v3 =	vmul.f32 $2.000000030e-01, v1;
	v62 =	vmul.f32 $2.000000030e-01, v2  }
0x418: {  	vm12 =	vge.f32 v1, $0.0e+00;
	vm13 =	vge.f32 v2, $0.0e+00  }
0x419: {  	v1 =	vsel vm12, v1, v3;
	v2 =	vsel vm13, v2, v62  }
0x41a: {  	v1 =	vsub.f32 v1, v2;
	_ =	sdelay $0x1  }
0x41b: {  	v1 =	vmul.f32 $1.442695020e+00, v1;
	_ =	sdelay $0x1  }
0x41c: {  	(erf) = vpow2.f32 v1;
	_ =	sdelay $0x8  }
0x41d: {  	v1 =	vpop (erf)  }
0x41e: {  	[tilespmem:$0x6280] =	vst v1  }
0x41f: {  	v1 =	vld [tilespmem:s28+$0x4F40]  }
0x420: {  	v2 =	vld [tilespmem:s28+$0x5740];
	_ =	sdelay $0x5  }
0x421: {  	[tilespmem:$0x6090] =	vst v2  }
0x422: {  	v1 =	vld.idx.msk [tilespmem:v1+s3+$0x0], $0xffff  }
0x423: {  	v3 =	vld.idx.msk [tilespmem:v2+s3+$0x0], $0xffff  }
0x424: {  	v2 =	vld.idx.msk [tilespmem:v2+s6+$0x0], $0xffff;
	_ =	sdelay $0x4  }
0x425: {  	v1 =	vadd.f32 v2, v1;
	v2 =	vadd.f32 v2, v3;
	_ =	sdelay $0x1  }
0x426: {  	v3 =	vmul.f32 $2.000000030e-01, v1;
	v63 =	vmul.f32 $2.000000030e-01, v2  }
0x427: {  	vm14 =	vge.f32 v1, $0.0e+00;
	vm15 =	vge.f32 v2, $0.0e+00  }
0x428: {  	v1 =	vsel vm14, v1, v3;
	v2 =	vsel vm15, v2, v63  }
0x429: {  	v1 =	vsub.f32 v1, v2;
	_ =	sdelay $0x1  }
0x42a: {  	v1 =	vmul.f32 $1.442695020e+00, v1;
	_ =	sdelay $0x1  }
0x42b: {  	(erf) = vpow2.f32 v1;
	_ =	sdelay $0x3  }
0x42c: {  	s26 =	sadd.s32 $0x1, s26  }
0x42d: {  	p1 =	sne.s32 s26, $0x3D  }
.Ltmp8:
0x42e: {  	_ = 	snop;
	(pc) =	sbr.rel @p1 .LBB2_10-.Ltmp8, $3  }
0x42f: {  	_ =	sdelay $0x1  }
0x430: {  	v1 =	vpop (erf)  }
0x431: {  	[tilespmem:$0x6290] =	vst v1  }
0x432: {  	_ =	swait.ge [sflag:s31], $0x1800  }
0x433: {  	[sflag:s31] =	ssyncset.done $0x0  }
0x434: {  	[sflag:s31] =	ssyncadd.s32 $0xFFFFE800  }
0x435: {  	_ =	swait.ge [sflag:s31], $0x1000  }
0x436: {  	[sflag:s31] =	ssyncset.done $0x0  }
0x437: {  	[sflag:s31] =	ssyncadd.s32 $0xFFFFF000  }
0x438: {  	_ =	swait.ge [sflag:s31], $0x30  }
0x439: {  	s0 =	simm.s32 $0x0;
	[sflag:s31] =	ssyncset.done $0x0  }
0x43a: {  	s10 =	simm.s32 $0x2;
	v1 =	vmov s0;
	[sflag:s31] =	ssyncadd.s32 $0xFFFFFFD0  }
0x43b: {  	v2 =	vmov s10;
	v1 =	vand.u32 $0xFFFFFFFC, v1;
	_ =	swait.ge [sflag:s31], $0x20  }
0x43c: {  	s22 =	simm.s32 $0x6300;
	s7 =	simm.s32 $0x50;
	v2 =	vand.u32 $0xFFFFFFFE, v2;
	v1 =	vbroadcast v1, $0x0;
	[sflag:s31] =	ssyncset.done $0x0  }
0x43d: {  	s9 =	simm.s32 $0x5680;
	s24 =	simm.s32 $0x2;
	v2 =	vbroadcast v2, $0x0;
	[sflag:s31] =	ssyncadd.s32 $0xFFFFFFE0  }
0x43e: {  	[tilespmem:s22], [sflag:$0x1] =	stream.indirect.gather [hbm4b:s1+s7], $0x80, s9, s7, $0xb8;
	[tilespmem:$0x1F1F8] =	vst v63  }
0x43f: {  	_ =	swait.ge [sflag:s24], $0x2800  }
0x440: {  	[sflag:s24] =	ssyncset.done $0x0  }
0x441: {  	[sflag:s24] =	ssyncadd.s32 $0xFFFFD800  }
0x442: {  	v1 =	vld.idx.msk [tilespmem:v1+s11+$0x0], $0xffff  }
0x443: {  	s25 =	simm.s32 $0x1;
	s10 =	simm.s32 $0x8C00;
	v2 =	vld.idx.msk [tilespmem:v2+s11+$0x0], $0xffff  }
0x444: {  	v3 =	vmov s25;
	v4 =	vld [tilespmem:s10+$0x70]  }
0x445: {  	v3 =	vand.u32 $0xFFFFFFFD, v3;
	v5 =	vld [tilespmem:s10+$0xFFFFFF00]  }
0x446: {  	v3 =	vbroadcast v3, $0x0;
	v6 =	vld [tilespmem:s10+$0xFFFFFF10]  }
0x447: {  	v7 =	vld [tilespmem:s10+$0xFFFFFF20]  }
0x448: {  	v8 =	vld [tilespmem:s10+$0xFFFFFF30]  }
0x449: {  	v9 =	vld [tilespmem:s10+$0xFFFFFF40]  }
0x44a: {  	v10 =	vld [tilespmem:s10+$0xFFFFFF50]  }
0x44b: {  	v11 =	vld [tilespmem:s10+$0xFFFFFF60];
	v5 =	vmul.f32 v5, v1  }
0x44c: {  	v3 =	vld.idx.msk [tilespmem:v3+s11+$0x0], $0xffff;
	v4 =	vmul.f32 v4, v2  }
0x44d: {  	v13 =	vld [tilespmem:s10+$0x40];
	[tilespmem:s10+$0xFFFFFF00] =	vst v5;
	v5 =	vmul.f32 v6, v1  }
0x44e: {  	v6 =	vld [tilespmem:s10+$0xFFFFFF70];
	[tilespmem:s10+$0x70] =	vst v4;
	v4 =	vmul.f32 v7, v1  }
0x44f: {  	v7 =	vld [tilespmem:s10+$0xFFFFFF80];
	[tilespmem:s10+$0xFFFFFF10] =	vst v5;
	v5 =	vmul.f32 v8, v1  }
0x450: {  	v8 =	vld [tilespmem:s10+$0xFFFFFF90];
	[tilespmem:s10+$0xFFFFFF20] =	vst v4;
	v4 =	vmul.f32 v9, v1  }
0x451: {  	v9 =	vld [tilespmem:s10+$0xFFFFFFA0];
	[tilespmem:s10+$0xFFFFFF30] =	vst v5;
	v5 =	vmul.f32 v10, v1  }
0x452: {  	v10 =	vld [tilespmem:s10+$0xFFFFFFB0];
	[tilespmem:s10+$0xFFFFFF40] =	vst v4;
	v4 =	vmul.f32 v11, v1  }
0x453: {  	v11 =	vld [tilespmem:s10+$0xFFFFFFC0];
	v6 =	vmul.f32 v6, v1;
	[tilespmem:s10+$0xFFFFFF50] =	vst v5  }
0x454: {  	v5 =	vmul.f32 v7, v3;
	v7 =	vld [tilespmem:s10+$0xFFFFFFD0];
	[tilespmem:s10+$0xFFFFFF60] =	vst v4  }
0x455: {  	s26 =	simm.s32 $0x3;
	v4 =	vld [tilespmem:s10+$0xFFFFFFE0];
	v8 =	vmul.f32 v8, v3;
	[tilespmem:s10+$0xFFFFFF70] =	vst v6  }
0x456: {  	v12 =	vmov s26;
	v6 =	vld [tilespmem:s10+$0xFFFFFFF0];
	[tilespmem:s10+$0xFFFFFF80] =	vst v5;
	v5 =	vmul.f32 v9, v3  }
0x457: {  	v9 =	vld [tilespmem:s10+$0x0];
	[tilespmem:s10+$0xFFFFFF90] =	vst v8;
	v8 =	vmul.f32 v10, v3  }
0x458: {  	v10 =	vld [tilespmem:s10+$0x10];
	[tilespmem:s10+$0xFFFFFFA0] =	vst v5;
	v5 =	vmul.f32 v11, v3  }
0x459: {  	[tilespmem:s10+$0xFFFFFFB0] =	vst v8;
	v7 =	vmul.f32 v7, v3;
	v8 =	vld [tilespmem:s10+$0x20]  }
0x45a: {  	v11 =	vld [tilespmem:s10+$0x30];
	v4 =	vmul.f32 v4, v3;
	[tilespmem:s10+$0xFFFFFFC0] =	vst v5  }
0x45b: {  	v1 =	vld.idx.msk [tilespmem:v12+s11+$0x0], $0xffff;
	v3 =	vmul.f32 v6, v3;
	[tilespmem:s10+$0xFFFFFFD0] =	vst v7  }
0x45c: {  	[tilespmem:s10+$0xFFFFFFE0] =	vst v4;
	v5 =	vmul.f32 v9, v2;
	v4 =	vld [tilespmem:s10+$0x50]  }
0x45d: {  	s28 =	simm.s32 $0x4;
	[tilespmem:s10+$0xFFFFFFF0] =	vst v3;
	v6 =	vmul.f32 v10, v2;
	v3 =	vld [tilespmem:s10+$0x60]  }
0x45e: {  	s29 =	simm.s32 $0x7;
	v7 =	vmov s28;
	[tilespmem:s10+$0x0] =	vst v5;
	v9 =	vmul.f32 v8, v2;
	v8 =	vld [tilespmem:s10+$0x80]  }
0x45f: {  	s30 =	simm.s32 $0x5;
	v12 =	vand.u32 $0xFFFFFFFC, v7;
	v7 =	vld [tilespmem:s10+$0x90];
	v5 =	vmov s29;
	v10 =	vmul.f32 v11, v2;
	[tilespmem:s10+$0x10] =	vst v6  }
0x460: {  	s9 =	simm.s32 $0x8;
	s22 =	simm.s32 $0x8C00;
	s24 =	simm.s32 $0x6;
	v11 =	vmul.f32 v13, v2;
	v6 =	vbroadcast v12, $0x0;
	v12 =	vmov s30;
	[tilespmem:s10+$0x20] =	vst v9;
	v9 =	vld [tilespmem:s10+$0xA0]  }
.LBB2_20:
0x461: {  	p1 =	slt.u32 s9, $0x2C;
	v12 =	vand.u32 $0xFFFFFFFD, v12;
	v13 =	vmov s24;
	[tilespmem:s10+$0x30] =	vst v10;
	v4 =	vmul.f32 v4, v2;
	v10 =	vld [tilespmem:s10+$0xB0]  }
0x462: {  	v12 =	vbroadcast v12, $0x0;
	v13 =	vand.u32 $0xFFFFFFFE, v13;
	[tilespmem:s10+$0x40] =	vst v11;
	v2 =	vmul.f32 v3, v2;
	v3 =	vld [tilespmem:s10+$0xC0]  }
0x463: {  	v11 =	vbroadcast v13, $0x0;
	[tilespmem:s10+$0x50] =	vst v4;
	v4 =	vmul.f32 v8, v1;
	v8 =	vld [tilespmem:s10+$0xD0]  }
0x464: {  	[tilespmem:s10+$0x60] =	vst v2;
	v2 =	vmul.f32 v7, v1;
	v7 =	vld [tilespmem:s10+$0xE0]  }
0x465: {  	[tilespmem:s10+$0x80] =	vst v4;
	v4 =	vmul.f32 v9, v1;
	v9 =	vld [tilespmem:s10+$0xF0]  }
0x466: {  	v5 =	vld.idx.msk [tilespmem:v5+s11+$0x0], $0xffff;
	[tilespmem:s10+$0x90] =	vst v2;
	v2 =	vmul.f32 v10, v1  }
0x467: {  	v6 =	vld.idx.msk [tilespmem:v6+s11+$0x0], $0xffff;
	[tilespmem:s10+$0xA0] =	vst v4;
	v3 =	vmul.f32 v3, v1  }
0x468: {  	v4 =	vld.idx.msk [tilespmem:v12+s11+$0x0], $0xffff;
	[tilespmem:s10+$0xB0] =	vst v2;
	v8 =	vmul.f32 v8, v1  }
0x469: {  	s10 =	sadd.s32 $0x200, s10;
	v2 =	vld.idx.msk [tilespmem:v11+s11+$0x0], $0xffff;
	[tilespmem:s22+$0xC0] =	vst v3;
	v3 =	vmul.f32 v7, v1  }
0x46a: {  	v7 =	vld [tilespmem:s10+$0x70];
	[tilespmem:s22+$0xD0] =	vst v8;
	v9 =	vmul.f32 v9, v1  }
0x46b: {  	v8 =	vld [tilespmem:s10+$0xFFFFFF00];
	[tilespmem:s22+$0xE0] =	vst v3  }
0x46c: {  	v1 =	vmov v5;
	v3 =	vld [tilespmem:s10+$0xFFFFFF10];
	[tilespmem:s22+$0xF0] =	vst v9;
	s22 =	smov.u32 s10  }
0x46d: {  	v5 =	vld [tilespmem:s10+$0xFFFFFF20]  }
0x46e: {  	v9 =	vld [tilespmem:s10+$0xFFFFFF30]  }
0x46f: {  	v10 =	vld [tilespmem:s10+$0xFFFFFF40];
	v7 =	vmul.f32 v7, v2  }
0x470: {  	v8 =	vmul.f32 v8, v6;
	v11 =	vld [tilespmem:s10+$0xFFFFFF50]  }
0x471: {  	v3 =	vmul.f32 v3, v6;
	v12 =	vld [tilespmem:s10+$0xFFFFFF60];
	[tilespmem:s10+$0x70] =	vst v7  }
0x472: {  	[tilespmem:s10+$0xFFFFFF00] =	vst v8;
	v5 =	vmul.f32 v5, v6;
	v7 =	vld [tilespmem:s10+$0xFFFFFF70]  }
0x473: {  	[tilespmem:s10+$0xFFFFFF10] =	vst v3;
	v3 =	vmul.f32 v9, v6;
	v8 =	vld [tilespmem:s10+$0xFFFFFF80]  }
0x474: {  	[tilespmem:s10+$0xFFFFFF20] =	vst v5;
	v5 =	vmul.f32 v10, v6;
	v9 =	vld [tilespmem:s10+$0xFFFFFF90]  }
0x475: {  	[tilespmem:s10+$0xFFFFFF30] =	vst v3;
	v3 =	vmul.f32 v11, v6;
	v10 =	vld [tilespmem:s10+$0xFFFFFFA0]  }
0x476: {  	[tilespmem:s10+$0xFFFFFF40] =	vst v5;
	v5 =	vmul.f32 v12, v6;
	v11 =	vld [tilespmem:s10+$0xFFFFFFB0]  }
0x477: {  	[tilespmem:s10+$0xFFFFFF50] =	vst v3;
	v3 =	vmul.f32 v7, v6;
	v6 =	vld [tilespmem:s10+$0xFFFFFFC0]  }
0x478: {  	[tilespmem:s10+$0xFFFFFF60] =	vst v5;
	v5 =	vmul.f32 v8, v4;
	v7 =	vld [tilespmem:s10+$0xFFFFFFD0]  }
0x479: {  	[tilespmem:s10+$0xFFFFFF70] =	vst v3;
	v3 =	vmul.f32 v9, v4;
	v8 =	vld [tilespmem:s10+$0xFFFFFFE0]  }
0x47a: {  	[tilespmem:s10+$0xFFFFFF80] =	vst v5;
	v5 =	vmul.f32 v10, v4;
	v9 =	vld [tilespmem:s10+$0xFFFFFFF0]  }
0x47b: {  	[tilespmem:s10+$0xFFFFFF90] =	vst v3;
	v3 =	vmul.f32 v11, v4;
	v10 =	vld [tilespmem:s10+$0x0]  }
0x47c: {  	[tilespmem:s10+$0xFFFFFFA0] =	vst v5;
	v5 =	vmul.f32 v6, v4;
	v6 =	vld [tilespmem:s10+$0x10]  }
0x47d: {  	[tilespmem:s10+$0xFFFFFFB0] =	vst v3;
	v3 =	vmul.f32 v7, v4;
	v7 =	vld [tilespmem:s10+$0x20]  }
0x47e: {  	[tilespmem:s10+$0xFFFFFFC0] =	vst v5;
	v5 =	vmul.f32 v8, v4;
	v11 =	vld [tilespmem:s10+$0x30]  }
0x47f: {  	[tilespmem:s10+$0xFFFFFFD0] =	vst v3;
	v3 =	vmul.f32 v9, v4;
	v9 =	vld [tilespmem:s10+$0x40]  }
.Ltmp9:
0x480: {  	[tilespmem:s10+$0xFFFFFFE0] =	vst v5;
	v5 =	vmul.f32 v10, v2;
	v4 =	vld [tilespmem:s10+$0x50];
	(pc) =	sbr.rel @p1 .LBB2_20-.Ltmp9, $4  }
0x481: {  	[tilespmem:s10+$0xFFFFFFF0] =	vst v3;
	v6 =	vmul.f32 v6, v2;
	v3 =	vld [tilespmem:s10+$0x60]  }
0x482: {  	s0 =	sadd.s32 $0x3, s9;
	v10 =	vmov s9;
	[tilespmem:s10+$0x0] =	vst v5;
	v13 =	vmul.f32 v7, v2;
	v8 =	vld [tilespmem:s10+$0x80]  }
0x483: {  	s7 =	sadd.s32 $0x1, s9;
	v12 =	vand.u32 $0xFFFFFFFC, v10;
	v5 =	vmov s0;
	[tilespmem:s10+$0x10] =	vst v6;
	v10 =	vmul.f32 v11, v2;
	v7 =	vld [tilespmem:s10+$0x90]  }
0x484: {  	s24 =	sadd.s32 $0x2, s9;
	s9 =	sadd.s32 $0x4, s9;
	v6 =	vbroadcast v12, $0x0;
	v12 =	vmov s7;
	[tilespmem:s10+$0x20] =	vst v13;
	v11 =	vmul.f32 v9, v2;
	v9 =	vld [tilespmem:s10+$0xA0]  }
0x485: {  	v13 =	vld [tilespmem:s10+$0xB0]  }
0x486: {  	v15 =	vld [tilespmem:s10+$0xC0]  }
0x487: {  	v14 =	vmov s24;
	v16 =	vld [tilespmem:s10+$0xD0]  }
0x488: {  	v17 =	vld [tilespmem:s10+$0xE0];
	[tilespmem:s10+$0x30] =	vst v10;
	v4 =	vmul.f32 v4, v2;
	v14 =	vand.u32 $0xFFFFFFFE, v14  }
0x489: {  	v5 =	vld.idx.msk [tilespmem:v5+s11+$0x0], $0xffff;
	[tilespmem:s10+$0x40] =	vst v11;
	v2 =	vmul.f32 v3, v2;
	v14 =	vbroadcast v14, $0x0  }
0x48a: {  	v12 =	vand.u32 $0xFFFFFFFD, v12;
	s9 =	sadd.s32 $0x200, s10;
	v3 =	vld.idx.msk [tilespmem:v6+s11+$0x0], $0xffff;
	v8 =	vmul.f32 v8, v1;
	[tilespmem:s10+$0x50] =	vst v4  }
0x48b: {  	v12 =	vbroadcast v12, $0x0;
	v10 =	vld [tilespmem:s9+$0xFFFFFF00];
	v4 =	vmul.f32 v7, v1;
	[tilespmem:s10+$0x60] =	vst v2  }
0x48c: {  	[tilespmem:s10+$0x80] =	vst v8;
	v8 =	vld [tilespmem:s10+$0xF0];
	v2 =	vmul.f32 v9, v1  }
0x48d: {  	v11 =	vld [tilespmem:s9+$0xFFFFFF10];
	[tilespmem:s10+$0x90] =	vst v4;
	v4 =	vmul.f32 v13, v1  }
0x48e: {  	v9 =	vld [tilespmem:s9+$0x70];
	[tilespmem:s10+$0xA0] =	vst v2;
	v2 =	vmul.f32 v15, v1  }
0x48f: {  	[tilespmem:s10+$0xB0] =	vst v4;
	v4 =	vmul.f32 v16, v1;
	v7 =	vld.idx.msk [tilespmem:v14+s11+$0x0], $0xffff  }
0x490: {  	v61 =	vld [tilespmem:s9+$0xFFFFFF20];
	[tilespmem:s22+$0xC0] =	vst v2;
	v2 =	vmul.f32 v17, v1  }
0x491: {  	v6 =	vld.idx.msk [tilespmem:v12+s11+$0x0], $0xffff;
	[tilespmem:s22+$0xD0] =	vst v4;
	v1 =	vmul.f32 v8, v1  }
0x492: {  	v4 =	vld [tilespmem:s9+$0xFFFFFF30];
	[tilespmem:s22+$0xE0] =	vst v2  }
0x493: {  	v2 =	vld [tilespmem:s9+$0xFFFFFF40];
	[tilespmem:s22+$0xF0] =	vst v1;
	v1 =	vmul.f32 v10, v3  }
0x494: {  	v8 =	vmul.f32 v9, v7;
	v9 =	vld [tilespmem:s9+$0xFFFFFF50]  }
0x495: {  	v10 =	vmul.f32 v11, v3;
	v11 =	vld [tilespmem:s9+$0xFFFFFF60];
	[tilespmem:s9+$0xFFFFFF00] =	vst v1  }
0x496: {  	v1 =	vmul.f32 v61, v3;
	[tilespmem:s9+$0x70] =	vst v8;
	v8 =	vld [tilespmem:s9+$0xFFFFFF70]  }
0x497: {  	[tilespmem:s9+$0xFFFFFF10] =	vst v10;
	v10 =	vld [tilespmem:s9+$0xFFFFFF80];
	v4 =	vmul.f32 v4, v3  }
0x498: {  	[tilespmem:s9+$0xFFFFFF20] =	vst v1;
	v1 =	vmul.f32 v2, v3;
	v2 =	vld [tilespmem:s9+$0xFFFFFF90]  }
0x499: {  	[tilespmem:s9+$0xFFFFFF30] =	vst v4;
	v4 =	vmul.f32 v9, v3;
	v9 =	vld [tilespmem:s9+$0xFFFFFFA0]  }
0x49a: {  	[tilespmem:s9+$0xFFFFFF40] =	vst v1;
	v1 =	vmul.f32 v11, v3;
	v11 =	vld [tilespmem:s9+$0xFFFFFFB0]  }
0x49b: {  	[tilespmem:s9+$0xFFFFFF50] =	vst v4;
	v3 =	vmul.f32 v8, v3;
	v4 =	vld [tilespmem:s9+$0xFFFFFFC0]  }
0x49c: {  	[tilespmem:s9+$0xFFFFFF60] =	vst v1;
	v1 =	vmul.f32 v10, v6;
	v8 =	vld [tilespmem:s9+$0xFFFFFFD0]  }
0x49d: {  	v2 =	vmul.f32 v2, v6;
	[tilespmem:s9+$0xFFFFFF70] =	vst v3;
	v3 =	vld [tilespmem:s9+$0xFFFFFFE0]  }
0x49e: {  	[tilespmem:s9+$0xFFFFFF80] =	vst v1;
	v1 =	vmul.f32 v9, v6;
	v9 =	vld [tilespmem:s9+$0xFFFFFFF0]  }
0x49f: {  	v10 =	vld [tilespmem:s9+$0x0];
	[tilespmem:s9+$0xFFFFFF90] =	vst v2;
	v2 =	vmul.f32 v11, v6  }
0x4a0: {  	[tilespmem:s9+$0xFFFFFFA0] =	vst v1;
	v1 =	vmul.f32 v4, v6;
	v4 =	vld [tilespmem:s9+$0x10]  }
0x4a1: {  	[tilespmem:s9+$0xFFFFFFB0] =	vst v2;
	v2 =	vmul.f32 v8, v6;
	v8 =	vld [tilespmem:s9+$0x20]  }
0x4a2: {  	[tilespmem:s9+$0xFFFFFFC0] =	vst v1;
	v1 =	vmul.f32 v3, v6;
	v3 =	vld [tilespmem:s9+$0x30]  }
0x4a3: {  	[tilespmem:s9+$0xFFFFFFD0] =	vst v2;
	v2 =	vmul.f32 v9, v6;
	v6 =	vld [tilespmem:s9+$0x40]  }
0x4a4: {  	v9 =	vld [tilespmem:s9+$0x50];
	[tilespmem:s9+$0xFFFFFFE0] =	vst v1;
	v1 =	vmul.f32 v10, v7  }
0x4a5: {  	[tilespmem:s9+$0xFFFFFFF0] =	vst v2;
	v2 =	vmul.f32 v4, v7;
	v4 =	vld [tilespmem:s9+$0x60]  }
0x4a6: {  	[tilespmem:s9+$0x0] =	vst v1;
	v1 =	vmul.f32 v8, v7;
	v8 =	vld [tilespmem:s9+$0x80]  }
0x4a7: {  	[tilespmem:s9+$0x10] =	vst v2;
	v2 =	vmul.f32 v3, v7;
	v3 =	vld [tilespmem:s9+$0x90]  }
0x4a8: {  	[tilespmem:s9+$0x20] =	vst v1;
	v1 =	vmul.f32 v6, v7;
	v6 =	vld [tilespmem:s9+$0xA0]  }
0x4a9: {  	[tilespmem:s9+$0x30] =	vst v2;
	v2 =	vmul.f32 v9, v7;
	v9 =	vld [tilespmem:s9+$0xB0]  }
0x4aa: {  	[tilespmem:s9+$0x40] =	vst v1;
	v1 =	vmul.f32 v4, v7;
	v4 =	vld [tilespmem:s9+$0xC0]  }
0x4ab: {  	v7 =	vld [tilespmem:s9+$0xD0];
	[tilespmem:s9+$0x50] =	vst v2;
	v2 =	vmul.f32 v8, v5  }
0x4ac: {  	[tilespmem:s9+$0x60] =	vst v1;
	v1 =	vmul.f32 v3, v5;
	v3 =	vld [tilespmem:s9+$0xE0]  }
0x4ad: {  	s0 =	simm.s32 $0x0;
	[tilespmem:s9+$0x80] =	vst v2;
	v2 =	vmul.f32 v6, v5;
	v6 =	vld [tilespmem:s9+$0xF0]  }
0x4ae: {  	v8 =	vmov s0;
	[tilespmem:s9+$0x90] =	vst v1;
	v1 =	vmul.f32 v9, v5  }
0x4af: {  	[tilespmem:s9+$0xA0] =	vst v2;
	v2 =	vmul.f32 v4, v5;
	v4 =	vand.u32 $0xFFFFFFFC, v8  }
0x4b0: {  	[tilespmem:s9+$0xB0] =	vst v1;
	v1 =	vmul.f32 v7, v5;
	v4 =	vbroadcast v4, $0x0  }
0x4b1: {  	s24 =	simm.s32 $0x2;
	[tilespmem:s9+$0xC0] =	vst v2;
	v2 =	vmul.f32 v3, v5  }
0x4b2: {  	v8 =	vmov s24;
	[tilespmem:s9+$0xD0] =	vst v1;
	v1 =	vmul.f32 v6, v5  }
0x4b3: {  	v7 =	vand.u32 $0xFFFFFFFE, v8;
	[tilespmem:s9+$0xE0] =	vst v2  }
0x4b4: {  	s25 =	simm.s32 $0x8B00;
	s7 =	simm.s32 $0x6000;
	v3 =	vbroadcast v7, $0x0;
	[tilespmem:s9+$0xF0] =	vst v1  }
0x4b5: {  	[spmem:s2] =	stream.indirect.scatter.add.f32 [tilespmem:s25], [sflag:$0x4], $0x80, s7, s14, $0xb8;
	[tilespmem:$0x1F1F8] =	vst v63  }
0x4b6: {  	s10 =	simm.s32 $0xA4F0;
	v2 =	vld.idx.msk [tilespmem:v4+s8+$0x0], $0xffff  }
0x4b7: {  	v4 =	vld [tilespmem:s10+$0xFFFFFF80]  }
0x4b8: {  	v5 =	vld [tilespmem:s10+$0xFFFFFE10]  }
0x4b9: {  	s26 =	simm.s32 $0x1;
	v6 =	vld [tilespmem:s10+$0xFFFFFE20]  }
0x4ba: {  	v1 =	vld.idx.msk [tilespmem:v3+s8+$0x0], $0xffff;
	v3 =	vmov s26  }
0x4bb: {  	v7 =	vld [tilespmem:s10+$0xFFFFFE30];
	v3 =	vand.u32 $0xFFFFFFFD, v3  }
0x4bc: {  	v8 =	vld [tilespmem:s10+$0xFFFFFE40];
	v3 =	vbroadcast v3, $0x0  }
0x4bd: {  	v9 =	vld [tilespmem:s10+$0xFFFFFE50]  }
0x4be: {  	v10 =	vld [tilespmem:s10+$0xFFFFFE60];
	v5 =	vmul.f32 v5, v2  }
0x4bf: {  	v11 =	vld [tilespmem:s10+$0xFFFFFE70];
	v4 =	vmul.f32 v4, v1  }
0x4c0: {  	[tilespmem:s10+$0xFFFFFE10] =	vst v5;
	v5 =	vmul.f32 v6, v2;
	v6 =	vld [tilespmem:s10+$0xFFFFFE80]  }
0x4c1: {  	[tilespmem:s10+$0xFFFFFF80] =	vst v4;
	v4 =	vmul.f32 v7, v2;
	v7 =	vld [tilespmem:s10+$0xFFFFFE90]  }
0x4c2: {  	v3 =	vld.idx.msk [tilespmem:v3+s8+$0x0], $0xffff;
	[tilespmem:s10+$0xFFFFFE20] =	vst v5;
	v5 =	vmul.f32 v8, v2  }
0x4c3: {  	v8 =	vld [tilespmem:s10+$0xFFFFFEA0];
	[tilespmem:s10+$0xFFFFFE30] =	vst v4;
	v4 =	vmul.f32 v9, v2  }
0x4c4: {  	v9 =	vld [tilespmem:s10+$0xFFFFFEB0];
	[tilespmem:s10+$0xFFFFFE40] =	vst v5;
	v5 =	vmul.f32 v10, v2  }
0x4c5: {  	v10 =	vld [tilespmem:s10+$0xFFFFFEC0];
	[tilespmem:s10+$0xFFFFFE50] =	vst v4;
	v4 =	vmul.f32 v11, v2  }
0x4c6: {  	s30 =	simm.s32 $0x3;
	v63 =	vld [tilespmem:s10+$0xFFFFFEE0];
	v6 =	vmul.f32 v6, v2;
	[tilespmem:s10+$0xFFFFFE60] =	vst v5  }
0x4c7: {  	v62 =	vmov s30;
	v11 =	vld [tilespmem:s10+$0xFFFFFED0];
	v5 =	vmul.f32 v7, v3;
	[tilespmem:s10+$0xFFFFFE70] =	vst v4  }
0x4c8: {  	v4 =	vld [tilespmem:s10+$0xFFFFFEF0];
	v7 =	vmul.f32 v8, v3;
	[tilespmem:s10+$0xFFFFFE80] =	vst v6  }
0x4c9: {  	[tilespmem:s10+$0xFFFFFE90] =	vst v5;
	v5 =	vmul.f32 v9, v3  }
0x4ca: {  	[tilespmem:s10+$0xFFFFFEA0] =	vst v7;
	v6 =	vmul.f32 v10, v3  }
0x4cb: {  	v9 =	vmul.f32 v63, v3;
	[tilespmem:s10+$0xFFFFFEB0] =	vst v5  }
0x4cc: {  	v2 =	vld.idx.msk [tilespmem:v62+s8+$0x0], $0xffff;
	v5 =	vmul.f32 v11, v3;
	[tilespmem:s10+$0xFFFFFEC0] =	vst v6  }
0x4cd: {  	v8 =	vld [tilespmem:s10+$0xFFFFFF00];
	[tilespmem:s10+$0xFFFFFEE0] =	vst v9;
	v11 =	vmul.f32 v4, v3  }
0x4ce: {  	v10 =	vld [tilespmem:s10+$0xFFFFFF10];
	[tilespmem:s10+$0xFFFFFED0] =	vst v5  }
0x4cf: {  	v7 =	vld [tilespmem:s10+$0xFFFFFF20];
	[tilespmem:s10+$0xFFFFFEF0] =	vst v11  }
0x4d0: {  	v6 =	vld [tilespmem:s10+$0xFFFFFF30];
	s25 =	rddreg [dreg:$0x11]  }
0x4d1: {  	v5 =	vld [tilespmem:s10+$0xFFFFFF40];
	s26 =	rddreg [dreg:$0x12]  }
0x4d2: {  	v4 =	vld [tilespmem:s10+$0xFFFFFF50];
	v9 =	vmul.f32 v8, v3;
	s28 =	rddreg [dreg:$0x13]  }
0x4d3: {  	s22 =	simm.s32 $0xA4F0;
	s9 =	simm.s32 $0x30;
	v3 =	vld [tilespmem:s10+$0xFFFFFF60];
	v8 =	vmul.f32 v10, v1;
	s29 =	rddreg [dreg:$0x14]  }
.LBB2_22:
0x4d4: {  	s0 =	sadd.s32 $0xFFFFFFD7, s9;
	[tilespmem:s10+$0xFFFFFF00] =	vst v9;
	v7 =	vmul.f32 v7, v1;
	v9 =	vld [tilespmem:s10+$0xFFFFFF70]  }
0x4d5: {  	s7 =	sadd.s32 $0xFFFFFFD4, s9;
	s24 =	sadd.s32 $0xFFFFFFD5, s9;
	v10 =	vmov s0;
	[tilespmem:s10+$0xFFFFFF10] =	vst v8;
	v6 =	vmul.f32 v6, v1;
	v8 =	vld [tilespmem:s10+$0xFFFFFF90]  }
0x4d6: {  	v11 =	vmov s7;
	v12 =	vmov s24;
	[tilespmem:s10+$0xFFFFFF20] =	vst v7;
	v5 =	vmul.f32 v5, v1;
	v7 =	vld [tilespmem:s10+$0xFFFFFFA0]  }
0x4d7: {  	s0 =	sadd.s32 $0xFFFFFFD6, s9;
	s9 =	sadd.s32 $0x4, s9;
	v11 =	vand.u32 $0xFFFFFFFC, v11;
	v12 =	vand.u32 $0xFFFFFFFD, v12;
	[tilespmem:s10+$0xFFFFFF30] =	vst v6;
	v4 =	vmul.f32 v4, v1;
	v6 =	vld [tilespmem:s10+$0xFFFFFFB0]  }
0x4d8: {  	v13 =	vmov s0;
	p1 =	slt.u32 s9, $0x4C;
	v11 =	vbroadcast v11, $0x0;
	[tilespmem:s10+$0xFFFFFF40] =	vst v5;
	v3 =	vmul.f32 v3, v1;
	v5 =	vld [tilespmem:s10+$0xFFFFFFC0]  }
0x4d9: {  	v12 =	vbroadcast v12, $0x0;
	v13 =	vand.u32 $0xFFFFFFFE, v13;
	[tilespmem:s10+$0xFFFFFF50] =	vst v4;
	v1 =	vmul.f32 v9, v1;
	v4 =	vld [tilespmem:s10+$0xFFFFFFD0]  }
0x4da: {  	v9 =	vbroadcast v13, $0x0;
	[tilespmem:s10+$0xFFFFFF60] =	vst v3;
	v3 =	vmul.f32 v8, v2;
	v8 =	vld [tilespmem:s10+$0xFFFFFFE0]  }
0x4db: {  	[tilespmem:s10+$0xFFFFFF70] =	vst v1;
	v1 =	vmul.f32 v7, v2;
	v7 =	vld [tilespmem:s10+$0xFFFFFFF0]  }
0x4dc: {  	[tilespmem:s10+$0xFFFFFF90] =	vst v3;
	v3 =	vmul.f32 v6, v2;
	v6 =	vld [tilespmem:s10+$0x0]  }
0x4dd: {  	v10 =	vld.idx.msk [tilespmem:v10+s8+$0x0], $0xffff;
	[tilespmem:s10+$0xFFFFFFA0] =	vst v1;
	v1 =	vmul.f32 v5, v2  }
0x4de: {  	v5 =	vld.idx.msk [tilespmem:v11+s8+$0x0], $0xffff;
	[tilespmem:s10+$0xFFFFFFB0] =	vst v3;
	v3 =	vmul.f32 v4, v2  }
0x4df: {  	v4 =	vld.idx.msk [tilespmem:v12+s8+$0x0], $0xffff;
	[tilespmem:s10+$0xFFFFFFC0] =	vst v1;
	v8 =	vmul.f32 v8, v2  }
0x4e0: {  	s10 =	sadd.s32 $0x200, s10;
	v1 =	vld.idx.msk [tilespmem:v9+s8+$0x0], $0xffff;
	[tilespmem:s22+$0xFFFFFFD0] =	vst v3;
	v3 =	vmul.f32 v7, v2  }
0x4e1: {  	v7 =	vld [tilespmem:s10+$0xFFFFFF80];
	[tilespmem:s22+$0xFFFFFFE0] =	vst v8;
	v8 =	vmul.f32 v6, v2  }
0x4e2: {  	v6 =	vld [tilespmem:s10+$0xFFFFFE10];
	[tilespmem:s22+$0xFFFFFFF0] =	vst v3  }
0x4e3: {  	v2 =	vmov v10;
	v3 =	vld [tilespmem:s10+$0xFFFFFE20];
	[tilespmem:s22+$0x0] =	vst v8;
	s22 =	smov.u32 s10  }
0x4e4: {  	v8 =	vld [tilespmem:s10+$0xFFFFFE30]  }
0x4e5: {  	v9 =	vld [tilespmem:s10+$0xFFFFFE40]  }
0x4e6: {  	v10 =	vld [tilespmem:s10+$0xFFFFFE50];
	v7 =	vmul.f32 v7, v1  }
0x4e7: {  	v6 =	vmul.f32 v6, v5;
	v11 =	vld [tilespmem:s10+$0xFFFFFE60]  }
0x4e8: {  	v3 =	vmul.f32 v3, v5;
	v12 =	vld [tilespmem:s10+$0xFFFFFE70];
	[tilespmem:s10+$0xFFFFFF80] =	vst v7  }
0x4e9: {  	[tilespmem:s10+$0xFFFFFE10] =	vst v6;
	v6 =	vmul.f32 v8, v5;
	v7 =	vld [tilespmem:s10+$0xFFFFFE80]  }
0x4ea: {  	[tilespmem:s10+$0xFFFFFE20] =	vst v3;
	v3 =	vmul.f32 v9, v5;
	v8 =	vld [tilespmem:s10+$0xFFFFFE90]  }
0x4eb: {  	[tilespmem:s10+$0xFFFFFE30] =	vst v6;
	v6 =	vmul.f32 v10, v5;
	v9 =	vld [tilespmem:s10+$0xFFFFFEA0]  }
0x4ec: {  	[tilespmem:s10+$0xFFFFFE40] =	vst v3;
	v3 =	vmul.f32 v11, v5;
	v10 =	vld [tilespmem:s10+$0xFFFFFEB0]  }
0x4ed: {  	[tilespmem:s10+$0xFFFFFE50] =	vst v6;
	v6 =	vmul.f32 v12, v5;
	v11 =	vld [tilespmem:s10+$0xFFFFFEC0]  }
0x4ee: {  	[tilespmem:s10+$0xFFFFFE60] =	vst v3;
	v3 =	vmul.f32 v7, v5;
	v5 =	vld [tilespmem:s10+$0xFFFFFED0]  }
0x4ef: {  	[tilespmem:s10+$0xFFFFFE70] =	vst v6;
	v6 =	vmul.f32 v8, v4;
	v8 =	vld [tilespmem:s10+$0xFFFFFEE0]  }
0x4f0: {  	[tilespmem:s10+$0xFFFFFE80] =	vst v3;
	v3 =	vmul.f32 v9, v4;
	v9 =	vld [tilespmem:s10+$0xFFFFFEF0]  }
0x4f1: {  	[tilespmem:s10+$0xFFFFFE90] =	vst v6;
	v6 =	vmul.f32 v10, v4;
	v10 =	vld [tilespmem:s10+$0xFFFFFF00]  }
0x4f2: {  	[tilespmem:s10+$0xFFFFFEA0] =	vst v3;
	v3 =	vmul.f32 v11, v4;
	v11 =	vld [tilespmem:s10+$0xFFFFFF10]  }
.Ltmp10:
0x4f3: {  	[tilespmem:s10+$0xFFFFFEB0] =	vst v6;
	v5 =	vmul.f32 v5, v4;
	v7 =	vld [tilespmem:s10+$0xFFFFFF20];
	(pc) =	sbr.rel @p1 .LBB2_22-.Ltmp10, $4  }
0x4f4: {  	[tilespmem:s10+$0xFFFFFEC0] =	vst v3;
	v3 =	vmul.f32 v8, v4;
	v6 =	vld [tilespmem:s10+$0xFFFFFF30]  }
0x4f5: {  	[tilespmem:s10+$0xFFFFFED0] =	vst v5;
	v8 =	vmul.f32 v9, v4;
	v5 =	vld [tilespmem:s10+$0xFFFFFF40]  }
0x4f6: {  	[tilespmem:s10+$0xFFFFFEE0] =	vst v3;
	v9 =	vmul.f32 v10, v4;
	v4 =	vld [tilespmem:s10+$0xFFFFFF50]  }
0x4f7: {  	[tilespmem:s10+$0xFFFFFEF0] =	vst v8;
	v8 =	vmul.f32 v11, v1;
	v3 =	vld [tilespmem:s10+$0xFFFFFF60]  }
0x4f8: {  	[tilespmem:s10+$0xFFFFFF00] =	vst v9;
	v7 =	vmul.f32 v7, v1;
	v9 =	vld [tilespmem:s10+$0xFFFFFF90]  }
0x4f9: {  	v10 =	vld [tilespmem:s10+$0xFFFFFF70];
	[tilespmem:s10+$0xFFFFFF10] =	vst v8;
	v6 =	vmul.f32 v6, v1  }
0x4fa: {  	v8 =	vld [tilespmem:s10+$0xFFFFFFA0];
	[tilespmem:s10+$0xFFFFFF20] =	vst v7;
	v5 =	vmul.f32 v5, v1  }
0x4fb: {  	v7 =	vld [tilespmem:s10+$0xFFFFFFB0];
	[tilespmem:s10+$0xFFFFFF30] =	vst v6;
	v4 =	vmul.f32 v4, v1  }
0x4fc: {  	v6 =	vld [tilespmem:s10+$0xFFFFFFC0];
	[tilespmem:s10+$0xFFFFFF40] =	vst v5;
	v3 =	vmul.f32 v3, v1  }
0x4fd: {  	v5 =	vld [tilespmem:s10+$0xFFFFFFD0];
	[tilespmem:s10+$0xFFFFFF50] =	vst v4;
	v4 =	vmul.f32 v9, v2  }
0x4fe: {  	v9 =	vld [tilespmem:s10+$0xFFFFFFE0];
	v1 =	vmul.f32 v10, v1;
	[tilespmem:s10+$0xFFFFFF60] =	vst v3  }
0x4ff: {  	v3 =	vld [tilespmem:s10+$0xFFFFFFF0];
	v8 =	vmul.f32 v8, v2;
	[tilespmem:s10+$0xFFFFFF90] =	vst v4  }
0x500: {  	[tilespmem:s10+$0xFFFFFF70] =	vst v1;
	v1 =	vmul.f32 v7, v2;
	v4 =	vld [tilespmem:s10+$0x0]  }
0x501: {  	[tilespmem:s10+$0xFFFFFFA0] =	vst v8;
	v6 =	vmul.f32 v6, v2  }
0x502: {  	[tilespmem:s10+$0xFFFFFFB0] =	vst v1;
	v1 =	vmul.f32 v5, v2  }
0x503: {  	[tilespmem:s10+$0xFFFFFFC0] =	vst v6;
	v5 =	vmul.f32 v9, v2  }
0x504: {  	[tilespmem:s22+$0xFFFFFFD0] =	vst v1;
	v1 =	vmul.f32 v3, v2  }
0x505: {  	[tilespmem:s22+$0xFFFFFFE0] =	vst v5;
	v2 =	vmul.f32 v4, v2  }
0x506: {  	[tilespmem:s22+$0xFFFFFFF0] =	vst v1  }
0x507: {  	s0 =	simm.s32 $0xA300;
	[tilespmem:s22+$0x0] =	vst v2  }
0x508: {  	[spmem:s2] =	stream.indirect.scatter.add.f32 [tilespmem:s0], [sflag:$0x4], $0x80, s21, s19, $0xb8;
	[tilespmem:$0x1F1F8] =	vst v63  }
0x509: {  	s24 =	simm.s32 $0x6000  }
0x50a: {  	[spmem:s12] =	stream.indirect.scatter.add.f32 [tilespmem:s11], [sflag:$0x4], $0x1, s24, s14, $0xb8;
	[tilespmem:$0x1F1F8] =	vst v63  }
0x50b: {  	_ = 	snop  }
0x50c: {  	[spmem:s12] =	stream.indirect.scatter.add.f32 [tilespmem:s8], [sflag:$0x4], $0x1, s21, s19, $0xb8;
	[tilespmem:$0x1F1F8] =	vst v63  }
0x50d: {  	v1 =	vld [tilespmem:$0x5680]  }
0x50e: {  	v2 =	vld [tilespmem:$0x5E80];
	_ =	sdelay $0x5  }
0x50f: {  	s9 =	simm.s32 $0x0;
	[tilespmem:$0x5F00] =	vst v2  }
0x510: {  	v1 =	vld.idx.msk [tilespmem:v1+s9+$0x0], $0xffff  }
0x511: {  	v3 =	vld.idx.msk [tilespmem:v2+s9+$0x0], $0xffff  }
0x512: {  	v2 =	vld.idx.msk [tilespmem:v2+s6+$0x0], $0xffff;
	_ =	sdelay $0x4  }
0x513: {  	v1 =	vadd.f32 v2, v1;
	v2 =	vadd.f32 v2, v3;
	_ =	sdelay $0x1  }
0x514: {  	v3 =	vmul.f32 $2.000000030e-01, v1;
	v4 =	vmul.f32 $2.000000030e-01, v2  }
0x515: {  	vm0 =	vge.f32 v1, $0.0e+00;
	vm1 =	vge.f32 v2, $0.0e+00  }
0x516: {  	v1 =	vsel vm0, v1, v3;
	v2 =	vsel vm1, v2, v4  }
0x517: {  	v1 =	vsub.f32 v1, v2;
	_ =	sdelay $0x1  }
0x518: {  	v1 =	vmul.f32 $1.442695020e+00, v1;
	_ =	sdelay $0x1  }
0x519: {  	(erf) = vpow2.f32 v1;
	_ =	sdelay $0x2  }
0x51a: {  	v1 =	vld [tilespmem:$0x5690]  }
0x51b: {  	v2 =	vld [tilespmem:$0x5E90];
	_ =	sdelay $0x4  }
0x51c: {  	[tilespmem:$0x5F10] =	vst v2;
	v3 =	vpop (erf)  }
0x51d: {  	[tilespmem:$0x6100] =	vst v3  }
0x51e: {  	v1 =	vld.idx.msk [tilespmem:v1+s9+$0x0], $0xffff  }
0x51f: {  	v3 =	vld.idx.msk [tilespmem:v2+s9+$0x0], $0xffff  }
0x520: {  	v2 =	vld.idx.msk [tilespmem:v2+s6+$0x0], $0xffff;
	_ =	sdelay $0x4  }
0x521: {  	v1 =	vadd.f32 v2, v1;
	v2 =	vadd.f32 v2, v3;
	_ =	sdelay $0x1  }
0x522: {  	v3 =	vmul.f32 $2.000000030e-01, v1;
	v4 =	vmul.f32 $2.000000030e-01, v2  }
0x523: {  	vm8 =	vge.f32 v1, $0.0e+00;
	vm9 =	vge.f32 v2, $0.0e+00  }
0x524: {  	v1 =	vsel vm8, v1, v3;
	v2 =	vsel vm9, v2, v4  }
0x525: {  	v1 =	vsub.f32 v1, v2;
	_ =	sdelay $0x1  }
0x526: {  	v1 =	vmul.f32 $1.442695020e+00, v1;
	_ =	sdelay $0x1  }
0x527: {  	(erf) = vpow2.f32 v1;
	_ =	sdelay $0x2  }
0x528: {  	v1 =	vld [tilespmem:$0x56A0]  }
0x529: {  	v2 =	vld [tilespmem:$0x5EA0];
	_ =	sdelay $0x4  }
0x52a: {  	[tilespmem:$0x5F20] =	vst v2;
	v3 =	vpop (erf)  }
0x52b: {  	[tilespmem:$0x6110] =	vst v3  }
0x52c: {  	v1 =	vld.idx.msk [tilespmem:v1+s9+$0x0], $0xffff  }
0x52d: {  	v3 =	vld.idx.msk [tilespmem:v2+s9+$0x0], $0xffff  }
0x52e: {  	v2 =	vld.idx.msk [tilespmem:v2+s6+$0x0], $0xffff;
	_ =	sdelay $0x4  }
0x52f: {  	v1 =	vadd.f32 v2, v1;
	v2 =	vadd.f32 v2, v3;
	_ =	sdelay $0x1  }
0x530: {  	v3 =	vmul.f32 $2.000000030e-01, v1;
	v4 =	vmul.f32 $2.000000030e-01, v2  }
0x531: {  	vm10 =	vge.f32 v1, $0.0e+00;
	vm11 =	vge.f32 v2, $0.0e+00  }
0x532: {  	v1 =	vsel vm10, v1, v3;
	v2 =	vsel vm11, v2, v4  }
0x533: {  	v1 =	vsub.f32 v1, v2;
	_ =	sdelay $0x1  }
0x534: {  	v1 =	vmul.f32 $1.442695020e+00, v1;
	_ =	sdelay $0x1  }
0x535: {  	(erf) = vpow2.f32 v1;
	_ =	sdelay $0x2  }
0x536: {  	v1 =	vld [tilespmem:$0x56B0]  }
0x537: {  	v2 =	vld [tilespmem:$0x5EB0];
	_ =	sdelay $0x4  }
0x538: {  	[tilespmem:$0x5F80] =	vst v2;
	v3 =	vpop (erf)  }
0x539: {  	[tilespmem:$0x6120] =	vst v3  }
0x53a: {  	v1 =	vld.idx.msk [tilespmem:v1+s9+$0x0], $0xffff  }
0x53b: {  	v3 =	vld.idx.msk [tilespmem:v2+s9+$0x0], $0xffff  }
0x53c: {  	v2 =	vld.idx.msk [tilespmem:v2+s6+$0x0], $0xffff;
	_ =	sdelay $0x4  }
0x53d: {  	v1 =	vadd.f32 v2, v1;
	v2 =	vadd.f32 v2, v3;
	_ =	sdelay $0x1  }
0x53e: {  	v3 =	vmul.f32 $2.000000030e-01, v1;
	v4 =	vmul.f32 $2.000000030e-01, v2  }
0x53f: {  	vm12 =	vge.f32 v1, $0.0e+00;
	vm13 =	vge.f32 v2, $0.0e+00  }
0x540: {  	v1 =	vsel vm12, v1, v3;
	v2 =	vsel vm13, v2, v4  }
0x541: {  	v1 =	vsub.f32 v1, v2;
	_ =	sdelay $0x1  }
0x542: {  	v1 =	vmul.f32 $1.442695020e+00, v1;
	_ =	sdelay $0x1  }
0x543: {  	(erf) = vpow2.f32 v1;
	_ =	sdelay $0x2  }
0x544: {  	v1 =	vld [tilespmem:$0x56C0]  }
0x545: {  	v2 =	vld [tilespmem:$0x5EC0];
	_ =	sdelay $0x4  }
0x546: {  	[tilespmem:$0x5F90] =	vst v2;
	v3 =	vpop (erf)  }
0x547: {  	[tilespmem:$0x6180] =	vst v3  }
0x548: {  	v1 =	vld.idx.msk [tilespmem:v1+s9+$0x0], $0xffff  }
0x549: {  	v3 =	vld.idx.msk [tilespmem:v2+s9+$0x0], $0xffff  }
0x54a: {  	v2 =	vld.idx.msk [tilespmem:v2+s6+$0x0], $0xffff;
	_ =	sdelay $0x4  }
0x54b: {  	v1 =	vadd.f32 v2, v1;
	v2 =	vadd.f32 v2, v3;
	_ =	sdelay $0x1  }
0x54c: {  	v3 =	vmul.f32 $2.000000030e-01, v1;
	v4 =	vmul.f32 $2.000000030e-01, v2  }
0x54d: {  	vm14 =	vge.f32 v1, $0.0e+00;
	vm15 =	vge.f32 v2, $0.0e+00  }
0x54e: {  	v1 =	vsel vm14, v1, v3;
	v2 =	vsel vm15, v2, v4  }
0x54f: {  	v1 =	vsub.f32 v1, v2;
	_ =	sdelay $0x1  }
0x550: {  	v1 =	vmul.f32 $1.442695020e+00, v1;
	_ =	sdelay $0x1  }
0x551: {  	(erf) = vpow2.f32 v1;
	_ =	sdelay $0x8  }
0x552: {  	v1 =	vpop (erf)  }
0x553: {  	[tilespmem:$0x6190] =	vst v1  }
0x554: {  	_ =	swait.ge [sflag:s23], $0x1800  }
0x555: {  	[sflag:s23] =	ssyncset.done $0x0  }
0x556: {  	[sflag:s23] =	ssyncadd.s32 $0xFFFFE800  }
0x557: {  	_ =	swait.ge [sflag:s23], $0x1000  }
0x558: {  	[sflag:s23] =	ssyncset.done $0x0  }
0x559: {  	[sflag:s23] =	ssyncadd.s32 $0xFFFFF000  }
0x55a: {  	_ =	swait.ge [sflag:s23], $0x30  }
0x55b: {  	s30 =	simm.s32 $0x2;
	v1 =	vmov s9;
	[sflag:s23] =	ssyncset.done $0x0  }
0x55c: {  	v2 =	vmov s30;
	v1 =	vand.u32 $0xFFFFFFFC, v1;
	[sflag:s23] =	ssyncadd.s32 $0xFFFFFFD0  }
0x55d: {  	v2 =	vand.u32 $0xFFFFFFFE, v2;
	v1 =	vbroadcast v1, $0x0;
	_ =	swait.ge [sflag:s23], $0x20  }
0x55e: {  	v2 =	vbroadcast v2, $0x0;
	[sflag:s23] =	ssyncset.done $0x0  }
0x55f: {  	s7 =	simm.s32 $0x1;
	[sflag:s23] =	ssyncadd.s32 $0xFFFFFFE0  }
0x560: {  	_ =	swait.ge [sflag:s7], $0x2800  }
0x561: {  	[sflag:s7] =	ssyncset.done $0x0  }
0x562: {  	[sflag:s7] =	ssyncadd.s32 $0xFFFFD800  }
0x563: {  	v1 =	vld.idx.msk [tilespmem:v1+s13+$0x0], $0xffff  }
0x564: {  	s10 =	simm.s32 $0x6400;
	s9 =	simm.s32 $0x1;
	v2 =	vld.idx.msk [tilespmem:v2+s13+$0x0], $0xffff  }
0x565: {  	v3 =	vmov s9;
	v4 =	vld [tilespmem:s10+$0x70]  }
0x566: {  	v3 =	vand.u32 $0xFFFFFFFD, v3;
	v5 =	vld [tilespmem:s10+$0xFFFFFF00]  }
0x567: {  	v3 =	vbroadcast v3, $0x0;
	v6 =	vld [tilespmem:s10+$0xFFFFFF10]  }
0x568: {  	v7 =	vld [tilespmem:s10+$0xFFFFFF20]  }
0x569: {  	v8 =	vld [tilespmem:s10+$0xFFFFFF30]  }
0x56a: {  	v9 =	vld [tilespmem:s10+$0xFFFFFF40]  }
0x56b: {  	v10 =	vld [tilespmem:s10+$0xFFFFFF50]  }
0x56c: {  	v11 =	vld [tilespmem:s10+$0xFFFFFF60];
	v5 =	vmul.f32 v5, v1  }
0x56d: {  	v3 =	vld.idx.msk [tilespmem:v3+s13+$0x0], $0xffff;
	v4 =	vmul.f32 v4, v2  }
0x56e: {  	v13 =	vld [tilespmem:s10+$0x40];
	[tilespmem:s10+$0xFFFFFF00] =	vst v5;
	v5 =	vmul.f32 v6, v1  }
0x56f: {  	v6 =	vld [tilespmem:s10+$0xFFFFFF70];
	[tilespmem:s10+$0x70] =	vst v4;
	v4 =	vmul.f32 v7, v1  }
0x570: {  	v7 =	vld [tilespmem:s10+$0xFFFFFF80];
	[tilespmem:s10+$0xFFFFFF10] =	vst v5;
	v5 =	vmul.f32 v8, v1  }
0x571: {  	v8 =	vld [tilespmem:s10+$0xFFFFFF90];
	[tilespmem:s10+$0xFFFFFF20] =	vst v4;
	v4 =	vmul.f32 v9, v1  }
0x572: {  	v9 =	vld [tilespmem:s10+$0xFFFFFFA0];
	[tilespmem:s10+$0xFFFFFF30] =	vst v5;
	v5 =	vmul.f32 v10, v1  }
0x573: {  	v10 =	vld [tilespmem:s10+$0xFFFFFFB0];
	[tilespmem:s10+$0xFFFFFF40] =	vst v4;
	v4 =	vmul.f32 v11, v1  }
0x574: {  	v11 =	vld [tilespmem:s10+$0xFFFFFFC0];
	v6 =	vmul.f32 v6, v1;
	[tilespmem:s10+$0xFFFFFF50] =	vst v5  }
0x575: {  	v5 =	vmul.f32 v7, v3;
	v7 =	vld [tilespmem:s10+$0xFFFFFFD0];
	[tilespmem:s10+$0xFFFFFF60] =	vst v4  }
0x576: {  	s22 =	simm.s32 $0x3;
	v4 =	vld [tilespmem:s10+$0xFFFFFFE0];
	v8 =	vmul.f32 v8, v3;
	[tilespmem:s10+$0xFFFFFF70] =	vst v6  }
0x577: {  	v12 =	vmov s22;
	v6 =	vld [tilespmem:s10+$0xFFFFFFF0];
	[tilespmem:s10+$0xFFFFFF80] =	vst v5;
	v5 =	vmul.f32 v9, v3  }
0x578: {  	v9 =	vld [tilespmem:s10+$0x0];
	[tilespmem:s10+$0xFFFFFF90] =	vst v8;
	v8 =	vmul.f32 v10, v3  }
0x579: {  	v10 =	vld [tilespmem:s10+$0x10];
	[tilespmem:s10+$0xFFFFFFA0] =	vst v5;
	v5 =	vmul.f32 v11, v3  }
0x57a: {  	[tilespmem:s10+$0xFFFFFFB0] =	vst v8;
	v7 =	vmul.f32 v7, v3;
	v8 =	vld [tilespmem:s10+$0x20]  }
0x57b: {  	v11 =	vld [tilespmem:s10+$0x30];
	v4 =	vmul.f32 v4, v3;
	[tilespmem:s10+$0xFFFFFFC0] =	vst v5  }
0x57c: {  	v1 =	vld.idx.msk [tilespmem:v12+s13+$0x0], $0xffff;
	v3 =	vmul.f32 v6, v3;
	[tilespmem:s10+$0xFFFFFFD0] =	vst v7  }
0x57d: {  	[tilespmem:s10+$0xFFFFFFE0] =	vst v4;
	v5 =	vmul.f32 v9, v2;
	v4 =	vld [tilespmem:s10+$0x50]  }
0x57e: {  	s24 =	simm.s32 $0x4;
	[tilespmem:s10+$0xFFFFFFF0] =	vst v3;
	v6 =	vmul.f32 v10, v2;
	v3 =	vld [tilespmem:s10+$0x60]  }
0x57f: {  	s30 =	simm.s32 $0x7;
	v7 =	vmov s24;
	[tilespmem:s10+$0x0] =	vst v5;
	v9 =	vmul.f32 v8, v2;
	v8 =	vld [tilespmem:s10+$0x80]  }
0x580: {  	s7 =	simm.s32 $0x5;
	v12 =	vand.u32 $0xFFFFFFFC, v7;
	v7 =	vld [tilespmem:s10+$0x90];
	v5 =	vmov s30;
	v10 =	vmul.f32 v11, v2;
	[tilespmem:s10+$0x10] =	vst v6  }
0x581: {  	s22 =	simm.s32 $0x6400;
	s9 =	simm.s32 $0x8;
	s24 =	simm.s32 $0x6;
	v11 =	vmul.f32 v13, v2;
	v6 =	vbroadcast v12, $0x0;
	v12 =	vmov s7;
	[tilespmem:s10+$0x20] =	vst v9;
	v9 =	vld [tilespmem:s10+$0xA0]  }
.LBB2_24:
0x582: {  	p1 =	slt.u32 s9, $0x2C;
	v12 =	vand.u32 $0xFFFFFFFD, v12;
	v13 =	vmov s24;
	[tilespmem:s10+$0x30] =	vst v10;
	v4 =	vmul.f32 v4, v2;
	v10 =	vld [tilespmem:s10+$0xB0]  }
0x583: {  	v12 =	vbroadcast v12, $0x0;
	v13 =	vand.u32 $0xFFFFFFFE, v13;
	[tilespmem:s10+$0x40] =	vst v11;
	v2 =	vmul.f32 v3, v2;
	v3 =	vld [tilespmem:s10+$0xC0]  }
0x584: {  	v11 =	vbroadcast v13, $0x0;
	[tilespmem:s10+$0x50] =	vst v4;
	v4 =	vmul.f32 v8, v1;
	v8 =	vld [tilespmem:s10+$0xD0]  }
0x585: {  	[tilespmem:s10+$0x60] =	vst v2;
	v2 =	vmul.f32 v7, v1;
	v7 =	vld [tilespmem:s10+$0xE0]  }
0x586: {  	[tilespmem:s10+$0x80] =	vst v4;
	v4 =	vmul.f32 v9, v1;
	v9 =	vld [tilespmem:s10+$0xF0]  }
0x587: {  	v5 =	vld.idx.msk [tilespmem:v5+s13+$0x0], $0xffff;
	[tilespmem:s10+$0x90] =	vst v2;
	v2 =	vmul.f32 v10, v1  }
0x588: {  	v6 =	vld.idx.msk [tilespmem:v6+s13+$0x0], $0xffff;
	[tilespmem:s10+$0xA0] =	vst v4;
	v3 =	vmul.f32 v3, v1  }
0x589: {  	v4 =	vld.idx.msk [tilespmem:v12+s13+$0x0], $0xffff;
	[tilespmem:s10+$0xB0] =	vst v2;
	v8 =	vmul.f32 v8, v1  }
0x58a: {  	s10 =	sadd.s32 $0x200, s10;
	v2 =	vld.idx.msk [tilespmem:v11+s13+$0x0], $0xffff;
	[tilespmem:s22+$0xC0] =	vst v3;
	v3 =	vmul.f32 v7, v1  }
0x58b: {  	v7 =	vld [tilespmem:s10+$0x70];
	[tilespmem:s22+$0xD0] =	vst v8;
	v9 =	vmul.f32 v9, v1  }
0x58c: {  	v8 =	vld [tilespmem:s10+$0xFFFFFF00];
	[tilespmem:s22+$0xE0] =	vst v3  }
0x58d: {  	v1 =	vmov v5;
	v3 =	vld [tilespmem:s10+$0xFFFFFF10];
	[tilespmem:s22+$0xF0] =	vst v9;
	s22 =	smov.u32 s10  }
0x58e: {  	v5 =	vld [tilespmem:s10+$0xFFFFFF20]  }
0x58f: {  	v9 =	vld [tilespmem:s10+$0xFFFFFF30]  }
0x590: {  	v10 =	vld [tilespmem:s10+$0xFFFFFF40];
	v7 =	vmul.f32 v7, v2  }
0x591: {  	v8 =	vmul.f32 v8, v6;
	v11 =	vld [tilespmem:s10+$0xFFFFFF50]  }
0x592: {  	v3 =	vmul.f32 v3, v6;
	v12 =	vld [tilespmem:s10+$0xFFFFFF60];
	[tilespmem:s10+$0x70] =	vst v7  }
0x593: {  	[tilespmem:s10+$0xFFFFFF00] =	vst v8;
	v5 =	vmul.f32 v5, v6;
	v7 =	vld [tilespmem:s10+$0xFFFFFF70]  }
0x594: {  	[tilespmem:s10+$0xFFFFFF10] =	vst v3;
	v3 =	vmul.f32 v9, v6;
	v8 =	vld [tilespmem:s10+$0xFFFFFF80]  }
0x595: {  	[tilespmem:s10+$0xFFFFFF20] =	vst v5;
	v5 =	vmul.f32 v10, v6;
	v9 =	vld [tilespmem:s10+$0xFFFFFF90]  }
0x596: {  	[tilespmem:s10+$0xFFFFFF30] =	vst v3;
	v3 =	vmul.f32 v11, v6;
	v10 =	vld [tilespmem:s10+$0xFFFFFFA0]  }
0x597: {  	[tilespmem:s10+$0xFFFFFF40] =	vst v5;
	v5 =	vmul.f32 v12, v6;
	v11 =	vld [tilespmem:s10+$0xFFFFFFB0]  }
0x598: {  	[tilespmem:s10+$0xFFFFFF50] =	vst v3;
	v3 =	vmul.f32 v7, v6;
	v6 =	vld [tilespmem:s10+$0xFFFFFFC0]  }
0x599: {  	[tilespmem:s10+$0xFFFFFF60] =	vst v5;
	v5 =	vmul.f32 v8, v4;
	v7 =	vld [tilespmem:s10+$0xFFFFFFD0]  }
0x59a: {  	[tilespmem:s10+$0xFFFFFF70] =	vst v3;
	v3 =	vmul.f32 v9, v4;
	v8 =	vld [tilespmem:s10+$0xFFFFFFE0]  }
0x59b: {  	[tilespmem:s10+$0xFFFFFF80] =	vst v5;
	v5 =	vmul.f32 v10, v4;
	v9 =	vld [tilespmem:s10+$0xFFFFFFF0]  }
0x59c: {  	[tilespmem:s10+$0xFFFFFF90] =	vst v3;
	v3 =	vmul.f32 v11, v4;
	v10 =	vld [tilespmem:s10+$0x0]  }
0x59d: {  	[tilespmem:s10+$0xFFFFFFA0] =	vst v5;
	v5 =	vmul.f32 v6, v4;
	v6 =	vld [tilespmem:s10+$0x10]  }
0x59e: {  	[tilespmem:s10+$0xFFFFFFB0] =	vst v3;
	v3 =	vmul.f32 v7, v4;
	v7 =	vld [tilespmem:s10+$0x20]  }
0x59f: {  	[tilespmem:s10+$0xFFFFFFC0] =	vst v5;
	v5 =	vmul.f32 v8, v4;
	v11 =	vld [tilespmem:s10+$0x30]  }
0x5a0: {  	[tilespmem:s10+$0xFFFFFFD0] =	vst v3;
	v3 =	vmul.f32 v9, v4;
	v9 =	vld [tilespmem:s10+$0x40]  }
.Ltmp11:
0x5a1: {  	[tilespmem:s10+$0xFFFFFFE0] =	vst v5;
	v5 =	vmul.f32 v10, v2;
	v4 =	vld [tilespmem:s10+$0x50];
	(pc) =	sbr.rel @p1 .LBB2_24-.Ltmp11, $4  }
0x5a2: {  	[tilespmem:s10+$0xFFFFFFF0] =	vst v3;
	v6 =	vmul.f32 v6, v2;
	v3 =	vld [tilespmem:s10+$0x60]  }
0x5a3: {  	s0 =	sadd.s32 $0x3, s9;
	v10 =	vmov s9;
	[tilespmem:s10+$0x0] =	vst v5;
	v13 =	vmul.f32 v7, v2;
	v8 =	vld [tilespmem:s10+$0x80]  }
0x5a4: {  	s7 =	sadd.s32 $0x1, s9;
	v12 =	vand.u32 $0xFFFFFFFC, v10;
	v5 =	vmov s0;
	[tilespmem:s10+$0x10] =	vst v6;
	v10 =	vmul.f32 v11, v2;
	v7 =	vld [tilespmem:s10+$0x90]  }
0x5a5: {  	s24 =	sadd.s32 $0x2, s9;
	s9 =	sadd.s32 $0x4, s9;
	v6 =	vbroadcast v12, $0x0;
	v12 =	vmov s7;
	[tilespmem:s10+$0x20] =	vst v13;
	v11 =	vmul.f32 v9, v2;
	v9 =	vld [tilespmem:s10+$0xA0]  }
0x5a6: {  	v13 =	vld [tilespmem:s10+$0xB0]  }
0x5a7: {  	v15 =	vld [tilespmem:s10+$0xC0]  }
0x5a8: {  	v14 =	vmov s24;
	v16 =	vld [tilespmem:s10+$0xD0]  }
0x5a9: {  	v17 =	vld [tilespmem:s10+$0xE0];
	[tilespmem:s10+$0x30] =	vst v10;
	v4 =	vmul.f32 v4, v2;
	v14 =	vand.u32 $0xFFFFFFFE, v14  }
0x5aa: {  	v5 =	vld.idx.msk [tilespmem:v5+s13+$0x0], $0xffff;
	[tilespmem:s10+$0x40] =	vst v11;
	v2 =	vmul.f32 v3, v2;
	v14 =	vbroadcast v14, $0x0  }
0x5ab: {  	v12 =	vand.u32 $0xFFFFFFFD, v12;
	s9 =	sadd.s32 $0x200, s10;
	v3 =	vld.idx.msk [tilespmem:v6+s13+$0x0], $0xffff;
	v8 =	vmul.f32 v8, v1;
	[tilespmem:s10+$0x50] =	vst v4  }
0x5ac: {  	v12 =	vbroadcast v12, $0x0;
	v10 =	vld [tilespmem:s9+$0xFFFFFF00];
	v4 =	vmul.f32 v7, v1;
	[tilespmem:s10+$0x60] =	vst v2  }
0x5ad: {  	[tilespmem:s10+$0x80] =	vst v8;
	v8 =	vld [tilespmem:s10+$0xF0];
	v2 =	vmul.f32 v9, v1  }
0x5ae: {  	v11 =	vld [tilespmem:s9+$0xFFFFFF10];
	[tilespmem:s10+$0x90] =	vst v4;
	v4 =	vmul.f32 v13, v1  }
0x5af: {  	v9 =	vld [tilespmem:s9+$0x70];
	[tilespmem:s10+$0xA0] =	vst v2;
	v2 =	vmul.f32 v15, v1  }
0x5b0: {  	[tilespmem:s10+$0xB0] =	vst v4;
	v4 =	vmul.f32 v16, v1;
	v7 =	vld.idx.msk [tilespmem:v14+s13+$0x0], $0xffff  }
0x5b1: {  	v61 =	vld [tilespmem:s9+$0xFFFFFF20];
	[tilespmem:s22+$0xC0] =	vst v2;
	v2 =	vmul.f32 v17, v1  }
0x5b2: {  	v6 =	vld.idx.msk [tilespmem:v12+s13+$0x0], $0xffff;
	[tilespmem:s22+$0xD0] =	vst v4;
	v1 =	vmul.f32 v8, v1  }
0x5b3: {  	v4 =	vld [tilespmem:s9+$0xFFFFFF30];
	[tilespmem:s22+$0xE0] =	vst v2  }
0x5b4: {  	v2 =	vld [tilespmem:s9+$0xFFFFFF40];
	[tilespmem:s22+$0xF0] =	vst v1;
	v1 =	vmul.f32 v10, v3  }
0x5b5: {  	v8 =	vmul.f32 v9, v7;
	v9 =	vld [tilespmem:s9+$0xFFFFFF50]  }
0x5b6: {  	v10 =	vmul.f32 v11, v3;
	v11 =	vld [tilespmem:s9+$0xFFFFFF60];
	[tilespmem:s9+$0xFFFFFF00] =	vst v1  }
0x5b7: {  	v1 =	vmul.f32 v61, v3;
	[tilespmem:s9+$0x70] =	vst v8;
	v8 =	vld [tilespmem:s9+$0xFFFFFF70]  }
0x5b8: {  	[tilespmem:s9+$0xFFFFFF10] =	vst v10;
	v10 =	vld [tilespmem:s9+$0xFFFFFF80];
	v4 =	vmul.f32 v4, v3  }
0x5b9: {  	[tilespmem:s9+$0xFFFFFF20] =	vst v1;
	v1 =	vmul.f32 v2, v3;
	v2 =	vld [tilespmem:s9+$0xFFFFFF90]  }
0x5ba: {  	[tilespmem:s9+$0xFFFFFF30] =	vst v4;
	v4 =	vmul.f32 v9, v3;
	v9 =	vld [tilespmem:s9+$0xFFFFFFA0]  }
0x5bb: {  	[tilespmem:s9+$0xFFFFFF40] =	vst v1;
	v1 =	vmul.f32 v11, v3;
	v11 =	vld [tilespmem:s9+$0xFFFFFFB0]  }
0x5bc: {  	[tilespmem:s9+$0xFFFFFF50] =	vst v4;
	v3 =	vmul.f32 v8, v3;
	v4 =	vld [tilespmem:s9+$0xFFFFFFC0]  }
0x5bd: {  	[tilespmem:s9+$0xFFFFFF60] =	vst v1;
	v1 =	vmul.f32 v10, v6;
	v8 =	vld [tilespmem:s9+$0xFFFFFFD0]  }
0x5be: {  	v2 =	vmul.f32 v2, v6;
	[tilespmem:s9+$0xFFFFFF70] =	vst v3;
	v3 =	vld [tilespmem:s9+$0xFFFFFFE0]  }
0x5bf: {  	[tilespmem:s9+$0xFFFFFF80] =	vst v1;
	v1 =	vmul.f32 v9, v6;
	v9 =	vld [tilespmem:s9+$0xFFFFFFF0]  }
0x5c0: {  	v10 =	vld [tilespmem:s9+$0x0];
	[tilespmem:s9+$0xFFFFFF90] =	vst v2;
	v2 =	vmul.f32 v11, v6  }
0x5c1: {  	[tilespmem:s9+$0xFFFFFFA0] =	vst v1;
	v1 =	vmul.f32 v4, v6;
	v4 =	vld [tilespmem:s9+$0x10]  }
0x5c2: {  	[tilespmem:s9+$0xFFFFFFB0] =	vst v2;
	v2 =	vmul.f32 v8, v6;
	v8 =	vld [tilespmem:s9+$0x20]  }
0x5c3: {  	[tilespmem:s9+$0xFFFFFFC0] =	vst v1;
	v1 =	vmul.f32 v3, v6;
	v3 =	vld [tilespmem:s9+$0x30]  }
0x5c4: {  	[tilespmem:s9+$0xFFFFFFD0] =	vst v2;
	v2 =	vmul.f32 v9, v6;
	v6 =	vld [tilespmem:s9+$0x40]  }
0x5c5: {  	v9 =	vld [tilespmem:s9+$0x50];
	[tilespmem:s9+$0xFFFFFFE0] =	vst v1;
	v1 =	vmul.f32 v10, v7  }
0x5c6: {  	[tilespmem:s9+$0xFFFFFFF0] =	vst v2;
	v2 =	vmul.f32 v4, v7;
	v4 =	vld [tilespmem:s9+$0x60]  }
0x5c7: {  	[tilespmem:s9+$0x0] =	vst v1;
	v1 =	vmul.f32 v8, v7;
	v8 =	vld [tilespmem:s9+$0x80]  }
0x5c8: {  	[tilespmem:s9+$0x10] =	vst v2;
	v2 =	vmul.f32 v3, v7;
	v3 =	vld [tilespmem:s9+$0x90]  }
0x5c9: {  	[tilespmem:s9+$0x20] =	vst v1;
	v1 =	vmul.f32 v6, v7;
	v6 =	vld [tilespmem:s9+$0xA0]  }
0x5ca: {  	[tilespmem:s9+$0x30] =	vst v2;
	v2 =	vmul.f32 v9, v7;
	v9 =	vld [tilespmem:s9+$0xB0]  }
0x5cb: {  	[tilespmem:s9+$0x40] =	vst v1;
	v1 =	vmul.f32 v4, v7;
	v4 =	vld [tilespmem:s9+$0xC0]  }
0x5cc: {  	v7 =	vld [tilespmem:s9+$0xD0];
	[tilespmem:s9+$0x50] =	vst v2;
	v2 =	vmul.f32 v8, v5  }
0x5cd: {  	[tilespmem:s9+$0x60] =	vst v1;
	v1 =	vmul.f32 v3, v5;
	v3 =	vld [tilespmem:s9+$0xE0]  }
0x5ce: {  	s0 =	simm.s32 $0x0;
	[tilespmem:s9+$0x80] =	vst v2;
	v2 =	vmul.f32 v6, v5;
	v6 =	vld [tilespmem:s9+$0xF0]  }
0x5cf: {  	v8 =	vmov s0;
	[tilespmem:s9+$0x90] =	vst v1;
	v1 =	vmul.f32 v9, v5  }
0x5d0: {  	[tilespmem:s9+$0xA0] =	vst v2;
	v2 =	vmul.f32 v4, v5;
	v4 =	vand.u32 $0xFFFFFFFC, v8  }
0x5d1: {  	[tilespmem:s9+$0xB0] =	vst v1;
	v1 =	vmul.f32 v7, v5;
	v4 =	vbroadcast v4, $0x0  }
0x5d2: {  	[tilespmem:s9+$0xC0] =	vst v2;
	v2 =	vmul.f32 v3, v5  }
0x5d3: {  	s10 =	simm.s32 $0x2;
	[tilespmem:s9+$0xD0] =	vst v1;
	v1 =	vmul.f32 v6, v5  }
0x5d4: {  	v8 =	vmov s10;
	[tilespmem:s9+$0xE0] =	vst v2  }
0x5d5: {  	s22 =	simm.s32 $0x6300;
	v7 =	vand.u32 $0xFFFFFFFE, v8;
	[tilespmem:s9+$0xF0] =	vst v1  }
0x5d6: {  	v3 =	vbroadcast v7, $0x0;
	[spmem:s2] =	stream.indirect.scatter.add.f32 [tilespmem:s22], [sflag:$0x3], $0x80, s15, s14, $0xb8;
	[tilespmem:$0x1F1F8] =	vst v63  }
0x5d7: {  	s10 =	simm.s32 $0x7CF0;
	v2 =	vld.idx.msk [tilespmem:v4+s17+$0x0], $0xffff  }
0x5d8: {  	v4 =	vld [tilespmem:s10+$0xFFFFFF80]  }
0x5d9: {  	v5 =	vld [tilespmem:s10+$0xFFFFFE10]  }
0x5da: {  	v6 =	vld [tilespmem:s10+$0xFFFFFE20]  }
0x5db: {  	s24 =	simm.s32 $0x1;
	v7 =	vld [tilespmem:s10+$0xFFFFFE30]  }
0x5dc: {  	v1 =	vld.idx.msk [tilespmem:v3+s17+$0x0], $0xffff;
	v3 =	vmov s24  }
0x5dd: {  	v8 =	vld [tilespmem:s10+$0xFFFFFE40];
	v3 =	vand.u32 $0xFFFFFFFD, v3  }
0x5de: {  	v9 =	vld [tilespmem:s10+$0xFFFFFE50];
	v3 =	vbroadcast v3, $0x0  }
0x5df: {  	v10 =	vld [tilespmem:s10+$0xFFFFFE60]  }
0x5e0: {  	v11 =	vld [tilespmem:s10+$0xFFFFFE70];
	v5 =	vmul.f32 v5, v2  }
0x5e1: {  	v63 =	vld [tilespmem:s10+$0xFFFFFEE0];
	v4 =	vmul.f32 v4, v1  }
0x5e2: {  	[tilespmem:s10+$0xFFFFFE10] =	vst v5;
	v5 =	vmul.f32 v6, v2;
	v6 =	vld [tilespmem:s10+$0xFFFFFE80]  }
0x5e3: {  	s30 =	simm.s32 $0x3;
	[tilespmem:s10+$0xFFFFFF80] =	vst v4;
	v4 =	vmul.f32 v7, v2;
	v7 =	vld [tilespmem:s10+$0xFFFFFE90]  }
0x5e4: {  	v62 =	vmov s30;
	v3 =	vld.idx.msk [tilespmem:v3+s17+$0x0], $0xffff;
	[tilespmem:s10+$0xFFFFFE20] =	vst v5;
	v5 =	vmul.f32 v8, v2  }
0x5e5: {  	v8 =	vld [tilespmem:s10+$0xFFFFFEA0];
	[tilespmem:s10+$0xFFFFFE30] =	vst v4;
	v4 =	vmul.f32 v9, v2  }
0x5e6: {  	v9 =	vld [tilespmem:s10+$0xFFFFFEB0];
	[tilespmem:s10+$0xFFFFFE40] =	vst v5;
	v5 =	vmul.f32 v10, v2  }
0x5e7: {  	v10 =	vld [tilespmem:s10+$0xFFFFFEC0];
	[tilespmem:s10+$0xFFFFFE50] =	vst v4;
	v4 =	vmul.f32 v11, v2  }
0x5e8: {  	v11 =	vld [tilespmem:s10+$0xFFFFFED0];
	v6 =	vmul.f32 v6, v2;
	[tilespmem:s10+$0xFFFFFE60] =	vst v5  }
0x5e9: {  	v2 =	vld.idx.msk [tilespmem:v62+s17+$0x0], $0xffff;
	v5 =	vmul.f32 v7, v3;
	[tilespmem:s10+$0xFFFFFE70] =	vst v4  }
0x5ea: {  	v4 =	vld [tilespmem:s10+$0xFFFFFEF0];
	v7 =	vmul.f32 v8, v3;
	[tilespmem:s10+$0xFFFFFE80] =	vst v6  }
0x5eb: {  	v8 =	vld [tilespmem:s10+$0xFFFFFF00];
	[tilespmem:s10+$0xFFFFFE90] =	vst v5;
	v5 =	vmul.f32 v9, v3  }
0x5ec: {  	[tilespmem:s10+$0xFFFFFEA0] =	vst v7;
	v6 =	vmul.f32 v10, v3;
	v10 =	vld [tilespmem:s10+$0xFFFFFF10]  }
0x5ed: {  	v7 =	vld [tilespmem:s10+$0xFFFFFF20];
	[tilespmem:s10+$0xFFFFFEB0] =	vst v5;
	v5 =	vmul.f32 v11, v3  }
0x5ee: {  	v9 =	vmul.f32 v63, v3;
	[tilespmem:s10+$0xFFFFFEC0] =	vst v6;
	v6 =	vld [tilespmem:s10+$0xFFFFFF30]  }
0x5ef: {  	v11 =	vmul.f32 v4, v3;
	[tilespmem:s10+$0xFFFFFED0] =	vst v5;
	v5 =	vld [tilespmem:s10+$0xFFFFFF40]  }
0x5f0: {  	[tilespmem:s10+$0xFFFFFEE0] =	vst v9;
	v4 =	vld [tilespmem:s10+$0xFFFFFF50];
	v9 =	vmul.f32 v8, v3  }
0x5f1: {  	s9 =	simm.s32 $0x30;
	s22 =	simm.s32 $0x7CF0;
	v3 =	vld [tilespmem:s10+$0xFFFFFF60];
	[tilespmem:s10+$0xFFFFFEF0] =	vst v11;
	v8 =	vmul.f32 v10, v1  }
.LBB2_26:
0x5f2: {  	s0 =	sadd.s32 $0xFFFFFFD7, s9;
	[tilespmem:s10+$0xFFFFFF00] =	vst v9;
	v7 =	vmul.f32 v7, v1;
	v9 =	vld [tilespmem:s10+$0xFFFFFF70]  }
0x5f3: {  	s7 =	sadd.s32 $0xFFFFFFD4, s9;
	s24 =	sadd.s32 $0xFFFFFFD5, s9;
	v10 =	vmov s0;
	[tilespmem:s10+$0xFFFFFF10] =	vst v8;
	v6 =	vmul.f32 v6, v1;
	v8 =	vld [tilespmem:s10+$0xFFFFFF90]  }
0x5f4: {  	v11 =	vmov s7;
	v12 =	vmov s24;
	[tilespmem:s10+$0xFFFFFF20] =	vst v7;
	v5 =	vmul.f32 v5, v1;
	v7 =	vld [tilespmem:s10+$0xFFFFFFA0]  }
0x5f5: {  	s0 =	sadd.s32 $0xFFFFFFD6, s9;
	s9 =	sadd.s32 $0x4, s9;
	v11 =	vand.u32 $0xFFFFFFFC, v11;
	v12 =	vand.u32 $0xFFFFFFFD, v12;
	[tilespmem:s10+$0xFFFFFF30] =	vst v6;
	v4 =	vmul.f32 v4, v1;
	v6 =	vld [tilespmem:s10+$0xFFFFFFB0]  }
0x5f6: {  	v13 =	vmov s0;
	p1 =	slt.u32 s9, $0x4C;
	v11 =	vbroadcast v11, $0x0;
	[tilespmem:s10+$0xFFFFFF40] =	vst v5;
	v3 =	vmul.f32 v3, v1;
	v5 =	vld [tilespmem:s10+$0xFFFFFFC0]  }
0x5f7: {  	v12 =	vbroadcast v12, $0x0;
	v13 =	vand.u32 $0xFFFFFFFE, v13;
	[tilespmem:s10+$0xFFFFFF50] =	vst v4;
	v1 =	vmul.f32 v9, v1;
	v4 =	vld [tilespmem:s10+$0xFFFFFFD0]  }
0x5f8: {  	v9 =	vbroadcast v13, $0x0;
	[tilespmem:s10+$0xFFFFFF60] =	vst v3;
	v3 =	vmul.f32 v8, v2;
	v8 =	vld [tilespmem:s10+$0xFFFFFFE0]  }
0x5f9: {  	[tilespmem:s10+$0xFFFFFF70] =	vst v1;
	v1 =	vmul.f32 v7, v2;
	v7 =	vld [tilespmem:s10+$0xFFFFFFF0]  }
0x5fa: {  	[tilespmem:s10+$0xFFFFFF90] =	vst v3;
	v3 =	vmul.f32 v6, v2;
	v6 =	vld [tilespmem:s10+$0x0]  }
0x5fb: {  	v10 =	vld.idx.msk [tilespmem:v10+s17+$0x0], $0xffff;
	[tilespmem:s10+$0xFFFFFFA0] =	vst v1;
	v1 =	vmul.f32 v5, v2  }
0x5fc: {  	v5 =	vld.idx.msk [tilespmem:v11+s17+$0x0], $0xffff;
	[tilespmem:s10+$0xFFFFFFB0] =	vst v3;
	v3 =	vmul.f32 v4, v2  }
0x5fd: {  	v4 =	vld.idx.msk [tilespmem:v12+s17+$0x0], $0xffff;
	[tilespmem:s10+$0xFFFFFFC0] =	vst v1;
	v8 =	vmul.f32 v8, v2  }
0x5fe: {  	s10 =	sadd.s32 $0x200, s10;
	v1 =	vld.idx.msk [tilespmem:v9+s17+$0x0], $0xffff;
	[tilespmem:s22+$0xFFFFFFD0] =	vst v3;
	v3 =	vmul.f32 v7, v2  }
0x5ff: {  	v7 =	vld [tilespmem:s10+$0xFFFFFF80];
	[tilespmem:s22+$0xFFFFFFE0] =	vst v8;
	v8 =	vmul.f32 v6, v2  }
0x600: {  	v6 =	vld [tilespmem:s10+$0xFFFFFE10];
	[tilespmem:s22+$0xFFFFFFF0] =	vst v3  }
0x601: {  	v2 =	vmov v10;
	v3 =	vld [tilespmem:s10+$0xFFFFFE20];
	[tilespmem:s22+$0x0] =	vst v8;
	s22 =	smov.u32 s10  }
0x602: {  	v8 =	vld [tilespmem:s10+$0xFFFFFE30]  }
0x603: {  	v9 =	vld [tilespmem:s10+$0xFFFFFE40]  }
0x604: {  	v10 =	vld [tilespmem:s10+$0xFFFFFE50];
	v7 =	vmul.f32 v7, v1  }
0x605: {  	v6 =	vmul.f32 v6, v5;
	v11 =	vld [tilespmem:s10+$0xFFFFFE60]  }
0x606: {  	v3 =	vmul.f32 v3, v5;
	v12 =	vld [tilespmem:s10+$0xFFFFFE70];
	[tilespmem:s10+$0xFFFFFF80] =	vst v7  }
0x607: {  	[tilespmem:s10+$0xFFFFFE10] =	vst v6;
	v6 =	vmul.f32 v8, v5;
	v7 =	vld [tilespmem:s10+$0xFFFFFE80]  }
0x608: {  	[tilespmem:s10+$0xFFFFFE20] =	vst v3;
	v3 =	vmul.f32 v9, v5;
	v8 =	vld [tilespmem:s10+$0xFFFFFE90]  }
0x609: {  	[tilespmem:s10+$0xFFFFFE30] =	vst v6;
	v6 =	vmul.f32 v10, v5;
	v9 =	vld [tilespmem:s10+$0xFFFFFEA0]  }
0x60a: {  	[tilespmem:s10+$0xFFFFFE40] =	vst v3;
	v3 =	vmul.f32 v11, v5;
	v10 =	vld [tilespmem:s10+$0xFFFFFEB0]  }
0x60b: {  	[tilespmem:s10+$0xFFFFFE50] =	vst v6;
	v6 =	vmul.f32 v12, v5;
	v11 =	vld [tilespmem:s10+$0xFFFFFEC0]  }
0x60c: {  	[tilespmem:s10+$0xFFFFFE60] =	vst v3;
	v3 =	vmul.f32 v7, v5;
	v5 =	vld [tilespmem:s10+$0xFFFFFED0]  }
0x60d: {  	[tilespmem:s10+$0xFFFFFE70] =	vst v6;
	v6 =	vmul.f32 v8, v4;
	v8 =	vld [tilespmem:s10+$0xFFFFFEE0]  }
0x60e: {  	[tilespmem:s10+$0xFFFFFE80] =	vst v3;
	v3 =	vmul.f32 v9, v4;
	v9 =	vld [tilespmem:s10+$0xFFFFFEF0]  }
0x60f: {  	[tilespmem:s10+$0xFFFFFE90] =	vst v6;
	v6 =	vmul.f32 v10, v4;
	v10 =	vld [tilespmem:s10+$0xFFFFFF00]  }
0x610: {  	[tilespmem:s10+$0xFFFFFEA0] =	vst v3;
	v3 =	vmul.f32 v11, v4;
	v11 =	vld [tilespmem:s10+$0xFFFFFF10]  }
.Ltmp12:
0x611: {  	[tilespmem:s10+$0xFFFFFEB0] =	vst v6;
	v5 =	vmul.f32 v5, v4;
	v7 =	vld [tilespmem:s10+$0xFFFFFF20];
	(pc) =	sbr.rel @p1 .LBB2_26-.Ltmp12, $4  }
0x612: {  	[tilespmem:s10+$0xFFFFFEC0] =	vst v3;
	v3 =	vmul.f32 v8, v4;
	v6 =	vld [tilespmem:s10+$0xFFFFFF30]  }
0x613: {  	[tilespmem:s10+$0xFFFFFED0] =	vst v5;
	v8 =	vmul.f32 v9, v4;
	v5 =	vld [tilespmem:s10+$0xFFFFFF40]  }
0x614: {  	[tilespmem:s10+$0xFFFFFEE0] =	vst v3;
	v9 =	vmul.f32 v10, v4;
	v4 =	vld [tilespmem:s10+$0xFFFFFF50]  }
0x615: {  	[tilespmem:s10+$0xFFFFFEF0] =	vst v8;
	v8 =	vmul.f32 v11, v1;
	v3 =	vld [tilespmem:s10+$0xFFFFFF60]  }
0x616: {  	[tilespmem:s10+$0xFFFFFF00] =	vst v9;
	v7 =	vmul.f32 v7, v1;
	v55 =	vld [tilespmem:s10+$0xFFFFFF90]  }
0x617: {  	v10 =	vld [tilespmem:s10+$0xFFFFFF70];
	[tilespmem:s10+$0xFFFFFF10] =	vst v8;
	v6 =	vmul.f32 v6, v1  }
0x618: {  	v56 =	vld [tilespmem:s10+$0xFFFFFFA0];
	[tilespmem:s10+$0xFFFFFF20] =	vst v7;
	v5 =	vmul.f32 v5, v1  }
0x619: {  	v57 =	vld [tilespmem:s10+$0xFFFFFFB0];
	[tilespmem:s10+$0xFFFFFF30] =	vst v6;
	v4 =	vmul.f32 v4, v1  }
0x61a: {  	v58 =	vld [tilespmem:s10+$0xFFFFFFC0];
	[tilespmem:s10+$0xFFFFFF40] =	vst v5;
	v3 =	vmul.f32 v3, v1  }
0x61b: {  	v59 =	vld [tilespmem:s10+$0xFFFFFFD0];
	[tilespmem:s10+$0xFFFFFF50] =	vst v4;
	v60 =	vmul.f32 v55, v2  }
0x61c: {  	v61 =	vld [tilespmem:s10+$0xFFFFFFE0];
	v1 =	vmul.f32 v10, v1;
	[tilespmem:s10+$0xFFFFFF60] =	vst v3  }
0x61d: {  	v8 =	vmul.f32 v56, v2;
	v3 =	vld [tilespmem:s10+$0xFFFFFFF0];
	[tilespmem:s10+$0xFFFFFF90] =	vst v60  }
0x61e: {  	v62 =	vld [tilespmem:s10+$0x0];
	[tilespmem:s10+$0xFFFFFF70] =	vst v1;
	v1 =	vmul.f32 v57, v2  }
0x61f: {  	v6 =	vmul.f32 v58, v2;
	[tilespmem:s10+$0xFFFFFFA0] =	vst v8  }
0x620: {  	[tilespmem:s10+$0xFFFFFFB0] =	vst v1;
	v1 =	vmul.f32 v59, v2  }
0x621: {  	v63 =	vmul.f32 v61, v2;
	[tilespmem:s10+$0xFFFFFFC0] =	vst v6  }
0x622: {  	[tilespmem:s22+$0xFFFFFFD0] =	vst v1;
	v1 =	vmul.f32 v3, v2  }
0x623: {  	[tilespmem:s22+$0xFFFFFFE0] =	vst v63;
	v2 =	vmul.f32 v62, v2  }
0x624: {  	[tilespmem:s22+$0xFFFFFFF0] =	vst v1  }
0x625: {  	s0 =	simm.s32 $0x7B00;
	[tilespmem:s22+$0x0] =	vst v2  }
0x626: {  	[spmem:s2] =	stream.indirect.scatter.add.f32 [tilespmem:s0], [sflag:$0x3], $0x80, s20, s19, $0xb8;
	[tilespmem:$0x1F1F8] =	vst v63  }
0x627: {  	_ = 	snop  }
0x628: {  	[spmem:s12] =	stream.indirect.scatter.add.f32 [tilespmem:s13], [sflag:$0x3], $0x1, s15, s14, $0xb8;
	[tilespmem:$0x1F1F8] =	vst v63  }
0x629: {  	_ = 	snop  }
0x62a: {  	[spmem:s12] =	stream.indirect.scatter.add.f32 [tilespmem:s17], [sflag:$0x3], $0x1, s20, s19, $0xb8;
	[tilespmem:$0x1F1F8] =	vst v63  }
0x62b: {  	_ =	swait.ge [sflag:s31], $0x1800  }
0x62c: {  	[sflag:s31] =	ssyncset.done $0x0  }
0x62d: {  	[sflag:s31] =	ssyncadd.s32 $0xFFFFE800  }
0x62e: {  	_ =	swait.ge [sflag:s31], $0x1000  }
0x62f: {  	[sflag:s31] =	ssyncset.done $0x0  }
0x630: {  	[sflag:s31] =	ssyncadd.s32 $0xFFFFF000  }
0x631: {  	_ =	swait.ge [sflag:s31], $0x30  }
0x632: {  	[sflag:s31] =	ssyncset.done $0x0  }
0x633: {  	[sflag:s31] =	ssyncadd.s32 $0xFFFFFFD0  }
0x634: {  	_ =	swait.ge [sflag:s31], $0x20  }
0x635: {  	[sflag:s31] =	ssyncset.done $0x0  }
0x636: {  	[sflag:s31] =	ssyncadd.s32 $0xFFFFFFE0  }
0x637: {  	s7 =	simm.s32 $0x6300;
	[bflag:$0x0] =	sbarrier.arrive $0xFFFF  }
0x638: {  	[tilespmem:s7], [sflag:$0x5] =	stream.linear.gather [spmem:s25], $0x2800, $0x38;
	[tilespmem:$0x1F1F8] =	vst v63  }
0x639: {  	_ =	swait.ge [sflag:s5], $0x2800  }
0x63a: {  	[sflag:s5] =	ssyncset.done $0x0  }
0x63b: {  	s10 =	rddreg [dreg:$0x5];
	[sflag:s5] =	ssyncadd.s32 $0xFFFFD800  }
0x63c: {  	[hbm4b:s10+s3] =	stream.linear.scatter [tilespmem:s7], [sflag:$0x5], $0x2800, $0x38;
	[tilespmem:$0x1F1F8] =	vst v63  }
0x63d: {  	_ =	swait.ge [sflag:s5], $0x2800  }
0x63e: {  	[sflag:s5] =	ssyncset.done $0x0  }
0x63f: {  	[sflag:s5] =	ssyncadd.s32 $0xFFFFD800  }
0x640: {  	[tilespmem:s7], [sflag:$0x5] =	stream.linear.gather [spmem:s26], $0x2800, $0x38;
	[tilespmem:$0x1F1F8] =	vst v63  }
0x641: {  	_ =	swait.ge [sflag:s5], $0x2800  }
0x642: {  	[sflag:s5] =	ssyncset.done $0x0  }
0x643: {  	s22 =	rddreg [dreg:$0x6];
	[sflag:s5] =	ssyncadd.s32 $0xFFFFD800  }
0x644: {  	[hbm4b:s22+s3] =	stream.linear.scatter [tilespmem:s7], [sflag:$0x5], $0x2800, $0x38;
	[tilespmem:$0x1F1F8] =	vst v63  }
0x645: {  	_ =	swait.ge [sflag:s5], $0x2800  }
0x646: {  	[sflag:s5] =	ssyncset.done $0x0  }
0x647: {  	[sflag:s5] =	ssyncadd.s32 $0xFFFFD800  }
0x648: {  	[tilespmem:s7], [sflag:$0x5] =	stream.linear.gather [spmem:s28], $0x2800, $0x38;
	[tilespmem:$0x1F1F8] =	vst v63  }
0x649: {  	_ =	swait.ge [sflag:s5], $0x2800  }
0x64a: {  	[sflag:s5] =	ssyncset.done $0x0  }
0x64b: {  	s24 =	rddreg [dreg:$0x7];
	[sflag:s5] =	ssyncadd.s32 $0xFFFFD800  }
0x64c: {  	[hbm4b:s24+s3] =	stream.linear.scatter [tilespmem:s7], [sflag:$0x5], $0x2800, $0x38;
	[tilespmem:$0x1F1F8] =	vst v63  }
0x64d: {  	_ =	swait.ge [sflag:s5], $0x2800  }
0x64e: {  	[sflag:s5] =	ssyncset.done $0x0  }
0x64f: {  	[sflag:s5] =	ssyncadd.s32 $0xFFFFD800  }
0x650: {  	[tilespmem:s7], [sflag:$0x5] =	stream.linear.gather [spmem:s29], $0x2800, $0x38;
	[tilespmem:$0x1F1F8] =	vst v63  }
0x651: {  	_ =	swait.ge [sflag:s5], $0x2800  }
0x652: {  	[sflag:s5] =	ssyncset.done $0x0  }
0x653: {  	s30 =	rddreg [dreg:$0x8];
	[sflag:s5] =	ssyncadd.s32 $0xFFFFD800  }
0x654: {  	[hbm4b:s30+s3] =	stream.linear.scatter [tilespmem:s7], [sflag:$0x5], $0x2800, $0x38;
	[tilespmem:$0x1F1F8] =	vst v63  }
0x655: {  	_ =	swait.ge [sflag:s5], $0x2800  }
0x656: {  	[sflag:s5] =	ssyncset.done $0x0  }
0x657: {  	s9 =	rddreg [dreg:$0x15];
	[sflag:s5] =	ssyncadd.s32 $0xFFFFD800  }
0x658: {  	[tilespmem:s7], [sflag:$0x5] =	stream.linear.gather [spmem:s9], $0x2800, $0x38;
	[tilespmem:$0x1F1F8] =	vst v63  }
0x659: {  	_ =	swait.ge [sflag:s5], $0x2800  }
0x65a: {  	[sflag:s5] =	ssyncset.done $0x0  }
0x65b: {  	s10 =	rddreg [dreg:$0x9];
	[sflag:s5] =	ssyncadd.s32 $0xFFFFD800  }
0x65c: {  	[hbm4b:s10+s3] =	stream.linear.scatter [tilespmem:s7], [sflag:$0x5], $0x2800, $0x38;
	[tilespmem:$0x1F1F8] =	vst v63  }
0x65d: {  	_ =	swait.ge [sflag:s5], $0x2800  }
0x65e: {  	[sflag:s5] =	ssyncset.done $0x0  }
0x65f: {  	s22 =	rddreg [dreg:$0x16];
	[sflag:s5] =	ssyncadd.s32 $0xFFFFD800  }
0x660: {  	[tilespmem:s7], [sflag:$0x5] =	stream.linear.gather [spmem:s22], $0x2800, $0x38;
	[tilespmem:$0x1F1F8] =	vst v63  }
0x661: {  	_ =	swait.ge [sflag:s5], $0x2800  }
0x662: {  	[sflag:s5] =	ssyncset.done $0x0  }
0x663: {  	s24 =	rddreg [dreg:$0xa];
	[sflag:s5] =	ssyncadd.s32 $0xFFFFD800  }
0x664: {  	[hbm4b:s24+s3] =	stream.linear.scatter [tilespmem:s7], [sflag:$0x5], $0x2800, $0x38;
	[tilespmem:$0x1F1F8] =	vst v63  }
0x665: {  	_ =	swait.ge [sflag:s5], $0x2800  }
0x666: {  	[sflag:s5] =	ssyncset.done $0x0  }
0x667: {  	s30 =	rddreg [dreg:$0x17];
	[sflag:s5] =	ssyncadd.s32 $0xFFFFD800  }
0x668: {  	[tilespmem:s7], [sflag:$0x5] =	stream.linear.gather [spmem:s30], $0x2800, $0x38;
	[tilespmem:$0x1F1F8] =	vst v63  }
0x669: {  	_ =	swait.ge [sflag:s5], $0x2800  }
0x66a: {  	[sflag:s5] =	ssyncset.done $0x0  }
0x66b: {  	s9 =	rddreg [dreg:$0xb];
	[sflag:s5] =	ssyncadd.s32 $0xFFFFD800  }
0x66c: {  	[hbm4b:s9+s3] =	stream.linear.scatter [tilespmem:s7], [sflag:$0x5], $0x2800, $0x38;
	[tilespmem:$0x1F1F8] =	vst v63  }
0x66d: {  	_ =	swait.ge [sflag:s5], $0x2800  }
0x66e: {  	[sflag:s5] =	ssyncset.done $0x0  }
0x66f: {  	s10 =	rddreg [dreg:$0x18];
	[sflag:s5] =	ssyncadd.s32 $0xFFFFD800  }
0x670: {  	[tilespmem:s7], [sflag:$0x5] =	stream.linear.gather [spmem:s10], $0x2400, $0x38;
	[tilespmem:$0x1F1F8] =	vst v63  }
0x671: {  	_ =	swait.ge [sflag:s5], $0x2400  }
0x672: {  	[sflag:s5] =	ssyncset.done $0x0  }
0x673: {  	s22 =	rddreg [dreg:$0xc];
	[sflag:s5] =	ssyncadd.s32 $0xFFFFDC00  }
0x674: {  	[hbm4b:s22+s3] =	stream.linear.scatter [tilespmem:s7], [sflag:$0x5], $0x2400, $0x38;
	[tilespmem:$0x1F1F8] =	vst v63  }
0x675: {  	_ =	swait.ge [sflag:s5], $0x2400  }
0x676: {  	[sflag:s5] =	ssyncset.done $0x0  }
0x677: {  	s0 =	simm.s32 @!p0 $0xB300;
	s7 =	rddreg [dreg:$0x1a];
	[sflag:s5] =	ssyncadd.s32 $0xFFFFDC00  }
0x678: {  	[tilespmem:s0], [sflag:$0x5] =	stream.linear.gather @!p0 [spmem:s7], $0x3E8, $0x38;
	[tilespmem:$0x1F1F8] =	vst v63  }
0x679: {  	s7 =	simm.s32 @!p0 $0x5  }
0x67a: {  	_ =	swait.ge @!p0 [sflag:s7], $0x3E8  }
0x67b: {  	[sflag:s7] =	ssyncset.done @!p0 $0x0  }
0x67c: {  	s9 =	simm.s32 @!p0 $0x0;
	s10 =	rddreg [dreg:$0x1b];
	[sflag:s7] =	ssyncadd.s32 @!p0 $0xFFFFFC18  }
0x67d: {  	[hbm4b:s10+s9] =	stream.linear.scatter @!p0 [tilespmem:s0], [sflag:$0x5], $0x3E8, $0x38;
	[tilespmem:$0x1F1F8] =	vst v63  }
0x67e: {  	_ =	swait.ge @!p0 [sflag:s7], $0x3E8  }
0x67f: {  	s24 =	rddreg [dreg:$0x1d]  }
0x680: {  	s30 =	rddreg [dreg:$0x1c];
	s9 =	sadd.s32 $0x1, s24  }
0x681: {  	p1 =	sne.s32 s9, s30  }
.Ltmp13:
0x682: {  	_ = 	snop;
	(pc) =	sbr.rel @p1 .LBB2_1-.Ltmp13, $3  }
0x683: {  	_ =	sdelay $0x1  }
0x684: {  	[sflag:s7] =	ssyncset.done @!p0 $0x0  }
0x685: {  	[sflag:s7] =	ssyncadd.s32 @!p0 $0xFFFFFC18;
	s7 =	simm.s32 $0x4F00  }
0x686: {  	_ =	sfence.sel $0x180000  }
0x687: {  	[bflag:$0x0] =	sbarrier.arrive $0xFFFF  }
0x688: {  	_ =	strace $0x90000047  }
0x689: {  	s0 =	stileid.u32;
	[bflag:$0x2] =	sbarrier.arrive $0xFFFF  }
0x68a: {  	p0 =	sne.s32 s0, $0x0;
	s0 =	rddreg [dreg:$0x4]  }
0x68b: {  	s0 =	sadd.s32 @!p0 $0x100000, s0  }
0x68c: {  	[sflag:s0] =	ssyncadd.tile.s32 @!p0 $0x1;
	_ =	shalt  }
.Lfunc_end2:
_tile_overlayer_lowered:
.L_overlay_start_2:
0x68d: {  	(tag) =	ssettag $0x2  }
0x68e: {  	s0 =	rddreg [dreg:$0x0];
	s2 =	stileid.u32  }
0x68f: {  	s1 =	rddreg [dreg:$0x1];
	p0 =	sne.s32 s2, $0x0  }
0x690: {  	s3 =	rddreg [dreg:$0x2];
	[bflag:$0x3] =	sbarrier.arrive $0xFFFF;
	s2 =	simm.s32 @!p0 $0x1C05  }
0x691: {  	[timem:s3], [sflag:s2] =	dma.local @!p0 [hbm:s0], s1  }
0x692: {  	s0 =	simm.s32 @!p0 $0x5  }
0x693: {  	_ =	swait.ge @!p0 [sflag:s0], s1  }
0x694: {  	s1 =	ssub.s32 @!p0 $0x0, s1;
	[sflag:s0] =	ssyncset.done @!p0 $0x0  }
0x695: {  	[sflag:s0] =	ssyncadd.s32 @!p0 s1  }
0x696: {  	[bflag:$0x3] =	sbarrier.arrive $0xFFFF  }
0x697: {  	_ =	shalt  }

</sc_bundles>
